<compile_context>
chip_gen: v7x
topology: tpu7x:2x2x1
jax: 0.10.2.dev20260603
libtpu: 0.0.44.dev20260713+nightly
codegen_flags: <defaults>
</compile_context>

<pallas_src>
import functools

import jax
import jax.numpy as jnp
from jax import lax
from jax.experimental import pallas as pl
from jax.experimental.pallas import tpu as pltpu
from jax.experimental.pallas import tpu_sc as plsc

N = 25000
D = 128
H = 128
G3 = 3 * H

NC, NS = 2, 16
HALF0 = 12504
GARBAGE = 12504
ACC_ROWS = 12544
ZPT = ACC_ROWS // NS
CPT = 784
CHUNK = 64
NCH = 392
SECT = 56
NSEC = NCH // SECT
NBUF = 2
E_PAD = NS * NCH * CHUNK

ROWB = 1000
GRID = N // ROWB


def _dgT(x, w):
    return lax.dot_general(x, w, (((1,), (1,)), ((), ())),
                           preferred_element_type=jnp.float32)



_sc_mesh = plsc.VectorSubcoreMesh(core_axis_name="c", subcore_axis_name="s",
                                  num_cores=NC, num_subcores=NS)


@functools.partial(
    pl.kernel,
    out_type=jax.ShapeDtypeStruct((N, D), jnp.float32),
    mesh=_sc_mesh,
    scratch_types=[
        pltpu.VMEM((SECT, CHUNK), jnp.int32),
        pltpu.VMEM((SECT, CHUNK), jnp.int32),
        [pltpu.VMEM((CHUNK, D), jnp.float32)] * NBUF,
        pltpu.VMEM_SHARED((ACC_ROWS, D), jnp.float32),
        [pltpu.SemaphoreType.DMA] * NBUF,
    ],
)
def _scatter_add(msg_hbm, srcj_hbm, dstj_hbm, out_hbm,
                 src_v, dst_v, bufs, acc, sems):
    c = lax.axis_index("c")
    s = lax.axis_index("s")
    lo = c * HALF0
    hi = lo + jnp.where(c == 0, HALF0, N - HALF0)

    zeros16 = jnp.zeros((16,), jnp.float32)

    def zbody(i, carry):
        for l in range(D // 16):
            bufs[0][i, pl.ds(l * 16, 16)] = zeros16
        return carry

    lax.fori_loop(0, CHUNK, zbody, 0)
    zbase = s * ZPT
    for k in range(ZPT // CHUNK):
        pltpu.sync_copy(bufs[0], acc.at[pl.ds(zbase + k * CHUNK, CHUNK)])
    rem = ZPT % CHUNK
    if rem:
        pltpu.sync_copy(bufs[0].at[pl.ds(0, rem)],
                        acc.at[pl.ds(zbase + (ZPT // CHUNK) * CHUNK, rem)])

    plsc.subcore_barrier()

    base = s * NCH

    def section(k, carry):
        pltpu.sync_copy(srcj_hbm.at[pl.ds(base + k * SECT, SECT)], src_v)
        pltpu.sync_copy(dstj_hbm.at[pl.ds(base + k * SECT, SECT)], dst_v)

        def lbody(j, cin):
            for l in range(CHUNK // 16):
                d = dst_v[j, pl.ds(l * 16, 16)]
                ok = (d >= lo) & (d < hi)
                dst_v[j, pl.ds(l * 16, 16)] = jnp.where(ok, d - lo, GARBAGE)
            return cin

        lax.fori_loop(0, SECT, lbody, 0)

        descs = [pltpu.async_copy(msg_hbm.at[src_v.at[u]], bufs[u], sems[u])
                 for u in range(NBUF)]

        def ring(t, cin):
            for u in range(NBUF):
                j = t * NBUF + u
                descs[u].wait()
                pltpu.sync_copy(bufs[u], acc.at[dst_v.at[j]], add=True)

                @pl.when(j + NBUF < SECT)
                def _(u=u, j=j):
                    pltpu.async_copy(msg_hbm.at[src_v.at[j + NBUF]],
                                     bufs[u], sems[u])
            return cin

        lax.fori_loop(0, SECT // NBUF, ring, 0)
        return carry

    lax.fori_loop(0, NSEC, section, 0)

    plsc.subcore_barrier()

    for core, half_c in ((0, HALF0), (1, N - HALF0)):
        @pl.when(c == core)
        def _(core=core, half_c=half_c):
            lo_c = core * HALF0
            tail = half_c - (NS - 1) * CPT

            @pl.when(s < NS - 1)
            def _():
                pltpu.sync_copy(acc.at[pl.ds(s * CPT, CPT)],
                                out_hbm.at[pl.ds(lo_c + s * CPT, CPT)])

            @pl.when(s == NS - 1)
            def _():
                pltpu.sync_copy(
                    acc.at[pl.ds((NS - 1) * CPT, tail)],
                    out_hbm.at[pl.ds(lo_c + (NS - 1) * CPT, tail)])


def _prep_edges(ei):
    pad = E_PAD - ei.shape[1]
    src = jnp.concatenate([ei[0], jnp.zeros((pad,), jnp.int32)])
    dst = jnp.concatenate([ei[1], jnp.full((pad,), jnp.int32(1 << 30))])
    return (src.reshape(-1, CHUNK).astype(jnp.int32),
            dst.reshape(-1, CHUNK).astype(jnp.int32))



def _full(shape):
    return pl.BlockSpec(shape, lambda i: (0,) * len(shape))


def _rows(width):
    return pl.BlockSpec((ROWB, width), lambda i: (i, 0))


def _combine_body(wih_us, wt_us, wih_su, wt_su, o_us, o_su):
    o_us[...] = jnp.dot(wih_us[...], wt_us[...],
                        preferred_element_type=jnp.float32)
    o_su[...] = jnp.dot(wih_su[...], wt_su[...],
                        preferred_element_type=jnp.float32)


def _combine(wih_us, wt_us, wih_su, wt_su):
    return pl.pallas_call(
        _combine_body,
        out_shape=[jax.ShapeDtypeStruct((G3, D), jnp.float32)] * 2,
    )(wih_us, wt_us, wih_su, wt_su)


def _l1_body(xu, xs, ws_us, ws_su, wc_us, wc_su, b_us, b_su,
             a_us, a_su, gi_spot, gi_user):
    xu_ = xu[...]
    xs_ = xs[...]
    a_us[...] = _dgT(xu_, ws_us[...])
    a_su[...] = _dgT(xs_, ws_su[...])
    gi_spot[...] = _dgT(xs_, wc_us[...]) + b_us[...]
    gi_user[...] = _dgT(xu_, wc_su[...]) + b_su[...]


def _l1(xu, xs, ws_us, ws_su, wc_us, wc_su, b_us, b_su):
    return pl.pallas_call(
        _l1_body,
        grid=(GRID,),
        in_specs=[_rows(D), _rows(D), _full((H, D)), _full((H, D)),
                  _full((G3, D)), _full((G3, D)), _full((1, G3)),
                  _full((1, G3))],
        out_specs=[_rows(D), _rows(D), _rows(G3), _rows(G3)],
        out_shape=[jax.ShapeDtypeStruct((N, D), jnp.float32),
                   jax.ShapeDtypeStruct((N, D), jnp.float32),
                   jax.ShapeDtypeStruct((N, G3), jnp.float32),
                   jax.ShapeDtypeStruct((N, G3), jnp.float32)],
    )(xu, xs, ws_us, ws_su, wc_us, wc_su, b_us, b_su)


def _gru_math(gi, agg, whh, bhh):
    gh = _dgT(agg, whh) + bhh
    r = jax.nn.sigmoid(gi[:, :H] + gh[:, :H])
    z = jax.nn.sigmoid(gi[:, H:2 * H] + gh[:, H:2 * H])
    n = jnp.tanh(gi[:, 2 * H:] + r * gh[:, 2 * H:])
    return jax.nn.relu((1.0 - z) * n + z * agg)


def _gru1_body(gi_s, agg_s, whh_us, bhh_us, gi_u, agg_u, whh_su, bhh_su,
               spot1, user1):
    spot1[...] = _gru_math(gi_s[...], agg_s[...], whh_us[...], bhh_us[...])
    user1[...] = _gru_math(gi_u[...], agg_u[...], whh_su[...], bhh_su[...])


def _gru1(gi_s, agg_s, whh_us, bhh_us, gi_u, agg_u, whh_su, bhh_su):
    return pl.pallas_call(
        _gru1_body,
        grid=(GRID,),
        in_specs=[_rows(G3), _rows(D), _full((G3, H)), _full((1, G3)),
                  _rows(G3), _rows(D), _full((G3, H)), _full((1, G3))],
        out_specs=[_rows(H), _rows(H)],
        out_shape=[jax.ShapeDtypeStruct((N, H), jnp.float32)] * 2,
    )(gi_s, agg_s, whh_us, bhh_us, gi_u, agg_u, whh_su, bhh_su)


def _l2_body(spot1, agg_s, wih_us, whh_us, bih_us, bhh_us,
             user1, agg_u, wih_su, whh_su, bih_su, bhh_su,
             w_spot, b_spot, w_user, b_user,
             user2, spot2, out_user, out_spot):
    gi_s = _dgT(spot1[...], wih_us[...]) + bih_us[...]
    s2 = _gru_math(gi_s, agg_s[...], whh_us[...], bhh_us[...])
    spot2[...] = s2
    out_spot[...] = _dgT(s2, w_spot[...]) + b_spot[0, 0]
    gi_u = _dgT(user1[...], wih_su[...]) + bih_su[...]
    u2 = _gru_math(gi_u, agg_u[...], whh_su[...], bhh_su[...])
    user2[...] = u2
    out_user[...] = _dgT(u2, w_user[...]) + b_user[0, 0]


def _l2(spot1, agg_s, wih_us, whh_us, bih_us, bhh_us,
        user1, agg_u, wih_su, whh_su, bih_su, bhh_su,
        w_spot, b_spot, w_user, b_user):
    return pl.pallas_call(
        _l2_body,
        grid=(GRID,),
        in_specs=[_rows(H), _rows(D), _full((G3, H)), _full((G3, H)),
                  _full((1, G3)), _full((1, G3)),
                  _rows(H), _rows(D), _full((G3, H)), _full((G3, H)),
                  _full((1, G3)), _full((1, G3)),
                  _full((8, H)), _full((1, 1)), _full((8, H)), _full((1, 1))],
        out_specs=[_rows(H), _rows(H), _rows(8), _rows(8)],
        out_shape=[jax.ShapeDtypeStruct((N, H), jnp.float32),
                   jax.ShapeDtypeStruct((N, H), jnp.float32),
                   jax.ShapeDtypeStruct((N, 8), jnp.float32),
                   jax.ShapeDtypeStruct((N, 8), jnp.float32)],
    )(spot1, agg_s, wih_us, whh_us, bih_us, bhh_us,
      user1, agg_u, wih_su, whh_su, bih_su, bhh_su,
      w_spot, b_spot, w_user, b_user)



def kernel(x_user, x_spot, ei_us, ei_su,
           l1_us_Ws, l1_us_Wt, l1_su_Ws, l1_su_Wt,
           l1_us_Wih, l1_us_Whh, l1_us_bih, l1_us_bhh,
           l1_su_Wih, l1_su_Whh, l1_su_bih, l1_su_bhh,
           l2_us_Wih, l2_us_Whh, l2_us_bih, l2_us_bhh,
           l2_su_Wih, l2_su_Whh, l2_su_bih, l2_su_bhh,
           lin_user_W, lin_user_b, lin_spot_W, lin_spot_b):
    r = lambda b: b.reshape(1, -1)

    wc_us, wc_su = _combine(l1_us_Wih, l1_us_Wt, l1_su_Wih, l1_su_Wt)
    a_us, a_su, gi_spot, gi_user = _l1(
        x_user, x_spot, l1_us_Ws, l1_su_Ws, wc_us, wc_su,
        r(l1_us_bih), r(l1_su_bih))

    sj_us, dj_us = _prep_edges(ei_us)
    sj_su, dj_su = _prep_edges(ei_su)

    agg_s1 = _scatter_add(a_us, sj_us, dj_us)
    agg_u1 = _scatter_add(a_su, sj_su, dj_su)

    spot1, user1 = _gru1(gi_spot, agg_s1, l1_us_Whh, r(l1_us_bhh),
                         gi_user, agg_u1, l1_su_Whh, r(l1_su_bhh))

    agg_s2 = _scatter_add(user1, sj_us, dj_us)
    agg_u2 = _scatter_add(spot1, sj_su, dj_su)

    pad8 = lambda w: jnp.concatenate([w, jnp.zeros((7, H), jnp.float32)], 0)
    user2, spot2, out_user8, out_spot8 = _l2(
        spot1, agg_s2, l2_us_Wih, l2_us_Whh, r(l2_us_bih), r(l2_us_bhh),
        user1, agg_u2, l2_su_Wih, l2_su_Whh, r(l2_su_bih), r(l2_su_bhh),
        pad8(lin_spot_W), r(lin_spot_b), pad8(lin_user_W), r(lin_user_b))

    return (user2, spot2, out_user8[:, :1], out_spot8[:, :1])

# --- scband reference (transcript-rebuilt; emitter-appended) ---
"""Pipeline reference for scband-hetero-ggnnlight-emb-59854664237687 (READ-ONLY COPY).

The authoritative reference and input builder live on the scoring server;
editing this copy changes nothing except your own understanding.
"""

import jax, jax.numpy as jnp
import numpy as np

N_USER = 25000
N_SPOT = 25000
E = 400000
D = 128
H = 128
OUT = 1


def setup_inputs(seed: int = 0):
    key = jax.random.key(seed)
    ks = jax.random.split(key, 40)
    s = 1.0 / np.sqrt(H)

    def nrm(k, shape, scale):
        return jax.random.normal(k, shape, jnp.float32) * scale

    inp = {}
    inp['x_user'] = nrm(ks[0], (N_USER, D), 1.0)
    inp['x_spot'] = nrm(ks[1], (N_SPOT, D), 1.0)
    inp['ei_us'] = jnp.stack([jax.random.randint(ks[2], (E,), 0, N_USER, jnp.int32),
                              jax.random.randint(ks[3], (E,), 0, N_SPOT, jnp.int32)])
    inp['ei_su'] = jnp.stack([jax.random.randint(ks[4], (E,), 0, N_SPOT, jnp.int32),
                              jax.random.randint(ks[5], (E,), 0, N_USER, jnp.int32)])
    i = 6
    for et in ('us', 'su'):
        inp['l1_%s_Ws' % et] = nrm(ks[i], (H, D), s); i += 1
        inp['l1_%s_Wt' % et] = nrm(ks[i], (H, D), s); i += 1
    for lyr in ('l1', 'l2'):
        for et in ('us', 'su'):
            inp['%s_%s_Wih' % (lyr, et)] = nrm(ks[i], (3 * H, H), s); i += 1
            inp['%s_%s_Whh' % (lyr, et)] = nrm(ks[i], (3 * H, H), s); i += 1
            inp['%s_%s_bih' % (lyr, et)] = nrm(ks[i], (3 * H,), s); i += 1
            inp['%s_%s_bhh' % (lyr, et)] = nrm(ks[i], (3 * H,), s); i += 1
    for nt in ('user', 'spot'):
        inp['lin_%s_W' % nt] = nrm(ks[i], (OUT, H), s); i += 1
        inp['lin_%s_b' % nt] = jnp.zeros((OUT,), jnp.float32); i += 1
    return inp


def _gru(x, h, Wih, Whh, bih, bhh):
    # torch.nn.GRUCell semantics: input x, hidden state h
    gi = x @ Wih.T + bih
    gh = h @ Whh.T + bhh
    ir, iz, inn = jnp.split(gi, 3, axis=1)
    hr, hz, hn = jnp.split(gh, 3, axis=1)
    r = jax.nn.sigmoid(ir + hr)
    z = jax.nn.sigmoid(iz + hz)
    n = jnp.tanh(inn + r * hn)
    return (1.0 - z) * n + z * h


def _conv(src_h, tgt_h, ei, Wih, Whh, bih, bhh):
    # scatter(source_x[src_idx], tgt_idx, out=zeros_like(target_x), reduce='sum')
    agg = jnp.zeros_like(tgt_h).at[ei[1]].add(src_h[ei[0]])
    # target_x = gru(target_x, aggregated)
    return _gru(tgt_h, agg, Wih, Whh, bih, bhh)


def reference(x_user, x_spot, ei_us, ei_su,
              l1_us_Ws, l1_us_Wt, l1_su_Ws, l1_su_Wt,
              l1_us_Wih, l1_us_Whh, l1_us_bih, l1_us_bhh,
              l1_su_Wih, l1_su_Whh, l1_su_bih, l1_su_bhh,
              l2_us_Wih, l2_us_Whh, l2_us_bih, l2_us_bhh,
              l2_su_Wih, l2_su_Whh, l2_su_bih, l2_su_bhh,
              lin_user_W, lin_user_b, lin_spot_W, lin_spot_b):
    # forward() overwrites x_dict['user']/x_dict['spot'] with embedding weights,
    # which were initialized from data['user'].x / data['spot'].x == x_user / x_spot.
    # layer 1: HeteroGGNNConv over edge types ('user','to','spot') and ('spot','to','user')
    spot1 = _conv(x_user @ l1_us_Ws.T, x_spot @ l1_us_Wt.T, ei_us,
                  l1_us_Wih, l1_us_Whh, l1_us_bih, l1_us_bhh)
    user1 = _conv(x_spot @ l1_su_Ws.T, x_user @ l1_su_Wt.T, ei_su,
                  l1_su_Wih, l1_su_Whh, l1_su_bih, l1_su_bhh)
    # div[target] == 1 for each node type (one incoming edge type each); ReLU enabled
    user1 = jax.nn.relu(user1)
    spot1 = jax.nn.relu(spot1)
    # layer 2: HeteroGGNNLightConv (no per-edge-type linears, raw hidden features)
    spot2 = _conv(user1, spot1, ei_us, l2_us_Wih, l2_us_Whh, l2_us_bih, l2_us_bhh)
    user2 = _conv(spot1, user1, ei_su, l2_su_Wih, l2_su_Whh, l2_su_bih, l2_su_bhh)
    user2 = jax.nn.relu(user2)
    spot2 = jax.nn.relu(spot2)
    # HeteroLinear output heads (with bias)
    out_user = user2 @ lin_user_W.T + lin_user_b
    out_spot = spot2 @ lin_spot_W.T + lin_spot_b
    # corresponds to (x_dict, out_dict)
    return (user2, spot2, out_user, out_spot)

if __name__ == "__main__":
    import jax
    _d = setup_inputs()
    print(jax.jit(kernel)(*tuple(_d.values())))

</pallas_src>

<mosaic_0001>
#map = affine_map<(d0, d1) -> (0, 0)>
module attributes {stable_mosaic.version = 14 : i64} {
  func.func @_scatter_add(%arg0: i32, %arg1: i32, %arg2: memref<25000x128xf32, #tpu.memory_space<hbm>>, %arg3: memref<6272x64xi32, #tpu.memory_space<hbm>>, %arg4: memref<6272x64xi32, #tpu.memory_space<hbm>>, %arg5: memref<25000x128xf32, #tpu.memory_space<hbm>>, %arg6: memref<56x64xi32, #tpu.memory_space<vmem>>, %arg7: memref<56x64xi32, #tpu.memory_space<vmem>>, %arg8: memref<64x128xf32, #tpu.memory_space<vmem>>, %arg9: memref<64x128xf32, #tpu.memory_space<vmem>>, %arg10: memref<12544x128xf32, #tpu.memory_space<vmem_shared>>, %arg11: memref<!tpu.dma_semaphore, #tpu.memory_space<semaphore_mem>>, %arg12: memref<!tpu.dma_semaphore, #tpu.memory_space<semaphore_mem>>) attributes {dimension_semantics = [#tpu.dimension_semantics<core_parallel>, #tpu.dimension_semantics<subcore_parallel>], iteration_bounds = array<i64: 2, 16>, scalar_prefetch = 0 : i64, scratch_operands = 7 : i64, tpu.core_type = #tpu.core_type<sc_vector_subcore>, window_params = [{transform_indices = #map}, {transform_indices = #map}, {transform_indices = #map}, {transform_indices = #map}]} {
    %mul3A = arith.constant 12504 : i32
    %mul3A_0 = arith.muli %arg0, %mul3A : i32
    %eq3A = arith.constant 0 : i32
    %eq3A_1 = arith.cmpi eq, %arg0, %eq3A : i32
    %jit3A = arith.constant 12504 : i32
    %jit3A_2 = arith.constant 12496 : i32
    %select_n3A = arith.select %eq3A_1, %jit3A, %jit3A_2 : i32
    %add3A = arith.addi %mul3A_0, %select_n3A : i32
    %broadcast_in_dim3A = arith.constant 0.000000e+00 : f32
    %broadcast_in_dim3A_3 = vector.broadcast %broadcast_in_dim3A : f32 to vector<16xf32>
    %scan3A = arith.constant 0 : i32
    %scan3A_4 = arith.constant 0 : i32
    %scan3A_5 = arith.constant 64 : i32
    %scan3A_6 = arith.addi %scan3A_4, %scan3A_5 : i32
    %scan3A_7 = arith.constant 1 : i32
    scf.for %scan3A_54 = %scan3A_4 to %scan3A_6 step %scan3A_7  : i32 {
      %swap3A = arith.index_cast %scan3A_54 : i32 to index
      %swap3A_55 = arith.constant 0 : index
      %swap3A_56 = tpu.vector_load %arg8[%swap3A, %swap3A_55] {strides = array<i32>} : memref<64x128xf32, #tpu.memory_space<vmem>>, vector<1x16xf32>,
      %swap3A_57 = vector.shape_cast %swap3A_56 : vector<1x16xf32> to vector<16xf32>
      %swap3A_58 = vector.shape_cast %broadcast_in_dim3A_3 : vector<16xf32> to vector<1x16xf32>
      tpu.vector_store %arg8[%swap3A, %swap3A_55], %swap3A_58 {strides = array<i32>} : memref<64x128xf32, #tpu.memory_space<vmem>>, vector<1x16xf32>,
      %swap3A_59 = arith.index_cast %scan3A_54 : i32 to index
      %swap3A_60 = arith.constant 16 : index
      %swap3A_61 = tpu.vector_load %arg8[%swap3A_59, %swap3A_60] {strides = array<i32>} : memref<64x128xf32, #tpu.memory_space<vmem>>, vector<1x16xf32>,
      %swap3A_62 = vector.shape_cast %swap3A_61 : vector<1x16xf32> to vector<16xf32>
      %swap3A_63 = vector.shape_cast %broadcast_in_dim3A_3 : vector<16xf32> to vector<1x16xf32>
      tpu.vector_store %arg8[%swap3A_59, %swap3A_60], %swap3A_63 {strides = array<i32>} : memref<64x128xf32, #tpu.memory_space<vmem>>, vector<1x16xf32>,
      %swap3A_64 = arith.index_cast %scan3A_54 : i32 to index
      %swap3A_65 = arith.constant 32 : index
      %swap3A_66 = tpu.vector_load %arg8[%swap3A_64, %swap3A_65] {strides = array<i32>} : memref<64x128xf32, #tpu.memory_space<vmem>>, vector<1x16xf32>,
      %swap3A_67 = vector.shape_cast %swap3A_66 : vector<1x16xf32> to vector<16xf32>
      %swap3A_68 = vector.shape_cast %broadcast_in_dim3A_3 : vector<16xf32> to vector<1x16xf32>
      tpu.vector_store %arg8[%swap3A_64, %swap3A_65], %swap3A_68 {strides = array<i32>} : memref<64x128xf32, #tpu.memory_space<vmem>>, vector<1x16xf32>,
      %swap3A_69 = arith.index_cast %scan3A_54 : i32 to index
      %swap3A_70 = arith.constant 48 : index
      %swap3A_71 = tpu.vector_load %arg8[%swap3A_69, %swap3A_70] {strides = array<i32>} : memref<64x128xf32, #tpu.memory_space<vmem>>, vector<1x16xf32>,
      %swap3A_72 = vector.shape_cast %swap3A_71 : vector<1x16xf32> to vector<16xf32>
      %swap3A_73 = vector.shape_cast %broadcast_in_dim3A_3 : vector<16xf32> to vector<1x16xf32>
      tpu.vector_store %arg8[%swap3A_69, %swap3A_70], %swap3A_73 {strides = array<i32>} : memref<64x128xf32, #tpu.memory_space<vmem>>, vector<1x16xf32>,
      %swap3A_74 = arith.index_cast %scan3A_54 : i32 to index
      %swap3A_75 = arith.constant 64 : index
      %swap3A_76 = tpu.vector_load %arg8[%swap3A_74, %swap3A_75] {strides = array<i32>} : memref<64x128xf32, #tpu.memory_space<vmem>>, vector<1x16xf32>,
      %swap3A_77 = vector.shape_cast %swap3A_76 : vector<1x16xf32> to vector<16xf32>
      %swap3A_78 = vector.shape_cast %broadcast_in_dim3A_3 : vector<16xf32> to vector<1x16xf32>
      tpu.vector_store %arg8[%swap3A_74, %swap3A_75], %swap3A_78 {strides = array<i32>} : memref<64x128xf32, #tpu.memory_space<vmem>>, vector<1x16xf32>,
      %swap3A_79 = arith.index_cast %scan3A_54 : i32 to index
      %swap3A_80 = arith.constant 80 : index
      %swap3A_81 = tpu.vector_load %arg8[%swap3A_79, %swap3A_80] {strides = array<i32>} : memref<64x128xf32, #tpu.memory_space<vmem>>, vector<1x16xf32>,
      %swap3A_82 = vector.shape_cast %swap3A_81 : vector<1x16xf32> to vector<16xf32>
      %swap3A_83 = vector.shape_cast %broadcast_in_dim3A_3 : vector<16xf32> to vector<1x16xf32>
      tpu.vector_store %arg8[%swap3A_79, %swap3A_80], %swap3A_83 {strides = array<i32>} : memref<64x128xf32, #tpu.memory_space<vmem>>, vector<1x16xf32>,
      %swap3A_84 = arith.index_cast %scan3A_54 : i32 to index
      %swap3A_85 = arith.constant 96 : index
      %swap3A_86 = tpu.vector_load %arg8[%swap3A_84, %swap3A_85] {strides = array<i32>} : memref<64x128xf32, #tpu.memory_space<vmem>>, vector<1x16xf32>,
      %swap3A_87 = vector.shape_cast %swap3A_86 : vector<1x16xf32> to vector<16xf32>
      %swap3A_88 = vector.shape_cast %broadcast_in_dim3A_3 : vector<16xf32> to vector<1x16xf32>
      tpu.vector_store %arg8[%swap3A_84, %swap3A_85], %swap3A_88 {strides = array<i32>} : memref<64x128xf32, #tpu.memory_space<vmem>>, vector<1x16xf32>,
      %swap3A_89 = arith.index_cast %scan3A_54 : i32 to index
      %swap3A_90 = arith.constant 112 : index
      %swap3A_91 = tpu.vector_load %arg8[%swap3A_89, %swap3A_90] {strides = array<i32>} : memref<64x128xf32, #tpu.memory_space<vmem>>, vector<1x16xf32>,
      %swap3A_92 = vector.shape_cast %swap3A_91 : vector<1x16xf32> to vector<16xf32>
      %swap3A_93 = vector.shape_cast %broadcast_in_dim3A_3 : vector<16xf32> to vector<1x16xf32>
      tpu.vector_store %arg8[%swap3A_89, %swap3A_90], %swap3A_93 {strides = array<i32>} : memref<64x128xf32, #tpu.memory_space<vmem>>, vector<1x16xf32>,
    }
    %scan3A_8 = arith.constant 64 : i32
    %mul3A_9 = arith.constant 784 : i32
    %mul3A_10 = arith.muli %arg1, %mul3A_9 : i32
    %add3A_11 = arith.constant 0 : i32
    %add3A_12 = arith.addi %mul3A_10, %add3A_11 : i32
    "tpu.region"() ({
      %run_scoped3A = tpu.sem_alloc : memref<!tpu.dma_semaphore, #tpu.memory_space<semaphore_mem>>
      %dma_start3A = arith.constant 0 : i32
      %dma_start3A_54 = tpu.memref_slice %arg10[%add3A_12, %dma_start3A] : memref<12544x128xf32, #tpu.memory_space<vmem_shared>> -> memref<64x128xf32, #tpu.memory_space<vmem_shared>>
      %dma_start3A_55 = arith.constant 0 : i32
      %dma_start3A_56 = tpu.memref_slice %arg10[%add3A_12, %dma_start3A_55] : memref<12544x128xf32, #tpu.memory_space<vmem_shared>> -> memref<64x128xf32, #tpu.memory_space<vmem_shared>>
      tpu.enqueue_dma source(%arg8 : memref<64x128xf32, #tpu.memory_space<vmem>>) target(%dma_start3A_56 : memref<64x128xf32, #tpu.memory_space<vmem_shared>>) target_semaphore(%run_scoped3A : memref<!tpu.dma_semaphore, #tpu.memory_space<semaphore_mem>>)
      %dma_wait3A = arith.constant 0 : i32
      %dma_wait3A_57 = tpu.memref_slice %arg10[%add3A_12, %dma_wait3A] : memref<12544x128xf32, #tpu.memory_space<vmem_shared>> -> memref<64x128xf32, #tpu.memory_space<vmem_shared>>
      %dma_wait3A_58 = arith.constant 0 : i32
      %dma_wait3A_59 = tpu.memref_slice %arg10[%add3A_12, %dma_wait3A_58] : memref<12544x128xf32, #tpu.memory_space<vmem_shared>> -> memref<64x128xf32, #tpu.memory_space<vmem_shared>>
      tpu.wait_dma2 semaphore(%run_scoped3A : memref<!tpu.dma_semaphore, #tpu.memory_space<semaphore_mem>>) src(%arg8 : memref<64x128xf32, #tpu.memory_space<vmem>>) dst(%dma_wait3A_59 : memref<64x128xf32, #tpu.memory_space<vmem_shared>>)
      tpu.yield
    }) : () -> ()
    %add3A_13 = arith.constant 64 : i32
    %add3A_14 = arith.addi %mul3A_10, %add3A_13 : i32
    "tpu.region"() ({
      %run_scoped3A = tpu.sem_alloc : memref<!tpu.dma_semaphore, #tpu.memory_space<semaphore_mem>>
      %dma_start3A = arith.constant 0 : i32
      %dma_start3A_54 = tpu.memref_slice %arg10[%add3A_14, %dma_start3A] : memref<12544x128xf32, #tpu.memory_space<vmem_shared>> -> memref<64x128xf32, #tpu.memory_space<vmem_shared>>
      %dma_start3A_55 = arith.constant 0 : i32
      %dma_start3A_56 = tpu.memref_slice %arg10[%add3A_14, %dma_start3A_55] : memref<12544x128xf32, #tpu.memory_space<vmem_shared>> -> memref<64x128xf32, #tpu.memory_space<vmem_shared>>
      tpu.enqueue_dma source(%arg8 : memref<64x128xf32, #tpu.memory_space<vmem>>) target(%dma_start3A_56 : memref<64x128xf32, #tpu.memory_space<vmem_shared>>) target_semaphore(%run_scoped3A : memref<!tpu.dma_semaphore, #tpu.memory_space<semaphore_mem>>)
      %dma_wait3A = arith.constant 0 : i32
      %dma_wait3A_57 = tpu.memref_slice %arg10[%add3A_14, %dma_wait3A] : memref<12544x128xf32, #tpu.memory_space<vmem_shared>> -> memref<64x128xf32, #tpu.memory_space<vmem_shared>>
      %dma_wait3A_58 = arith.constant 0 : i32
      %dma_wait3A_59 = tpu.memref_slice %arg10[%add3A_14, %dma_wait3A_58] : memref<12544x128xf32, #tpu.memory_space<vmem_shared>> -> memref<64x128xf32, #tpu.memory_space<vmem_shared>>
      tpu.wait_dma2 semaphore(%run_scoped3A : memref<!tpu.dma_semaphore, #tpu.memory_space<semaphore_mem>>) src(%arg8 : memref<64x128xf32, #tpu.memory_space<vmem>>) dst(%dma_wait3A_59 : memref<64x128xf32, #tpu.memory_space<vmem_shared>>)
      tpu.yield
    }) : () -> ()
    %add3A_15 = arith.constant 128 : i32
    %add3A_16 = arith.addi %mul3A_10, %add3A_15 : i32
    "tpu.region"() ({
      %run_scoped3A = tpu.sem_alloc : memref<!tpu.dma_semaphore, #tpu.memory_space<semaphore_mem>>
      %dma_start3A = arith.constant 0 : i32
      %dma_start3A_54 = tpu.memref_slice %arg10[%add3A_16, %dma_start3A] : memref<12544x128xf32, #tpu.memory_space<vmem_shared>> -> memref<64x128xf32, #tpu.memory_space<vmem_shared>>
      %dma_start3A_55 = arith.constant 0 : i32
      %dma_start3A_56 = tpu.memref_slice %arg10[%add3A_16, %dma_start3A_55] : memref<12544x128xf32, #tpu.memory_space<vmem_shared>> -> memref<64x128xf32, #tpu.memory_space<vmem_shared>>
      tpu.enqueue_dma source(%arg8 : memref<64x128xf32, #tpu.memory_space<vmem>>) target(%dma_start3A_56 : memref<64x128xf32, #tpu.memory_space<vmem_shared>>) target_semaphore(%run_scoped3A : memref<!tpu.dma_semaphore, #tpu.memory_space<semaphore_mem>>)
      %dma_wait3A = arith.constant 0 : i32
      %dma_wait3A_57 = tpu.memref_slice %arg10[%add3A_16, %dma_wait3A] : memref<12544x128xf32, #tpu.memory_space<vmem_shared>> -> memref<64x128xf32, #tpu.memory_space<vmem_shared>>
      %dma_wait3A_58 = arith.constant 0 : i32
      %dma_wait3A_59 = tpu.memref_slice %arg10[%add3A_16, %dma_wait3A_58] : memref<12544x128xf32, #tpu.memory_space<vmem_shared>> -> memref<64x128xf32, #tpu.memory_space<vmem_shared>>
      tpu.wait_dma2 semaphore(%run_scoped3A : memref<!tpu.dma_semaphore, #tpu.memory_space<semaphore_mem>>) src(%arg8 : memref<64x128xf32, #tpu.memory_space<vmem>>) dst(%dma_wait3A_59 : memref<64x128xf32, #tpu.memory_space<vmem_shared>>)
      tpu.yield
    }) : () -> ()
    %add3A_17 = arith.constant 192 : i32
    %add3A_18 = arith.addi %mul3A_10, %add3A_17 : i32
    "tpu.region"() ({
      %run_scoped3A = tpu.sem_alloc : memref<!tpu.dma_semaphore, #tpu.memory_space<semaphore_mem>>
      %dma_start3A = arith.constant 0 : i32
      %dma_start3A_54 = tpu.memref_slice %arg10[%add3A_18, %dma_start3A] : memref<12544x128xf32, #tpu.memory_space<vmem_shared>> -> memref<64x128xf32, #tpu.memory_space<vmem_shared>>
      %dma_start3A_55 = arith.constant 0 : i32
      %dma_start3A_56 = tpu.memref_slice %arg10[%add3A_18, %dma_start3A_55] : memref<12544x128xf32, #tpu.memory_space<vmem_shared>> -> memref<64x128xf32, #tpu.memory_space<vmem_shared>>
      tpu.enqueue_dma source(%arg8 : memref<64x128xf32, #tpu.memory_space<vmem>>) target(%dma_start3A_56 : memref<64x128xf32, #tpu.memory_space<vmem_shared>>) target_semaphore(%run_scoped3A : memref<!tpu.dma_semaphore, #tpu.memory_space<semaphore_mem>>)
      %dma_wait3A = arith.constant 0 : i32
      %dma_wait3A_57 = tpu.memref_slice %arg10[%add3A_18, %dma_wait3A] : memref<12544x128xf32, #tpu.memory_space<vmem_shared>> -> memref<64x128xf32, #tpu.memory_space<vmem_shared>>
      %dma_wait3A_58 = arith.constant 0 : i32
      %dma_wait3A_59 = tpu.memref_slice %arg10[%add3A_18, %dma_wait3A_58] : memref<12544x128xf32, #tpu.memory_space<vmem_shared>> -> memref<64x128xf32, #tpu.memory_space<vmem_shared>>
      tpu.wait_dma2 semaphore(%run_scoped3A : memref<!tpu.dma_semaphore, #tpu.memory_space<semaphore_mem>>) src(%arg8 : memref<64x128xf32, #tpu.memory_space<vmem>>) dst(%dma_wait3A_59 : memref<64x128xf32, #tpu.memory_space<vmem_shared>>)
      tpu.yield
    }) : () -> ()
    %add3A_19 = arith.constant 256 : i32
    %add3A_20 = arith.addi %mul3A_10, %add3A_19 : i32
    "tpu.region"() ({
      %run_scoped3A = tpu.sem_alloc : memref<!tpu.dma_semaphore, #tpu.memory_space<semaphore_mem>>
      %dma_start3A = arith.constant 0 : i32
      %dma_start3A_54 = tpu.memref_slice %arg10[%add3A_20, %dma_start3A] : memref<12544x128xf32, #tpu.memory_space<vmem_shared>> -> memref<64x128xf32, #tpu.memory_space<vmem_shared>>
      %dma_start3A_55 = arith.constant 0 : i32
      %dma_start3A_56 = tpu.memref_slice %arg10[%add3A_20, %dma_start3A_55] : memref<12544x128xf32, #tpu.memory_space<vmem_shared>> -> memref<64x128xf32, #tpu.memory_space<vmem_shared>>
      tpu.enqueue_dma source(%arg8 : memref<64x128xf32, #tpu.memory_space<vmem>>) target(%dma_start3A_56 : memref<64x128xf32, #tpu.memory_space<vmem_shared>>) target_semaphore(%run_scoped3A : memref<!tpu.dma_semaphore, #tpu.memory_space<semaphore_mem>>)
      %dma_wait3A = arith.constant 0 : i32
      %dma_wait3A_57 = tpu.memref_slice %arg10[%add3A_20, %dma_wait3A] : memref<12544x128xf32, #tpu.memory_space<vmem_shared>> -> memref<64x128xf32, #tpu.memory_space<vmem_shared>>
      %dma_wait3A_58 = arith.constant 0 : i32
      %dma_wait3A_59 = tpu.memref_slice %arg10[%add3A_20, %dma_wait3A_58] : memref<12544x128xf32, #tpu.memory_space<vmem_shared>> -> memref<64x128xf32, #tpu.memory_space<vmem_shared>>
      tpu.wait_dma2 semaphore(%run_scoped3A : memref<!tpu.dma_semaphore, #tpu.memory_space<semaphore_mem>>) src(%arg8 : memref<64x128xf32, #tpu.memory_space<vmem>>) dst(%dma_wait3A_59 : memref<64x128xf32, #tpu.memory_space<vmem_shared>>)
      tpu.yield
    }) : () -> ()
    %add3A_21 = arith.constant 320 : i32
    %add3A_22 = arith.addi %mul3A_10, %add3A_21 : i32
    "tpu.region"() ({
      %run_scoped3A = tpu.sem_alloc : memref<!tpu.dma_semaphore, #tpu.memory_space<semaphore_mem>>
      %dma_start3A = arith.constant 0 : i32
      %dma_start3A_54 = tpu.memref_slice %arg10[%add3A_22, %dma_start3A] : memref<12544x128xf32, #tpu.memory_space<vmem_shared>> -> memref<64x128xf32, #tpu.memory_space<vmem_shared>>
      %dma_start3A_55 = arith.constant 0 : i32
      %dma_start3A_56 = tpu.memref_slice %arg10[%add3A_22, %dma_start3A_55] : memref<12544x128xf32, #tpu.memory_space<vmem_shared>> -> memref<64x128xf32, #tpu.memory_space<vmem_shared>>
      tpu.enqueue_dma source(%arg8 : memref<64x128xf32, #tpu.memory_space<vmem>>) target(%dma_start3A_56 : memref<64x128xf32, #tpu.memory_space<vmem_shared>>) target_semaphore(%run_scoped3A : memref<!tpu.dma_semaphore, #tpu.memory_space<semaphore_mem>>)
      %dma_wait3A = arith.constant 0 : i32
      %dma_wait3A_57 = tpu.memref_slice %arg10[%add3A_22, %dma_wait3A] : memref<12544x128xf32, #tpu.memory_space<vmem_shared>> -> memref<64x128xf32, #tpu.memory_space<vmem_shared>>
      %dma_wait3A_58 = arith.constant 0 : i32
      %dma_wait3A_59 = tpu.memref_slice %arg10[%add3A_22, %dma_wait3A_58] : memref<12544x128xf32, #tpu.memory_space<vmem_shared>> -> memref<64x128xf32, #tpu.memory_space<vmem_shared>>
      tpu.wait_dma2 semaphore(%run_scoped3A : memref<!tpu.dma_semaphore, #tpu.memory_space<semaphore_mem>>) src(%arg8 : memref<64x128xf32, #tpu.memory_space<vmem>>) dst(%dma_wait3A_59 : memref<64x128xf32, #tpu.memory_space<vmem_shared>>)
      tpu.yield
    }) : () -> ()
    %add3A_23 = arith.constant 384 : i32
    %add3A_24 = arith.addi %mul3A_10, %add3A_23 : i32
    "tpu.region"() ({
      %run_scoped3A = tpu.sem_alloc : memref<!tpu.dma_semaphore, #tpu.memory_space<semaphore_mem>>
      %dma_start3A = arith.constant 0 : i32
      %dma_start3A_54 = tpu.memref_slice %arg10[%add3A_24, %dma_start3A] : memref<12544x128xf32, #tpu.memory_space<vmem_shared>> -> memref<64x128xf32, #tpu.memory_space<vmem_shared>>
      %dma_start3A_55 = arith.constant 0 : i32
      %dma_start3A_56 = tpu.memref_slice %arg10[%add3A_24, %dma_start3A_55] : memref<12544x128xf32, #tpu.memory_space<vmem_shared>> -> memref<64x128xf32, #tpu.memory_space<vmem_shared>>
      tpu.enqueue_dma source(%arg8 : memref<64x128xf32, #tpu.memory_space<vmem>>) target(%dma_start3A_56 : memref<64x128xf32, #tpu.memory_space<vmem_shared>>) target_semaphore(%run_scoped3A : memref<!tpu.dma_semaphore, #tpu.memory_space<semaphore_mem>>)
      %dma_wait3A = arith.constant 0 : i32
      %dma_wait3A_57 = tpu.memref_slice %arg10[%add3A_24, %dma_wait3A] : memref<12544x128xf32, #tpu.memory_space<vmem_shared>> -> memref<64x128xf32, #tpu.memory_space<vmem_shared>>
      %dma_wait3A_58 = arith.constant 0 : i32
      %dma_wait3A_59 = tpu.memref_slice %arg10[%add3A_24, %dma_wait3A_58] : memref<12544x128xf32, #tpu.memory_space<vmem_shared>> -> memref<64x128xf32, #tpu.memory_space<vmem_shared>>
      tpu.wait_dma2 semaphore(%run_scoped3A : memref<!tpu.dma_semaphore, #tpu.memory_space<semaphore_mem>>) src(%arg8 : memref<64x128xf32, #tpu.memory_space<vmem>>) dst(%dma_wait3A_59 : memref<64x128xf32, #tpu.memory_space<vmem_shared>>)
      tpu.yield
    }) : () -> ()
    %add3A_25 = arith.constant 448 : i32
    %add3A_26 = arith.addi %mul3A_10, %add3A_25 : i32
    "tpu.region"() ({
      %run_scoped3A = tpu.sem_alloc : memref<!tpu.dma_semaphore, #tpu.memory_space<semaphore_mem>>
      %dma_start3A = arith.constant 0 : i32
      %dma_start3A_54 = tpu.memref_slice %arg10[%add3A_26, %dma_start3A] : memref<12544x128xf32, #tpu.memory_space<vmem_shared>> -> memref<64x128xf32, #tpu.memory_space<vmem_shared>>
      %dma_start3A_55 = arith.constant 0 : i32
      %dma_start3A_56 = tpu.memref_slice %arg10[%add3A_26, %dma_start3A_55] : memref<12544x128xf32, #tpu.memory_space<vmem_shared>> -> memref<64x128xf32, #tpu.memory_space<vmem_shared>>
      tpu.enqueue_dma source(%arg8 : memref<64x128xf32, #tpu.memory_space<vmem>>) target(%dma_start3A_56 : memref<64x128xf32, #tpu.memory_space<vmem_shared>>) target_semaphore(%run_scoped3A : memref<!tpu.dma_semaphore, #tpu.memory_space<semaphore_mem>>)
      %dma_wait3A = arith.constant 0 : i32
      %dma_wait3A_57 = tpu.memref_slice %arg10[%add3A_26, %dma_wait3A] : memref<12544x128xf32, #tpu.memory_space<vmem_shared>> -> memref<64x128xf32, #tpu.memory_space<vmem_shared>>
      %dma_wait3A_58 = arith.constant 0 : i32
      %dma_wait3A_59 = tpu.memref_slice %arg10[%add3A_26, %dma_wait3A_58] : memref<12544x128xf32, #tpu.memory_space<vmem_shared>> -> memref<64x128xf32, #tpu.memory_space<vmem_shared>>
      tpu.wait_dma2 semaphore(%run_scoped3A : memref<!tpu.dma_semaphore, #tpu.memory_space<semaphore_mem>>) src(%arg8 : memref<64x128xf32, #tpu.memory_space<vmem>>) dst(%dma_wait3A_59 : memref<64x128xf32, #tpu.memory_space<vmem_shared>>)
      tpu.yield
    }) : () -> ()
    %add3A_27 = arith.constant 512 : i32
    %add3A_28 = arith.addi %mul3A_10, %add3A_27 : i32
    "tpu.region"() ({
      %run_scoped3A = tpu.sem_alloc : memref<!tpu.dma_semaphore, #tpu.memory_space<semaphore_mem>>
      %dma_start3A = arith.constant 0 : i32
      %dma_start3A_54 = tpu.memref_slice %arg10[%add3A_28, %dma_start3A] : memref<12544x128xf32, #tpu.memory_space<vmem_shared>> -> memref<64x128xf32, #tpu.memory_space<vmem_shared>>
      %dma_start3A_55 = arith.constant 0 : i32
      %dma_start3A_56 = tpu.memref_slice %arg10[%add3A_28, %dma_start3A_55] : memref<12544x128xf32, #tpu.memory_space<vmem_shared>> -> memref<64x128xf32, #tpu.memory_space<vmem_shared>>
      tpu.enqueue_dma source(%arg8 : memref<64x128xf32, #tpu.memory_space<vmem>>) target(%dma_start3A_56 : memref<64x128xf32, #tpu.memory_space<vmem_shared>>) target_semaphore(%run_scoped3A : memref<!tpu.dma_semaphore, #tpu.memory_space<semaphore_mem>>)
      %dma_wait3A = arith.constant 0 : i32
      %dma_wait3A_57 = tpu.memref_slice %arg10[%add3A_28, %dma_wait3A] : memref<12544x128xf32, #tpu.memory_space<vmem_shared>> -> memref<64x128xf32, #tpu.memory_space<vmem_shared>>
      %dma_wait3A_58 = arith.constant 0 : i32
      %dma_wait3A_59 = tpu.memref_slice %arg10[%add3A_28, %dma_wait3A_58] : memref<12544x128xf32, #tpu.memory_space<vmem_shared>> -> memref<64x128xf32, #tpu.memory_space<vmem_shared>>
      tpu.wait_dma2 semaphore(%run_scoped3A : memref<!tpu.dma_semaphore, #tpu.memory_space<semaphore_mem>>) src(%arg8 : memref<64x128xf32, #tpu.memory_space<vmem>>) dst(%dma_wait3A_59 : memref<64x128xf32, #tpu.memory_space<vmem_shared>>)
      tpu.yield
    }) : () -> ()
    %add3A_29 = arith.constant 576 : i32
    %add3A_30 = arith.addi %mul3A_10, %add3A_29 : i32
    "tpu.region"() ({
      %run_scoped3A = tpu.sem_alloc : memref<!tpu.dma_semaphore, #tpu.memory_space<semaphore_mem>>
      %dma_start3A = arith.constant 0 : i32
      %dma_start3A_54 = tpu.memref_slice %arg10[%add3A_30, %dma_start3A] : memref<12544x128xf32, #tpu.memory_space<vmem_shared>> -> memref<64x128xf32, #tpu.memory_space<vmem_shared>>
      %dma_start3A_55 = arith.constant 0 : i32
      %dma_start3A_56 = tpu.memref_slice %arg10[%add3A_30, %dma_start3A_55] : memref<12544x128xf32, #tpu.memory_space<vmem_shared>> -> memref<64x128xf32, #tpu.memory_space<vmem_shared>>
      tpu.enqueue_dma source(%arg8 : memref<64x128xf32, #tpu.memory_space<vmem>>) target(%dma_start3A_56 : memref<64x128xf32, #tpu.memory_space<vmem_shared>>) target_semaphore(%run_scoped3A : memref<!tpu.dma_semaphore, #tpu.memory_space<semaphore_mem>>)
      %dma_wait3A = arith.constant 0 : i32
      %dma_wait3A_57 = tpu.memref_slice %arg10[%add3A_30, %dma_wait3A] : memref<12544x128xf32, #tpu.memory_space<vmem_shared>> -> memref<64x128xf32, #tpu.memory_space<vmem_shared>>
      %dma_wait3A_58 = arith.constant 0 : i32
      %dma_wait3A_59 = tpu.memref_slice %arg10[%add3A_30, %dma_wait3A_58] : memref<12544x128xf32, #tpu.memory_space<vmem_shared>> -> memref<64x128xf32, #tpu.memory_space<vmem_shared>>
      tpu.wait_dma2 semaphore(%run_scoped3A : memref<!tpu.dma_semaphore, #tpu.memory_space<semaphore_mem>>) src(%arg8 : memref<64x128xf32, #tpu.memory_space<vmem>>) dst(%dma_wait3A_59 : memref<64x128xf32, #tpu.memory_space<vmem_shared>>)
      tpu.yield
    }) : () -> ()
    %add3A_31 = arith.constant 640 : i32
    %add3A_32 = arith.addi %mul3A_10, %add3A_31 : i32
    "tpu.region"() ({
      %run_scoped3A = tpu.sem_alloc : memref<!tpu.dma_semaphore, #tpu.memory_space<semaphore_mem>>
      %dma_start3A = arith.constant 0 : i32
      %dma_start3A_54 = tpu.memref_slice %arg10[%add3A_32, %dma_start3A] : memref<12544x128xf32, #tpu.memory_space<vmem_shared>> -> memref<64x128xf32, #tpu.memory_space<vmem_shared>>
      %dma_start3A_55 = arith.constant 0 : i32
      %dma_start3A_56 = tpu.memref_slice %arg10[%add3A_32, %dma_start3A_55] : memref<12544x128xf32, #tpu.memory_space<vmem_shared>> -> memref<64x128xf32, #tpu.memory_space<vmem_shared>>
      tpu.enqueue_dma source(%arg8 : memref<64x128xf32, #tpu.memory_space<vmem>>) target(%dma_start3A_56 : memref<64x128xf32, #tpu.memory_space<vmem_shared>>) target_semaphore(%run_scoped3A : memref<!tpu.dma_semaphore, #tpu.memory_space<semaphore_mem>>)
      %dma_wait3A = arith.constant 0 : i32
      %dma_wait3A_57 = tpu.memref_slice %arg10[%add3A_32, %dma_wait3A] : memref<12544x128xf32, #tpu.memory_space<vmem_shared>> -> memref<64x128xf32, #tpu.memory_space<vmem_shared>>
      %dma_wait3A_58 = arith.constant 0 : i32
      %dma_wait3A_59 = tpu.memref_slice %arg10[%add3A_32, %dma_wait3A_58] : memref<12544x128xf32, #tpu.memory_space<vmem_shared>> -> memref<64x128xf32, #tpu.memory_space<vmem_shared>>
      tpu.wait_dma2 semaphore(%run_scoped3A : memref<!tpu.dma_semaphore, #tpu.memory_space<semaphore_mem>>) src(%arg8 : memref<64x128xf32, #tpu.memory_space<vmem>>) dst(%dma_wait3A_59 : memref<64x128xf32, #tpu.memory_space<vmem_shared>>)
      tpu.yield
    }) : () -> ()
    %add3A_33 = arith.constant 704 : i32
    %add3A_34 = arith.addi %mul3A_10, %add3A_33 : i32
    "tpu.region"() ({
      %run_scoped3A = tpu.sem_alloc : memref<!tpu.dma_semaphore, #tpu.memory_space<semaphore_mem>>
      %dma_start3A = arith.constant 0 : i32
      %dma_start3A_54 = tpu.memref_slice %arg10[%add3A_34, %dma_start3A] : memref<12544x128xf32, #tpu.memory_space<vmem_shared>> -> memref<64x128xf32, #tpu.memory_space<vmem_shared>>
      %dma_start3A_55 = arith.constant 0 : i32
      %dma_start3A_56 = tpu.memref_slice %arg10[%add3A_34, %dma_start3A_55] : memref<12544x128xf32, #tpu.memory_space<vmem_shared>> -> memref<64x128xf32, #tpu.memory_space<vmem_shared>>
      tpu.enqueue_dma source(%arg8 : memref<64x128xf32, #tpu.memory_space<vmem>>) target(%dma_start3A_56 : memref<64x128xf32, #tpu.memory_space<vmem_shared>>) target_semaphore(%run_scoped3A : memref<!tpu.dma_semaphore, #tpu.memory_space<semaphore_mem>>)
      %dma_wait3A = arith.constant 0 : i32
      %dma_wait3A_57 = tpu.memref_slice %arg10[%add3A_34, %dma_wait3A] : memref<12544x128xf32, #tpu.memory_space<vmem_shared>> -> memref<64x128xf32, #tpu.memory_space<vmem_shared>>
      %dma_wait3A_58 = arith.constant 0 : i32
      %dma_wait3A_59 = tpu.memref_slice %arg10[%add3A_34, %dma_wait3A_58] : memref<12544x128xf32, #tpu.memory_space<vmem_shared>> -> memref<64x128xf32, #tpu.memory_space<vmem_shared>>
      tpu.wait_dma2 semaphore(%run_scoped3A : memref<!tpu.dma_semaphore, #tpu.memory_space<semaphore_mem>>) src(%arg8 : memref<64x128xf32, #tpu.memory_space<vmem>>) dst(%dma_wait3A_59 : memref<64x128xf32, #tpu.memory_space<vmem_shared>>)
      tpu.yield
    }) : () -> ()
    %add3A_35 = arith.constant 768 : i32
    %add3A_36 = arith.addi %mul3A_10, %add3A_35 : i32
    "tpu.region"() ({
      %run_scoped3A = tpu.sem_alloc : memref<!tpu.dma_semaphore, #tpu.memory_space<semaphore_mem>>
      %dma_start3A = arith.constant 0 : i32
      %dma_start3A_54 = arith.constant 0 : i32
      %dma_start3A_55 = tpu.memref_slice %arg8[%dma_start3A, %dma_start3A_54] : memref<64x128xf32, #tpu.memory_space<vmem>> -> memref<16x128xf32, #tpu.memory_space<vmem>>
      %dma_start3A_56 = arith.constant 0 : i32
      %dma_start3A_57 = tpu.memref_slice %arg10[%add3A_36, %dma_start3A_56] : memref<12544x128xf32, #tpu.memory_space<vmem_shared>> -> memref<16x128xf32, #tpu.memory_space<vmem_shared>>
      %dma_start3A_58 = arith.constant 0 : i32
      %dma_start3A_59 = tpu.memref_slice %arg10[%add3A_36, %dma_start3A_58] : memref<12544x128xf32, #tpu.memory_space<vmem_shared>> -> memref<16x128xf32, #tpu.memory_space<vmem_shared>>
      %dma_start3A_60 = arith.constant 0 : i32
      %dma_start3A_61 = arith.constant 0 : i32
      %dma_start3A_62 = tpu.memref_slice %arg8[%dma_start3A_60, %dma_start3A_61] : memref<64x128xf32, #tpu.memory_space<vmem>> -> memref<16x128xf32, #tpu.memory_space<vmem>>
      tpu.enqueue_dma source(%dma_start3A_62 : memref<16x128xf32, #tpu.memory_space<vmem>>) target(%dma_start3A_59 : memref<16x128xf32, #tpu.memory_space<vmem_shared>>) target_semaphore(%run_scoped3A : memref<!tpu.dma_semaphore, #tpu.memory_space<semaphore_mem>>)
      %dma_wait3A = arith.constant 0 : i32
      %dma_wait3A_63 = arith.constant 0 : i32
      %dma_wait3A_64 = tpu.memref_slice %arg8[%dma_wait3A, %dma_wait3A_63] : memref<64x128xf32, #tpu.memory_space<vmem>> -> memref<16x128xf32, #tpu.memory_space<vmem>>
      %dma_wait3A_65 = arith.constant 0 : i32
      %dma_wait3A_66 = tpu.memref_slice %arg10[%add3A_36, %dma_wait3A_65] : memref<12544x128xf32, #tpu.memory_space<vmem_shared>> -> memref<16x128xf32, #tpu.memory_space<vmem_shared>>
      %dma_wait3A_67 = arith.constant 0 : i32
      %dma_wait3A_68 = tpu.memref_slice %arg10[%add3A_36, %dma_wait3A_67] : memref<12544x128xf32, #tpu.memory_space<vmem_shared>> -> memref<16x128xf32, #tpu.memory_space<vmem_shared>>
      %dma_wait3A_69 = arith.constant 0 : i32
      %dma_wait3A_70 = arith.constant 0 : i32
      %dma_wait3A_71 = tpu.memref_slice %arg8[%dma_wait3A_69, %dma_wait3A_70] : memref<64x128xf32, #tpu.memory_space<vmem>> -> memref<16x128xf32, #tpu.memory_space<vmem>>
      tpu.wait_dma2 semaphore(%run_scoped3A : memref<!tpu.dma_semaphore, #tpu.memory_space<semaphore_mem>>) src(%dma_wait3A_71 : memref<16x128xf32, #tpu.memory_space<vmem>>) dst(%dma_wait3A_68 : memref<16x128xf32, #tpu.memory_space<vmem_shared>>)
      tpu.yield
    }) : () -> ()
    %barrier3A = arith.constant 0 : index
    tpu.barrier barrier_id(%barrier3A)
    %mul3A_37 = arith.constant 392 : i32
    %mul3A_38 = arith.muli %arg1, %mul3A_37 : i32
    %scan3A_39 = arith.constant 0 : i32
    %scan3A_40 = arith.constant 0 : i32
    %scan3A_41 = arith.constant 7 : i32
    %scan3A_42 = arith.addi %scan3A_40, %scan3A_41 : i32
    %scan3A_43 = arith.constant 1 : i32
    scf.for %scan3A_54 = %scan3A_40 to %scan3A_42 step %scan3A_43  : i32 {
      %mul3A_55 = arith.constant 56 : i32
      %mul3A_56 = arith.muli %scan3A_54, %mul3A_55 : i32
      %add3A_57 = arith.addi %mul3A_38, %mul3A_56 : i32
      "tpu.region"() ({
        %run_scoped3A = tpu.sem_alloc : memref<!tpu.dma_semaphore, #tpu.memory_space<semaphore_mem>>
        %dma_start3A_88 = arith.constant 0 : i32
        %dma_start3A_89 = tpu.memref_slice %arg3[%add3A_57, %dma_start3A_88] : memref<6272x64xi32, #tpu.memory_space<hbm>> -> memref<56x64xi32, #tpu.memory_space<hbm>>
        %dma_start3A_90 = arith.constant 0 : i32
        %dma_start3A_91 = tpu.memref_slice %arg3[%add3A_57, %dma_start3A_90] : memref<6272x64xi32, #tpu.memory_space<hbm>> -> memref<56x64xi32, #tpu.memory_space<hbm>>
        tpu.enqueue_dma source(%dma_start3A_91 : memref<56x64xi32, #tpu.memory_space<hbm>>) target(%arg6 : memref<56x64xi32, #tpu.memory_space<vmem>>) target_semaphore(%run_scoped3A : memref<!tpu.dma_semaphore, #tpu.memory_space<semaphore_mem>>)
        %dma_wait3A = arith.constant 0 : i32
        %dma_wait3A_92 = tpu.memref_slice %arg3[%add3A_57, %dma_wait3A] : memref<6272x64xi32, #tpu.memory_space<hbm>> -> memref<56x64xi32, #tpu.memory_space<hbm>>
        %dma_wait3A_93 = arith.constant 0 : i32
        %dma_wait3A_94 = tpu.memref_slice %arg3[%add3A_57, %dma_wait3A_93] : memref<6272x64xi32, #tpu.memory_space<hbm>> -> memref<56x64xi32, #tpu.memory_space<hbm>>
        tpu.wait_dma2 semaphore(%run_scoped3A : memref<!tpu.dma_semaphore, #tpu.memory_space<semaphore_mem>>) src(%dma_wait3A_94 : memref<56x64xi32, #tpu.memory_space<hbm>>) dst(%arg6 : memref<56x64xi32, #tpu.memory_space<vmem>>)
        tpu.yield
      }) : () -> ()
      %mul3A_58 = arith.constant 56 : i32
      %mul3A_59 = arith.muli %scan3A_54, %mul3A_58 : i32
      %add3A_60 = arith.addi %mul3A_38, %mul3A_59 : i32
      "tpu.region"() ({
        %run_scoped3A = tpu.sem_alloc : memref<!tpu.dma_semaphore, #tpu.memory_space<semaphore_mem>>
        %dma_start3A_88 = arith.constant 0 : i32
        %dma_start3A_89 = tpu.memref_slice %arg4[%add3A_60, %dma_start3A_88] : memref<6272x64xi32, #tpu.memory_space<hbm>> -> memref<56x64xi32, #tpu.memory_space<hbm>>
        %dma_start3A_90 = arith.constant 0 : i32
        %dma_start3A_91 = tpu.memref_slice %arg4[%add3A_60, %dma_start3A_90] : memref<6272x64xi32, #tpu.memory_space<hbm>> -> memref<56x64xi32, #tpu.memory_space<hbm>>
        tpu.enqueue_dma source(%dma_start3A_91 : memref<56x64xi32, #tpu.memory_space<hbm>>) target(%arg7 : memref<56x64xi32, #tpu.memory_space<vmem>>) target_semaphore(%run_scoped3A : memref<!tpu.dma_semaphore, #tpu.memory_space<semaphore_mem>>)
        %dma_wait3A = arith.constant 0 : i32
        %dma_wait3A_92 = tpu.memref_slice %arg4[%add3A_60, %dma_wait3A] : memref<6272x64xi32, #tpu.memory_space<hbm>> -> memref<56x64xi32, #tpu.memory_space<hbm>>
        %dma_wait3A_93 = arith.constant 0 : i32
        %dma_wait3A_94 = tpu.memref_slice %arg4[%add3A_60, %dma_wait3A_93] : memref<6272x64xi32, #tpu.memory_space<hbm>> -> memref<56x64xi32, #tpu.memory_space<hbm>>
        tpu.wait_dma2 semaphore(%run_scoped3A : memref<!tpu.dma_semaphore, #tpu.memory_space<semaphore_mem>>) src(%dma_wait3A_94 : memref<56x64xi32, #tpu.memory_space<hbm>>) dst(%arg7 : memref<56x64xi32, #tpu.memory_space<vmem>>)
        tpu.yield
      }) : () -> ()
      %scan3A_61 = arith.constant 0 : i32
      %scan3A_62 = arith.constant 0 : i32
      %scan3A_63 = arith.constant 56 : i32
      %scan3A_64 = arith.addi %scan3A_62, %scan3A_63 : i32
      %scan3A_65 = arith.constant 1 : i32
      scf.for %scan3A_88 = %scan3A_62 to %scan3A_64 step %scan3A_65  : i32 {
        %get3A = arith.index_cast %scan3A_88 : i32 to index
        %get3A_89 = arith.constant 0 : index
        %get3A_90 = tpu.vector_load %arg7[%get3A, %get3A_89] {strides = array<i32>} : memref<56x64xi32, #tpu.memory_space<vmem>>, vector<1x16xi32>,
        %get3A_91 = vector.shape_cast %get3A_90 : vector<1x16xi32> to vector<16xi32>
        %ge3A = vector.broadcast %mul3A_0 : i32 to vector<16xi32>
        %ge3A_92 = arith.cmpi sge, %get3A_91, %ge3A : vector<16xi32>
        %lt3A = vector.broadcast %add3A : i32 to vector<16xi32>
        %lt3A_93 = arith.cmpi slt, %get3A_91, %lt3A : vector<16xi32>
        %and3A = arith.andi %ge3A_92, %lt3A_93 : vector<16xi1>
        %sub3A = vector.broadcast %mul3A_0 : i32 to vector<16xi32>
        %sub3A_94 = arith.subi %get3A_91, %sub3A : vector<16xi32>
        %jit3A_95 = arith.constant 12504 : i32
        %broadcast_in_dim3A_96 = vector.broadcast %jit3A_95 : i32 to vector<16xi32>
        %select_n3A_97 = arith.select %and3A, %sub3A_94, %broadcast_in_dim3A_96 : vector<16xi1>, vector<16xi32>
        %swap3A = arith.index_cast %scan3A_88 : i32 to index
        %swap3A_98 = arith.constant 0 : index
        %swap3A_99 = tpu.vector_load %arg7[%swap3A, %swap3A_98] {strides = array<i32>} : memref<56x64xi32, #tpu.memory_space<vmem>>, vector<1x16xi32>,
        %swap3A_100 = vector.shape_cast %swap3A_99 : vector<1x16xi32> to vector<16xi32>
        %swap3A_101 = vector.shape_cast %select_n3A_97 : vector<16xi32> to vector<1x16xi32>
        tpu.vector_store %arg7[%swap3A, %swap3A_98], %swap3A_101 {strides = array<i32>} : memref<56x64xi32, #tpu.memory_space<vmem>>, vector<1x16xi32>,
        %get3A_102 = arith.index_cast %scan3A_88 : i32 to index
        %get3A_103 = arith.constant 16 : index
        %get3A_104 = tpu.vector_load %arg7[%get3A_102, %get3A_103] {strides = array<i32>} : memref<56x64xi32, #tpu.memory_space<vmem>>, vector<1x16xi32>,
        %get3A_105 = vector.shape_cast %get3A_104 : vector<1x16xi32> to vector<16xi32>
        %ge3A_106 = vector.broadcast %mul3A_0 : i32 to vector<16xi32>
        %ge3A_107 = arith.cmpi sge, %get3A_105, %ge3A_106 : vector<16xi32>
        %lt3A_108 = vector.broadcast %add3A : i32 to vector<16xi32>
        %lt3A_109 = arith.cmpi slt, %get3A_105, %lt3A_108 : vector<16xi32>
        %and3A_110 = arith.andi %ge3A_107, %lt3A_109 : vector<16xi1>
        %sub3A_111 = vector.broadcast %mul3A_0 : i32 to vector<16xi32>
        %sub3A_112 = arith.subi %get3A_105, %sub3A_111 : vector<16xi32>
        %jit3A_113 = arith.constant 12504 : i32
        %broadcast_in_dim3A_114 = vector.broadcast %jit3A_113 : i32 to vector<16xi32>
        %select_n3A_115 = arith.select %and3A_110, %sub3A_112, %broadcast_in_dim3A_114 : vector<16xi1>, vector<16xi32>
        %swap3A_116 = arith.index_cast %scan3A_88 : i32 to index
        %swap3A_117 = arith.constant 16 : index
        %swap3A_118 = tpu.vector_load %arg7[%swap3A_116, %swap3A_117] {strides = array<i32>} : memref<56x64xi32, #tpu.memory_space<vmem>>, vector<1x16xi32>,
        %swap3A_119 = vector.shape_cast %swap3A_118 : vector<1x16xi32> to vector<16xi32>
        %swap3A_120 = vector.shape_cast %select_n3A_115 : vector<16xi32> to vector<1x16xi32>
        tpu.vector_store %arg7[%swap3A_116, %swap3A_117], %swap3A_120 {strides = array<i32>} : memref<56x64xi32, #tpu.memory_space<vmem>>, vector<1x16xi32>,
        %get3A_121 = arith.index_cast %scan3A_88 : i32 to index
        %get3A_122 = arith.constant 32 : index
        %get3A_123 = tpu.vector_load %arg7[%get3A_121, %get3A_122] {strides = array<i32>} : memref<56x64xi32, #tpu.memory_space<vmem>>, vector<1x16xi32>,
        %get3A_124 = vector.shape_cast %get3A_123 : vector<1x16xi32> to vector<16xi32>
        %ge3A_125 = vector.broadcast %mul3A_0 : i32 to vector<16xi32>
        %ge3A_126 = arith.cmpi sge, %get3A_124, %ge3A_125 : vector<16xi32>
        %lt3A_127 = vector.broadcast %add3A : i32 to vector<16xi32>
        %lt3A_128 = arith.cmpi slt, %get3A_124, %lt3A_127 : vector<16xi32>
        %and3A_129 = arith.andi %ge3A_126, %lt3A_128 : vector<16xi1>
        %sub3A_130 = vector.broadcast %mul3A_0 : i32 to vector<16xi32>
        %sub3A_131 = arith.subi %get3A_124, %sub3A_130 : vector<16xi32>
        %jit3A_132 = arith.constant 12504 : i32
        %broadcast_in_dim3A_133 = vector.broadcast %jit3A_132 : i32 to vector<16xi32>
        %select_n3A_134 = arith.select %and3A_129, %sub3A_131, %broadcast_in_dim3A_133 : vector<16xi1>, vector<16xi32>
        %swap3A_135 = arith.index_cast %scan3A_88 : i32 to index
        %swap3A_136 = arith.constant 32 : index
        %swap3A_137 = tpu.vector_load %arg7[%swap3A_135, %swap3A_136] {strides = array<i32>} : memref<56x64xi32, #tpu.memory_space<vmem>>, vector<1x16xi32>,
        %swap3A_138 = vector.shape_cast %swap3A_137 : vector<1x16xi32> to vector<16xi32>
        %swap3A_139 = vector.shape_cast %select_n3A_134 : vector<16xi32> to vector<1x16xi32>
        tpu.vector_store %arg7[%swap3A_135, %swap3A_136], %swap3A_139 {strides = array<i32>} : memref<56x64xi32, #tpu.memory_space<vmem>>, vector<1x16xi32>,
        %get3A_140 = arith.index_cast %scan3A_88 : i32 to index
        %get3A_141 = arith.constant 48 : index
        %get3A_142 = tpu.vector_load %arg7[%get3A_140, %get3A_141] {strides = array<i32>} : memref<56x64xi32, #tpu.memory_space<vmem>>, vector<1x16xi32>,
        %get3A_143 = vector.shape_cast %get3A_142 : vector<1x16xi32> to vector<16xi32>
        %ge3A_144 = vector.broadcast %mul3A_0 : i32 to vector<16xi32>
        %ge3A_145 = arith.cmpi sge, %get3A_143, %ge3A_144 : vector<16xi32>
        %lt3A_146 = vector.broadcast %add3A : i32 to vector<16xi32>
        %lt3A_147 = arith.cmpi slt, %get3A_143, %lt3A_146 : vector<16xi32>
        %and3A_148 = arith.andi %ge3A_145, %lt3A_147 : vector<16xi1>
        %sub3A_149 = vector.broadcast %mul3A_0 : i32 to vector<16xi32>
        %sub3A_150 = arith.subi %get3A_143, %sub3A_149 : vector<16xi32>
        %jit3A_151 = arith.constant 12504 : i32
        %broadcast_in_dim3A_152 = vector.broadcast %jit3A_151 : i32 to vector<16xi32>
        %select_n3A_153 = arith.select %and3A_148, %sub3A_150, %broadcast_in_dim3A_152 : vector<16xi1>, vector<16xi32>
        %swap3A_154 = arith.index_cast %scan3A_88 : i32 to index
        %swap3A_155 = arith.constant 48 : index
        %swap3A_156 = tpu.vector_load %arg7[%swap3A_154, %swap3A_155] {strides = array<i32>} : memref<56x64xi32, #tpu.memory_space<vmem>>, vector<1x16xi32>,
        %swap3A_157 = vector.shape_cast %swap3A_156 : vector<1x16xi32> to vector<16xi32>
        %swap3A_158 = vector.shape_cast %select_n3A_153 : vector<16xi32> to vector<1x16xi32>
        tpu.vector_store %arg7[%swap3A_154, %swap3A_155], %swap3A_158 {strides = array<i32>} : memref<56x64xi32, #tpu.memory_space<vmem>>, vector<1x16xi32>,
      }
      %scan3A_66 = arith.constant 56 : i32
      %dma_start3A = arith.constant 0 : i32
      %dma_start3A_67 = arith.constant 0 : i32
      %dma_start3A_68 = tpu.memref_slice %arg6[%dma_start3A, %dma_start3A_67] : memref<56x64xi32, #tpu.memory_space<vmem>> -> memref<1x64xi32, #tpu.memory_space<vmem>>
      %dma_start3A_69 = tpu.memref_squeeze %dma_start3A_68 : memref<1x64xi32, #tpu.memory_space<vmem>> -> memref<64xi32, #tpu.memory_space<vmem>>
      %dma_start3A_70 = arith.constant 0 : i32
      %dma_start3A_71 = arith.constant 0 : i32
      %dma_start3A_72 = tpu.memref_slice %arg2[%dma_start3A_70, %dma_start3A_71] : memref<25000x128xf32, #tpu.memory_space<hbm>> -> memref<25000x128xf32, #tpu.memory_space<hbm>>
      tpu.enqueue_indirect_dma source(%dma_start3A_72 : memref<25000x128xf32, #tpu.memory_space<hbm>>) target(%arg8 : memref<64x128xf32, #tpu.memory_space<vmem>>) offsets(%dma_start3A_69 : memref<64xi32, #tpu.memory_space<vmem>>) semaphore(%arg11 : memref<!tpu.dma_semaphore, #tpu.memory_space<semaphore_mem>>)
      %dma_start3A_73 = arith.constant 1 : i32
      %dma_start3A_74 = arith.constant 0 : i32
      %dma_start3A_75 = tpu.memref_slice %arg6[%dma_start3A_73, %dma_start3A_74] : memref<56x64xi32, #tpu.memory_space<vmem>> -> memref<1x64xi32, #tpu.memory_space<vmem>>
      %dma_start3A_76 = tpu.memref_squeeze %dma_start3A_75 : memref<1x64xi32, #tpu.memory_space<vmem>> -> memref<64xi32, #tpu.memory_space<vmem>>
      %dma_start3A_77 = arith.constant 0 : i32
      %dma_start3A_78 = arith.constant 0 : i32
      %dma_start3A_79 = tpu.memref_slice %arg2[%dma_start3A_77, %dma_start3A_78] : memref<25000x128xf32, #tpu.memory_space<hbm>> -> memref<25000x128xf32, #tpu.memory_space<hbm>>
      tpu.enqueue_indirect_dma source(%dma_start3A_79 : memref<25000x128xf32, #tpu.memory_space<hbm>>) target(%arg9 : memref<64x128xf32, #tpu.memory_space<vmem>>) offsets(%dma_start3A_76 : memref<64xi32, #tpu.memory_space<vmem>>) semaphore(%arg12 : memref<!tpu.dma_semaphore, #tpu.memory_space<semaphore_mem>>)
      %scan3A_80 = arith.constant 0 : i32
      %scan3A_81 = arith.constant 0 : i32
      %scan3A_82 = arith.constant 1 : i32
      %scan3A_83 = arith.constant 0 : i32
      %scan3A_84 = arith.constant 28 : i32
      %scan3A_85 = arith.addi %scan3A_83, %scan3A_84 : i32
      %scan3A_86 = arith.constant 1 : i32
      scf.for %scan3A_88 = %scan3A_83 to %scan3A_85 step %scan3A_86  : i32 {
        %mul3A_89 = arith.constant 2 : i32
        %mul3A_90 = arith.muli %scan3A_88, %mul3A_89 : i32
        %add3A_91 = arith.constant 0 : i32
        %add3A_92 = arith.addi %mul3A_90, %add3A_91 : i32
        %dma_wait3A = arith.constant 0 : i32
        %dma_wait3A_93 = tpu.memref_slice %arg6[%scan3A_81, %dma_wait3A] : memref<56x64xi32, #tpu.memory_space<vmem>> -> memref<1x64xi32, #tpu.memory_space<vmem>>
        %dma_wait3A_94 = tpu.memref_squeeze %dma_wait3A_93 : memref<1x64xi32, #tpu.memory_space<vmem>> -> memref<64xi32, #tpu.memory_space<vmem>>
        %dma_wait3A_95 = arith.constant 0 : i32
        %dma_wait3A_96 = arith.constant 0 : i32
        %dma_wait3A_97 = tpu.memref_slice %arg2[%dma_wait3A_95, %dma_wait3A_96] : memref<25000x128xf32, #tpu.memory_space<hbm>> -> memref<25000x128xf32, #tpu.memory_space<hbm>>
        tpu.wait_indirect_dma semaphore(%arg11 : memref<!tpu.dma_semaphore, #tpu.memory_space<semaphore_mem>>) src(%dma_wait3A_97 : memref<25000x128xf32, #tpu.memory_space<hbm>>) dst(%arg8 : memref<64x128xf32, #tpu.memory_space<vmem>>)
        "tpu.region"() ({
          %run_scoped3A = tpu.sem_alloc : memref<!tpu.dma_semaphore, #tpu.memory_space<semaphore_mem>>
          %dma_start3A_121 = arith.constant 0 : i32
          %dma_start3A_122 = tpu.memref_slice %arg7[%add3A_92, %dma_start3A_121] : memref<56x64xi32, #tpu.memory_space<vmem>> -> memref<1x64xi32, #tpu.memory_space<vmem>>
          %dma_start3A_123 = tpu.memref_squeeze %dma_start3A_122 : memref<1x64xi32, #tpu.memory_space<vmem>> -> memref<64xi32, #tpu.memory_space<vmem>>
          %dma_start3A_124 = arith.constant 0 : i32
          %dma_start3A_125 = arith.constant 0 : i32
          %dma_start3A_126 = tpu.memref_slice %arg10[%dma_start3A_124, %dma_start3A_125] : memref<12544x128xf32, #tpu.memory_space<vmem_shared>> -> memref<12544x128xf32, #tpu.memory_space<vmem_shared>>
          tpu.enqueue_indirect_dma source(%arg8 : memref<64x128xf32, #tpu.memory_space<vmem>>) target(%dma_start3A_126 : memref<12544x128xf32, #tpu.memory_space<vmem_shared>>) offsets(%dma_start3A_123 : memref<64xi32, #tpu.memory_space<vmem>>) semaphore(%run_scoped3A : memref<!tpu.dma_semaphore, #tpu.memory_space<semaphore_mem>>) {add = true}
          %dma_wait3A_127 = arith.constant 0 : i32
          %dma_wait3A_128 = tpu.memref_slice %arg7[%add3A_92, %dma_wait3A_127] : memref<56x64xi32, #tpu.memory_space<vmem>> -> memref<1x64xi32, #tpu.memory_space<vmem>>
          %dma_wait3A_129 = tpu.memref_squeeze %dma_wait3A_128 : memref<1x64xi32, #tpu.memory_space<vmem>> -> memref<64xi32, #tpu.memory_space<vmem>>
          %dma_wait3A_130 = arith.constant 0 : i32
          %dma_wait3A_131 = arith.constant 0 : i32
          %dma_wait3A_132 = tpu.memref_slice %arg10[%dma_wait3A_130, %dma_wait3A_131] : memref<12544x128xf32, #tpu.memory_space<vmem_shared>> -> memref<12544x128xf32, #tpu.memory_space<vmem_shared>>
          tpu.wait_indirect_dma semaphore(%run_scoped3A : memref<!tpu.dma_semaphore, #tpu.memory_space<semaphore_mem>>) src(%arg8 : memref<64x128xf32, #tpu.memory_space<vmem>>) dst(%dma_wait3A_132 : memref<12544x128xf32, #tpu.memory_space<vmem_shared>>)
          tpu.yield
        }) : () -> ()
        %add3A_98 = arith.constant 2 : i32
        %add3A_99 = arith.addi %add3A_92, %add3A_98 : i32
        %lt3A = arith.constant 56 : i32
        %lt3A_100 = arith.cmpi slt, %add3A_99, %lt3A : i32
        %convert_element_type3A_101 = arith.extui %lt3A_100 : i1 to i32
        %cond3A_102 = arith.constant 0 : i32
        %cond3A_103 = arith.cmpi ne, %convert_element_type3A_101, %cond3A_102 : i32
        scf.if %cond3A_103 {
          %add3A_121 = arith.constant 2 : i32
          %add3A_122 = arith.addi %add3A_92, %add3A_121 : i32
          %dma_start3A_123 = arith.constant 0 : i32
          %dma_start3A_124 = tpu.memref_slice %arg6[%add3A_122, %dma_start3A_123] : memref<56x64xi32, #tpu.memory_space<vmem>> -> memref<1x64xi32, #tpu.memory_space<vmem>>
          %dma_start3A_125 = tpu.memref_squeeze %dma_start3A_124 : memref<1x64xi32, #tpu.memory_space<vmem>> -> memref<64xi32, #tpu.memory_space<vmem>>
          %dma_start3A_126 = arith.constant 0 : i32
          %dma_start3A_127 = arith.constant 0 : i32
          %dma_start3A_128 = tpu.memref_slice %arg2[%dma_start3A_126, %dma_start3A_127] : memref<25000x128xf32, #tpu.memory_space<hbm>> -> memref<25000x128xf32, #tpu.memory_space<hbm>>
          tpu.enqueue_indirect_dma source(%dma_start3A_128 : memref<25000x128xf32, #tpu.memory_space<hbm>>) target(%arg8 : memref<64x128xf32, #tpu.memory_space<vmem>>) offsets(%dma_start3A_125 : memref<64xi32, #tpu.memory_space<vmem>>) semaphore(%arg11 : memref<!tpu.dma_semaphore, #tpu.memory_space<semaphore_mem>>)
        } else {
        }
        %mul3A_104 = arith.constant 2 : i32
        %mul3A_105 = arith.muli %scan3A_88, %mul3A_104 : i32
        %add3A_106 = arith.constant 1 : i32
        %add3A_107 = arith.addi %mul3A_105, %add3A_106 : i32
        %dma_wait3A_108 = arith.constant 0 : i32
        %dma_wait3A_109 = tpu.memref_slice %arg6[%scan3A_82, %dma_wait3A_108] : memref<56x64xi32, #tpu.memory_space<vmem>> -> memref<1x64xi32, #tpu.memory_space<vmem>>
        %dma_wait3A_110 = tpu.memref_squeeze %dma_wait3A_109 : memref<1x64xi32, #tpu.memory_space<vmem>> -> memref<64xi32, #tpu.memory_space<vmem>>
        %dma_wait3A_111 = arith.constant 0 : i32
        %dma_wait3A_112 = arith.constant 0 : i32
        %dma_wait3A_113 = tpu.memref_slice %arg2[%dma_wait3A_111, %dma_wait3A_112] : memref<25000x128xf32, #tpu.memory_space<hbm>> -> memref<25000x128xf32, #tpu.memory_space<hbm>>
        tpu.wait_indirect_dma semaphore(%arg12 : memref<!tpu.dma_semaphore, #tpu.memory_space<semaphore_mem>>) src(%dma_wait3A_113 : memref<25000x128xf32, #tpu.memory_space<hbm>>) dst(%arg9 : memref<64x128xf32, #tpu.memory_space<vmem>>)
        "tpu.region"() ({
          %run_scoped3A = tpu.sem_alloc : memref<!tpu.dma_semaphore, #tpu.memory_space<semaphore_mem>>
          %dma_start3A_121 = arith.constant 0 : i32
          %dma_start3A_122 = tpu.memref_slice %arg7[%add3A_107, %dma_start3A_121] : memref<56x64xi32, #tpu.memory_space<vmem>> -> memref<1x64xi32, #tpu.memory_space<vmem>>
          %dma_start3A_123 = tpu.memref_squeeze %dma_start3A_122 : memref<1x64xi32, #tpu.memory_space<vmem>> -> memref<64xi32, #tpu.memory_space<vmem>>
          %dma_start3A_124 = arith.constant 0 : i32
          %dma_start3A_125 = arith.constant 0 : i32
          %dma_start3A_126 = tpu.memref_slice %arg10[%dma_start3A_124, %dma_start3A_125] : memref<12544x128xf32, #tpu.memory_space<vmem_shared>> -> memref<12544x128xf32, #tpu.memory_space<vmem_shared>>
          tpu.enqueue_indirect_dma source(%arg9 : memref<64x128xf32, #tpu.memory_space<vmem>>) target(%dma_start3A_126 : memref<12544x128xf32, #tpu.memory_space<vmem_shared>>) offsets(%dma_start3A_123 : memref<64xi32, #tpu.memory_space<vmem>>) semaphore(%run_scoped3A : memref<!tpu.dma_semaphore, #tpu.memory_space<semaphore_mem>>) {add = true}
          %dma_wait3A_127 = arith.constant 0 : i32
          %dma_wait3A_128 = tpu.memref_slice %arg7[%add3A_107, %dma_wait3A_127] : memref<56x64xi32, #tpu.memory_space<vmem>> -> memref<1x64xi32, #tpu.memory_space<vmem>>
          %dma_wait3A_129 = tpu.memref_squeeze %dma_wait3A_128 : memref<1x64xi32, #tpu.memory_space<vmem>> -> memref<64xi32, #tpu.memory_space<vmem>>
          %dma_wait3A_130 = arith.constant 0 : i32
          %dma_wait3A_131 = arith.constant 0 : i32
          %dma_wait3A_132 = tpu.memref_slice %arg10[%dma_wait3A_130, %dma_wait3A_131] : memref<12544x128xf32, #tpu.memory_space<vmem_shared>> -> memref<12544x128xf32, #tpu.memory_space<vmem_shared>>
          tpu.wait_indirect_dma semaphore(%run_scoped3A : memref<!tpu.dma_semaphore, #tpu.memory_space<semaphore_mem>>) src(%arg9 : memref<64x128xf32, #tpu.memory_space<vmem>>) dst(%dma_wait3A_132 : memref<12544x128xf32, #tpu.memory_space<vmem_shared>>)
          tpu.yield
        }) : () -> ()
        %add3A_114 = arith.constant 2 : i32
        %add3A_115 = arith.addi %add3A_107, %add3A_114 : i32
        %lt3A_116 = arith.constant 56 : i32
        %lt3A_117 = arith.cmpi slt, %add3A_115, %lt3A_116 : i32
        %convert_element_type3A_118 = arith.extui %lt3A_117 : i1 to i32
        %cond3A_119 = arith.constant 0 : i32
        %cond3A_120 = arith.cmpi ne, %convert_element_type3A_118, %cond3A_119 : i32
        scf.if %cond3A_120 {
          %add3A_121 = arith.constant 2 : i32
          %add3A_122 = arith.addi %add3A_107, %add3A_121 : i32
          %dma_start3A_123 = arith.constant 0 : i32
          %dma_start3A_124 = tpu.memref_slice %arg6[%add3A_122, %dma_start3A_123] : memref<56x64xi32, #tpu.memory_space<vmem>> -> memref<1x64xi32, #tpu.memory_space<vmem>>
          %dma_start3A_125 = tpu.memref_squeeze %dma_start3A_124 : memref<1x64xi32, #tpu.memory_space<vmem>> -> memref<64xi32, #tpu.memory_space<vmem>>
          %dma_start3A_126 = arith.constant 0 : i32
          %dma_start3A_127 = arith.constant 0 : i32
          %dma_start3A_128 = tpu.memref_slice %arg2[%dma_start3A_126, %dma_start3A_127] : memref<25000x128xf32, #tpu.memory_space<hbm>> -> memref<25000x128xf32, #tpu.memory_space<hbm>>
          tpu.enqueue_indirect_dma source(%dma_start3A_128 : memref<25000x128xf32, #tpu.memory_space<hbm>>) target(%arg9 : memref<64x128xf32, #tpu.memory_space<vmem>>) offsets(%dma_start3A_125 : memref<64xi32, #tpu.memory_space<vmem>>) semaphore(%arg12 : memref<!tpu.dma_semaphore, #tpu.memory_space<semaphore_mem>>)
        } else {
        }
      }
      %scan3A_87 = arith.constant 28 : i32
    }
    %scan3A_44 = arith.constant 7 : i32
    %barrier3A_45 = arith.constant 0 : index
    tpu.barrier barrier_id(%barrier3A_45)
    %eq3A_46 = arith.constant 0 : i32
    %eq3A_47 = arith.cmpi eq, %arg0, %eq3A_46 : i32
    %convert_element_type3A = arith.extui %eq3A_47 : i1 to i32
    %cond3A = arith.constant 0 : i32
    %cond3A_48 = arith.cmpi ne, %convert_element_type3A, %cond3A : i32
    scf.if %cond3A_48 {
      %lt3A = arith.constant 15 : i32
      %lt3A_54 = arith.cmpi slt, %arg1, %lt3A : i32
      %convert_element_type3A_55 = arith.extui %lt3A_54 : i1 to i32
      %cond3A_56 = arith.constant 0 : i32
      %cond3A_57 = arith.cmpi ne, %convert_element_type3A_55, %cond3A_56 : i32
      scf.if %cond3A_57 {
        %mul3A_63 = arith.constant 784 : i32
        %mul3A_64 = arith.muli %arg1, %mul3A_63 : i32
        %mul3A_65 = arith.constant 784 : i32
        %mul3A_66 = arith.muli %arg1, %mul3A_65 : i32
        %add3A_67 = arith.constant 0 : i32
        %add3A_68 = arith.addi %add3A_67, %mul3A_66 : i32
        "tpu.region"() ({
          %run_scoped3A = tpu.sem_alloc : memref<!tpu.dma_semaphore, #tpu.memory_space<semaphore_mem>>
          %dma_start3A = arith.constant 0 : i32
          %dma_start3A_69 = tpu.memref_slice %arg5[%add3A_68, %dma_start3A] : memref<25000x128xf32, #tpu.memory_space<hbm>> -> memref<784x128xf32, #tpu.memory_space<hbm>>
          %dma_start3A_70 = arith.constant 0 : i32
          %dma_start3A_71 = tpu.memref_slice %arg10[%mul3A_64, %dma_start3A_70] : memref<12544x128xf32, #tpu.memory_space<vmem_shared>> -> memref<784x128xf32, #tpu.memory_space<vmem_shared>>
          tpu.enqueue_dma source(%dma_start3A_71 : memref<784x128xf32, #tpu.memory_space<vmem_shared>>) target(%dma_start3A_69 : memref<784x128xf32, #tpu.memory_space<hbm>>) target_semaphore(%run_scoped3A : memref<!tpu.dma_semaphore, #tpu.memory_space<semaphore_mem>>)
          %dma_wait3A = arith.constant 0 : i32
          %dma_wait3A_72 = tpu.memref_slice %arg5[%add3A_68, %dma_wait3A] : memref<25000x128xf32, #tpu.memory_space<hbm>> -> memref<784x128xf32, #tpu.memory_space<hbm>>
          %dma_wait3A_73 = arith.constant 0 : i32
          %dma_wait3A_74 = tpu.memref_slice %arg10[%mul3A_64, %dma_wait3A_73] : memref<12544x128xf32, #tpu.memory_space<vmem_shared>> -> memref<784x128xf32, #tpu.memory_space<vmem_shared>>
          tpu.wait_dma2 semaphore(%run_scoped3A : memref<!tpu.dma_semaphore, #tpu.memory_space<semaphore_mem>>) src(%dma_wait3A_74 : memref<784x128xf32, #tpu.memory_space<vmem_shared>>) dst(%dma_wait3A_72 : memref<784x128xf32, #tpu.memory_space<hbm>>)
          tpu.yield
        }) : () -> ()
      } else {
      }
      %eq3A_58 = arith.constant 15 : i32
      %eq3A_59 = arith.cmpi eq, %arg1, %eq3A_58 : i32
      %convert_element_type3A_60 = arith.extui %eq3A_59 : i1 to i32
      %cond3A_61 = arith.constant 0 : i32
      %cond3A_62 = arith.cmpi ne, %convert_element_type3A_60, %cond3A_61 : i32
      scf.if %cond3A_62 {
        "tpu.region"() ({
          %run_scoped3A = tpu.sem_alloc : memref<!tpu.dma_semaphore, #tpu.memory_space<semaphore_mem>>
          %dma_start3A = arith.constant 11760 : i32
          %dma_start3A_63 = arith.constant 0 : i32
          %dma_start3A_64 = tpu.memref_slice %arg5[%dma_start3A, %dma_start3A_63] : memref<25000x128xf32, #tpu.memory_space<hbm>> -> memref<744x128xf32, #tpu.memory_space<hbm>>
          %dma_start3A_65 = arith.constant 11760 : i32
          %dma_start3A_66 = arith.constant 0 : i32
          %dma_start3A_67 = tpu.memref_slice %arg10[%dma_start3A_65, %dma_start3A_66] : memref<12544x128xf32, #tpu.memory_space<vmem_shared>> -> memref<744x128xf32, #tpu.memory_space<vmem_shared>>
          tpu.enqueue_dma source(%dma_start3A_67 : memref<744x128xf32, #tpu.memory_space<vmem_shared>>) target(%dma_start3A_64 : memref<744x128xf32, #tpu.memory_space<hbm>>) target_semaphore(%run_scoped3A : memref<!tpu.dma_semaphore, #tpu.memory_space<semaphore_mem>>)
          %dma_wait3A = arith.constant 11760 : i32
          %dma_wait3A_68 = arith.constant 0 : i32
          %dma_wait3A_69 = tpu.memref_slice %arg5[%dma_wait3A, %dma_wait3A_68] : memref<25000x128xf32, #tpu.memory_space<hbm>> -> memref<744x128xf32, #tpu.memory_space<hbm>>
          %dma_wait3A_70 = arith.constant 11760 : i32
          %dma_wait3A_71 = arith.constant 0 : i32
          %dma_wait3A_72 = tpu.memref_slice %arg10[%dma_wait3A_70, %dma_wait3A_71] : memref<12544x128xf32, #tpu.memory_space<vmem_shared>> -> memref<744x128xf32, #tpu.memory_space<vmem_shared>>
          tpu.wait_dma2 semaphore(%run_scoped3A : memref<!tpu.dma_semaphore, #tpu.memory_space<semaphore_mem>>) src(%dma_wait3A_72 : memref<744x128xf32, #tpu.memory_space<vmem_shared>>) dst(%dma_wait3A_69 : memref<744x128xf32, #tpu.memory_space<hbm>>)
          tpu.yield
        }) : () -> ()
      } else {
      }
    } else {
    }
    %eq3A_49 = arith.constant 1 : i32
    %eq3A_50 = arith.cmpi eq, %arg0, %eq3A_49 : i32
    %convert_element_type3A_51 = arith.extui %eq3A_50 : i1 to i32
    %cond3A_52 = arith.constant 0 : i32
    %cond3A_53 = arith.cmpi ne, %convert_element_type3A_51, %cond3A_52 : i32
    scf.if %cond3A_53 {
      %lt3A = arith.constant 15 : i32
      %lt3A_54 = arith.cmpi slt, %arg1, %lt3A : i32
      %convert_element_type3A_55 = arith.extui %lt3A_54 : i1 to i32
      %cond3A_56 = arith.constant 0 : i32
      %cond3A_57 = arith.cmpi ne, %convert_element_type3A_55, %cond3A_56 : i32
      scf.if %cond3A_57 {
        %mul3A_63 = arith.constant 784 : i32
        %mul3A_64 = arith.muli %arg1, %mul3A_63 : i32
        %mul3A_65 = arith.constant 784 : i32
        %mul3A_66 = arith.muli %arg1, %mul3A_65 : i32
        %add3A_67 = arith.constant 12504 : i32
        %add3A_68 = arith.addi %add3A_67, %mul3A_66 : i32
        "tpu.region"() ({
          %run_scoped3A = tpu.sem_alloc : memref<!tpu.dma_semaphore, #tpu.memory_space<semaphore_mem>>
          %dma_start3A = arith.constant 0 : i32
          %dma_start3A_69 = tpu.memref_slice %arg5[%add3A_68, %dma_start3A] : memref<25000x128xf32, #tpu.memory_space<hbm>> -> memref<784x128xf32, #tpu.memory_space<hbm>>
          %dma_start3A_70 = arith.constant 0 : i32
          %dma_start3A_71 = tpu.memref_slice %arg10[%mul3A_64, %dma_start3A_70] : memref<12544x128xf32, #tpu.memory_space<vmem_shared>> -> memref<784x128xf32, #tpu.memory_space<vmem_shared>>
          tpu.enqueue_dma source(%dma_start3A_71 : memref<784x128xf32, #tpu.memory_space<vmem_shared>>) target(%dma_start3A_69 : memref<784x128xf32, #tpu.memory_space<hbm>>) target_semaphore(%run_scoped3A : memref<!tpu.dma_semaphore, #tpu.memory_space<semaphore_mem>>)
          %dma_wait3A = arith.constant 0 : i32
          %dma_wait3A_72 = tpu.memref_slice %arg5[%add3A_68, %dma_wait3A] : memref<25000x128xf32, #tpu.memory_space<hbm>> -> memref<784x128xf32, #tpu.memory_space<hbm>>
          %dma_wait3A_73 = arith.constant 0 : i32
          %dma_wait3A_74 = tpu.memref_slice %arg10[%mul3A_64, %dma_wait3A_73] : memref<12544x128xf32, #tpu.memory_space<vmem_shared>> -> memref<784x128xf32, #tpu.memory_space<vmem_shared>>
          tpu.wait_dma2 semaphore(%run_scoped3A : memref<!tpu.dma_semaphore, #tpu.memory_space<semaphore_mem>>) src(%dma_wait3A_74 : memref<784x128xf32, #tpu.memory_space<vmem_shared>>) dst(%dma_wait3A_72 : memref<784x128xf32, #tpu.memory_space<hbm>>)
          tpu.yield
        }) : () -> ()
      } else {
      }
      %eq3A_58 = arith.constant 15 : i32
      %eq3A_59 = arith.cmpi eq, %arg1, %eq3A_58 : i32
      %convert_element_type3A_60 = arith.extui %eq3A_59 : i1 to i32
      %cond3A_61 = arith.constant 0 : i32
      %cond3A_62 = arith.cmpi ne, %convert_element_type3A_60, %cond3A_61 : i32
      scf.if %cond3A_62 {
        "tpu.region"() ({
          %run_scoped3A = tpu.sem_alloc : memref<!tpu.dma_semaphore, #tpu.memory_space<semaphore_mem>>
          %dma_start3A = arith.constant 24264 : i32
          %dma_start3A_63 = arith.constant 0 : i32
          %dma_start3A_64 = tpu.memref_slice %arg5[%dma_start3A, %dma_start3A_63] : memref<25000x128xf32, #tpu.memory_space<hbm>> -> memref<736x128xf32, #tpu.memory_space<hbm>>
          %dma_start3A_65 = arith.constant 11760 : i32
          %dma_start3A_66 = arith.constant 0 : i32
          %dma_start3A_67 = tpu.memref_slice %arg10[%dma_start3A_65, %dma_start3A_66] : memref<12544x128xf32, #tpu.memory_space<vmem_shared>> -> memref<736x128xf32, #tpu.memory_space<vmem_shared>>
          tpu.enqueue_dma source(%dma_start3A_67 : memref<736x128xf32, #tpu.memory_space<vmem_shared>>) target(%dma_start3A_64 : memref<736x128xf32, #tpu.memory_space<hbm>>) target_semaphore(%run_scoped3A : memref<!tpu.dma_semaphore, #tpu.memory_space<semaphore_mem>>)
          %dma_wait3A = arith.constant 24264 : i32
          %dma_wait3A_68 = arith.constant 0 : i32
          %dma_wait3A_69 = tpu.memref_slice %arg5[%dma_wait3A, %dma_wait3A_68] : memref<25000x128xf32, #tpu.memory_space<hbm>> -> memref<736x128xf32, #tpu.memory_space<hbm>>
          %dma_wait3A_70 = arith.constant 11760 : i32
          %dma_wait3A_71 = arith.constant 0 : i32
          %dma_wait3A_72 = tpu.memref_slice %arg10[%dma_wait3A_70, %dma_wait3A_71] : memref<12544x128xf32, #tpu.memory_space<vmem_shared>> -> memref<736x128xf32, #tpu.memory_space<vmem_shared>>
          tpu.wait_dma2 semaphore(%run_scoped3A : memref<!tpu.dma_semaphore, #tpu.memory_space<semaphore_mem>>) src(%dma_wait3A_72 : memref<736x128xf32, #tpu.memory_space<vmem_shared>>) dst(%dma_wait3A_69 : memref<736x128xf32, #tpu.memory_space<hbm>>)
          tpu.yield
        }) : () -> ()
      } else {
      }
    } else {
    }
    return
  }
}

#map = affine_map<(d0, d1) -> (0, 0)>
module attributes {stable_mosaic.version = 14 : i64} {
  func.func @_scatter_add(%arg0: i32, %arg1: i32, %arg2: memref<25000x128xf32, #tpu.memory_space<hbm>>, %arg3: memref<6272x64xi32, #tpu.memory_space<hbm>>, %arg4: memref<6272x64xi32, #tpu.memory_space<hbm>>, %arg5: memref<25000x128xf32, #tpu.memory_space<hbm>>, %arg6: memref<56x64xi32, #tpu.memory_space<vmem>>, %arg7: memref<56x64xi32, #tpu.memory_space<vmem>>, %arg8: memref<64x128xf32, #tpu.memory_space<vmem>>, %arg9: memref<64x128xf32, #tpu.memory_space<vmem>>, %arg10: memref<12544x128xf32, #tpu.memory_space<vmem_shared>>, %arg11: memref<!tpu.dma_semaphore, #tpu.memory_space<semaphore_mem>>, %arg12: memref<!tpu.dma_semaphore, #tpu.memory_space<semaphore_mem>>) attributes {dimension_semantics = [#tpu.dimension_semantics<core_parallel>, #tpu.dimension_semantics<subcore_parallel>], iteration_bounds = array<i64: 2, 16>, scalar_prefetch = 0 : i64, scratch_operands = 7 : i64, tpu.core_type = #tpu.core_type<sc_vector_subcore>, window_params = [{transform_indices = #map}, {transform_indices = #map}, {transform_indices = #map}, {transform_indices = #map}]} {
    %mul3A = arith.constant 12504 : i32
    %mul3A_0 = arith.muli %arg0, %mul3A : i32
    %eq3A = arith.constant 0 : i32
    %eq3A_1 = arith.cmpi eq, %arg0, %eq3A : i32
    %jit3A = arith.constant 12504 : i32
    %jit3A_2 = arith.constant 12496 : i32
    %select_n3A = arith.select %eq3A_1, %jit3A, %jit3A_2 : i32
    %add3A = arith.addi %mul3A_0, %select_n3A : i32
    %broadcast_in_dim3A = arith.constant 0.000000e+00 : f32
    %broadcast_in_dim3A_3 = vector.broadcast %broadcast_in_dim3A : f32 to vector<16xf32>
    %scan3A = arith.constant 0 : i32
    %scan3A_4 = arith.constant 0 : i32
    %scan3A_5 = arith.constant 64 : i32
    %scan3A_6 = arith.addi %scan3A_4, %scan3A_5 : i32
    %scan3A_7 = arith.constant 1 : i32
    scf.for %scan3A_54 = %scan3A_4 to %scan3A_6 step %scan3A_7  : i32 {
      %swap3A = arith.index_cast %scan3A_54 : i32 to index
      %swap3A_55 = arith.constant 0 : index
      %swap3A_56 = tpu.vector_load %arg8[%swap3A, %swap3A_55] {strides = array<i32>} : memref<64x128xf32, #tpu.memory_space<vmem>>, vector<1x16xf32>,
      %swap3A_57 = vector.shape_cast %swap3A_56 : vector<1x16xf32> to vector<16xf32>
      %swap3A_58 = vector.shape_cast %broadcast_in_dim3A_3 : vector<16xf32> to vector<1x16xf32>
      tpu.vector_store %arg8[%swap3A, %swap3A_55], %swap3A_58 {strides = array<i32>} : memref<64x128xf32, #tpu.memory_space<vmem>>, vector<1x16xf32>,
      %swap3A_59 = arith.index_cast %scan3A_54 : i32 to index
      %swap3A_60 = arith.constant 16 : index
      %swap3A_61 = tpu.vector_load %arg8[%swap3A_59, %swap3A_60] {strides = array<i32>} : memref<64x128xf32, #tpu.memory_space<vmem>>, vector<1x16xf32>,
      %swap3A_62 = vector.shape_cast %swap3A_61 : vector<1x16xf32> to vector<16xf32>
      %swap3A_63 = vector.shape_cast %broadcast_in_dim3A_3 : vector<16xf32> to vector<1x16xf32>
      tpu.vector_store %arg8[%swap3A_59, %swap3A_60], %swap3A_63 {strides = array<i32>} : memref<64x128xf32, #tpu.memory_space<vmem>>, vector<1x16xf32>,
      %swap3A_64 = arith.index_cast %scan3A_54 : i32 to index
      %swap3A_65 = arith.constant 32 : index
      %swap3A_66 = tpu.vector_load %arg8[%swap3A_64, %swap3A_65] {strides = array<i32>} : memref<64x128xf32, #tpu.memory_space<vmem>>, vector<1x16xf32>,
      %swap3A_67 = vector.shape_cast %swap3A_66 : vector<1x16xf32> to vector<16xf32>
      %swap3A_68 = vector.shape_cast %broadcast_in_dim3A_3 : vector<16xf32> to vector<1x16xf32>
      tpu.vector_store %arg8[%swap3A_64, %swap3A_65], %swap3A_68 {strides = array<i32>} : memref<64x128xf32, #tpu.memory_space<vmem>>, vector<1x16xf32>,
      %swap3A_69 = arith.index_cast %scan3A_54 : i32 to index
      %swap3A_70 = arith.constant 48 : index
      %swap3A_71 = tpu.vector_load %arg8[%swap3A_69, %swap3A_70] {strides = array<i32>} : memref<64x128xf32, #tpu.memory_space<vmem>>, vector<1x16xf32>,
      %swap3A_72 = vector.shape_cast %swap3A_71 : vector<1x16xf32> to vector<16xf32>
      %swap3A_73 = vector.shape_cast %broadcast_in_dim3A_3 : vector<16xf32> to vector<1x16xf32>
      tpu.vector_store %arg8[%swap3A_69, %swap3A_70], %swap3A_73 {strides = array<i32>} : memref<64x128xf32, #tpu.memory_space<vmem>>, vector<1x16xf32>,
      %swap3A_74 = arith.index_cast %scan3A_54 : i32 to index
      %swap3A_75 = arith.constant 64 : index
      %swap3A_76 = tpu.vector_load %arg8[%swap3A_74, %swap3A_75] {strides = array<i32>} : memref<64x128xf32, #tpu.memory_space<vmem>>, vector<1x16xf32>,
      %swap3A_77 = vector.shape_cast %swap3A_76 : vector<1x16xf32> to vector<16xf32>
      %swap3A_78 = vector.shape_cast %broadcast_in_dim3A_3 : vector<16xf32> to vector<1x16xf32>
      tpu.vector_store %arg8[%swap3A_74, %swap3A_75], %swap3A_78 {strides = array<i32>} : memref<64x128xf32, #tpu.memory_space<vmem>>, vector<1x16xf32>,
      %swap3A_79 = arith.index_cast %scan3A_54 : i32 to index
      %swap3A_80 = arith.constant 80 : index
      %swap3A_81 = tpu.vector_load %arg8[%swap3A_79, %swap3A_80] {strides = array<i32>} : memref<64x128xf32, #tpu.memory_space<vmem>>, vector<1x16xf32>,
      %swap3A_82 = vector.shape_cast %swap3A_81 : vector<1x16xf32> to vector<16xf32>
      %swap3A_83 = vector.shape_cast %broadcast_in_dim3A_3 : vector<16xf32> to vector<1x16xf32>
      tpu.vector_store %arg8[%swap3A_79, %swap3A_80], %swap3A_83 {strides = array<i32>} : memref<64x128xf32, #tpu.memory_space<vmem>>, vector<1x16xf32>,
      %swap3A_84 = arith.index_cast %scan3A_54 : i32 to index
      %swap3A_85 = arith.constant 96 : index
      %swap3A_86 = tpu.vector_load %arg8[%swap3A_84, %swap3A_85] {strides = array<i32>} : memref<64x128xf32, #tpu.memory_space<vmem>>, vector<1x16xf32>,
      %swap3A_87 = vector.shape_cast %swap3A_86 : vector<1x16xf32> to vector<16xf32>
      %swap3A_88 = vector.shape_cast %broadcast_in_dim3A_3 : vector<16xf32> to vector<1x16xf32>
      tpu.vector_store %arg8[%swap3A_84, %swap3A_85], %swap3A_88 {strides = array<i32>} : memref<64x128xf32, #tpu.memory_space<vmem>>, vector<1x16xf32>,
      %swap3A_89 = arith.index_cast %scan3A_54 : i32 to index
      %swap3A_90 = arith.constant 112 : index
      %swap3A_91 = tpu.vector_load %arg8[%swap3A_89, %swap3A_90] {strides = array<i32>} : memref<64x128xf32, #tpu.memory_space<vmem>>, vector<1x16xf32>,
      %swap3A_92 = vector.shape_cast %swap3A_91 : vector<1x16xf32> to vector<16xf32>
      %swap3A_93 = vector.shape_cast %broadcast_in_dim3A_3 : vector<16xf32> to vector<1x16xf32>
      tpu.vector_store %arg8[%swap3A_89, %swap3A_90], %swap3A_93 {strides = array<i32>} : memref<64x128xf32, #tpu.memory_space<vmem>>, vector<1x16xf32>,
    }
    %scan3A_8 = arith.constant 64 : i32
    %mul3A_9 = arith.constant 784 : i32
    %mul3A_10 = arith.muli %arg1, %mul3A_9 : i32
    %add3A_11 = arith.constant 0 : i32
    %add3A_12 = arith.addi %mul3A_10, %add3A_11 : i32
    "tpu.region"() ({
      %run_scoped3A = tpu.sem_alloc : memref<!tpu.dma_semaphore, #tpu.memory_space<semaphore_mem>>
      %dma_start3A = arith.constant 0 : i32
      %dma_start3A_54 = tpu.memref_slice %arg10[%add3A_12, %dma_start3A] : memref<12544x128xf32, #tpu.memory_space<vmem_shared>> -> memref<64x128xf32, #tpu.memory_space<vmem_shared>>
      %dma_start3A_55 = arith.constant 0 : i32
      %dma_start3A_56 = tpu.memref_slice %arg10[%add3A_12, %dma_start3A_55] : memref<12544x128xf32, #tpu.memory_space<vmem_shared>> -> memref<64x128xf32, #tpu.memory_space<vmem_shared>>
      tpu.enqueue_dma source(%arg8 : memref<64x128xf32, #tpu.memory_space<vmem>>) target(%dma_start3A_56 : memref<64x128xf32, #tpu.memory_space<vmem_shared>>) target_semaphore(%run_scoped3A : memref<!tpu.dma_semaphore, #tpu.memory_space<semaphore_mem>>)
      %dma_wait3A = arith.constant 0 : i32
      %dma_wait3A_57 = tpu.memref_slice %arg10[%add3A_12, %dma_wait3A] : memref<12544x128xf32, #tpu.memory_space<vmem_shared>> -> memref<64x128xf32, #tpu.memory_space<vmem_shared>>
      %dma_wait3A_58 = arith.constant 0 : i32
      %dma_wait3A_59 = tpu.memref_slice %arg10[%add3A_12, %dma_wait3A_58] : memref<12544x128xf32, #tpu.memory_space<vmem_shared>> -> memref<64x128xf32, #tpu.memory_space<vmem_shared>>
      tpu.wait_dma2 semaphore(%run_scoped3A : memref<!tpu.dma_semaphore, #tpu.memory_space<semaphore_mem>>) src(%arg8 : memref<64x128xf32, #tpu.memory_space<vmem>>) dst(%dma_wait3A_59 : memref<64x128xf32, #tpu.memory_space<vmem_shared>>)
      tpu.yield
    }) : () -> ()
    %add3A_13 = arith.constant 64 : i32
    %add3A_14 = arith.addi %mul3A_10, %add3A_13 : i32
    "tpu.region"() ({
      %run_scoped3A = tpu.sem_alloc : memref<!tpu.dma_semaphore, #tpu.memory_space<semaphore_mem>>
      %dma_start3A = arith.constant 0 : i32
      %dma_start3A_54 = tpu.memref_slice %arg10[%add3A_14, %dma_start3A] : memref<12544x128xf32, #tpu.memory_space<vmem_shared>> -> memref<64x128xf32, #tpu.memory_space<vmem_shared>>
      %dma_start3A_55 = arith.constant 0 : i32
      %dma_start3A_56 = tpu.memref_slice %arg10[%add3A_14, %dma_start3A_55] : memref<12544x128xf32, #tpu.memory_space<vmem_shared>> -> memref<64x128xf32, #tpu.memory_space<vmem_shared>>
      tpu.enqueue_dma source(%arg8 : memref<64x128xf32, #tpu.memory_space<vmem>>) target(%dma_start3A_56 : memref<64x128xf32, #tpu.memory_space<vmem_shared>>) target_semaphore(%run_scoped3A : memref<!tpu.dma_semaphore, #tpu.memory_space<semaphore_mem>>)
      %dma_wait3A = arith.constant 0 : i32
      %dma_wait3A_57 = tpu.memref_slice %arg10[%add3A_14, %dma_wait3A] : memref<12544x128xf32, #tpu.memory_space<vmem_shared>> -> memref<64x128xf32, #tpu.memory_space<vmem_shared>>
      %dma_wait3A_58 = arith.constant 0 : i32
      %dma_wait3A_59 = tpu.memref_slice %arg10[%add3A_14, %dma_wait3A_58] : memref<12544x128xf32, #tpu.memory_space<vmem_shared>> -> memref<64x128xf32, #tpu.memory_space<vmem_shared>>
      tpu.wait_dma2 semaphore(%run_scoped3A : memref<!tpu.dma_semaphore, #tpu.memory_space<semaphore_mem>>) src(%arg8 : memref<64x128xf32, #tpu.memory_space<vmem>>) dst(%dma_wait3A_59 : memref<64x128xf32, #tpu.memory_space<vmem_shared>>)
      tpu.yield
    }) : () -> ()
    %add3A_15 = arith.constant 128 : i32
    %add3A_16 = arith.addi %mul3A_10, %add3A_15 : i32
    "tpu.region"() ({
      %run_scoped3A = tpu.sem_alloc : memref<!tpu.dma_semaphore, #tpu.memory_space<semaphore_mem>>
      %dma_start3A = arith.constant 0 : i32
      %dma_start3A_54 = tpu.memref_slice %arg10[%add3A_16, %dma_start3A] : memref<12544x128xf32, #tpu.memory_space<vmem_shared>> -> memref<64x128xf32, #tpu.memory_space<vmem_shared>>
      %dma_start3A_55 = arith.constant 0 : i32
      %dma_start3A_56 = tpu.memref_slice %arg10[%add3A_16, %dma_start3A_55] : memref<12544x128xf32, #tpu.memory_space<vmem_shared>> -> memref<64x128xf32, #tpu.memory_space<vmem_shared>>
      tpu.enqueue_dma source(%arg8 : memref<64x128xf32, #tpu.memory_space<vmem>>) target(%dma_start3A_56 : memref<64x128xf32, #tpu.memory_space<vmem_shared>>) target_semaphore(%run_scoped3A : memref<!tpu.dma_semaphore, #tpu.memory_space<semaphore_mem>>)
      %dma_wait3A = arith.constant 0 : i32
      %dma_wait3A_57 = tpu.memref_slice %arg10[%add3A_16, %dma_wait3A] : memref<12544x128xf32, #tpu.memory_space<vmem_shared>> -> memref<64x128xf32, #tpu.memory_space<vmem_shared>>
      %dma_wait3A_58 = arith.constant 0 : i32
      %dma_wait3A_59 = tpu.memref_slice %arg10[%add3A_16, %dma_wait3A_58] : memref<12544x128xf32, #tpu.memory_space<vmem_shared>> -> memref<64x128xf32, #tpu.memory_space<vmem_shared>>
      tpu.wait_dma2 semaphore(%run_scoped3A : memref<!tpu.dma_semaphore, #tpu.memory_space<semaphore_mem>>) src(%arg8 : memref<64x128xf32, #tpu.memory_space<vmem>>) dst(%dma_wait3A_59 : memref<64x128xf32, #tpu.memory_space<vmem_shared>>)
      tpu.yield
    }) : () -> ()
    %add3A_17 = arith.constant 192 : i32
    %add3A_18 = arith.addi %mul3A_10, %add3A_17 : i32
    "tpu.region"() ({
      %run_scoped3A = tpu.sem_alloc : memref<!tpu.dma_semaphore, #tpu.memory_space<semaphore_mem>>
      %dma_start3A = arith.constant 0 : i32
      %dma_start3A_54 = tpu.memref_slice %arg10[%add3A_18, %dma_start3A] : memref<12544x128xf32, #tpu.memory_space<vmem_shared>> -> memref<64x128xf32, #tpu.memory_space<vmem_shared>>
      %dma_start3A_55 = arith.constant 0 : i32
      %dma_start3A_56 = tpu.memref_slice %arg10[%add3A_18, %dma_start3A_55] : memref<12544x128xf32, #tpu.memory_space<vmem_shared>> -> memref<64x128xf32, #tpu.memory_space<vmem_shared>>
      tpu.enqueue_dma source(%arg8 : memref<64x128xf32, #tpu.memory_space<vmem>>) target(%dma_start3A_56 : memref<64x128xf32, #tpu.memory_space<vmem_shared>>) target_semaphore(%run_scoped3A : memref<!tpu.dma_semaphore, #tpu.memory_space<semaphore_mem>>)
      %dma_wait3A = arith.constant 0 : i32
      %dma_wait3A_57 = tpu.memref_slice %arg10[%add3A_18, %dma_wait3A] : memref<12544x128xf32, #tpu.memory_space<vmem_shared>> -> memref<64x128xf32, #tpu.memory_space<vmem_shared>>
      %dma_wait3A_58 = arith.constant 0 : i32
      %dma_wait3A_59 = tpu.memref_slice %arg10[%add3A_18, %dma_wait3A_58] : memref<12544x128xf32, #tpu.memory_space<vmem_shared>> -> memref<64x128xf32, #tpu.memory_space<vmem_shared>>
      tpu.wait_dma2 semaphore(%run_scoped3A : memref<!tpu.dma_semaphore, #tpu.memory_space<semaphore_mem>>) src(%arg8 : memref<64x128xf32, #tpu.memory_space<vmem>>) dst(%dma_wait3A_59 : memref<64x128xf32, #tpu.memory_space<vmem_shared>>)
      tpu.yield
    }) : () -> ()
    %add3A_19 = arith.constant 256 : i32
    %add3A_20 = arith.addi %mul3A_10, %add3A_19 : i32
    "tpu.region"() ({
      %run_scoped3A = tpu.sem_alloc : memref<!tpu.dma_semaphore, #tpu.memory_space<semaphore_mem>>
      %dma_start3A = arith.constant 0 : i32
      %dma_start3A_54 = tpu.memref_slice %arg10[%add3A_20, %dma_start3A] : memref<12544x128xf32, #tpu.memory_space<vmem_shared>> -> memref<64x128xf32, #tpu.memory_space<vmem_shared>>
      %dma_start3A_55 = arith.constant 0 : i32
      %dma_start3A_56 = tpu.memref_slice %arg10[%add3A_20, %dma_start3A_55] : memref<12544x128xf32, #tpu.memory_space<vmem_shared>> -> memref<64x128xf32, #tpu.memory_space<vmem_shared>>
      tpu.enqueue_dma source(%arg8 : memref<64x128xf32, #tpu.memory_space<vmem>>) target(%dma_start3A_56 : memref<64x128xf32, #tpu.memory_space<vmem_shared>>) target_semaphore(%run_scoped3A : memref<!tpu.dma_semaphore, #tpu.memory_space<semaphore_mem>>)
      %dma_wait3A = arith.constant 0 : i32
      %dma_wait3A_57 = tpu.memref_slice %arg10[%add3A_20, %dma_wait3A] : memref<12544x128xf32, #tpu.memory_space<vmem_shared>> -> memref<64x128xf32, #tpu.memory_space<vmem_shared>>
      %dma_wait3A_58 = arith.constant 0 : i32
      %dma_wait3A_59 = tpu.memref_slice %arg10[%add3A_20, %dma_wait3A_58] : memref<12544x128xf32, #tpu.memory_space<vmem_shared>> -> memref<64x128xf32, #tpu.memory_space<vmem_shared>>
      tpu.wait_dma2 semaphore(%run_scoped3A : memref<!tpu.dma_semaphore, #tpu.memory_space<semaphore_mem>>) src(%arg8 : memref<64x128xf32, #tpu.memory_space<vmem>>) dst(%dma_wait3A_59 : memref<64x128xf32, #tpu.memory_space<vmem_shared>>)
      tpu.yield
    }) : () -> ()
    %add3A_21 = arith.constant 320 : i32
    %add3A_22 = arith.addi %mul3A_10, %add3A_21 : i32
    "tpu.region"() ({
      %run_scoped3A = tpu.sem_alloc : memref<!tpu.dma_semaphore, #tpu.memory_space<semaphore_mem>>
      %dma_start3A = arith.constant 0 : i32
      %dma_start3A_54 = tpu.memref_slice %arg10[%add3A_22, %dma_start3A] : memref<12544x128xf32, #tpu.memory_space<vmem_shared>> -> memref<64x128xf32, #tpu.memory_space<vmem_shared>>
      %dma_start3A_55 = arith.constant 0 : i32
      %dma_start3A_56 = tpu.memref_slice %arg10[%add3A_22, %dma_start3A_55] : memref<12544x128xf32, #tpu.memory_space<vmem_shared>> -> memref<64x128xf32, #tpu.memory_space<vmem_shared>>
      tpu.enqueue_dma source(%arg8 : memref<64x128xf32, #tpu.memory_space<vmem>>) target(%dma_start3A_56 : memref<64x128xf32, #tpu.memory_space<vmem_shared>>) target_semaphore(%run_scoped3A : memref<!tpu.dma_semaphore, #tpu.memory_space<semaphore_mem>>)
      %dma_wait3A = arith.constant 0 : i32
      %dma_wait3A_57 = tpu.memref_slice %arg10[%add3A_22, %dma_wait3A] : memref<12544x128xf32, #tpu.memory_space<vmem_shared>> -> memref<64x128xf32, #tpu.memory_space<vmem_shared>>
      %dma_wait3A_58 = arith.constant 0 : i32
      %dma_wait3A_59 = tpu.memref_slice %arg10[%add3A_22, %dma_wait3A_58] : memref<12544x128xf32, #tpu.memory_space<vmem_shared>> -> memref<64x128xf32, #tpu.memory_space<vmem_shared>>
      tpu.wait_dma2 semaphore(%run_scoped3A : memref<!tpu.dma_semaphore, #tpu.memory_space<semaphore_mem>>) src(%arg8 : memref<64x128xf32, #tpu.memory_space<vmem>>) dst(%dma_wait3A_59 : memref<64x128xf32, #tpu.memory_space<vmem_shared>>)
      tpu.yield
    }) : () -> ()
    %add3A_23 = arith.constant 384 : i32
    %add3A_24 = arith.addi %mul3A_10, %add3A_23 : i32
    "tpu.region"() ({
      %run_scoped3A = tpu.sem_alloc : memref<!tpu.dma_semaphore, #tpu.memory_space<semaphore_mem>>
      %dma_start3A = arith.constant 0 : i32
      %dma_start3A_54 = tpu.memref_slice %arg10[%add3A_24, %dma_start3A] : memref<12544x128xf32, #tpu.memory_space<vmem_shared>> -> memref<64x128xf32, #tpu.memory_space<vmem_shared>>
      %dma_start3A_55 = arith.constant 0 : i32
      %dma_start3A_56 = tpu.memref_slice %arg10[%add3A_24, %dma_start3A_55] : memref<12544x128xf32, #tpu.memory_space<vmem_shared>> -> memref<64x128xf32, #tpu.memory_space<vmem_shared>>
      tpu.enqueue_dma source(%arg8 : memref<64x128xf32, #tpu.memory_space<vmem>>) target(%dma_start3A_56 : memref<64x128xf32, #tpu.memory_space<vmem_shared>>) target_semaphore(%run_scoped3A : memref<!tpu.dma_semaphore, #tpu.memory_space<semaphore_mem>>)
      %dma_wait3A = arith.constant 0 : i32
      %dma_wait3A_57 = tpu.memref_slice %arg10[%add3A_24, %dma_wait3A] : memref<12544x128xf32, #tpu.memory_space<vmem_shared>> -> memref<64x128xf32, #tpu.memory_space<vmem_shared>>
      %dma_wait3A_58 = arith.constant 0 : i32
      %dma_wait3A_59 = tpu.memref_slice %arg10[%add3A_24, %dma_wait3A_58] : memref<12544x128xf32, #tpu.memory_space<vmem_shared>> -> memref<64x128xf32, #tpu.memory_space<vmem_shared>>
      tpu.wait_dma2 semaphore(%run_scoped3A : memref<!tpu.dma_semaphore, #tpu.memory_space<semaphore_mem>>) src(%arg8 : memref<64x128xf32, #tpu.memory_space<vmem>>) dst(%dma_wait3A_59 : memref<64x128xf32, #tpu.memory_space<vmem_shared>>)
      tpu.yield
    }) : () -> ()
    %add3A_25 = arith.constant 448 : i32
    %add3A_26 = arith.addi %mul3A_10, %add3A_25 : i32
    "tpu.region"() ({
      %run_scoped3A = tpu.sem_alloc : memref<!tpu.dma_semaphore, #tpu.memory_space<semaphore_mem>>
      %dma_start3A = arith.constant 0 : i32
      %dma_start3A_54 = tpu.memref_slice %arg10[%add3A_26, %dma_start3A] : memref<12544x128xf32, #tpu.memory_space<vmem_shared>> -> memref<64x128xf32, #tpu.memory_space<vmem_shared>>
      %dma_start3A_55 = arith.constant 0 : i32
      %dma_start3A_56 = tpu.memref_slice %arg10[%add3A_26, %dma_start3A_55] : memref<12544x128xf32, #tpu.memory_space<vmem_shared>> -> memref<64x128xf32, #tpu.memory_space<vmem_shared>>
      tpu.enqueue_dma source(%arg8 : memref<64x128xf32, #tpu.memory_space<vmem>>) target(%dma_start3A_56 : memref<64x128xf32, #tpu.memory_space<vmem_shared>>) target_semaphore(%run_scoped3A : memref<!tpu.dma_semaphore, #tpu.memory_space<semaphore_mem>>)
      %dma_wait3A = arith.constant 0 : i32
      %dma_wait3A_57 = tpu.memref_slice %arg10[%add3A_26, %dma_wait3A] : memref<12544x128xf32, #tpu.memory_space<vmem_shared>> -> memref<64x128xf32, #tpu.memory_space<vmem_shared>>
      %dma_wait3A_58 = arith.constant 0 : i32
      %dma_wait3A_59 = tpu.memref_slice %arg10[%add3A_26, %dma_wait3A_58] : memref<12544x128xf32, #tpu.memory_space<vmem_shared>> -> memref<64x128xf32, #tpu.memory_space<vmem_shared>>
      tpu.wait_dma2 semaphore(%run_scoped3A : memref<!tpu.dma_semaphore, #tpu.memory_space<semaphore_mem>>) src(%arg8 : memref<64x128xf32, #tpu.memory_space<vmem>>) dst(%dma_wait3A_59 : memref<64x128xf32, #tpu.memory_space<vmem_shared>>)
      tpu.yield
    }) : () -> ()
    %add3A_27 = arith.constant 512 : i32
    %add3A_28 = arith.addi %mul3A_10, %add3A_27 : i32
    "tpu.region"() ({
      %run_scoped3A = tpu.sem_alloc : memref<!tpu.dma_semaphore, #tpu.memory_space<semaphore_mem>>
      %dma_start3A = arith.constant 0 : i32
      %dma_start3A_54 = tpu.memref_slice %arg10[%add3A_28, %dma_start3A] : memref<12544x128xf32, #tpu.memory_space<vmem_shared>> -> memref<64x128xf32, #tpu.memory_space<vmem_shared>>
      %dma_start3A_55 = arith.constant 0 : i32
      %dma_start3A_56 = tpu.memref_slice %arg10[%add3A_28, %dma_start3A_55] : memref<12544x128xf32, #tpu.memory_space<vmem_shared>> -> memref<64x128xf32, #tpu.memory_space<vmem_shared>>
      tpu.enqueue_dma source(%arg8 : memref<64x128xf32, #tpu.memory_space<vmem>>) target(%dma_start3A_56 : memref<64x128xf32, #tpu.memory_space<vmem_shared>>) target_semaphore(%run_scoped3A : memref<!tpu.dma_semaphore, #tpu.memory_space<semaphore_mem>>)
      %dma_wait3A = arith.constant 0 : i32
      %dma_wait3A_57 = tpu.memref_slice %arg10[%add3A_28, %dma_wait3A] : memref<12544x128xf32, #tpu.memory_space<vmem_shared>> -> memref<64x128xf32, #tpu.memory_space<vmem_shared>>
      %dma_wait3A_58 = arith.constant 0 : i32
      %dma_wait3A_59 = tpu.memref_slice %arg10[%add3A_28, %dma_wait3A_58] : memref<12544x128xf32, #tpu.memory_space<vmem_shared>> -> memref<64x128xf32, #tpu.memory_space<vmem_shared>>
      tpu.wait_dma2 semaphore(%run_scoped3A : memref<!tpu.dma_semaphore, #tpu.memory_space<semaphore_mem>>) src(%arg8 : memref<64x128xf32, #tpu.memory_space<vmem>>) dst(%dma_wait3A_59 : memref<64x128xf32, #tpu.memory_space<vmem_shared>>)
      tpu.yield
    }) : () -> ()
    %add3A_29 = arith.constant 576 : i32
    %add3A_30 = arith.addi %mul3A_10, %add3A_29 : i32
    "tpu.region"() ({
      %run_scoped3A = tpu.sem_alloc : memref<!tpu.dma_semaphore, #tpu.memory_space<semaphore_mem>>
      %dma_start3A = arith.constant 0 : i32
      %dma_start3A_54 = tpu.memref_slice %arg10[%add3A_30, %dma_start3A] : memref<12544x128xf32, #tpu.memory_space<vmem_shared>> -> memref<64x128xf32, #tpu.memory_space<vmem_shared>>
      %dma_start3A_55 = arith.constant 0 : i32
      %dma_start3A_56 = tpu.memref_slice %arg10[%add3A_30, %dma_start3A_55] : memref<12544x128xf32, #tpu.memory_space<vmem_shared>> -> memref<64x128xf32, #tpu.memory_space<vmem_shared>>
      tpu.enqueue_dma source(%arg8 : memref<64x128xf32, #tpu.memory_space<vmem>>) target(%dma_start3A_56 : memref<64x128xf32, #tpu.memory_space<vmem_shared>>) target_semaphore(%run_scoped3A : memref<!tpu.dma_semaphore, #tpu.memory_space<semaphore_mem>>)
      %dma_wait3A = arith.constant 0 : i32
      %dma_wait3A_57 = tpu.memref_slice %arg10[%add3A_30, %dma_wait3A] : memref<12544x128xf32, #tpu.memory_space<vmem_shared>> -> memref<64x128xf32, #tpu.memory_space<vmem_shared>>
      %dma_wait3A_58 = arith.constant 0 : i32
      %dma_wait3A_59 = tpu.memref_slice %arg10[%add3A_30, %dma_wait3A_58] : memref<12544x128xf32, #tpu.memory_space<vmem_shared>> -> memref<64x128xf32, #tpu.memory_space<vmem_shared>>
      tpu.wait_dma2 semaphore(%run_scoped3A : memref<!tpu.dma_semaphore, #tpu.memory_space<semaphore_mem>>) src(%arg8 : memref<64x128xf32, #tpu.memory_space<vmem>>) dst(%dma_wait3A_59 : memref<64x128xf32, #tpu.memory_space<vmem_shared>>)
      tpu.yield
    }) : () -> ()
    %add3A_31 = arith.constant 640 : i32
    %add3A_32 = arith.addi %mul3A_10, %add3A_31 : i32
    "tpu.region"() ({
      %run_scoped3A = tpu.sem_alloc : memref<!tpu.dma_semaphore, #tpu.memory_space<semaphore_mem>>
      %dma_start3A = arith.constant 0 : i32
      %dma_start3A_54 = tpu.memref_slice %arg10[%add3A_32, %dma_start3A] : memref<12544x128xf32, #tpu.memory_space<vmem_shared>> -> memref<64x128xf32, #tpu.memory_space<vmem_shared>>
      %dma_start3A_55 = arith.constant 0 : i32
      %dma_start3A_56 = tpu.memref_slice %arg10[%add3A_32, %dma_start3A_55] : memref<12544x128xf32, #tpu.memory_space<vmem_shared>> -> memref<64x128xf32, #tpu.memory_space<vmem_shared>>
      tpu.enqueue_dma source(%arg8 : memref<64x128xf32, #tpu.memory_space<vmem>>) target(%dma_start3A_56 : memref<64x128xf32, #tpu.memory_space<vmem_shared>>) target_semaphore(%run_scoped3A : memref<!tpu.dma_semaphore, #tpu.memory_space<semaphore_mem>>)
      %dma_wait3A = arith.constant 0 : i32
      %dma_wait3A_57 = tpu.memref_slice %arg10[%add3A_32, %dma_wait3A] : memref<12544x128xf32, #tpu.memory_space<vmem_shared>> -> memref<64x128xf32, #tpu.memory_space<vmem_shared>>
      %dma_wait3A_58 = arith.constant 0 : i32
      %dma_wait3A_59 = tpu.memref_slice %arg10[%add3A_32, %dma_wait3A_58] : memref<12544x128xf32, #tpu.memory_space<vmem_shared>> -> memref<64x128xf32, #tpu.memory_space<vmem_shared>>
      tpu.wait_dma2 semaphore(%run_scoped3A : memref<!tpu.dma_semaphore, #tpu.memory_space<semaphore_mem>>) src(%arg8 : memref<64x128xf32, #tpu.memory_space<vmem>>) dst(%dma_wait3A_59 : memref<64x128xf32, #tpu.memory_space<vmem_shared>>)
      tpu.yield
    }) : () -> ()
    %add3A_33 = arith.constant 704 : i32
    %add3A_34 = arith.addi %mul3A_10, %add3A_33 : i32
    "tpu.region"() ({
      %run_scoped3A = tpu.sem_alloc : memref<!tpu.dma_semaphore, #tpu.memory_space<semaphore_mem>>
      %dma_start3A = arith.constant 0 : i32
      %dma_start3A_54 = tpu.memref_slice %arg10[%add3A_34, %dma_start3A] : memref<12544x128xf32, #tpu.memory_space<vmem_shared>> -> memref<64x128xf32, #tpu.memory_space<vmem_shared>>
      %dma_start3A_55 = arith.constant 0 : i32
      %dma_start3A_56 = tpu.memref_slice %arg10[%add3A_34, %dma_start3A_55] : memref<12544x128xf32, #tpu.memory_space<vmem_shared>> -> memref<64x128xf32, #tpu.memory_space<vmem_shared>>
      tpu.enqueue_dma source(%arg8 : memref<64x128xf32, #tpu.memory_space<vmem>>) target(%dma_start3A_56 : memref<64x128xf32, #tpu.memory_space<vmem_shared>>) target_semaphore(%run_scoped3A : memref<!tpu.dma_semaphore, #tpu.memory_space<semaphore_mem>>)
      %dma_wait3A = arith.constant 0 : i32
      %dma_wait3A_57 = tpu.memref_slice %arg10[%add3A_34, %dma_wait3A] : memref<12544x128xf32, #tpu.memory_space<vmem_shared>> -> memref<64x128xf32, #tpu.memory_space<vmem_shared>>
      %dma_wait3A_58 = arith.constant 0 : i32
      %dma_wait3A_59 = tpu.memref_slice %arg10[%add3A_34, %dma_wait3A_58] : memref<12544x128xf32, #tpu.memory_space<vmem_shared>> -> memref<64x128xf32, #tpu.memory_space<vmem_shared>>
      tpu.wait_dma2 semaphore(%run_scoped3A : memref<!tpu.dma_semaphore, #tpu.memory_space<semaphore_mem>>) src(%arg8 : memref<64x128xf32, #tpu.memory_space<vmem>>) dst(%dma_wait3A_59 : memref<64x128xf32, #tpu.memory_space<vmem_shared>>)
      tpu.yield
    }) : () -> ()
    %add3A_35 = arith.constant 768 : i32
    %add3A_36 = arith.addi %mul3A_10, %add3A_35 : i32
    "tpu.region"() ({
      %run_scoped3A = tpu.sem_alloc : memref<!tpu.dma_semaphore, #tpu.memory_space<semaphore_mem>>
      %dma_start3A = arith.constant 0 : i32
      %dma_start3A_54 = arith.constant 0 : i32
      %dma_start3A_55 = tpu.memref_slice %arg8[%dma_start3A, %dma_start3A_54] : memref<64x128xf32, #tpu.memory_space<vmem>> -> memref<16x128xf32, #tpu.memory_space<vmem>>
      %dma_start3A_56 = arith.constant 0 : i32
      %dma_start3A_57 = tpu.memref_slice %arg10[%add3A_36, %dma_start3A_56] : memref<12544x128xf32, #tpu.memory_space<vmem_shared>> -> memref<16x128xf32, #tpu.memory_space<vmem_shared>>
      %dma_start3A_58 = arith.constant 0 : i32
      %dma_start3A_59 = tpu.memref_slice %arg10[%add3A_36, %dma_start3A_58] : memref<12544x128xf32, #tpu.memory_space<vmem_shared>> -> memref<16x128xf32, #tpu.memory_space<vmem_shared>>
      %dma_start3A_60 = arith.constant 0 : i32
      %dma_start3A_61 = arith.constant 0 : i32
      %dma_start3A_62 = tpu.memref_slice %arg8[%dma_start3A_60, %dma_start3A_61] : memref<64x128xf32, #tpu.memory_space<vmem>> -> memref<16x128xf32, #tpu.memory_space<vmem>>
      tpu.enqueue_dma source(%dma_start3A_62 : memref<16x128xf32, #tpu.memory_space<vmem>>) target(%dma_start3A_59 : memref<16x128xf32, #tpu.memory_space<vmem_shared>>) target_semaphore(%run_scoped3A : memref<!tpu.dma_semaphore, #tpu.memory_space<semaphore_mem>>)
      %dma_wait3A = arith.constant 0 : i32
      %dma_wait3A_63 = arith.constant 0 : i32
      %dma_wait3A_64 = tpu.memref_slice %arg8[%dma_wait3A, %dma_wait3A_63] : memref<64x128xf32, #tpu.memory_space<vmem>> -> memref<16x128xf32, #tpu.memory_space<vmem>>
      %dma_wait3A_65 = arith.constant 0 : i32
      %dma_wait3A_66 = tpu.memref_slice %arg10[%add3A_36, %dma_wait3A_65] : memref<12544x128xf32, #tpu.memory_space<vmem_shared>> -> memref<16x128xf32, #tpu.memory_space<vmem_shared>>
      %dma_wait3A_67 = arith.constant 0 : i32
      %dma_wait3A_68 = tpu.memref_slice %arg10[%add3A_36, %dma_wait3A_67] : memref<12544x128xf32, #tpu.memory_space<vmem_shared>> -> memref<16x128xf32, #tpu.memory_space<vmem_shared>>
      %dma_wait3A_69 = arith.constant 0 : i32
      %dma_wait3A_70 = arith.constant 0 : i32
      %dma_wait3A_71 = tpu.memref_slice %arg8[%dma_wait3A_69, %dma_wait3A_70] : memref<64x128xf32, #tpu.memory_space<vmem>> -> memref<16x128xf32, #tpu.memory_space<vmem>>
      tpu.wait_dma2 semaphore(%run_scoped3A : memref<!tpu.dma_semaphore, #tpu.memory_space<semaphore_mem>>) src(%dma_wait3A_71 : memref<16x128xf32, #tpu.memory_space<vmem>>) dst(%dma_wait3A_68 : memref<16x128xf32, #tpu.memory_space<vmem_shared>>)
      tpu.yield
    }) : () -> ()
    %barrier3A = arith.constant 0 : index
    tpu.barrier barrier_id(%barrier3A)
    %mul3A_37 = arith.constant 392 : i32
    %mul3A_38 = arith.muli %arg1, %mul3A_37 : i32
    %scan3A_39 = arith.constant 0 : i32
    %scan3A_40 = arith.constant 0 : i32
    %scan3A_41 = arith.constant 7 : i32
    %scan3A_42 = arith.addi %scan3A_40, %scan3A_41 : i32
    %scan3A_43 = arith.constant 1 : i32
    scf.for %scan3A_54 = %scan3A_40 to %scan3A_42 step %scan3A_43  : i32 {
      %mul3A_55 = arith.constant 56 : i32
      %mul3A_56 = arith.muli %scan3A_54, %mul3A_55 : i32
      %add3A_57 = arith.addi %mul3A_38, %mul3A_56 : i32
      "tpu.region"() ({
        %run_scoped3A = tpu.sem_alloc : memref<!tpu.dma_semaphore, #tpu.memory_space<semaphore_mem>>
        %dma_start3A_88 = arith.constant 0 : i32
        %dma_start3A_89 = tpu.memref_slice %arg3[%add3A_57, %dma_start3A_88] : memref<6272x64xi32, #tpu.memory_space<hbm>> -> memref<56x64xi32, #tpu.memory_space<hbm>>
        %dma_start3A_90 = arith.constant 0 : i32
        %dma_start3A_91 = tpu.memref_slice %arg3[%add3A_57, %dma_start3A_90] : memref<6272x64xi32, #tpu.memory_space<hbm>> -> memref<56x64xi32, #tpu.memory_space<hbm>>
        tpu.enqueue_dma source(%dma_start3A_91 : memref<56x64xi32, #tpu.memory_space<hbm>>) target(%arg6 : memref<56x64xi32, #tpu.memory_space<vmem>>) target_semaphore(%run_scoped3A : memref<!tpu.dma_semaphore, #tpu.memory_space<semaphore_mem>>)
        %dma_wait3A = arith.constant 0 : i32
        %dma_wait3A_92 = tpu.memref_slice %arg3[%add3A_57, %dma_wait3A] : memref<6272x64xi32, #tpu.memory_space<hbm>> -> memref<56x64xi32, #tpu.memory_space<hbm>>
        %dma_wait3A_93 = arith.constant 0 : i32
        %dma_wait3A_94 = tpu.memref_slice %arg3[%add3A_57, %dma_wait3A_93] : memref<6272x64xi32, #tpu.memory_space<hbm>> -> memref<56x64xi32, #tpu.memory_space<hbm>>
        tpu.wait_dma2 semaphore(%run_scoped3A : memref<!tpu.dma_semaphore, #tpu.memory_space<semaphore_mem>>) src(%dma_wait3A_94 : memref<56x64xi32, #tpu.memory_space<hbm>>) dst(%arg6 : memref<56x64xi32, #tpu.memory_space<vmem>>)
        tpu.yield
      }) : () -> ()
      %mul3A_58 = arith.constant 56 : i32
      %mul3A_59 = arith.muli %scan3A_54, %mul3A_58 : i32
      %add3A_60 = arith.addi %mul3A_38, %mul3A_59 : i32
      "tpu.region"() ({
        %run_scoped3A = tpu.sem_alloc : memref<!tpu.dma_semaphore, #tpu.memory_space<semaphore_mem>>
        %dma_start3A_88 = arith.constant 0 : i32
        %dma_start3A_89 = tpu.memref_slice %arg4[%add3A_60, %dma_start3A_88] : memref<6272x64xi32, #tpu.memory_space<hbm>> -> memref<56x64xi32, #tpu.memory_space<hbm>>
        %dma_start3A_90 = arith.constant 0 : i32
        %dma_start3A_91 = tpu.memref_slice %arg4[%add3A_60, %dma_start3A_90] : memref<6272x64xi32, #tpu.memory_space<hbm>> -> memref<56x64xi32, #tpu.memory_space<hbm>>
        tpu.enqueue_dma source(%dma_start3A_91 : memref<56x64xi32, #tpu.memory_space<hbm>>) target(%arg7 : memref<56x64xi32, #tpu.memory_space<vmem>>) target_semaphore(%run_scoped3A : memref<!tpu.dma_semaphore, #tpu.memory_space<semaphore_mem>>)
        %dma_wait3A = arith.constant 0 : i32
        %dma_wait3A_92 = tpu.memref_slice %arg4[%add3A_60, %dma_wait3A] : memref<6272x64xi32, #tpu.memory_space<hbm>> -> memref<56x64xi32, #tpu.memory_space<hbm>>
        %dma_wait3A_93 = arith.constant 0 : i32
        %dma_wait3A_94 = tpu.memref_slice %arg4[%add3A_60, %dma_wait3A_93] : memref<6272x64xi32, #tpu.memory_space<hbm>> -> memref<56x64xi32, #tpu.memory_space<hbm>>
        tpu.wait_dma2 semaphore(%run_scoped3A : memref<!tpu.dma_semaphore, #tpu.memory_space<semaphore_mem>>) src(%dma_wait3A_94 : memref<56x64xi32, #tpu.memory_space<hbm>>) dst(%arg7 : memref<56x64xi32, #tpu.memory_space<vmem>>)
        tpu.yield
      }) : () -> ()
      %scan3A_61 = arith.constant 0 : i32
      %scan3A_62 = arith.constant 0 : i32
      %scan3A_63 = arith.constant 56 : i32
      %scan3A_64 = arith.addi %scan3A_62, %scan3A_63 : i32
      %scan3A_65 = arith.constant 1 : i32
      scf.for %scan3A_88 = %scan3A_62 to %scan3A_64 step %scan3A_65  : i32 {
        %get3A = arith.index_cast %scan3A_88 : i32 to index
        %get3A_89 = arith.constant 0 : index
        %get3A_90 = tpu.vector_load %arg7[%get3A, %get3A_89] {strides = array<i32>} : memref<56x64xi32, #tpu.memory_space<vmem>>, vector<1x16xi32>,
        %get3A_91 = vector.shape_cast %get3A_90 : vector<1x16xi32> to vector<16xi32>
        %ge3A = vector.broadcast %mul3A_0 : i32 to vector<16xi32>
        %ge3A_92 = arith.cmpi sge, %get3A_91, %ge3A : vector<16xi32>
        %lt3A = vector.broadcast %add3A : i32 to vector<16xi32>
        %lt3A_93 = arith.cmpi slt, %get3A_91, %lt3A : vector<16xi32>
        %and3A = arith.andi %ge3A_92, %lt3A_93 : vector<16xi1>
        %sub3A = vector.broadcast %mul3A_0 : i32 to vector<16xi32>
        %sub3A_94 = arith.subi %get3A_91, %sub3A : vector<16xi32>
        %jit3A_95 = arith.constant 12504 : i32
        %broadcast_in_dim3A_96 = vector.broadcast %jit3A_95 : i32 to vector<16xi32>
        %select_n3A_97 = arith.select %and3A, %sub3A_94, %broadcast_in_dim3A_96 : vector<16xi1>, vector<16xi32>
        %swap3A = arith.index_cast %scan3A_88 : i32 to index
        %swap3A_98 = arith.constant 0 : index
        %swap3A_99 = tpu.vector_load %arg7[%swap3A, %swap3A_98] {strides = array<i32>} : memref<56x64xi32, #tpu.memory_space<vmem>>, vector<1x16xi32>,
        %swap3A_100 = vector.shape_cast %swap3A_99 : vector<1x16xi32> to vector<16xi32>
        %swap3A_101 = vector.shape_cast %select_n3A_97 : vector<16xi32> to vector<1x16xi32>
        tpu.vector_store %arg7[%swap3A, %swap3A_98], %swap3A_101 {strides = array<i32>} : memref<56x64xi32, #tpu.memory_space<vmem>>, vector<1x16xi32>,
        %get3A_102 = arith.index_cast %scan3A_88 : i32 to index
        %get3A_103 = arith.constant 16 : index
        %get3A_104 = tpu.vector_load %arg7[%get3A_102, %get3A_103] {strides = array<i32>} : memref<56x64xi32, #tpu.memory_space<vmem>>, vector<1x16xi32>,
        %get3A_105 = vector.shape_cast %get3A_104 : vector<1x16xi32> to vector<16xi32>
        %ge3A_106 = vector.broadcast %mul3A_0 : i32 to vector<16xi32>
        %ge3A_107 = arith.cmpi sge, %get3A_105, %ge3A_106 : vector<16xi32>
        %lt3A_108 = vector.broadcast %add3A : i32 to vector<16xi32>
        %lt3A_109 = arith.cmpi slt, %get3A_105, %lt3A_108 : vector<16xi32>
        %and3A_110 = arith.andi %ge3A_107, %lt3A_109 : vector<16xi1>
        %sub3A_111 = vector.broadcast %mul3A_0 : i32 to vector<16xi32>
        %sub3A_112 = arith.subi %get3A_105, %sub3A_111 : vector<16xi32>
        %jit3A_113 = arith.constant 12504 : i32
        %broadcast_in_dim3A_114 = vector.broadcast %jit3A_113 : i32 to vector<16xi32>
        %select_n3A_115 = arith.select %and3A_110, %sub3A_112, %broadcast_in_dim3A_114 : vector<16xi1>, vector<16xi32>
        %swap3A_116 = arith.index_cast %scan3A_88 : i32 to index
        %swap3A_117 = arith.constant 16 : index
        %swap3A_118 = tpu.vector_load %arg7[%swap3A_116, %swap3A_117] {strides = array<i32>} : memref<56x64xi32, #tpu.memory_space<vmem>>, vector<1x16xi32>,
        %swap3A_119 = vector.shape_cast %swap3A_118 : vector<1x16xi32> to vector<16xi32>
        %swap3A_120 = vector.shape_cast %select_n3A_115 : vector<16xi32> to vector<1x16xi32>
        tpu.vector_store %arg7[%swap3A_116, %swap3A_117], %swap3A_120 {strides = array<i32>} : memref<56x64xi32, #tpu.memory_space<vmem>>, vector<1x16xi32>,
        %get3A_121 = arith.index_cast %scan3A_88 : i32 to index
        %get3A_122 = arith.constant 32 : index
        %get3A_123 = tpu.vector_load %arg7[%get3A_121, %get3A_122] {strides = array<i32>} : memref<56x64xi32, #tpu.memory_space<vmem>>, vector<1x16xi32>,
        %get3A_124 = vector.shape_cast %get3A_123 : vector<1x16xi32> to vector<16xi32>
        %ge3A_125 = vector.broadcast %mul3A_0 : i32 to vector<16xi32>
        %ge3A_126 = arith.cmpi sge, %get3A_124, %ge3A_125 : vector<16xi32>
        %lt3A_127 = vector.broadcast %add3A : i32 to vector<16xi32>
        %lt3A_128 = arith.cmpi slt, %get3A_124, %lt3A_127 : vector<16xi32>
        %and3A_129 = arith.andi %ge3A_126, %lt3A_128 : vector<16xi1>
        %sub3A_130 = vector.broadcast %mul3A_0 : i32 to vector<16xi32>
        %sub3A_131 = arith.subi %get3A_124, %sub3A_130 : vector<16xi32>
        %jit3A_132 = arith.constant 12504 : i32
        %broadcast_in_dim3A_133 = vector.broadcast %jit3A_132 : i32 to vector<16xi32>
        %select_n3A_134 = arith.select %and3A_129, %sub3A_131, %broadcast_in_dim3A_133 : vector<16xi1>, vector<16xi32>
        %swap3A_135 = arith.index_cast %scan3A_88 : i32 to index
        %swap3A_136 = arith.constant 32 : index
        %swap3A_137 = tpu.vector_load %arg7[%swap3A_135, %swap3A_136] {strides = array<i32>} : memref<56x64xi32, #tpu.memory_space<vmem>>, vector<1x16xi32>,
        %swap3A_138 = vector.shape_cast %swap3A_137 : vector<1x16xi32> to vector<16xi32>
        %swap3A_139 = vector.shape_cast %select_n3A_134 : vector<16xi32> to vector<1x16xi32>
        tpu.vector_store %arg7[%swap3A_135, %swap3A_136], %swap3A_139 {strides = array<i32>} : memref<56x64xi32, #tpu.memory_space<vmem>>, vector<1x16xi32>,
        %get3A_140 = arith.index_cast %scan3A_88 : i32 to index
        %get3A_141 = arith.constant 48 : index
        %get3A_142 = tpu.vector_load %arg7[%get3A_140, %get3A_141] {strides = array<i32>} : memref<56x64xi32, #tpu.memory_space<vmem>>, vector<1x16xi32>,
        %get3A_143 = vector.shape_cast %get3A_142 : vector<1x16xi32> to vector<16xi32>
        %ge3A_144 = vector.broadcast %mul3A_0 : i32 to vector<16xi32>
        %ge3A_145 = arith.cmpi sge, %get3A_143, %ge3A_144 : vector<16xi32>
        %lt3A_146 = vector.broadcast %add3A : i32 to vector<16xi32>
        %lt3A_147 = arith.cmpi slt, %get3A_143, %lt3A_146 : vector<16xi32>
        %and3A_148 = arith.andi %ge3A_145, %lt3A_147 : vector<16xi1>
        %sub3A_149 = vector.broadcast %mul3A_0 : i32 to vector<16xi32>
        %sub3A_150 = arith.subi %get3A_143, %sub3A_149 : vector<16xi32>
        %jit3A_151 = arith.constant 12504 : i32
        %broadcast_in_dim3A_152 = vector.broadcast %jit3A_151 : i32 to vector<16xi32>
        %select_n3A_153 = arith.select %and3A_148, %sub3A_150, %broadcast_in_dim3A_152 : vector<16xi1>, vector<16xi32>
        %swap3A_154 = arith.index_cast %scan3A_88 : i32 to index
        %swap3A_155 = arith.constant 48 : index
        %swap3A_156 = tpu.vector_load %arg7[%swap3A_154, %swap3A_155] {strides = array<i32>} : memref<56x64xi32, #tpu.memory_space<vmem>>, vector<1x16xi32>,
        %swap3A_157 = vector.shape_cast %swap3A_156 : vector<1x16xi32> to vector<16xi32>
        %swap3A_158 = vector.shape_cast %select_n3A_153 : vector<16xi32> to vector<1x16xi32>
        tpu.vector_store %arg7[%swap3A_154, %swap3A_155], %swap3A_158 {strides = array<i32>} : memref<56x64xi32, #tpu.memory_space<vmem>>, vector<1x16xi32>,
      }
      %scan3A_66 = arith.constant 56 : i32
      %dma_start3A = arith.constant 0 : i32
      %dma_start3A_67 = arith.constant 0 : i32
      %dma_start3A_68 = tpu.memref_slice %arg6[%dma_start3A, %dma_start3A_67] : memref<56x64xi32, #tpu.memory_space<vmem>> -> memref<1x64xi32, #tpu.memory_space<vmem>>
      %dma_start3A_69 = tpu.memref_squeeze %dma_start3A_68 : memref<1x64xi32, #tpu.memory_space<vmem>> -> memref<64xi32, #tpu.memory_space<vmem>>
      %dma_start3A_70 = arith.constant 0 : i32
      %dma_start3A_71 = arith.constant 0 : i32
      %dma_start3A_72 = tpu.memref_slice %arg2[%dma_start3A_70, %dma_start3A_71] : memref<25000x128xf32, #tpu.memory_space<hbm>> -> memref<25000x128xf32, #tpu.memory_space<hbm>>
      tpu.enqueue_indirect_dma source(%dma_start3A_72 : memref<25000x128xf32, #tpu.memory_space<hbm>>) target(%arg8 : memref<64x128xf32, #tpu.memory_space<vmem>>) offsets(%dma_start3A_69 : memref<64xi32, #tpu.memory_space<vmem>>) semaphore(%arg11 : memref<!tpu.dma_semaphore, #tpu.memory_space<semaphore_mem>>)
      %dma_start3A_73 = arith.constant 1 : i32
      %dma_start3A_74 = arith.constant 0 : i32
      %dma_start3A_75 = tpu.memref_slice %arg6[%dma_start3A_73, %dma_start3A_74] : memref<56x64xi32, #tpu.memory_space<vmem>> -> memref<1x64xi32, #tpu.memory_space<vmem>>
      %dma_start3A_76 = tpu.memref_squeeze %dma_start3A_75 : memref<1x64xi32, #tpu.memory_space<vmem>> -> memref<64xi32, #tpu.memory_space<vmem>>
      %dma_start3A_77 = arith.constant 0 : i32
      %dma_start3A_78 = arith.constant 0 : i32
      %dma_start3A_79 = tpu.memref_slice %arg2[%dma_start3A_77, %dma_start3A_78] : memref<25000x128xf32, #tpu.memory_space<hbm>> -> memref<25000x128xf32, #tpu.memory_space<hbm>>
      tpu.enqueue_indirect_dma source(%dma_start3A_79 : memref<25000x128xf32, #tpu.memory_space<hbm>>) target(%arg9 : memref<64x128xf32, #tpu.memory_space<vmem>>) offsets(%dma_start3A_76 : memref<64xi32, #tpu.memory_space<vmem>>) semaphore(%arg12 : memref<!tpu.dma_semaphore, #tpu.memory_space<semaphore_mem>>)
      %scan3A_80 = arith.constant 0 : i32
      %scan3A_81 = arith.constant 0 : i32
      %scan3A_82 = arith.constant 1 : i32
      %scan3A_83 = arith.constant 0 : i32
      %scan3A_84 = arith.constant 28 : i32
      %scan3A_85 = arith.addi %scan3A_83, %scan3A_84 : i32
      %scan3A_86 = arith.constant 1 : i32
      scf.for %scan3A_88 = %scan3A_83 to %scan3A_85 step %scan3A_86  : i32 {
        %mul3A_89 = arith.constant 2 : i32
        %mul3A_90 = arith.muli %scan3A_88, %mul3A_89 : i32
        %add3A_91 = arith.constant 0 : i32
        %add3A_92 = arith.addi %mul3A_90, %add3A_91 : i32
        %dma_wait3A = arith.constant 0 : i32
        %dma_wait3A_93 = tpu.memref_slice %arg6[%scan3A_81, %dma_wait3A] : memref<56x64xi32, #tpu.memory_space<vmem>> -> memref<1x64xi32, #tpu.memory_space<vmem>>
        %dma_wait3A_94 = tpu.memref_squeeze %dma_wait3A_93 : memref<1x64xi32, #tpu.memory_space<vmem>> -> memref<64xi32, #tpu.memory_space<vmem>>
        %dma_wait3A_95 = arith.constant 0 : i32
        %dma_wait3A_96 = arith.constant 0 : i32
        %dma_wait3A_97 = tpu.memref_slice %arg2[%dma_wait3A_95, %dma_wait3A_96] : memref<25000x128xf32, #tpu.memory_space<hbm>> -> memref<25000x128xf32, #tpu.memory_space<hbm>>
        tpu.wait_indirect_dma semaphore(%arg11 : memref<!tpu.dma_semaphore, #tpu.memory_space<semaphore_mem>>) src(%dma_wait3A_97 : memref<25000x128xf32, #tpu.memory_space<hbm>>) dst(%arg8 : memref<64x128xf32, #tpu.memory_space<vmem>>)
        "tpu.region"() ({
          %run_scoped3A = tpu.sem_alloc : memref<!tpu.dma_semaphore, #tpu.memory_space<semaphore_mem>>
          %dma_start3A_121 = arith.constant 0 : i32
          %dma_start3A_122 = tpu.memref_slice %arg7[%add3A_92, %dma_start3A_121] : memref<56x64xi32, #tpu.memory_space<vmem>> -> memref<1x64xi32, #tpu.memory_space<vmem>>
          %dma_start3A_123 = tpu.memref_squeeze %dma_start3A_122 : memref<1x64xi32, #tpu.memory_space<vmem>> -> memref<64xi32, #tpu.memory_space<vmem>>
          %dma_start3A_124 = arith.constant 0 : i32
          %dma_start3A_125 = arith.constant 0 : i32
          %dma_start3A_126 = tpu.memref_slice %arg10[%dma_start3A_124, %dma_start3A_125] : memref<12544x128xf32, #tpu.memory_space<vmem_shared>> -> memref<12544x128xf32, #tpu.memory_space<vmem_shared>>
          tpu.enqueue_indirect_dma source(%arg8 : memref<64x128xf32, #tpu.memory_space<vmem>>) target(%dma_start3A_126 : memref<12544x128xf32, #tpu.memory_space<vmem_shared>>) offsets(%dma_start3A_123 : memref<64xi32, #tpu.memory_space<vmem>>) semaphore(%run_scoped3A : memref<!tpu.dma_semaphore, #tpu.memory_space<semaphore_mem>>) {add = true}
          %dma_wait3A_127 = arith.constant 0 : i32
          %dma_wait3A_128 = tpu.memref_slice %arg7[%add3A_92, %dma_wait3A_127] : memref<56x64xi32, #tpu.memory_space<vmem>> -> memref<1x64xi32, #tpu.memory_space<vmem>>
          %dma_wait3A_129 = tpu.memref_squeeze %dma_wait3A_128 : memref<1x64xi32, #tpu.memory_space<vmem>> -> memref<64xi32, #tpu.memory_space<vmem>>
          %dma_wait3A_130 = arith.constant 0 : i32
          %dma_wait3A_131 = arith.constant 0 : i32
          %dma_wait3A_132 = tpu.memref_slice %arg10[%dma_wait3A_130, %dma_wait3A_131] : memref<12544x128xf32, #tpu.memory_space<vmem_shared>> -> memref<12544x128xf32, #tpu.memory_space<vmem_shared>>
          tpu.wait_indirect_dma semaphore(%run_scoped3A : memref<!tpu.dma_semaphore, #tpu.memory_space<semaphore_mem>>) src(%arg8 : memref<64x128xf32, #tpu.memory_space<vmem>>) dst(%dma_wait3A_132 : memref<12544x128xf32, #tpu.memory_space<vmem_shared>>)
          tpu.yield
        }) : () -> ()
        %add3A_98 = arith.constant 2 : i32
        %add3A_99 = arith.addi %add3A_92, %add3A_98 : i32
        %lt3A = arith.constant 56 : i32
        %lt3A_100 = arith.cmpi slt, %add3A_99, %lt3A : i32
        %convert_element_type3A_101 = arith.extui %lt3A_100 : i1 to i32
        %cond3A_102 = arith.constant 0 : i32
        %cond3A_103 = arith.cmpi ne, %convert_element_type3A_101, %cond3A_102 : i32
        scf.if %cond3A_103 {
          %add3A_121 = arith.constant 2 : i32
          %add3A_122 = arith.addi %add3A_92, %add3A_121 : i32
          %dma_start3A_123 = arith.constant 0 : i32
          %dma_start3A_124 = tpu.memref_slice %arg6[%add3A_122, %dma_start3A_123] : memref<56x64xi32, #tpu.memory_space<vmem>> -> memref<1x64xi32, #tpu.memory_space<vmem>>
          %dma_start3A_125 = tpu.memref_squeeze %dma_start3A_124 : memref<1x64xi32, #tpu.memory_space<vmem>> -> memref<64xi32, #tpu.memory_space<vmem>>
          %dma_start3A_126 = arith.constant 0 : i32
          %dma_start3A_127 = arith.constant 0 : i32
          %dma_start3A_128 = tpu.memref_slice %arg2[%dma_start3A_126, %dma_start3A_127] : memref<25000x128xf32, #tpu.memory_space<hbm>> -> memref<25000x128xf32, #tpu.memory_space<hbm>>
          tpu.enqueue_indirect_dma source(%dma_start3A_128 : memref<25000x128xf32, #tpu.memory_space<hbm>>) target(%arg8 : memref<64x128xf32, #tpu.memory_space<vmem>>) offsets(%dma_start3A_125 : memref<64xi32, #tpu.memory_space<vmem>>) semaphore(%arg11 : memref<!tpu.dma_semaphore, #tpu.memory_space<semaphore_mem>>)
        } else {
        }
        %mul3A_104 = arith.constant 2 : i32
        %mul3A_105 = arith.muli %scan3A_88, %mul3A_104 : i32
        %add3A_106 = arith.constant 1 : i32
        %add3A_107 = arith.addi %mul3A_105, %add3A_106 : i32
        %dma_wait3A_108 = arith.constant 0 : i32
        %dma_wait3A_109 = tpu.memref_slice %arg6[%scan3A_82, %dma_wait3A_108] : memref<56x64xi32, #tpu.memory_space<vmem>> -> memref<1x64xi32, #tpu.memory_space<vmem>>
        %dma_wait3A_110 = tpu.memref_squeeze %dma_wait3A_109 : memref<1x64xi32, #tpu.memory_space<vmem>> -> memref<64xi32, #tpu.memory_space<vmem>>
        %dma_wait3A_111 = arith.constant 0 : i32
        %dma_wait3A_112 = arith.constant 0 : i32
        %dma_wait3A_113 = tpu.memref_slice %arg2[%dma_wait3A_111, %dma_wait3A_112] : memref<25000x128xf32, #tpu.memory_space<hbm>> -> memref<25000x128xf32, #tpu.memory_space<hbm>>
        tpu.wait_indirect_dma semaphore(%arg12 : memref<!tpu.dma_semaphore, #tpu.memory_space<semaphore_mem>>) src(%dma_wait3A_113 : memref<25000x128xf32, #tpu.memory_space<hbm>>) dst(%arg9 : memref<64x128xf32, #tpu.memory_space<vmem>>)
        "tpu.region"() ({
          %run_scoped3A = tpu.sem_alloc : memref<!tpu.dma_semaphore, #tpu.memory_space<semaphore_mem>>
          %dma_start3A_121 = arith.constant 0 : i32
          %dma_start3A_122 = tpu.memref_slice %arg7[%add3A_107, %dma_start3A_121] : memref<56x64xi32, #tpu.memory_space<vmem>> -> memref<1x64xi32, #tpu.memory_space<vmem>>
          %dma_start3A_123 = tpu.memref_squeeze %dma_start3A_122 : memref<1x64xi32, #tpu.memory_space<vmem>> -> memref<64xi32, #tpu.memory_space<vmem>>
          %dma_start3A_124 = arith.constant 0 : i32
          %dma_start3A_125 = arith.constant 0 : i32
          %dma_start3A_126 = tpu.memref_slice %arg10[%dma_start3A_124, %dma_start3A_125] : memref<12544x128xf32, #tpu.memory_space<vmem_shared>> -> memref<12544x128xf32, #tpu.memory_space<vmem_shared>>
          tpu.enqueue_indirect_dma source(%arg9 : memref<64x128xf32, #tpu.memory_space<vmem>>) target(%dma_start3A_126 : memref<12544x128xf32, #tpu.memory_space<vmem_shared>>) offsets(%dma_start3A_123 : memref<64xi32, #tpu.memory_space<vmem>>) semaphore(%run_scoped3A : memref<!tpu.dma_semaphore, #tpu.memory_space<semaphore_mem>>) {add = true}
          %dma_wait3A_127 = arith.constant 0 : i32
          %dma_wait3A_128 = tpu.memref_slice %arg7[%add3A_107, %dma_wait3A_127] : memref<56x64xi32, #tpu.memory_space<vmem>> -> memref<1x64xi32, #tpu.memory_space<vmem>>
          %dma_wait3A_129 = tpu.memref_squeeze %dma_wait3A_128 : memref<1x64xi32, #tpu.memory_space<vmem>> -> memref<64xi32, #tpu.memory_space<vmem>>
          %dma_wait3A_130 = arith.constant 0 : i32
          %dma_wait3A_131 = arith.constant 0 : i32
          %dma_wait3A_132 = tpu.memref_slice %arg10[%dma_wait3A_130, %dma_wait3A_131] : memref<12544x128xf32, #tpu.memory_space<vmem_shared>> -> memref<12544x128xf32, #tpu.memory_space<vmem_shared>>
          tpu.wait_indirect_dma semaphore(%run_scoped3A : memref<!tpu.dma_semaphore, #tpu.memory_space<semaphore_mem>>) src(%arg9 : memref<64x128xf32, #tpu.memory_space<vmem>>) dst(%dma_wait3A_132 : memref<12544x128xf32, #tpu.memory_space<vmem_shared>>)
          tpu.yield
        }) : () -> ()
        %add3A_114 = arith.constant 2 : i32
        %add3A_115 = arith.addi %add3A_107, %add3A_114 : i32
        %lt3A_116 = arith.constant 56 : i32
        %lt3A_117 = arith.cmpi slt, %add3A_115, %lt3A_116 : i32
        %convert_element_type3A_118 = arith.extui %lt3A_117 : i1 to i32
        %cond3A_119 = arith.constant 0 : i32
        %cond3A_120 = arith.cmpi ne, %convert_element_type3A_118, %cond3A_119 : i32
        scf.if %cond3A_120 {
          %add3A_121 = arith.constant 2 : i32
          %add3A_122 = arith.addi %add3A_107, %add3A_121 : i32
          %dma_start3A_123 = arith.constant 0 : i32
          %dma_start3A_124 = tpu.memref_slice %arg6[%add3A_122, %dma_start3A_123] : memref<56x64xi32, #tpu.memory_space<vmem>> -> memref<1x64xi32, #tpu.memory_space<vmem>>
          %dma_start3A_125 = tpu.memref_squeeze %dma_start3A_124 : memref<1x64xi32, #tpu.memory_space<vmem>> -> memref<64xi32, #tpu.memory_space<vmem>>
          %dma_start3A_126 = arith.constant 0 : i32
          %dma_start3A_127 = arith.constant 0 : i32
          %dma_start3A_128 = tpu.memref_slice %arg2[%dma_start3A_126, %dma_start3A_127] : memref<25000x128xf32, #tpu.memory_space<hbm>> -> memref<25000x128xf32, #tpu.memory_space<hbm>>
          tpu.enqueue_indirect_dma source(%dma_start3A_128 : memref<25000x128xf32, #tpu.memory_space<hbm>>) target(%arg9 : memref<64x128xf32, #tpu.memory_space<vmem>>) offsets(%dma_start3A_125 : memref<64xi32, #tpu.memory_space<vmem>>) semaphore(%arg12 : memref<!tpu.dma_semaphore, #tpu.memory_space<semaphore_mem>>)
        } else {
        }
      }
      %scan3A_87 = arith.constant 28 : i32
    }
    %scan3A_44 = arith.constant 7 : i32
    %barrier3A_45 = arith.constant 0 : index
    tpu.barrier barrier_id(%barrier3A_45)
    %eq3A_46 = arith.constant 0 : i32
    %eq3A_47 = arith.cmpi eq, %arg0, %eq3A_46 : i32
    %convert_element_type3A = arith.extui %eq3A_47 : i1 to i32
    %cond3A = arith.constant 0 : i32
    %cond3A_48 = arith.cmpi ne, %convert_element_type3A, %cond3A : i32
    scf.if %cond3A_48 {
      %lt3A = arith.constant 15 : i32
      %lt3A_54 = arith.cmpi slt, %arg1, %lt3A : i32
      %convert_element_type3A_55 = arith.extui %lt3A_54 : i1 to i32
      %cond3A_56 = arith.constant 0 : i32
      %cond3A_57 = arith.cmpi ne, %convert_element_type3A_55, %cond3A_56 : i32
      scf.if %cond3A_57 {
        %mul3A_63 = arith.constant 784 : i32
        %mul3A_64 = arith.muli %arg1, %mul3A_63 : i32
        %mul3A_65 = arith.constant 784 : i32
        %mul3A_66 = arith.muli %arg1, %mul3A_65 : i32
        %add3A_67 = arith.constant 0 : i32
        %add3A_68 = arith.addi %add3A_67, %mul3A_66 : i32
        "tpu.region"() ({
          %run_scoped3A = tpu.sem_alloc : memref<!tpu.dma_semaphore, #tpu.memory_space<semaphore_mem>>
          %dma_start3A = arith.constant 0 : i32
          %dma_start3A_69 = tpu.memref_slice %arg5[%add3A_68, %dma_start3A] : memref<25000x128xf32, #tpu.memory_space<hbm>> -> memref<784x128xf32, #tpu.memory_space<hbm>>
          %dma_start3A_70 = arith.constant 0 : i32
          %dma_start3A_71 = tpu.memref_slice %arg10[%mul3A_64, %dma_start3A_70] : memref<12544x128xf32, #tpu.memory_space<vmem_shared>> -> memref<784x128xf32, #tpu.memory_space<vmem_shared>>
          tpu.enqueue_dma source(%dma_start3A_71 : memref<784x128xf32, #tpu.memory_space<vmem_shared>>) target(%dma_start3A_69 : memref<784x128xf32, #tpu.memory_space<hbm>>) target_semaphore(%run_scoped3A : memref<!tpu.dma_semaphore, #tpu.memory_space<semaphore_mem>>)
          %dma_wait3A = arith.constant 0 : i32
          %dma_wait3A_72 = tpu.memref_slice %arg5[%add3A_68, %dma_wait3A] : memref<25000x128xf32, #tpu.memory_space<hbm>> -> memref<784x128xf32, #tpu.memory_space<hbm>>
          %dma_wait3A_73 = arith.constant 0 : i32
          %dma_wait3A_74 = tpu.memref_slice %arg10[%mul3A_64, %dma_wait3A_73] : memref<12544x128xf32, #tpu.memory_space<vmem_shared>> -> memref<784x128xf32, #tpu.memory_space<vmem_shared>>
          tpu.wait_dma2 semaphore(%run_scoped3A : memref<!tpu.dma_semaphore, #tpu.memory_space<semaphore_mem>>) src(%dma_wait3A_74 : memref<784x128xf32, #tpu.memory_space<vmem_shared>>) dst(%dma_wait3A_72 : memref<784x128xf32, #tpu.memory_space<hbm>>)
          tpu.yield
        }) : () -> ()
      } else {
      }
      %eq3A_58 = arith.constant 15 : i32
      %eq3A_59 = arith.cmpi eq, %arg1, %eq3A_58 : i32
      %convert_element_type3A_60 = arith.extui %eq3A_59 : i1 to i32
      %cond3A_61 = arith.constant 0 : i32
      %cond3A_62 = arith.cmpi ne, %convert_element_type3A_60, %cond3A_61 : i32
      scf.if %cond3A_62 {
        "tpu.region"() ({
          %run_scoped3A = tpu.sem_alloc : memref<!tpu.dma_semaphore, #tpu.memory_space<semaphore_mem>>
          %dma_start3A = arith.constant 11760 : i32
          %dma_start3A_63 = arith.constant 0 : i32
          %dma_start3A_64 = tpu.memref_slice %arg5[%dma_start3A, %dma_start3A_63] : memref<25000x128xf32, #tpu.memory_space<hbm>> -> memref<744x128xf32, #tpu.memory_space<hbm>>
          %dma_start3A_65 = arith.constant 11760 : i32
          %dma_start3A_66 = arith.constant 0 : i32
          %dma_start3A_67 = tpu.memref_slice %arg10[%dma_start3A_65, %dma_start3A_66] : memref<12544x128xf32, #tpu.memory_space<vmem_shared>> -> memref<744x128xf32, #tpu.memory_space<vmem_shared>>
          tpu.enqueue_dma source(%dma_start3A_67 : memref<744x128xf32, #tpu.memory_space<vmem_shared>>) target(%dma_start3A_64 : memref<744x128xf32, #tpu.memory_space<hbm>>) target_semaphore(%run_scoped3A : memref<!tpu.dma_semaphore, #tpu.memory_space<semaphore_mem>>)
          %dma_wait3A = arith.constant 11760 : i32
          %dma_wait3A_68 = arith.constant 0 : i32
          %dma_wait3A_69 = tpu.memref_slice %arg5[%dma_wait3A, %dma_wait3A_68] : memref<25000x128xf32, #tpu.memory_space<hbm>> -> memref<744x128xf32, #tpu.memory_space<hbm>>
          %dma_wait3A_70 = arith.constant 11760 : i32
          %dma_wait3A_71 = arith.constant 0 : i32
          %dma_wait3A_72 = tpu.memref_slice %arg10[%dma_wait3A_70, %dma_wait3A_71] : memref<12544x128xf32, #tpu.memory_space<vmem_shared>> -> memref<744x128xf32, #tpu.memory_space<vmem_shared>>
          tpu.wait_dma2 semaphore(%run_scoped3A : memref<!tpu.dma_semaphore, #tpu.memory_space<semaphore_mem>>) src(%dma_wait3A_72 : memref<744x128xf32, #tpu.memory_space<vmem_shared>>) dst(%dma_wait3A_69 : memref<744x128xf32, #tpu.memory_space<hbm>>)
          tpu.yield
        }) : () -> ()
      } else {
      }
    } else {
    }
    %eq3A_49 = arith.constant 1 : i32
    %eq3A_50 = arith.cmpi eq, %arg0, %eq3A_49 : i32
    %convert_element_type3A_51 = arith.extui %eq3A_50 : i1 to i32
    %cond3A_52 = arith.constant 0 : i32
    %cond3A_53 = arith.cmpi ne, %convert_element_type3A_51, %cond3A_52 : i32
    scf.if %cond3A_53 {
      %lt3A = arith.constant 15 : i32
      %lt3A_54 = arith.cmpi slt, %arg1, %lt3A : i32
      %convert_element_type3A_55 = arith.extui %lt3A_54 : i1 to i32
      %cond3A_56 = arith.constant 0 : i32
      %cond3A_57 = arith.cmpi ne, %convert_element_type3A_55, %cond3A_56 : i32
      scf.if %cond3A_57 {
        %mul3A_63 = arith.constant 784 : i32
        %mul3A_64 = arith.muli %arg1, %mul3A_63 : i32
        %mul3A_65 = arith.constant 784 : i32
        %mul3A_66 = arith.muli %arg1, %mul3A_65 : i32
        %add3A_67 = arith.constant 12504 : i32
        %add3A_68 = arith.addi %add3A_67, %mul3A_66 : i32
        "tpu.region"() ({
          %run_scoped3A = tpu.sem_alloc : memref<!tpu.dma_semaphore, #tpu.memory_space<semaphore_mem>>
          %dma_start3A = arith.constant 0 : i32
          %dma_start3A_69 = tpu.memref_slice %arg5[%add3A_68, %dma_start3A] : memref<25000x128xf32, #tpu.memory_space<hbm>> -> memref<784x128xf32, #tpu.memory_space<hbm>>
          %dma_start3A_70 = arith.constant 0 : i32
          %dma_start3A_71 = tpu.memref_slice %arg10[%mul3A_64, %dma_start3A_70] : memref<12544x128xf32, #tpu.memory_space<vmem_shared>> -> memref<784x128xf32, #tpu.memory_space<vmem_shared>>
          tpu.enqueue_dma source(%dma_start3A_71 : memref<784x128xf32, #tpu.memory_space<vmem_shared>>) target(%dma_start3A_69 : memref<784x128xf32, #tpu.memory_space<hbm>>) target_semaphore(%run_scoped3A : memref<!tpu.dma_semaphore, #tpu.memory_space<semaphore_mem>>)
          %dma_wait3A = arith.constant 0 : i32
          %dma_wait3A_72 = tpu.memref_slice %arg5[%add3A_68, %dma_wait3A] : memref<25000x128xf32, #tpu.memory_space<hbm>> -> memref<784x128xf32, #tpu.memory_space<hbm>>
          %dma_wait3A_73 = arith.constant 0 : i32
          %dma_wait3A_74 = tpu.memref_slice %arg10[%mul3A_64, %dma_wait3A_73] : memref<12544x128xf32, #tpu.memory_space<vmem_shared>> -> memref<784x128xf32, #tpu.memory_space<vmem_shared>>
          tpu.wait_dma2 semaphore(%run_scoped3A : memref<!tpu.dma_semaphore, #tpu.memory_space<semaphore_mem>>) src(%dma_wait3A_74 : memref<784x128xf32, #tpu.memory_space<vmem_shared>>) dst(%dma_wait3A_72 : memref<784x128xf32, #tpu.memory_space<hbm>>)
          tpu.yield
        }) : () -> ()
      } else {
      }
      %eq3A_58 = arith.constant 15 : i32
      %eq3A_59 = arith.cmpi eq, %arg1, %eq3A_58 : i32
      %convert_element_type3A_60 = arith.extui %eq3A_59 : i1 to i32
      %cond3A_61 = arith.constant 0 : i32
      %cond3A_62 = arith.cmpi ne, %convert_element_type3A_60, %cond3A_61 : i32
      scf.if %cond3A_62 {
        "tpu.region"() ({
          %run_scoped3A = tpu.sem_alloc : memref<!tpu.dma_semaphore, #tpu.memory_space<semaphore_mem>>
          %dma_start3A = arith.constant 24264 : i32
          %dma_start3A_63 = arith.constant 0 : i32
          %dma_start3A_64 = tpu.memref_slice %arg5[%dma_start3A, %dma_start3A_63] : memref<25000x128xf32, #tpu.memory_space<hbm>> -> memref<736x128xf32, #tpu.memory_space<hbm>>
          %dma_start3A_65 = arith.constant 11760 : i32
          %dma_start3A_66 = arith.constant 0 : i32
          %dma_start3A_67 = tpu.memref_slice %arg10[%dma_start3A_65, %dma_start3A_66] : memref<12544x128xf32, #tpu.memory_space<vmem_shared>> -> memref<736x128xf32, #tpu.memory_space<vmem_shared>>
          tpu.enqueue_dma source(%dma_start3A_67 : memref<736x128xf32, #tpu.memory_space<vmem_shared>>) target(%dma_start3A_64 : memref<736x128xf32, #tpu.memory_space<hbm>>) target_semaphore(%run_scoped3A : memref<!tpu.dma_semaphore, #tpu.memory_space<semaphore_mem>>)
          %dma_wait3A = arith.constant 24264 : i32
          %dma_wait3A_68 = arith.constant 0 : i32
          %dma_wait3A_69 = tpu.memref_slice %arg5[%dma_wait3A, %dma_wait3A_68] : memref<25000x128xf32, #tpu.memory_space<hbm>> -> memref<736x128xf32, #tpu.memory_space<hbm>>
          %dma_wait3A_70 = arith.constant 11760 : i32
          %dma_wait3A_71 = arith.constant 0 : i32
          %dma_wait3A_72 = tpu.memref_slice %arg10[%dma_wait3A_70, %dma_wait3A_71] : memref<12544x128xf32, #tpu.memory_space<vmem_shared>> -> memref<736x128xf32, #tpu.memory_space<vmem_shared>>
          tpu.wait_dma2 semaphore(%run_scoped3A : memref<!tpu.dma_semaphore, #tpu.memory_space<semaphore_mem>>) src(%dma_wait3A_72 : memref<736x128xf32, #tpu.memory_space<vmem_shared>>) dst(%dma_wait3A_69 : memref<736x128xf32, #tpu.memory_space<hbm>>)
          tpu.yield
        }) : () -> ()
      } else {
      }
    } else {
    }
    return
  }
}

#map = affine_map<(d0, d1) -> (0, 0)>
module attributes {stable_mosaic.version = 14 : i64} {
  func.func @_scatter_add(%arg0: i32, %arg1: i32, %arg2: memref<25000x128xf32, #tpu.memory_space<hbm>>, %arg3: memref<6272x64xi32, #tpu.memory_space<hbm>>, %arg4: memref<6272x64xi32, #tpu.memory_space<hbm>>, %arg5: memref<25000x128xf32, #tpu.memory_space<hbm>>, %arg6: memref<56x64xi32, #tpu.memory_space<vmem>>, %arg7: memref<56x64xi32, #tpu.memory_space<vmem>>, %arg8: memref<64x128xf32, #tpu.memory_space<vmem>>, %arg9: memref<64x128xf32, #tpu.memory_space<vmem>>, %arg10: memref<12544x128xf32, #tpu.memory_space<vmem_shared>>, %arg11: memref<!tpu.dma_semaphore, #tpu.memory_space<semaphore_mem>>, %arg12: memref<!tpu.dma_semaphore, #tpu.memory_space<semaphore_mem>>) attributes {dimension_semantics = [#tpu.dimension_semantics<core_parallel>, #tpu.dimension_semantics<subcore_parallel>], iteration_bounds = array<i64: 2, 16>, scalar_prefetch = 0 : i64, scratch_operands = 7 : i64, tpu.core_type = #tpu.core_type<sc_vector_subcore>, window_params = [{transform_indices = #map}, {transform_indices = #map}, {transform_indices = #map}, {transform_indices = #map}]} {
    %mul3A = arith.constant 12504 : i32
    %mul3A_0 = arith.muli %arg0, %mul3A : i32
    %eq3A = arith.constant 0 : i32
    %eq3A_1 = arith.cmpi eq, %arg0, %eq3A : i32
    %jit3A = arith.constant 12504 : i32
    %jit3A_2 = arith.constant 12496 : i32
    %select_n3A = arith.select %eq3A_1, %jit3A, %jit3A_2 : i32
    %add3A = arith.addi %mul3A_0, %select_n3A : i32
    %broadcast_in_dim3A = arith.constant 0.000000e+00 : f32
    %broadcast_in_dim3A_3 = vector.broadcast %broadcast_in_dim3A : f32 to vector<16xf32>
    %scan3A = arith.constant 0 : i32
    %scan3A_4 = arith.constant 0 : i32
    %scan3A_5 = arith.constant 64 : i32
    %scan3A_6 = arith.addi %scan3A_4, %scan3A_5 : i32
    %scan3A_7 = arith.constant 1 : i32
    scf.for %scan3A_54 = %scan3A_4 to %scan3A_6 step %scan3A_7  : i32 {
      %swap3A = arith.index_cast %scan3A_54 : i32 to index
      %swap3A_55 = arith.constant 0 : index
      %swap3A_56 = tpu.vector_load %arg8[%swap3A, %swap3A_55] {strides = array<i32>} : memref<64x128xf32, #tpu.memory_space<vmem>>, vector<1x16xf32>,
      %swap3A_57 = vector.shape_cast %swap3A_56 : vector<1x16xf32> to vector<16xf32>
      %swap3A_58 = vector.shape_cast %broadcast_in_dim3A_3 : vector<16xf32> to vector<1x16xf32>
      tpu.vector_store %arg8[%swap3A, %swap3A_55], %swap3A_58 {strides = array<i32>} : memref<64x128xf32, #tpu.memory_space<vmem>>, vector<1x16xf32>,
      %swap3A_59 = arith.index_cast %scan3A_54 : i32 to index
      %swap3A_60 = arith.constant 16 : index
      %swap3A_61 = tpu.vector_load %arg8[%swap3A_59, %swap3A_60] {strides = array<i32>} : memref<64x128xf32, #tpu.memory_space<vmem>>, vector<1x16xf32>,
      %swap3A_62 = vector.shape_cast %swap3A_61 : vector<1x16xf32> to vector<16xf32>
      %swap3A_63 = vector.shape_cast %broadcast_in_dim3A_3 : vector<16xf32> to vector<1x16xf32>
      tpu.vector_store %arg8[%swap3A_59, %swap3A_60], %swap3A_63 {strides = array<i32>} : memref<64x128xf32, #tpu.memory_space<vmem>>, vector<1x16xf32>,
      %swap3A_64 = arith.index_cast %scan3A_54 : i32 to index
      %swap3A_65 = arith.constant 32 : index
      %swap3A_66 = tpu.vector_load %arg8[%swap3A_64, %swap3A_65] {strides = array<i32>} : memref<64x128xf32, #tpu.memory_space<vmem>>, vector<1x16xf32>,
      %swap3A_67 = vector.shape_cast %swap3A_66 : vector<1x16xf32> to vector<16xf32>
      %swap3A_68 = vector.shape_cast %broadcast_in_dim3A_3 : vector<16xf32> to vector<1x16xf32>
      tpu.vector_store %arg8[%swap3A_64, %swap3A_65], %swap3A_68 {strides = array<i32>} : memref<64x128xf32, #tpu.memory_space<vmem>>, vector<1x16xf32>,
      %swap3A_69 = arith.index_cast %scan3A_54 : i32 to index
      %swap3A_70 = arith.constant 48 : index
      %swap3A_71 = tpu.vector_load %arg8[%swap3A_69, %swap3A_70] {strides = array<i32>} : memref<64x128xf32, #tpu.memory_space<vmem>>, vector<1x16xf32>,
      %swap3A_72 = vector.shape_cast %swap3A_71 : vector<1x16xf32> to vector<16xf32>
      %swap3A_73 = vector.shape_cast %broadcast_in_dim3A_3 : vector<16xf32> to vector<1x16xf32>
      tpu.vector_store %arg8[%swap3A_69, %swap3A_70], %swap3A_73 {strides = array<i32>} : memref<64x128xf32, #tpu.memory_space<vmem>>, vector<1x16xf32>,
      %swap3A_74 = arith.index_cast %scan3A_54 : i32 to index
      %swap3A_75 = arith.constant 64 : index
      %swap3A_76 = tpu.vector_load %arg8[%swap3A_74, %swap3A_75] {strides = array<i32>} : memref<64x128xf32, #tpu.memory_space<vmem>>, vector<1x16xf32>,
      %swap3A_77 = vector.shape_cast %swap3A_76 : vector<1x16xf32> to vector<16xf32>
      %swap3A_78 = vector.shape_cast %broadcast_in_dim3A_3 : vector<16xf32> to vector<1x16xf32>
      tpu.vector_store %arg8[%swap3A_74, %swap3A_75], %swap3A_78 {strides = array<i32>} : memref<64x128xf32, #tpu.memory_space<vmem>>, vector<1x16xf32>,
      %swap3A_79 = arith.index_cast %scan3A_54 : i32 to index
      %swap3A_80 = arith.constant 80 : index
      %swap3A_81 = tpu.vector_load %arg8[%swap3A_79, %swap3A_80] {strides = array<i32>} : memref<64x128xf32, #tpu.memory_space<vmem>>, vector<1x16xf32>,
      %swap3A_82 = vector.shape_cast %swap3A_81 : vector<1x16xf32> to vector<16xf32>
      %swap3A_83 = vector.shape_cast %broadcast_in_dim3A_3 : vector<16xf32> to vector<1x16xf32>
      tpu.vector_store %arg8[%swap3A_79, %swap3A_80], %swap3A_83 {strides = array<i32>} : memref<64x128xf32, #tpu.memory_space<vmem>>, vector<1x16xf32>,
      %swap3A_84 = arith.index_cast %scan3A_54 : i32 to index
      %swap3A_85 = arith.constant 96 : index
      %swap3A_86 = tpu.vector_load %arg8[%swap3A_84, %swap3A_85] {strides = array<i32>} : memref<64x128xf32, #tpu.memory_space<vmem>>, vector<1x16xf32>,
      %swap3A_87 = vector.shape_cast %swap3A_86 : vector<1x16xf32> to vector<16xf32>
      %swap3A_88 = vector.shape_cast %broadcast_in_dim3A_3 : vector<16xf32> to vector<1x16xf32>
      tpu.vector_store %arg8[%swap3A_84, %swap3A_85], %swap3A_88 {strides = array<i32>} : memref<64x128xf32, #tpu.memory_space<vmem>>, vector<1x16xf32>,
      %swap3A_89 = arith.index_cast %scan3A_54 : i32 to index
      %swap3A_90 = arith.constant 112 : index
      %swap3A_91 = tpu.vector_load %arg8[%swap3A_89, %swap3A_90] {strides = array<i32>} : memref<64x128xf32, #tpu.memory_space<vmem>>, vector<1x16xf32>,
      %swap3A_92 = vector.shape_cast %swap3A_91 : vector<1x16xf32> to vector<16xf32>
      %swap3A_93 = vector.shape_cast %broadcast_in_dim3A_3 : vector<16xf32> to vector<1x16xf32>
      tpu.vector_store %arg8[%swap3A_89, %swap3A_90], %swap3A_93 {strides = array<i32>} : memref<64x128xf32, #tpu.memory_space<vmem>>, vector<1x16xf32>,
    }
    %scan3A_8 = arith.constant 64 : i32
    %mul3A_9 = arith.constant 784 : i32
    %mul3A_10 = arith.muli %arg1, %mul3A_9 : i32
    %add3A_11 = arith.constant 0 : i32
    %add3A_12 = arith.addi %mul3A_10, %add3A_11 : i32
    "tpu.region"() ({
      %run_scoped3A = tpu.sem_alloc : memref<!tpu.dma_semaphore, #tpu.memory_space<semaphore_mem>>
      %dma_start3A = arith.constant 0 : i32
      %dma_start3A_54 = tpu.memref_slice %arg10[%add3A_12, %dma_start3A] : memref<12544x128xf32, #tpu.memory_space<vmem_shared>> -> memref<64x128xf32, #tpu.memory_space<vmem_shared>>
      %dma_start3A_55 = arith.constant 0 : i32
      %dma_start3A_56 = tpu.memref_slice %arg10[%add3A_12, %dma_start3A_55] : memref<12544x128xf32, #tpu.memory_space<vmem_shared>> -> memref<64x128xf32, #tpu.memory_space<vmem_shared>>
      tpu.enqueue_dma source(%arg8 : memref<64x128xf32, #tpu.memory_space<vmem>>) target(%dma_start3A_56 : memref<64x128xf32, #tpu.memory_space<vmem_shared>>) target_semaphore(%run_scoped3A : memref<!tpu.dma_semaphore, #tpu.memory_space<semaphore_mem>>)
      %dma_wait3A = arith.constant 0 : i32
      %dma_wait3A_57 = tpu.memref_slice %arg10[%add3A_12, %dma_wait3A] : memref<12544x128xf32, #tpu.memory_space<vmem_shared>> -> memref<64x128xf32, #tpu.memory_space<vmem_shared>>
      %dma_wait3A_58 = arith.constant 0 : i32
      %dma_wait3A_59 = tpu.memref_slice %arg10[%add3A_12, %dma_wait3A_58] : memref<12544x128xf32, #tpu.memory_space<vmem_shared>> -> memref<64x128xf32, #tpu.memory_space<vmem_shared>>
      tpu.wait_dma2 semaphore(%run_scoped3A : memref<!tpu.dma_semaphore, #tpu.memory_space<semaphore_mem>>) src(%arg8 : memref<64x128xf32, #tpu.memory_space<vmem>>) dst(%dma_wait3A_59 : memref<64x128xf32, #tpu.memory_space<vmem_shared>>)
      tpu.yield
    }) : () -> ()
    %add3A_13 = arith.constant 64 : i32
    %add3A_14 = arith.addi %mul3A_10, %add3A_13 : i32
    "tpu.region"() ({
      %run_scoped3A = tpu.sem_alloc : memref<!tpu.dma_semaphore, #tpu.memory_space<semaphore_mem>>
      %dma_start3A = arith.constant 0 : i32
      %dma_start3A_54 = tpu.memref_slice %arg10[%add3A_14, %dma_start3A] : memref<12544x128xf32, #tpu.memory_space<vmem_shared>> -> memref<64x128xf32, #tpu.memory_space<vmem_shared>>
      %dma_start3A_55 = arith.constant 0 : i32
      %dma_start3A_56 = tpu.memref_slice %arg10[%add3A_14, %dma_start3A_55] : memref<12544x128xf32, #tpu.memory_space<vmem_shared>> -> memref<64x128xf32, #tpu.memory_space<vmem_shared>>
      tpu.enqueue_dma source(%arg8 : memref<64x128xf32, #tpu.memory_space<vmem>>) target(%dma_start3A_56 : memref<64x128xf32, #tpu.memory_space<vmem_shared>>) target_semaphore(%run_scoped3A : memref<!tpu.dma_semaphore, #tpu.memory_space<semaphore_mem>>)
      %dma_wait3A = arith.constant 0 : i32
      %dma_wait3A_57 = tpu.memref_slice %arg10[%add3A_14, %dma_wait3A] : memref<12544x128xf32, #tpu.memory_space<vmem_shared>> -> memref<64x128xf32, #tpu.memory_space<vmem_shared>>
      %dma_wait3A_58 = arith.constant 0 : i32
      %dma_wait3A_59 = tpu.memref_slice %arg10[%add3A_14, %dma_wait3A_58] : memref<12544x128xf32, #tpu.memory_space<vmem_shared>> -> memref<64x128xf32, #tpu.memory_space<vmem_shared>>
      tpu.wait_dma2 semaphore(%run_scoped3A : memref<!tpu.dma_semaphore, #tpu.memory_space<semaphore_mem>>) src(%arg8 : memref<64x128xf32, #tpu.memory_space<vmem>>) dst(%dma_wait3A_59 : memref<64x128xf32, #tpu.memory_space<vmem_shared>>)
      tpu.yield
    }) : () -> ()
    %add3A_15 = arith.constant 128 : i32
    %add3A_16 = arith.addi %mul3A_10, %add3A_15 : i32
    "tpu.region"() ({
      %run_scoped3A = tpu.sem_alloc : memref<!tpu.dma_semaphore, #tpu.memory_space<semaphore_mem>>
      %dma_start3A = arith.constant 0 : i32
      %dma_start3A_54 = tpu.memref_slice %arg10[%add3A_16, %dma_start3A] : memref<12544x128xf32, #tpu.memory_space<vmem_shared>> -> memref<64x128xf32, #tpu.memory_space<vmem_shared>>
      %dma_start3A_55 = arith.constant 0 : i32
      %dma_start3A_56 = tpu.memref_slice %arg10[%add3A_16, %dma_start3A_55] : memref<12544x128xf32, #tpu.memory_space<vmem_shared>> -> memref<64x128xf32, #tpu.memory_space<vmem_shared>>
      tpu.enqueue_dma source(%arg8 : memref<64x128xf32, #tpu.memory_space<vmem>>) target(%dma_start3A_56 : memref<64x128xf32, #tpu.memory_space<vmem_shared>>) target_semaphore(%run_scoped3A : memref<!tpu.dma_semaphore, #tpu.memory_space<semaphore_mem>>)
      %dma_wait3A = arith.constant 0 : i32
      %dma_wait3A_57 = tpu.memref_slice %arg10[%add3A_16, %dma_wait3A] : memref<12544x128xf32, #tpu.memory_space<vmem_shared>> -> memref<64x128xf32, #tpu.memory_space<vmem_shared>>
      %dma_wait3A_58 = arith.constant 0 : i32
      %dma_wait3A_59 = tpu.memref_slice %arg10[%add3A_16, %dma_wait3A_58] : memref<12544x128xf32, #tpu.memory_space<vmem_shared>> -> memref<64x128xf32, #tpu.memory_space<vmem_shared>>
      tpu.wait_dma2 semaphore(%run_scoped3A : memref<!tpu.dma_semaphore, #tpu.memory_space<semaphore_mem>>) src(%arg8 : memref<64x128xf32, #tpu.memory_space<vmem>>) dst(%dma_wait3A_59 : memref<64x128xf32, #tpu.memory_space<vmem_shared>>)
      tpu.yield
    }) : () -> ()
    %add3A_17 = arith.constant 192 : i32
    %add3A_18 = arith.addi %mul3A_10, %add3A_17 : i32
    "tpu.region"() ({
      %run_scoped3A = tpu.sem_alloc : memref<!tpu.dma_semaphore, #tpu.memory_space<semaphore_mem>>
      %dma_start3A = arith.constant 0 : i32
      %dma_start3A_54 = tpu.memref_slice %arg10[%add3A_18, %dma_start3A] : memref<12544x128xf32, #tpu.memory_space<vmem_shared>> -> memref<64x128xf32, #tpu.memory_space<vmem_shared>>
      %dma_start3A_55 = arith.constant 0 : i32
      %dma_start3A_56 = tpu.memref_slice %arg10[%add3A_18, %dma_start3A_55] : memref<12544x128xf32, #tpu.memory_space<vmem_shared>> -> memref<64x128xf32, #tpu.memory_space<vmem_shared>>
      tpu.enqueue_dma source(%arg8 : memref<64x128xf32, #tpu.memory_space<vmem>>) target(%dma_start3A_56 : memref<64x128xf32, #tpu.memory_space<vmem_shared>>) target_semaphore(%run_scoped3A : memref<!tpu.dma_semaphore, #tpu.memory_space<semaphore_mem>>)
      %dma_wait3A = arith.constant 0 : i32
      %dma_wait3A_57 = tpu.memref_slice %arg10[%add3A_18, %dma_wait3A] : memref<12544x128xf32, #tpu.memory_space<vmem_shared>> -> memref<64x128xf32, #tpu.memory_space<vmem_shared>>
      %dma_wait3A_58 = arith.constant 0 : i32
      %dma_wait3A_59 = tpu.memref_slice %arg10[%add3A_18, %dma_wait3A_58] : memref<12544x128xf32, #tpu.memory_space<vmem_shared>> -> memref<64x128xf32, #tpu.memory_space<vmem_shared>>
      tpu.wait_dma2 semaphore(%run_scoped3A : memref<!tpu.dma_semaphore, #tpu.memory_space<semaphore_mem>>) src(%arg8 : memref<64x128xf32, #tpu.memory_space<vmem>>) dst(%dma_wait3A_59 : memref<64x128xf32, #tpu.memory_space<vmem_shared>>)
      tpu.yield
    }) : () -> ()
    %add3A_19 = arith.constant 256 : i32
    %add3A_20 = arith.addi %mul3A_10, %add3A_19 : i32
    "tpu.region"() ({
      %run_scoped3A = tpu.sem_alloc : memref<!tpu.dma_semaphore, #tpu.memory_space<semaphore_mem>>
      %dma_start3A = arith.constant 0 : i32
      %dma_start3A_54 = tpu.memref_slice %arg10[%add3A_20, %dma_start3A] : memref<12544x128xf32, #tpu.memory_space<vmem_shared>> -> memref<64x128xf32, #tpu.memory_space<vmem_shared>>
      %dma_start3A_55 = arith.constant 0 : i32
      %dma_start3A_56 = tpu.memref_slice %arg10[%add3A_20, %dma_start3A_55] : memref<12544x128xf32, #tpu.memory_space<vmem_shared>> -> memref<64x128xf32, #tpu.memory_space<vmem_shared>>
      tpu.enqueue_dma source(%arg8 : memref<64x128xf32, #tpu.memory_space<vmem>>) target(%dma_start3A_56 : memref<64x128xf32, #tpu.memory_space<vmem_shared>>) target_semaphore(%run_scoped3A : memref<!tpu.dma_semaphore, #tpu.memory_space<semaphore_mem>>)
      %dma_wait3A = arith.constant 0 : i32
      %dma_wait3A_57 = tpu.memref_slice %arg10[%add3A_20, %dma_wait3A] : memref<12544x128xf32, #tpu.memory_space<vmem_shared>> -> memref<64x128xf32, #tpu.memory_space<vmem_shared>>
      %dma_wait3A_58 = arith.constant 0 : i32
      %dma_wait3A_59 = tpu.memref_slice %arg10[%add3A_20, %dma_wait3A_58] : memref<12544x128xf32, #tpu.memory_space<vmem_shared>> -> memref<64x128xf32, #tpu.memory_space<vmem_shared>>
      tpu.wait_dma2 semaphore(%run_scoped3A : memref<!tpu.dma_semaphore, #tpu.memory_space<semaphore_mem>>) src(%arg8 : memref<64x128xf32, #tpu.memory_space<vmem>>) dst(%dma_wait3A_59 : memref<64x128xf32, #tpu.memory_space<vmem_shared>>)
      tpu.yield
    }) : () -> ()
    %add3A_21 = arith.constant 320 : i32
    %add3A_22 = arith.addi %mul3A_10, %add3A_21 : i32
    "tpu.region"() ({
      %run_scoped3A = tpu.sem_alloc : memref<!tpu.dma_semaphore, #tpu.memory_space<semaphore_mem>>
      %dma_start3A = arith.constant 0 : i32
      %dma_start3A_54 = tpu.memref_slice %arg10[%add3A_22, %dma_start3A] : memref<12544x128xf32, #tpu.memory_space<vmem_shared>> -> memref<64x128xf32, #tpu.memory_space<vmem_shared>>
      %dma_start3A_55 = arith.constant 0 : i32
      %dma_start3A_56 = tpu.memref_slice %arg10[%add3A_22, %dma_start3A_55] : memref<12544x128xf32, #tpu.memory_space<vmem_shared>> -> memref<64x128xf32, #tpu.memory_space<vmem_shared>>
      tpu.enqueue_dma source(%arg8 : memref<64x128xf32, #tpu.memory_space<vmem>>) target(%dma_start3A_56 : memref<64x128xf32, #tpu.memory_space<vmem_shared>>) target_semaphore(%run_scoped3A : memref<!tpu.dma_semaphore, #tpu.memory_space<semaphore_mem>>)
      %dma_wait3A = arith.constant 0 : i32
      %dma_wait3A_57 = tpu.memref_slice %arg10[%add3A_22, %dma_wait3A] : memref<12544x128xf32, #tpu.memory_space<vmem_shared>> -> memref<64x128xf32, #tpu.memory_space<vmem_shared>>
      %dma_wait3A_58 = arith.constant 0 : i32
      %dma_wait3A_59 = tpu.memref_slice %arg10[%add3A_22, %dma_wait3A_58] : memref<12544x128xf32, #tpu.memory_space<vmem_shared>> -> memref<64x128xf32, #tpu.memory_space<vmem_shared>>
      tpu.wait_dma2 semaphore(%run_scoped3A : memref<!tpu.dma_semaphore, #tpu.memory_space<semaphore_mem>>) src(%arg8 : memref<64x128xf32, #tpu.memory_space<vmem>>) dst(%dma_wait3A_59 : memref<64x128xf32, #tpu.memory_space<vmem_shared>>)
      tpu.yield
    }) : () -> ()
    %add3A_23 = arith.constant 384 : i32
    %add3A_24 = arith.addi %mul3A_10, %add3A_23 : i32
    "tpu.region"() ({
      %run_scoped3A = tpu.sem_alloc : memref<!tpu.dma_semaphore, #tpu.memory_space<semaphore_mem>>
      %dma_start3A = arith.constant 0 : i32
      %dma_start3A_54 = tpu.memref_slice %arg10[%add3A_24, %dma_start3A] : memref<12544x128xf32, #tpu.memory_space<vmem_shared>> -> memref<64x128xf32, #tpu.memory_space<vmem_shared>>
      %dma_start3A_55 = arith.constant 0 : i32
      %dma_start3A_56 = tpu.memref_slice %arg10[%add3A_24, %dma_start3A_55] : memref<12544x128xf32, #tpu.memory_space<vmem_shared>> -> memref<64x128xf32, #tpu.memory_space<vmem_shared>>
      tpu.enqueue_dma source(%arg8 : memref<64x128xf32, #tpu.memory_space<vmem>>) target(%dma_start3A_56 : memref<64x128xf32, #tpu.memory_space<vmem_shared>>) target_semaphore(%run_scoped3A : memref<!tpu.dma_semaphore, #tpu.memory_space<semaphore_mem>>)
      %dma_wait3A = arith.constant 0 : i32
      %dma_wait3A_57 = tpu.memref_slice %arg10[%add3A_24, %dma_wait3A] : memref<12544x128xf32, #tpu.memory_space<vmem_shared>> -> memref<64x128xf32, #tpu.memory_space<vmem_shared>>
      %dma_wait3A_58 = arith.constant 0 : i32
      %dma_wait3A_59 = tpu.memref_slice %arg10[%add3A_24, %dma_wait3A_58] : memref<12544x128xf32, #tpu.memory_space<vmem_shared>> -> memref<64x128xf32, #tpu.memory_space<vmem_shared>>
      tpu.wait_dma2 semaphore(%run_scoped3A : memref<!tpu.dma_semaphore, #tpu.memory_space<semaphore_mem>>) src(%arg8 : memref<64x128xf32, #tpu.memory_space<vmem>>) dst(%dma_wait3A_59 : memref<64x128xf32, #tpu.memory_space<vmem_shared>>)
      tpu.yield
    }) : () -> ()
    %add3A_25 = arith.constant 448 : i32
    %add3A_26 = arith.addi %mul3A_10, %add3A_25 : i32
    "tpu.region"() ({
      %run_scoped3A = tpu.sem_alloc : memref<!tpu.dma_semaphore, #tpu.memory_space<semaphore_mem>>
      %dma_start3A = arith.constant 0 : i32
      %dma_start3A_54 = tpu.memref_slice %arg10[%add3A_26, %dma_start3A] : memref<12544x128xf32, #tpu.memory_space<vmem_shared>> -> memref<64x128xf32, #tpu.memory_space<vmem_shared>>
      %dma_start3A_55 = arith.constant 0 : i32
      %dma_start3A_56 = tpu.memref_slice %arg10[%add3A_26, %dma_start3A_55] : memref<12544x128xf32, #tpu.memory_space<vmem_shared>> -> memref<64x128xf32, #tpu.memory_space<vmem_shared>>
      tpu.enqueue_dma source(%arg8 : memref<64x128xf32, #tpu.memory_space<vmem>>) target(%dma_start3A_56 : memref<64x128xf32, #tpu.memory_space<vmem_shared>>) target_semaphore(%run_scoped3A : memref<!tpu.dma_semaphore, #tpu.memory_space<semaphore_mem>>)
      %dma_wait3A = arith.constant 0 : i32
      %dma_wait3A_57 = tpu.memref_slice %arg10[%add3A_26, %dma_wait3A] : memref<12544x128xf32, #tpu.memory_space<vmem_shared>> -> memref<64x128xf32, #tpu.memory_space<vmem_shared>>
      %dma_wait3A_58 = arith.constant 0 : i32
      %dma_wait3A_59 = tpu.memref_slice %arg10[%add3A_26, %dma_wait3A_58] : memref<12544x128xf32, #tpu.memory_space<vmem_shared>> -> memref<64x128xf32, #tpu.memory_space<vmem_shared>>
      tpu.wait_dma2 semaphore(%run_scoped3A : memref<!tpu.dma_semaphore, #tpu.memory_space<semaphore_mem>>) src(%arg8 : memref<64x128xf32, #tpu.memory_space<vmem>>) dst(%dma_wait3A_59 : memref<64x128xf32, #tpu.memory_space<vmem_shared>>)
      tpu.yield
    }) : () -> ()
    %add3A_27 = arith.constant 512 : i32
    %add3A_28 = arith.addi %mul3A_10, %add3A_27 : i32
    "tpu.region"() ({
      %run_scoped3A = tpu.sem_alloc : memref<!tpu.dma_semaphore, #tpu.memory_space<semaphore_mem>>
      %dma_start3A = arith.constant 0 : i32
      %dma_start3A_54 = tpu.memref_slice %arg10[%add3A_28, %dma_start3A] : memref<12544x128xf32, #tpu.memory_space<vmem_shared>> -> memref<64x128xf32, #tpu.memory_space<vmem_shared>>
      %dma_start3A_55 = arith.constant 0 : i32
      %dma_start3A_56 = tpu.memref_slice %arg10[%add3A_28, %dma_start3A_55] : memref<12544x128xf32, #tpu.memory_space<vmem_shared>> -> memref<64x128xf32, #tpu.memory_space<vmem_shared>>
      tpu.enqueue_dma source(%arg8 : memref<64x128xf32, #tpu.memory_space<vmem>>) target(%dma_start3A_56 : memref<64x128xf32, #tpu.memory_space<vmem_shared>>) target_semaphore(%run_scoped3A : memref<!tpu.dma_semaphore, #tpu.memory_space<semaphore_mem>>)
      %dma_wait3A = arith.constant 0 : i32
      %dma_wait3A_57 = tpu.memref_slice %arg10[%add3A_28, %dma_wait3A] : memref<12544x128xf32, #tpu.memory_space<vmem_shared>> -> memref<64x128xf32, #tpu.memory_space<vmem_shared>>
      %dma_wait3A_58 = arith.constant 0 : i32
      %dma_wait3A_59 = tpu.memref_slice %arg10[%add3A_28, %dma_wait3A_58] : memref<12544x128xf32, #tpu.memory_space<vmem_shared>> -> memref<64x128xf32, #tpu.memory_space<vmem_shared>>
      tpu.wait_dma2 semaphore(%run_scoped3A : memref<!tpu.dma_semaphore, #tpu.memory_space<semaphore_mem>>) src(%arg8 : memref<64x128xf32, #tpu.memory_space<vmem>>) dst(%dma_wait3A_59 : memref<64x128xf32, #tpu.memory_space<vmem_shared>>)
      tpu.yield
    }) : () -> ()
    %add3A_29 = arith.constant 576 : i32
    %add3A_30 = arith.addi %mul3A_10, %add3A_29 : i32
    "tpu.region"() ({
      %run_scoped3A = tpu.sem_alloc : memref<!tpu.dma_semaphore, #tpu.memory_space<semaphore_mem>>
      %dma_start3A = arith.constant 0 : i32
      %dma_start3A_54 = tpu.memref_slice %arg10[%add3A_30, %dma_start3A] : memref<12544x128xf32, #tpu.memory_space<vmem_shared>> -> memref<64x128xf32, #tpu.memory_space<vmem_shared>>
      %dma_start3A_55 = arith.constant 0 : i32
      %dma_start3A_56 = tpu.memref_slice %arg10[%add3A_30, %dma_start3A_55] : memref<12544x128xf32, #tpu.memory_space<vmem_shared>> -> memref<64x128xf32, #tpu.memory_space<vmem_shared>>
      tpu.enqueue_dma source(%arg8 : memref<64x128xf32, #tpu.memory_space<vmem>>) target(%dma_start3A_56 : memref<64x128xf32, #tpu.memory_space<vmem_shared>>) target_semaphore(%run_scoped3A : memref<!tpu.dma_semaphore, #tpu.memory_space<semaphore_mem>>)
      %dma_wait3A = arith.constant 0 : i32
      %dma_wait3A_57 = tpu.memref_slice %arg10[%add3A_30, %dma_wait3A] : memref<12544x128xf32, #tpu.memory_space<vmem_shared>> -> memref<64x128xf32, #tpu.memory_space<vmem_shared>>
      %dma_wait3A_58 = arith.constant 0 : i32
      %dma_wait3A_59 = tpu.memref_slice %arg10[%add3A_30, %dma_wait3A_58] : memref<12544x128xf32, #tpu.memory_space<vmem_shared>> -> memref<64x128xf32, #tpu.memory_space<vmem_shared>>
      tpu.wait_dma2 semaphore(%run_scoped3A : memref<!tpu.dma_semaphore, #tpu.memory_space<semaphore_mem>>) src(%arg8 : memref<64x128xf32, #tpu.memory_space<vmem>>) dst(%dma_wait3A_59 : memref<64x128xf32, #tpu.memory_space<vmem_shared>>)
      tpu.yield
    }) : () -> ()
    %add3A_31 = arith.constant 640 : i32
    %add3A_32 = arith.addi %mul3A_10, %add3A_31 : i32
    "tpu.region"() ({
      %run_scoped3A = tpu.sem_alloc : memref<!tpu.dma_semaphore, #tpu.memory_space<semaphore_mem>>
      %dma_start3A = arith.constant 0 : i32
      %dma_start3A_54 = tpu.memref_slice %arg10[%add3A_32, %dma_start3A] : memref<12544x128xf32, #tpu.memory_space<vmem_shared>> -> memref<64x128xf32, #tpu.memory_space<vmem_shared>>
      %dma_start3A_55 = arith.constant 0 : i32
      %dma_start3A_56 = tpu.memref_slice %arg10[%add3A_32, %dma_start3A_55] : memref<12544x128xf32, #tpu.memory_space<vmem_shared>> -> memref<64x128xf32, #tpu.memory_space<vmem_shared>>
      tpu.enqueue_dma source(%arg8 : memref<64x128xf32, #tpu.memory_space<vmem>>) target(%dma_start3A_56 : memref<64x128xf32, #tpu.memory_space<vmem_shared>>) target_semaphore(%run_scoped3A : memref<!tpu.dma_semaphore, #tpu.memory_space<semaphore_mem>>)
      %dma_wait3A = arith.constant 0 : i32
      %dma_wait3A_57 = tpu.memref_slice %arg10[%add3A_32, %dma_wait3A] : memref<12544x128xf32, #tpu.memory_space<vmem_shared>> -> memref<64x128xf32, #tpu.memory_space<vmem_shared>>
      %dma_wait3A_58 = arith.constant 0 : i32
      %dma_wait3A_59 = tpu.memref_slice %arg10[%add3A_32, %dma_wait3A_58] : memref<12544x128xf32, #tpu.memory_space<vmem_shared>> -> memref<64x128xf32, #tpu.memory_space<vmem_shared>>
      tpu.wait_dma2 semaphore(%run_scoped3A : memref<!tpu.dma_semaphore, #tpu.memory_space<semaphore_mem>>) src(%arg8 : memref<64x128xf32, #tpu.memory_space<vmem>>) dst(%dma_wait3A_59 : memref<64x128xf32, #tpu.memory_space<vmem_shared>>)
      tpu.yield
    }) : () -> ()
    %add3A_33 = arith.constant 704 : i32
    %add3A_34 = arith.addi %mul3A_10, %add3A_33 : i32
    "tpu.region"() ({
      %run_scoped3A = tpu.sem_alloc : memref<!tpu.dma_semaphore, #tpu.memory_space<semaphore_mem>>
      %dma_start3A = arith.constant 0 : i32
      %dma_start3A_54 = tpu.memref_slice %arg10[%add3A_34, %dma_start3A] : memref<12544x128xf32, #tpu.memory_space<vmem_shared>> -> memref<64x128xf32, #tpu.memory_space<vmem_shared>>
      %dma_start3A_55 = arith.constant 0 : i32
      %dma_start3A_56 = tpu.memref_slice %arg10[%add3A_34, %dma_start3A_55] : memref<12544x128xf32, #tpu.memory_space<vmem_shared>> -> memref<64x128xf32, #tpu.memory_space<vmem_shared>>
      tpu.enqueue_dma source(%arg8 : memref<64x128xf32, #tpu.memory_space<vmem>>) target(%dma_start3A_56 : memref<64x128xf32, #tpu.memory_space<vmem_shared>>) target_semaphore(%run_scoped3A : memref<!tpu.dma_semaphore, #tpu.memory_space<semaphore_mem>>)
      %dma_wait3A = arith.constant 0 : i32
      %dma_wait3A_57 = tpu.memref_slice %arg10[%add3A_34, %dma_wait3A] : memref<12544x128xf32, #tpu.memory_space<vmem_shared>> -> memref<64x128xf32, #tpu.memory_space<vmem_shared>>
      %dma_wait3A_58 = arith.constant 0 : i32
      %dma_wait3A_59 = tpu.memref_slice %arg10[%add3A_34, %dma_wait3A_58] : memref<12544x128xf32, #tpu.memory_space<vmem_shared>> -> memref<64x128xf32, #tpu.memory_space<vmem_shared>>
      tpu.wait_dma2 semaphore(%run_scoped3A : memref<!tpu.dma_semaphore, #tpu.memory_space<semaphore_mem>>) src(%arg8 : memref<64x128xf32, #tpu.memory_space<vmem>>) dst(%dma_wait3A_59 : memref<64x128xf32, #tpu.memory_space<vmem_shared>>)
      tpu.yield
    }) : () -> ()
    %add3A_35 = arith.constant 768 : i32
    %add3A_36 = arith.addi %mul3A_10, %add3A_35 : i32
    "tpu.region"() ({
      %run_scoped3A = tpu.sem_alloc : memref<!tpu.dma_semaphore, #tpu.memory_space<semaphore_mem>>
      %dma_start3A = arith.constant 0 : i32
      %dma_start3A_54 = arith.constant 0 : i32
      %dma_start3A_55 = tpu.memref_slice %arg8[%dma_start3A, %dma_start3A_54] : memref<64x128xf32, #tpu.memory_space<vmem>> -> memref<16x128xf32, #tpu.memory_space<vmem>>
      %dma_start3A_56 = arith.constant 0 : i32
      %dma_start3A_57 = tpu.memref_slice %arg10[%add3A_36, %dma_start3A_56] : memref<12544x128xf32, #tpu.memory_space<vmem_shared>> -> memref<16x128xf32, #tpu.memory_space<vmem_shared>>
      %dma_start3A_58 = arith.constant 0 : i32
      %dma_start3A_59 = tpu.memref_slice %arg10[%add3A_36, %dma_start3A_58] : memref<12544x128xf32, #tpu.memory_space<vmem_shared>> -> memref<16x128xf32, #tpu.memory_space<vmem_shared>>
      %dma_start3A_60 = arith.constant 0 : i32
      %dma_start3A_61 = arith.constant 0 : i32
      %dma_start3A_62 = tpu.memref_slice %arg8[%dma_start3A_60, %dma_start3A_61] : memref<64x128xf32, #tpu.memory_space<vmem>> -> memref<16x128xf32, #tpu.memory_space<vmem>>
      tpu.enqueue_dma source(%dma_start3A_62 : memref<16x128xf32, #tpu.memory_space<vmem>>) target(%dma_start3A_59 : memref<16x128xf32, #tpu.memory_space<vmem_shared>>) target_semaphore(%run_scoped3A : memref<!tpu.dma_semaphore, #tpu.memory_space<semaphore_mem>>)
      %dma_wait3A = arith.constant 0 : i32
      %dma_wait3A_63 = arith.constant 0 : i32
      %dma_wait3A_64 = tpu.memref_slice %arg8[%dma_wait3A, %dma_wait3A_63] : memref<64x128xf32, #tpu.memory_space<vmem>> -> memref<16x128xf32, #tpu.memory_space<vmem>>
      %dma_wait3A_65 = arith.constant 0 : i32
      %dma_wait3A_66 = tpu.memref_slice %arg10[%add3A_36, %dma_wait3A_65] : memref<12544x128xf32, #tpu.memory_space<vmem_shared>> -> memref<16x128xf32, #tpu.memory_space<vmem_shared>>
      %dma_wait3A_67 = arith.constant 0 : i32
      %dma_wait3A_68 = tpu.memref_slice %arg10[%add3A_36, %dma_wait3A_67] : memref<12544x128xf32, #tpu.memory_space<vmem_shared>> -> memref<16x128xf32, #tpu.memory_space<vmem_shared>>
      %dma_wait3A_69 = arith.constant 0 : i32
      %dma_wait3A_70 = arith.constant 0 : i32
      %dma_wait3A_71 = tpu.memref_slice %arg8[%dma_wait3A_69, %dma_wait3A_70] : memref<64x128xf32, #tpu.memory_space<vmem>> -> memref<16x128xf32, #tpu.memory_space<vmem>>
      tpu.wait_dma2 semaphore(%run_scoped3A : memref<!tpu.dma_semaphore, #tpu.memory_space<semaphore_mem>>) src(%dma_wait3A_71 : memref<16x128xf32, #tpu.memory_space<vmem>>) dst(%dma_wait3A_68 : memref<16x128xf32, #tpu.memory_space<vmem_shared>>)
      tpu.yield
    }) : () -> ()
    %barrier3A = arith.constant 0 : index
    tpu.barrier barrier_id(%barrier3A)
    %mul3A_37 = arith.constant 392 : i32
    %mul3A_38 = arith.muli %arg1, %mul3A_37 : i32
    %scan3A_39 = arith.constant 0 : i32
    %scan3A_40 = arith.constant 0 : i32
    %scan3A_41 = arith.constant 7 : i32
    %scan3A_42 = arith.addi %scan3A_40, %scan3A_41 : i32
    %scan3A_43 = arith.constant 1 : i32
    scf.for %scan3A_54 = %scan3A_40 to %scan3A_42 step %scan3A_43  : i32 {
      %mul3A_55 = arith.constant 56 : i32
      %mul3A_56 = arith.muli %scan3A_54, %mul3A_55 : i32
      %add3A_57 = arith.addi %mul3A_38, %mul3A_56 : i32
      "tpu.region"() ({
        %run_scoped3A = tpu.sem_alloc : memref<!tpu.dma_semaphore, #tpu.memory_space<semaphore_mem>>
        %dma_start3A_88 = arith.constant 0 : i32
        %dma_start3A_89 = tpu.memref_slice %arg3[%add3A_57, %dma_start3A_88] : memref<6272x64xi32, #tpu.memory_space<hbm>> -> memref<56x64xi32, #tpu.memory_space<hbm>>
        %dma_start3A_90 = arith.constant 0 : i32
        %dma_start3A_91 = tpu.memref_slice %arg3[%add3A_57, %dma_start3A_90] : memref<6272x64xi32, #tpu.memory_space<hbm>> -> memref<56x64xi32, #tpu.memory_space<hbm>>
        tpu.enqueue_dma source(%dma_start3A_91 : memref<56x64xi32, #tpu.memory_space<hbm>>) target(%arg6 : memref<56x64xi32, #tpu.memory_space<vmem>>) target_semaphore(%run_scoped3A : memref<!tpu.dma_semaphore, #tpu.memory_space<semaphore_mem>>)
        %dma_wait3A = arith.constant 0 : i32
        %dma_wait3A_92 = tpu.memref_slice %arg3[%add3A_57, %dma_wait3A] : memref<6272x64xi32, #tpu.memory_space<hbm>> -> memref<56x64xi32, #tpu.memory_space<hbm>>
        %dma_wait3A_93 = arith.constant 0 : i32
        %dma_wait3A_94 = tpu.memref_slice %arg3[%add3A_57, %dma_wait3A_93] : memref<6272x64xi32, #tpu.memory_space<hbm>> -> memref<56x64xi32, #tpu.memory_space<hbm>>
        tpu.wait_dma2 semaphore(%run_scoped3A : memref<!tpu.dma_semaphore, #tpu.memory_space<semaphore_mem>>) src(%dma_wait3A_94 : memref<56x64xi32, #tpu.memory_space<hbm>>) dst(%arg6 : memref<56x64xi32, #tpu.memory_space<vmem>>)
        tpu.yield
      }) : () -> ()
      %mul3A_58 = arith.constant 56 : i32
      %mul3A_59 = arith.muli %scan3A_54, %mul3A_58 : i32
      %add3A_60 = arith.addi %mul3A_38, %mul3A_59 : i32
      "tpu.region"() ({
        %run_scoped3A = tpu.sem_alloc : memref<!tpu.dma_semaphore, #tpu.memory_space<semaphore_mem>>
        %dma_start3A_88 = arith.constant 0 : i32
        %dma_start3A_89 = tpu.memref_slice %arg4[%add3A_60, %dma_start3A_88] : memref<6272x64xi32, #tpu.memory_space<hbm>> -> memref<56x64xi32, #tpu.memory_space<hbm>>
        %dma_start3A_90 = arith.constant 0 : i32
        %dma_start3A_91 = tpu.memref_slice %arg4[%add3A_60, %dma_start3A_90] : memref<6272x64xi32, #tpu.memory_space<hbm>> -> memref<56x64xi32, #tpu.memory_space<hbm>>
        tpu.enqueue_dma source(%dma_start3A_91 : memref<56x64xi32, #tpu.memory_space<hbm>>) target(%arg7 : memref<56x64xi32, #tpu.memory_space<vmem>>) target_semaphore(%run_scoped3A : memref<!tpu.dma_semaphore, #tpu.memory_space<semaphore_mem>>)
        %dma_wait3A = arith.constant 0 : i32
        %dma_wait3A_92 = tpu.memref_slice %arg4[%add3A_60, %dma_wait3A] : memref<6272x64xi32, #tpu.memory_space<hbm>> -> memref<56x64xi32, #tpu.memory_space<hbm>>
        %dma_wait3A_93 = arith.constant 0 : i32
        %dma_wait3A_94 = tpu.memref_slice %arg4[%add3A_60, %dma_wait3A_93] : memref<6272x64xi32, #tpu.memory_space<hbm>> -> memref<56x64xi32, #tpu.memory_space<hbm>>
        tpu.wait_dma2 semaphore(%run_scoped3A : memref<!tpu.dma_semaphore, #tpu.memory_space<semaphore_mem>>) src(%dma_wait3A_94 : memref<56x64xi32, #tpu.memory_space<hbm>>) dst(%arg7 : memref<56x64xi32, #tpu.memory_space<vmem>>)
        tpu.yield
      }) : () -> ()
      %scan3A_61 = arith.constant 0 : i32
      %scan3A_62 = arith.constant 0 : i32
      %scan3A_63 = arith.constant 56 : i32
      %scan3A_64 = arith.addi %scan3A_62, %scan3A_63 : i32
      %scan3A_65 = arith.constant 1 : i32
      scf.for %scan3A_88 = %scan3A_62 to %scan3A_64 step %scan3A_65  : i32 {
        %get3A = arith.index_cast %scan3A_88 : i32 to index
        %get3A_89 = arith.constant 0 : index
        %get3A_90 = tpu.vector_load %arg7[%get3A, %get3A_89] {strides = array<i32>} : memref<56x64xi32, #tpu.memory_space<vmem>>, vector<1x16xi32>,
        %get3A_91 = vector.shape_cast %get3A_90 : vector<1x16xi32> to vector<16xi32>
        %ge3A = vector.broadcast %mul3A_0 : i32 to vector<16xi32>
        %ge3A_92 = arith.cmpi sge, %get3A_91, %ge3A : vector<16xi32>
        %lt3A = vector.broadcast %add3A : i32 to vector<16xi32>
        %lt3A_93 = arith.cmpi slt, %get3A_91, %lt3A : vector<16xi32>
        %and3A = arith.andi %ge3A_92, %lt3A_93 : vector<16xi1>
        %sub3A = vector.broadcast %mul3A_0 : i32 to vector<16xi32>
        %sub3A_94 = arith.subi %get3A_91, %sub3A : vector<16xi32>
        %jit3A_95 = arith.constant 12504 : i32
        %broadcast_in_dim3A_96 = vector.broadcast %jit3A_95 : i32 to vector<16xi32>
        %select_n3A_97 = arith.select %and3A, %sub3A_94, %broadcast_in_dim3A_96 : vector<16xi1>, vector<16xi32>
        %swap3A = arith.index_cast %scan3A_88 : i32 to index
        %swap3A_98 = arith.constant 0 : index
        %swap3A_99 = tpu.vector_load %arg7[%swap3A, %swap3A_98] {strides = array<i32>} : memref<56x64xi32, #tpu.memory_space<vmem>>, vector<1x16xi32>,
        %swap3A_100 = vector.shape_cast %swap3A_99 : vector<1x16xi32> to vector<16xi32>
        %swap3A_101 = vector.shape_cast %select_n3A_97 : vector<16xi32> to vector<1x16xi32>
        tpu.vector_store %arg7[%swap3A, %swap3A_98], %swap3A_101 {strides = array<i32>} : memref<56x64xi32, #tpu.memory_space<vmem>>, vector<1x16xi32>,
        %get3A_102 = arith.index_cast %scan3A_88 : i32 to index
        %get3A_103 = arith.constant 16 : index
        %get3A_104 = tpu.vector_load %arg7[%get3A_102, %get3A_103] {strides = array<i32>} : memref<56x64xi32, #tpu.memory_space<vmem>>, vector<1x16xi32>,
        %get3A_105 = vector.shape_cast %get3A_104 : vector<1x16xi32> to vector<16xi32>
        %ge3A_106 = vector.broadcast %mul3A_0 : i32 to vector<16xi32>
        %ge3A_107 = arith.cmpi sge, %get3A_105, %ge3A_106 : vector<16xi32>
        %lt3A_108 = vector.broadcast %add3A : i32 to vector<16xi32>
        %lt3A_109 = arith.cmpi slt, %get3A_105, %lt3A_108 : vector<16xi32>
        %and3A_110 = arith.andi %ge3A_107, %lt3A_109 : vector<16xi1>
        %sub3A_111 = vector.broadcast %mul3A_0 : i32 to vector<16xi32>
        %sub3A_112 = arith.subi %get3A_105, %sub3A_111 : vector<16xi32>
        %jit3A_113 = arith.constant 12504 : i32
        %broadcast_in_dim3A_114 = vector.broadcast %jit3A_113 : i32 to vector<16xi32>
        %select_n3A_115 = arith.select %and3A_110, %sub3A_112, %broadcast_in_dim3A_114 : vector<16xi1>, vector<16xi32>
        %swap3A_116 = arith.index_cast %scan3A_88 : i32 to index
        %swap3A_117 = arith.constant 16 : index
        %swap3A_118 = tpu.vector_load %arg7[%swap3A_116, %swap3A_117] {strides = array<i32>} : memref<56x64xi32, #tpu.memory_space<vmem>>, vector<1x16xi32>,
        %swap3A_119 = vector.shape_cast %swap3A_118 : vector<1x16xi32> to vector<16xi32>
        %swap3A_120 = vector.shape_cast %select_n3A_115 : vector<16xi32> to vector<1x16xi32>
        tpu.vector_store %arg7[%swap3A_116, %swap3A_117], %swap3A_120 {strides = array<i32>} : memref<56x64xi32, #tpu.memory_space<vmem>>, vector<1x16xi32>,
        %get3A_121 = arith.index_cast %scan3A_88 : i32 to index
        %get3A_122 = arith.constant 32 : index
        %get3A_123 = tpu.vector_load %arg7[%get3A_121, %get3A_122] {strides = array<i32>} : memref<56x64xi32, #tpu.memory_space<vmem>>, vector<1x16xi32>,
        %get3A_124 = vector.shape_cast %get3A_123 : vector<1x16xi32> to vector<16xi32>
        %ge3A_125 = vector.broadcast %mul3A_0 : i32 to vector<16xi32>
        %ge3A_126 = arith.cmpi sge, %get3A_124, %ge3A_125 : vector<16xi32>
        %lt3A_127 = vector.broadcast %add3A : i32 to vector<16xi32>
        %lt3A_128 = arith.cmpi slt, %get3A_124, %lt3A_127 : vector<16xi32>
        %and3A_129 = arith.andi %ge3A_126, %lt3A_128 : vector<16xi1>
        %sub3A_130 = vector.broadcast %mul3A_0 : i32 to vector<16xi32>
        %sub3A_131 = arith.subi %get3A_124, %sub3A_130 : vector<16xi32>
        %jit3A_132 = arith.constant 12504 : i32
        %broadcast_in_dim3A_133 = vector.broadcast %jit3A_132 : i32 to vector<16xi32>
        %select_n3A_134 = arith.select %and3A_129, %sub3A_131, %broadcast_in_dim3A_133 : vector<16xi1>, vector<16xi32>
        %swap3A_135 = arith.index_cast %scan3A_88 : i32 to index
        %swap3A_136 = arith.constant 32 : index
        %swap3A_137 = tpu.vector_load %arg7[%swap3A_135, %swap3A_136] {strides = array<i32>} : memref<56x64xi32, #tpu.memory_space<vmem>>, vector<1x16xi32>,
        %swap3A_138 = vector.shape_cast %swap3A_137 : vector<1x16xi32> to vector<16xi32>
        %swap3A_139 = vector.shape_cast %select_n3A_134 : vector<16xi32> to vector<1x16xi32>
        tpu.vector_store %arg7[%swap3A_135, %swap3A_136], %swap3A_139 {strides = array<i32>} : memref<56x64xi32, #tpu.memory_space<vmem>>, vector<1x16xi32>,
        %get3A_140 = arith.index_cast %scan3A_88 : i32 to index
        %get3A_141 = arith.constant 48 : index
        %get3A_142 = tpu.vector_load %arg7[%get3A_140, %get3A_141] {strides = array<i32>} : memref<56x64xi32, #tpu.memory_space<vmem>>, vector<1x16xi32>,
        %get3A_143 = vector.shape_cast %get3A_142 : vector<1x16xi32> to vector<16xi32>
        %ge3A_144 = vector.broadcast %mul3A_0 : i32 to vector<16xi32>
        %ge3A_145 = arith.cmpi sge, %get3A_143, %ge3A_144 : vector<16xi32>
        %lt3A_146 = vector.broadcast %add3A : i32 to vector<16xi32>
        %lt3A_147 = arith.cmpi slt, %get3A_143, %lt3A_146 : vector<16xi32>
        %and3A_148 = arith.andi %ge3A_145, %lt3A_147 : vector<16xi1>
        %sub3A_149 = vector.broadcast %mul3A_0 : i32 to vector<16xi32>
        %sub3A_150 = arith.subi %get3A_143, %sub3A_149 : vector<16xi32>
        %jit3A_151 = arith.constant 12504 : i32
        %broadcast_in_dim3A_152 = vector.broadcast %jit3A_151 : i32 to vector<16xi32>
        %select_n3A_153 = arith.select %and3A_148, %sub3A_150, %broadcast_in_dim3A_152 : vector<16xi1>, vector<16xi32>
        %swap3A_154 = arith.index_cast %scan3A_88 : i32 to index
        %swap3A_155 = arith.constant 48 : index
        %swap3A_156 = tpu.vector_load %arg7[%swap3A_154, %swap3A_155] {strides = array<i32>} : memref<56x64xi32, #tpu.memory_space<vmem>>, vector<1x16xi32>,
        %swap3A_157 = vector.shape_cast %swap3A_156 : vector<1x16xi32> to vector<16xi32>
        %swap3A_158 = vector.shape_cast %select_n3A_153 : vector<16xi32> to vector<1x16xi32>
        tpu.vector_store %arg7[%swap3A_154, %swap3A_155], %swap3A_158 {strides = array<i32>} : memref<56x64xi32, #tpu.memory_space<vmem>>, vector<1x16xi32>,
      }
      %scan3A_66 = arith.constant 56 : i32
      %dma_start3A = arith.constant 0 : i32
      %dma_start3A_67 = arith.constant 0 : i32
      %dma_start3A_68 = tpu.memref_slice %arg6[%dma_start3A, %dma_start3A_67] : memref<56x64xi32, #tpu.memory_space<vmem>> -> memref<1x64xi32, #tpu.memory_space<vmem>>
      %dma_start3A_69 = tpu.memref_squeeze %dma_start3A_68 : memref<1x64xi32, #tpu.memory_space<vmem>> -> memref<64xi32, #tpu.memory_space<vmem>>
      %dma_start3A_70 = arith.constant 0 : i32
      %dma_start3A_71 = arith.constant 0 : i32
      %dma_start3A_72 = tpu.memref_slice %arg2[%dma_start3A_70, %dma_start3A_71] : memref<25000x128xf32, #tpu.memory_space<hbm>> -> memref<25000x128xf32, #tpu.memory_space<hbm>>
      tpu.enqueue_indirect_dma source(%dma_start3A_72 : memref<25000x128xf32, #tpu.memory_space<hbm>>) target(%arg8 : memref<64x128xf32, #tpu.memory_space<vmem>>) offsets(%dma_start3A_69 : memref<64xi32, #tpu.memory_space<vmem>>) semaphore(%arg11 : memref<!tpu.dma_semaphore, #tpu.memory_space<semaphore_mem>>)
      %dma_start3A_73 = arith.constant 1 : i32
      %dma_start3A_74 = arith.constant 0 : i32
      %dma_start3A_75 = tpu.memref_slice %arg6[%dma_start3A_73, %dma_start3A_74] : memref<56x64xi32, #tpu.memory_space<vmem>> -> memref<1x64xi32, #tpu.memory_space<vmem>>
      %dma_start3A_76 = tpu.memref_squeeze %dma_start3A_75 : memref<1x64xi32, #tpu.memory_space<vmem>> -> memref<64xi32, #tpu.memory_space<vmem>>
      %dma_start3A_77 = arith.constant 0 : i32
      %dma_start3A_78 = arith.constant 0 : i32
      %dma_start3A_79 = tpu.memref_slice %arg2[%dma_start3A_77, %dma_start3A_78] : memref<25000x128xf32, #tpu.memory_space<hbm>> -> memref<25000x128xf32, #tpu.memory_space<hbm>>
      tpu.enqueue_indirect_dma source(%dma_start3A_79 : memref<25000x128xf32, #tpu.memory_space<hbm>>) target(%arg9 : memref<64x128xf32, #tpu.memory_space<vmem>>) offsets(%dma_start3A_76 : memref<64xi32, #tpu.memory_space<vmem>>) semaphore(%arg12 : memref<!tpu.dma_semaphore, #tpu.memory_space<semaphore_mem>>)
      %scan3A_80 = arith.constant 0 : i32
      %scan3A_81 = arith.constant 0 : i32
      %scan3A_82 = arith.constant 1 : i32
      %scan3A_83 = arith.constant 0 : i32
      %scan3A_84 = arith.constant 28 : i32
      %scan3A_85 = arith.addi %scan3A_83, %scan3A_84 : i32
      %scan3A_86 = arith.constant 1 : i32
      scf.for %scan3A_88 = %scan3A_83 to %scan3A_85 step %scan3A_86  : i32 {
        %mul3A_89 = arith.constant 2 : i32
        %mul3A_90 = arith.muli %scan3A_88, %mul3A_89 : i32
        %add3A_91 = arith.constant 0 : i32
        %add3A_92 = arith.addi %mul3A_90, %add3A_91 : i32
        %dma_wait3A = arith.constant 0 : i32
        %dma_wait3A_93 = tpu.memref_slice %arg6[%scan3A_81, %dma_wait3A] : memref<56x64xi32, #tpu.memory_space<vmem>> -> memref<1x64xi32, #tpu.memory_space<vmem>>
        %dma_wait3A_94 = tpu.memref_squeeze %dma_wait3A_93 : memref<1x64xi32, #tpu.memory_space<vmem>> -> memref<64xi32, #tpu.memory_space<vmem>>
        %dma_wait3A_95 = arith.constant 0 : i32
        %dma_wait3A_96 = arith.constant 0 : i32
        %dma_wait3A_97 = tpu.memref_slice %arg2[%dma_wait3A_95, %dma_wait3A_96] : memref<25000x128xf32, #tpu.memory_space<hbm>> -> memref<25000x128xf32, #tpu.memory_space<hbm>>
        tpu.wait_indirect_dma semaphore(%arg11 : memref<!tpu.dma_semaphore, #tpu.memory_space<semaphore_mem>>) src(%dma_wait3A_97 : memref<25000x128xf32, #tpu.memory_space<hbm>>) dst(%arg8 : memref<64x128xf32, #tpu.memory_space<vmem>>)
        "tpu.region"() ({
          %run_scoped3A = tpu.sem_alloc : memref<!tpu.dma_semaphore, #tpu.memory_space<semaphore_mem>>
          %dma_start3A_121 = arith.constant 0 : i32
          %dma_start3A_122 = tpu.memref_slice %arg7[%add3A_92, %dma_start3A_121] : memref<56x64xi32, #tpu.memory_space<vmem>> -> memref<1x64xi32, #tpu.memory_space<vmem>>
          %dma_start3A_123 = tpu.memref_squeeze %dma_start3A_122 : memref<1x64xi32, #tpu.memory_space<vmem>> -> memref<64xi32, #tpu.memory_space<vmem>>
          %dma_start3A_124 = arith.constant 0 : i32
          %dma_start3A_125 = arith.constant 0 : i32
          %dma_start3A_126 = tpu.memref_slice %arg10[%dma_start3A_124, %dma_start3A_125] : memref<12544x128xf32, #tpu.memory_space<vmem_shared>> -> memref<12544x128xf32, #tpu.memory_space<vmem_shared>>
          tpu.enqueue_indirect_dma source(%arg8 : memref<64x128xf32, #tpu.memory_space<vmem>>) target(%dma_start3A_126 : memref<12544x128xf32, #tpu.memory_space<vmem_shared>>) offsets(%dma_start3A_123 : memref<64xi32, #tpu.memory_space<vmem>>) semaphore(%run_scoped3A : memref<!tpu.dma_semaphore, #tpu.memory_space<semaphore_mem>>) {add = true}
          %dma_wait3A_127 = arith.constant 0 : i32
          %dma_wait3A_128 = tpu.memref_slice %arg7[%add3A_92, %dma_wait3A_127] : memref<56x64xi32, #tpu.memory_space<vmem>> -> memref<1x64xi32, #tpu.memory_space<vmem>>
          %dma_wait3A_129 = tpu.memref_squeeze %dma_wait3A_128 : memref<1x64xi32, #tpu.memory_space<vmem>> -> memref<64xi32, #tpu.memory_space<vmem>>
          %dma_wait3A_130 = arith.constant 0 : i32
          %dma_wait3A_131 = arith.constant 0 : i32
          %dma_wait3A_132 = tpu.memref_slice %arg10[%dma_wait3A_130, %dma_wait3A_131] : memref<12544x128xf32, #tpu.memory_space<vmem_shared>> -> memref<12544x128xf32, #tpu.memory_space<vmem_shared>>
          tpu.wait_indirect_dma semaphore(%run_scoped3A : memref<!tpu.dma_semaphore, #tpu.memory_space<semaphore_mem>>) src(%arg8 : memref<64x128xf32, #tpu.memory_space<vmem>>) dst(%dma_wait3A_132 : memref<12544x128xf32, #tpu.memory_space<vmem_shared>>)
          tpu.yield
        }) : () -> ()
        %add3A_98 = arith.constant 2 : i32
        %add3A_99 = arith.addi %add3A_92, %add3A_98 : i32
        %lt3A = arith.constant 56 : i32
        %lt3A_100 = arith.cmpi slt, %add3A_99, %lt3A : i32
        %convert_element_type3A_101 = arith.extui %lt3A_100 : i1 to i32
        %cond3A_102 = arith.constant 0 : i32
        %cond3A_103 = arith.cmpi ne, %convert_element_type3A_101, %cond3A_102 : i32
        scf.if %cond3A_103 {
          %add3A_121 = arith.constant 2 : i32
          %add3A_122 = arith.addi %add3A_92, %add3A_121 : i32
          %dma_start3A_123 = arith.constant 0 : i32
          %dma_start3A_124 = tpu.memref_slice %arg6[%add3A_122, %dma_start3A_123] : memref<56x64xi32, #tpu.memory_space<vmem>> -> memref<1x64xi32, #tpu.memory_space<vmem>>
          %dma_start3A_125 = tpu.memref_squeeze %dma_start3A_124 : memref<1x64xi32, #tpu.memory_space<vmem>> -> memref<64xi32, #tpu.memory_space<vmem>>
          %dma_start3A_126 = arith.constant 0 : i32
          %dma_start3A_127 = arith.constant 0 : i32
          %dma_start3A_128 = tpu.memref_slice %arg2[%dma_start3A_126, %dma_start3A_127] : memref<25000x128xf32, #tpu.memory_space<hbm>> -> memref<25000x128xf32, #tpu.memory_space<hbm>>
          tpu.enqueue_indirect_dma source(%dma_start3A_128 : memref<25000x128xf32, #tpu.memory_space<hbm>>) target(%arg8 : memref<64x128xf32, #tpu.memory_space<vmem>>) offsets(%dma_start3A_125 : memref<64xi32, #tpu.memory_space<vmem>>) semaphore(%arg11 : memref<!tpu.dma_semaphore, #tpu.memory_space<semaphore_mem>>)
        } else {
        }
        %mul3A_104 = arith.constant 2 : i32
        %mul3A_105 = arith.muli %scan3A_88, %mul3A_104 : i32
        %add3A_106 = arith.constant 1 : i32
        %add3A_107 = arith.addi %mul3A_105, %add3A_106 : i32
        %dma_wait3A_108 = arith.constant 0 : i32
        %dma_wait3A_109 = tpu.memref_slice %arg6[%scan3A_82, %dma_wait3A_108] : memref<56x64xi32, #tpu.memory_space<vmem>> -> memref<1x64xi32, #tpu.memory_space<vmem>>
        %dma_wait3A_110 = tpu.memref_squeeze %dma_wait3A_109 : memref<1x64xi32, #tpu.memory_space<vmem>> -> memref<64xi32, #tpu.memory_space<vmem>>
        %dma_wait3A_111 = arith.constant 0 : i32
        %dma_wait3A_112 = arith.constant 0 : i32
        %dma_wait3A_113 = tpu.memref_slice %arg2[%dma_wait3A_111, %dma_wait3A_112] : memref<25000x128xf32, #tpu.memory_space<hbm>> -> memref<25000x128xf32, #tpu.memory_space<hbm>>
        tpu.wait_indirect_dma semaphore(%arg12 : memref<!tpu.dma_semaphore, #tpu.memory_space<semaphore_mem>>) src(%dma_wait3A_113 : memref<25000x128xf32, #tpu.memory_space<hbm>>) dst(%arg9 : memref<64x128xf32, #tpu.memory_space<vmem>>)
        "tpu.region"() ({
          %run_scoped3A = tpu.sem_alloc : memref<!tpu.dma_semaphore, #tpu.memory_space<semaphore_mem>>
          %dma_start3A_121 = arith.constant 0 : i32
          %dma_start3A_122 = tpu.memref_slice %arg7[%add3A_107, %dma_start3A_121] : memref<56x64xi32, #tpu.memory_space<vmem>> -> memref<1x64xi32, #tpu.memory_space<vmem>>
          %dma_start3A_123 = tpu.memref_squeeze %dma_start3A_122 : memref<1x64xi32, #tpu.memory_space<vmem>> -> memref<64xi32, #tpu.memory_space<vmem>>
          %dma_start3A_124 = arith.constant 0 : i32
          %dma_start3A_125 = arith.constant 0 : i32
          %dma_start3A_126 = tpu.memref_slice %arg10[%dma_start3A_124, %dma_start3A_125] : memref<12544x128xf32, #tpu.memory_space<vmem_shared>> -> memref<12544x128xf32, #tpu.memory_space<vmem_shared>>
          tpu.enqueue_indirect_dma source(%arg9 : memref<64x128xf32, #tpu.memory_space<vmem>>) target(%dma_start3A_126 : memref<12544x128xf32, #tpu.memory_space<vmem_shared>>) offsets(%dma_start3A_123 : memref<64xi32, #tpu.memory_space<vmem>>) semaphore(%run_scoped3A : memref<!tpu.dma_semaphore, #tpu.memory_space<semaphore_mem>>) {add = true}
          %dma_wait3A_127 = arith.constant 0 : i32
          %dma_wait3A_128 = tpu.memref_slice %arg7[%add3A_107, %dma_wait3A_127] : memref<56x64xi32, #tpu.memory_space<vmem>> -> memref<1x64xi32, #tpu.memory_space<vmem>>
          %dma_wait3A_129 = tpu.memref_squeeze %dma_wait3A_128 : memref<1x64xi32, #tpu.memory_space<vmem>> -> memref<64xi32, #tpu.memory_space<vmem>>
          %dma_wait3A_130 = arith.constant 0 : i32
          %dma_wait3A_131 = arith.constant 0 : i32
          %dma_wait3A_132 = tpu.memref_slice %arg10[%dma_wait3A_130, %dma_wait3A_131] : memref<12544x128xf32, #tpu.memory_space<vmem_shared>> -> memref<12544x128xf32, #tpu.memory_space<vmem_shared>>
          tpu.wait_indirect_dma semaphore(%run_scoped3A : memref<!tpu.dma_semaphore, #tpu.memory_space<semaphore_mem>>) src(%arg9 : memref<64x128xf32, #tpu.memory_space<vmem>>) dst(%dma_wait3A_132 : memref<12544x128xf32, #tpu.memory_space<vmem_shared>>)
          tpu.yield
        }) : () -> ()
        %add3A_114 = arith.constant 2 : i32
        %add3A_115 = arith.addi %add3A_107, %add3A_114 : i32
        %lt3A_116 = arith.constant 56 : i32
        %lt3A_117 = arith.cmpi slt, %add3A_115, %lt3A_116 : i32
        %convert_element_type3A_118 = arith.extui %lt3A_117 : i1 to i32
        %cond3A_119 = arith.constant 0 : i32
        %cond3A_120 = arith.cmpi ne, %convert_element_type3A_118, %cond3A_119 : i32
        scf.if %cond3A_120 {
          %add3A_121 = arith.constant 2 : i32
          %add3A_122 = arith.addi %add3A_107, %add3A_121 : i32
          %dma_start3A_123 = arith.constant 0 : i32
          %dma_start3A_124 = tpu.memref_slice %arg6[%add3A_122, %dma_start3A_123] : memref<56x64xi32, #tpu.memory_space<vmem>> -> memref<1x64xi32, #tpu.memory_space<vmem>>
          %dma_start3A_125 = tpu.memref_squeeze %dma_start3A_124 : memref<1x64xi32, #tpu.memory_space<vmem>> -> memref<64xi32, #tpu.memory_space<vmem>>
          %dma_start3A_126 = arith.constant 0 : i32
          %dma_start3A_127 = arith.constant 0 : i32
          %dma_start3A_128 = tpu.memref_slice %arg2[%dma_start3A_126, %dma_start3A_127] : memref<25000x128xf32, #tpu.memory_space<hbm>> -> memref<25000x128xf32, #tpu.memory_space<hbm>>
          tpu.enqueue_indirect_dma source(%dma_start3A_128 : memref<25000x128xf32, #tpu.memory_space<hbm>>) target(%arg9 : memref<64x128xf32, #tpu.memory_space<vmem>>) offsets(%dma_start3A_125 : memref<64xi32, #tpu.memory_space<vmem>>) semaphore(%arg12 : memref<!tpu.dma_semaphore, #tpu.memory_space<semaphore_mem>>)
        } else {
        }
      }
      %scan3A_87 = arith.constant 28 : i32
    }
    %scan3A_44 = arith.constant 7 : i32
    %barrier3A_45 = arith.constant 0 : index
    tpu.barrier barrier_id(%barrier3A_45)
    %eq3A_46 = arith.constant 0 : i32
    %eq3A_47 = arith.cmpi eq, %arg0, %eq3A_46 : i32
    %convert_element_type3A = arith.extui %eq3A_47 : i1 to i32
    %cond3A = arith.constant 0 : i32
    %cond3A_48 = arith.cmpi ne, %convert_element_type3A, %cond3A : i32
    scf.if %cond3A_48 {
      %lt3A = arith.constant 15 : i32
      %lt3A_54 = arith.cmpi slt, %arg1, %lt3A : i32
      %convert_element_type3A_55 = arith.extui %lt3A_54 : i1 to i32
      %cond3A_56 = arith.constant 0 : i32
      %cond3A_57 = arith.cmpi ne, %convert_element_type3A_55, %cond3A_56 : i32
      scf.if %cond3A_57 {
        %mul3A_63 = arith.constant 784 : i32
        %mul3A_64 = arith.muli %arg1, %mul3A_63 : i32
        %mul3A_65 = arith.constant 784 : i32
        %mul3A_66 = arith.muli %arg1, %mul3A_65 : i32
        %add3A_67 = arith.constant 0 : i32
        %add3A_68 = arith.addi %add3A_67, %mul3A_66 : i32
        "tpu.region"() ({
          %run_scoped3A = tpu.sem_alloc : memref<!tpu.dma_semaphore, #tpu.memory_space<semaphore_mem>>
          %dma_start3A = arith.constant 0 : i32
          %dma_start3A_69 = tpu.memref_slice %arg5[%add3A_68, %dma_start3A] : memref<25000x128xf32, #tpu.memory_space<hbm>> -> memref<784x128xf32, #tpu.memory_space<hbm>>
          %dma_start3A_70 = arith.constant 0 : i32
          %dma_start3A_71 = tpu.memref_slice %arg10[%mul3A_64, %dma_start3A_70] : memref<12544x128xf32, #tpu.memory_space<vmem_shared>> -> memref<784x128xf32, #tpu.memory_space<vmem_shared>>
          tpu.enqueue_dma source(%dma_start3A_71 : memref<784x128xf32, #tpu.memory_space<vmem_shared>>) target(%dma_start3A_69 : memref<784x128xf32, #tpu.memory_space<hbm>>) target_semaphore(%run_scoped3A : memref<!tpu.dma_semaphore, #tpu.memory_space<semaphore_mem>>)
          %dma_wait3A = arith.constant 0 : i32
          %dma_wait3A_72 = tpu.memref_slice %arg5[%add3A_68, %dma_wait3A] : memref<25000x128xf32, #tpu.memory_space<hbm>> -> memref<784x128xf32, #tpu.memory_space<hbm>>
          %dma_wait3A_73 = arith.constant 0 : i32
          %dma_wait3A_74 = tpu.memref_slice %arg10[%mul3A_64, %dma_wait3A_73] : memref<12544x128xf32, #tpu.memory_space<vmem_shared>> -> memref<784x128xf32, #tpu.memory_space<vmem_shared>>
          tpu.wait_dma2 semaphore(%run_scoped3A : memref<!tpu.dma_semaphore, #tpu.memory_space<semaphore_mem>>) src(%dma_wait3A_74 : memref<784x128xf32, #tpu.memory_space<vmem_shared>>) dst(%dma_wait3A_72 : memref<784x128xf32, #tpu.memory_space<hbm>>)
          tpu.yield
        }) : () -> ()
      } else {
      }
      %eq3A_58 = arith.constant 15 : i32
      %eq3A_59 = arith.cmpi eq, %arg1, %eq3A_58 : i32
      %convert_element_type3A_60 = arith.extui %eq3A_59 : i1 to i32
      %cond3A_61 = arith.constant 0 : i32
      %cond3A_62 = arith.cmpi ne, %convert_element_type3A_60, %cond3A_61 : i32
      scf.if %cond3A_62 {
        "tpu.region"() ({
          %run_scoped3A = tpu.sem_alloc : memref<!tpu.dma_semaphore, #tpu.memory_space<semaphore_mem>>
          %dma_start3A = arith.constant 11760 : i32
          %dma_start3A_63 = arith.constant 0 : i32
          %dma_start3A_64 = tpu.memref_slice %arg5[%dma_start3A, %dma_start3A_63] : memref<25000x128xf32, #tpu.memory_space<hbm>> -> memref<744x128xf32, #tpu.memory_space<hbm>>
          %dma_start3A_65 = arith.constant 11760 : i32
          %dma_start3A_66 = arith.constant 0 : i32
          %dma_start3A_67 = tpu.memref_slice %arg10[%dma_start3A_65, %dma_start3A_66] : memref<12544x128xf32, #tpu.memory_space<vmem_shared>> -> memref<744x128xf32, #tpu.memory_space<vmem_shared>>
          tpu.enqueue_dma source(%dma_start3A_67 : memref<744x128xf32, #tpu.memory_space<vmem_shared>>) target(%dma_start3A_64 : memref<744x128xf32, #tpu.memory_space<hbm>>) target_semaphore(%run_scoped3A : memref<!tpu.dma_semaphore, #tpu.memory_space<semaphore_mem>>)
          %dma_wait3A = arith.constant 11760 : i32
          %dma_wait3A_68 = arith.constant 0 : i32
          %dma_wait3A_69 = tpu.memref_slice %arg5[%dma_wait3A, %dma_wait3A_68] : memref<25000x128xf32, #tpu.memory_space<hbm>> -> memref<744x128xf32, #tpu.memory_space<hbm>>
          %dma_wait3A_70 = arith.constant 11760 : i32
          %dma_wait3A_71 = arith.constant 0 : i32
          %dma_wait3A_72 = tpu.memref_slice %arg10[%dma_wait3A_70, %dma_wait3A_71] : memref<12544x128xf32, #tpu.memory_space<vmem_shared>> -> memref<744x128xf32, #tpu.memory_space<vmem_shared>>
          tpu.wait_dma2 semaphore(%run_scoped3A : memref<!tpu.dma_semaphore, #tpu.memory_space<semaphore_mem>>) src(%dma_wait3A_72 : memref<744x128xf32, #tpu.memory_space<vmem_shared>>) dst(%dma_wait3A_69 : memref<744x128xf32, #tpu.memory_space<hbm>>)
          tpu.yield
        }) : () -> ()
      } else {
      }
    } else {
    }
    %eq3A_49 = arith.constant 1 : i32
    %eq3A_50 = arith.cmpi eq, %arg0, %eq3A_49 : i32
    %convert_element_type3A_51 = arith.extui %eq3A_50 : i1 to i32
    %cond3A_52 = arith.constant 0 : i32
    %cond3A_53 = arith.cmpi ne, %convert_element_type3A_51, %cond3A_52 : i32
    scf.if %cond3A_53 {
      %lt3A = arith.constant 15 : i32
      %lt3A_54 = arith.cmpi slt, %arg1, %lt3A : i32
      %convert_element_type3A_55 = arith.extui %lt3A_54 : i1 to i32
      %cond3A_56 = arith.constant 0 : i32
      %cond3A_57 = arith.cmpi ne, %convert_element_type3A_55, %cond3A_56 : i32
      scf.if %cond3A_57 {
        %mul3A_63 = arith.constant 784 : i32
        %mul3A_64 = arith.muli %arg1, %mul3A_63 : i32
        %mul3A_65 = arith.constant 784 : i32
        %mul3A_66 = arith.muli %arg1, %mul3A_65 : i32
        %add3A_67 = arith.constant 12504 : i32
        %add3A_68 = arith.addi %add3A_67, %mul3A_66 : i32
        "tpu.region"() ({
          %run_scoped3A = tpu.sem_alloc : memref<!tpu.dma_semaphore, #tpu.memory_space<semaphore_mem>>
          %dma_start3A = arith.constant 0 : i32
          %dma_start3A_69 = tpu.memref_slice %arg5[%add3A_68, %dma_start3A] : memref<25000x128xf32, #tpu.memory_space<hbm>> -> memref<784x128xf32, #tpu.memory_space<hbm>>
          %dma_start3A_70 = arith.constant 0 : i32
          %dma_start3A_71 = tpu.memref_slice %arg10[%mul3A_64, %dma_start3A_70] : memref<12544x128xf32, #tpu.memory_space<vmem_shared>> -> memref<784x128xf32, #tpu.memory_space<vmem_shared>>
          tpu.enqueue_dma source(%dma_start3A_71 : memref<784x128xf32, #tpu.memory_space<vmem_shared>>) target(%dma_start3A_69 : memref<784x128xf32, #tpu.memory_space<hbm>>) target_semaphore(%run_scoped3A : memref<!tpu.dma_semaphore, #tpu.memory_space<semaphore_mem>>)
          %dma_wait3A = arith.constant 0 : i32
          %dma_wait3A_72 = tpu.memref_slice %arg5[%add3A_68, %dma_wait3A] : memref<25000x128xf32, #tpu.memory_space<hbm>> -> memref<784x128xf32, #tpu.memory_space<hbm>>
          %dma_wait3A_73 = arith.constant 0 : i32
          %dma_wait3A_74 = tpu.memref_slice %arg10[%mul3A_64, %dma_wait3A_73] : memref<12544x128xf32, #tpu.memory_space<vmem_shared>> -> memref<784x128xf32, #tpu.memory_space<vmem_shared>>
          tpu.wait_dma2 semaphore(%run_scoped3A : memref<!tpu.dma_semaphore, #tpu.memory_space<semaphore_mem>>) src(%dma_wait3A_74 : memref<784x128xf32, #tpu.memory_space<vmem_shared>>) dst(%dma_wait3A_72 : memref<784x128xf32, #tpu.memory_space<hbm>>)
          tpu.yield
        }) : () -> ()
      } else {
      }
      %eq3A_58 = arith.constant 15 : i32
      %eq3A_59 = arith.cmpi eq, %arg1, %eq3A_58 : i32
      %convert_element_type3A_60 = arith.extui %eq3A_59 : i1 to i32
      %cond3A_61 = arith.constant 0 : i32
      %cond3A_62 = arith.cmpi ne, %convert_element_type3A_60, %cond3A_61 : i32
      scf.if %cond3A_62 {
        "tpu.region"() ({
          %run_scoped3A = tpu.sem_alloc : memref<!tpu.dma_semaphore, #tpu.memory_space<semaphore_mem>>
          %dma_start3A = arith.constant 24264 : i32
          %dma_start3A_63 = arith.constant 0 : i32
          %dma_start3A_64 = tpu.memref_slice %arg5[%dma_start3A, %dma_start3A_63] : memref<25000x128xf32, #tpu.memory_space<hbm>> -> memref<736x128xf32, #tpu.memory_space<hbm>>
          %dma_start3A_65 = arith.constant 11760 : i32
          %dma_start3A_66 = arith.constant 0 : i32
          %dma_start3A_67 = tpu.memref_slice %arg10[%dma_start3A_65, %dma_start3A_66] : memref<12544x128xf32, #tpu.memory_space<vmem_shared>> -> memref<736x128xf32, #tpu.memory_space<vmem_shared>>
          tpu.enqueue_dma source(%dma_start3A_67 : memref<736x128xf32, #tpu.memory_space<vmem_shared>>) target(%dma_start3A_64 : memref<736x128xf32, #tpu.memory_space<hbm>>) target_semaphore(%run_scoped3A : memref<!tpu.dma_semaphore, #tpu.memory_space<semaphore_mem>>)
          %dma_wait3A = arith.constant 24264 : i32
          %dma_wait3A_68 = arith.constant 0 : i32
          %dma_wait3A_69 = tpu.memref_slice %arg5[%dma_wait3A, %dma_wait3A_68] : memref<25000x128xf32, #tpu.memory_space<hbm>> -> memref<736x128xf32, #tpu.memory_space<hbm>>
          %dma_wait3A_70 = arith.constant 11760 : i32
          %dma_wait3A_71 = arith.constant 0 : i32
          %dma_wait3A_72 = tpu.memref_slice %arg10[%dma_wait3A_70, %dma_wait3A_71] : memref<12544x128xf32, #tpu.memory_space<vmem_shared>> -> memref<736x128xf32, #tpu.memory_space<vmem_shared>>
          tpu.wait_dma2 semaphore(%run_scoped3A : memref<!tpu.dma_semaphore, #tpu.memory_space<semaphore_mem>>) src(%dma_wait3A_72 : memref<736x128xf32, #tpu.memory_space<vmem_shared>>) dst(%dma_wait3A_69 : memref<736x128xf32, #tpu.memory_space<hbm>>)
          tpu.yield
        }) : () -> ()
      } else {
      }
    } else {
    }
    return
  }
}

#map = affine_map<(d0, d1) -> (0, 0)>
module attributes {stable_mosaic.version = 14 : i64} {
  func.func @_scatter_add(%arg0: i32, %arg1: i32, %arg2: memref<25000x128xf32, #tpu.memory_space<hbm>>, %arg3: memref<6272x64xi32, #tpu.memory_space<hbm>>, %arg4: memref<6272x64xi32, #tpu.memory_space<hbm>>, %arg5: memref<25000x128xf32, #tpu.memory_space<hbm>>, %arg6: memref<56x64xi32, #tpu.memory_space<vmem>>, %arg7: memref<56x64xi32, #tpu.memory_space<vmem>>, %arg8: memref<64x128xf32, #tpu.memory_space<vmem>>, %arg9: memref<64x128xf32, #tpu.memory_space<vmem>>, %arg10: memref<12544x128xf32, #tpu.memory_space<vmem_shared>>, %arg11: memref<!tpu.dma_semaphore, #tpu.memory_space<semaphore_mem>>, %arg12: memref<!tpu.dma_semaphore, #tpu.memory_space<semaphore_mem>>) attributes {dimension_semantics = [#tpu.dimension_semantics<core_parallel>, #tpu.dimension_semantics<subcore_parallel>], iteration_bounds = array<i64: 2, 16>, scalar_prefetch = 0 : i64, scratch_operands = 7 : i64, tpu.core_type = #tpu.core_type<sc_vector_subcore>, window_params = [{transform_indices = #map}, {transform_indices = #map}, {transform_indices = #map}, {transform_indices = #map}]} {
    %mul3A = arith.constant 12504 : i32
    %mul3A_0 = arith.muli %arg0, %mul3A : i32
    %eq3A = arith.constant 0 : i32
    %eq3A_1 = arith.cmpi eq, %arg0, %eq3A : i32
    %jit3A = arith.constant 12504 : i32
    %jit3A_2 = arith.constant 12496 : i32
    %select_n3A = arith.select %eq3A_1, %jit3A, %jit3A_2 : i32
    %add3A = arith.addi %mul3A_0, %select_n3A : i32
    %broadcast_in_dim3A = arith.constant 0.000000e+00 : f32
    %broadcast_in_dim3A_3 = vector.broadcast %broadcast_in_dim3A : f32 to vector<16xf32>
    %scan3A = arith.constant 0 : i32
    %scan3A_4 = arith.constant 0 : i32
    %scan3A_5 = arith.constant 64 : i32
    %scan3A_6 = arith.addi %scan3A_4, %scan3A_5 : i32
    %scan3A_7 = arith.constant 1 : i32
    scf.for %scan3A_54 = %scan3A_4 to %scan3A_6 step %scan3A_7  : i32 {
      %swap3A = arith.index_cast %scan3A_54 : i32 to index
      %swap3A_55 = arith.constant 0 : index
      %swap3A_56 = tpu.vector_load %arg8[%swap3A, %swap3A_55] {strides = array<i32>} : memref<64x128xf32, #tpu.memory_space<vmem>>, vector<1x16xf32>,
      %swap3A_57 = vector.shape_cast %swap3A_56 : vector<1x16xf32> to vector<16xf32>
      %swap3A_58 = vector.shape_cast %broadcast_in_dim3A_3 : vector<16xf32> to vector<1x16xf32>
      tpu.vector_store %arg8[%swap3A, %swap3A_55], %swap3A_58 {strides = array<i32>} : memref<64x128xf32, #tpu.memory_space<vmem>>, vector<1x16xf32>,
      %swap3A_59 = arith.index_cast %scan3A_54 : i32 to index
      %swap3A_60 = arith.constant 16 : index
      %swap3A_61 = tpu.vector_load %arg8[%swap3A_59, %swap3A_60] {strides = array<i32>} : memref<64x128xf32, #tpu.memory_space<vmem>>, vector<1x16xf32>,
      %swap3A_62 = vector.shape_cast %swap3A_61 : vector<1x16xf32> to vector<16xf32>
      %swap3A_63 = vector.shape_cast %broadcast_in_dim3A_3 : vector<16xf32> to vector<1x16xf32>
      tpu.vector_store %arg8[%swap3A_59, %swap3A_60], %swap3A_63 {strides = array<i32>} : memref<64x128xf32, #tpu.memory_space<vmem>>, vector<1x16xf32>,
      %swap3A_64 = arith.index_cast %scan3A_54 : i32 to index
      %swap3A_65 = arith.constant 32 : index
      %swap3A_66 = tpu.vector_load %arg8[%swap3A_64, %swap3A_65] {strides = array<i32>} : memref<64x128xf32, #tpu.memory_space<vmem>>, vector<1x16xf32>,
      %swap3A_67 = vector.shape_cast %swap3A_66 : vector<1x16xf32> to vector<16xf32>
      %swap3A_68 = vector.shape_cast %broadcast_in_dim3A_3 : vector<16xf32> to vector<1x16xf32>
      tpu.vector_store %arg8[%swap3A_64, %swap3A_65], %swap3A_68 {strides = array<i32>} : memref<64x128xf32, #tpu.memory_space<vmem>>, vector<1x16xf32>,
      %swap3A_69 = arith.index_cast %scan3A_54 : i32 to index
      %swap3A_70 = arith.constant 48 : index
      %swap3A_71 = tpu.vector_load %arg8[%swap3A_69, %swap3A_70] {strides = array<i32>} : memref<64x128xf32, #tpu.memory_space<vmem>>, vector<1x16xf32>,
      %swap3A_72 = vector.shape_cast %swap3A_71 : vector<1x16xf32> to vector<16xf32>
      %swap3A_73 = vector.shape_cast %broadcast_in_dim3A_3 : vector<16xf32> to vector<1x16xf32>
      tpu.vector_store %arg8[%swap3A_69, %swap3A_70], %swap3A_73 {strides = array<i32>} : memref<64x128xf32, #tpu.memory_space<vmem>>, vector<1x16xf32>,
      %swap3A_74 = arith.index_cast %scan3A_54 : i32 to index
      %swap3A_75 = arith.constant 64 : index
      %swap3A_76 = tpu.vector_load %arg8[%swap3A_74, %swap3A_75] {strides = array<i32>} : memref<64x128xf32, #tpu.memory_space<vmem>>, vector<1x16xf32>,
      %swap3A_77 = vector.shape_cast %swap3A_76 : vector<1x16xf32> to vector<16xf32>
      %swap3A_78 = vector.shape_cast %broadcast_in_dim3A_3 : vector<16xf32> to vector<1x16xf32>
      tpu.vector_store %arg8[%swap3A_74, %swap3A_75], %swap3A_78 {strides = array<i32>} : memref<64x128xf32, #tpu.memory_space<vmem>>, vector<1x16xf32>,
      %swap3A_79 = arith.index_cast %scan3A_54 : i32 to index
      %swap3A_80 = arith.constant 80 : index
      %swap3A_81 = tpu.vector_load %arg8[%swap3A_79, %swap3A_80] {strides = array<i32>} : memref<64x128xf32, #tpu.memory_space<vmem>>, vector<1x16xf32>,
      %swap3A_82 = vector.shape_cast %swap3A_81 : vector<1x16xf32> to vector<16xf32>
      %swap3A_83 = vector.shape_cast %broadcast_in_dim3A_3 : vector<16xf32> to vector<1x16xf32>
      tpu.vector_store %arg8[%swap3A_79, %swap3A_80], %swap3A_83 {strides = array<i32>} : memref<64x128xf32, #tpu.memory_space<vmem>>, vector<1x16xf32>,
      %swap3A_84 = arith.index_cast %scan3A_54 : i32 to index
      %swap3A_85 = arith.constant 96 : index
      %swap3A_86 = tpu.vector_load %arg8[%swap3A_84, %swap3A_85] {strides = array<i32>} : memref<64x128xf32, #tpu.memory_space<vmem>>, vector<1x16xf32>,
      %swap3A_87 = vector.shape_cast %swap3A_86 : vector<1x16xf32> to vector<16xf32>
      %swap3A_88 = vector.shape_cast %broadcast_in_dim3A_3 : vector<16xf32> to vector<1x16xf32>
      tpu.vector_store %arg8[%swap3A_84, %swap3A_85], %swap3A_88 {strides = array<i32>} : memref<64x128xf32, #tpu.memory_space<vmem>>, vector<1x16xf32>,
      %swap3A_89 = arith.index_cast %scan3A_54 : i32 to index
      %swap3A_90 = arith.constant 112 : index
      %swap3A_91 = tpu.vector_load %arg8[%swap3A_89, %swap3A_90] {strides = array<i32>} : memref<64x128xf32, #tpu.memory_space<vmem>>, vector<1x16xf32>,
      %swap3A_92 = vector.shape_cast %swap3A_91 : vector<1x16xf32> to vector<16xf32>
      %swap3A_93 = vector.shape_cast %broadcast_in_dim3A_3 : vector<16xf32> to vector<1x16xf32>
      tpu.vector_store %arg8[%swap3A_89, %swap3A_90], %swap3A_93 {strides = array<i32>} : memref<64x128xf32, #tpu.memory_space<vmem>>, vector<1x16xf32>,
    }
    %scan3A_8 = arith.constant 64 : i32
    %mul3A_9 = arith.constant 784 : i32
    %mul3A_10 = arith.muli %arg1, %mul3A_9 : i32
    %add3A_11 = arith.constant 0 : i32
    %add3A_12 = arith.addi %mul3A_10, %add3A_11 : i32
    "tpu.region"() ({
      %run_scoped3A = tpu.sem_alloc : memref<!tpu.dma_semaphore, #tpu.memory_space<semaphore_mem>>
      %dma_start3A = arith.constant 0 : i32
      %dma_start3A_54 = tpu.memref_slice %arg10[%add3A_12, %dma_start3A] : memref<12544x128xf32, #tpu.memory_space<vmem_shared>> -> memref<64x128xf32, #tpu.memory_space<vmem_shared>>
      %dma_start3A_55 = arith.constant 0 : i32
      %dma_start3A_56 = tpu.memref_slice %arg10[%add3A_12, %dma_start3A_55] : memref<12544x128xf32, #tpu.memory_space<vmem_shared>> -> memref<64x128xf32, #tpu.memory_space<vmem_shared>>
      tpu.enqueue_dma source(%arg8 : memref<64x128xf32, #tpu.memory_space<vmem>>) target(%dma_start3A_56 : memref<64x128xf32, #tpu.memory_space<vmem_shared>>) target_semaphore(%run_scoped3A : memref<!tpu.dma_semaphore, #tpu.memory_space<semaphore_mem>>)
      %dma_wait3A = arith.constant 0 : i32
      %dma_wait3A_57 = tpu.memref_slice %arg10[%add3A_12, %dma_wait3A] : memref<12544x128xf32, #tpu.memory_space<vmem_shared>> -> memref<64x128xf32, #tpu.memory_space<vmem_shared>>
      %dma_wait3A_58 = arith.constant 0 : i32
      %dma_wait3A_59 = tpu.memref_slice %arg10[%add3A_12, %dma_wait3A_58] : memref<12544x128xf32, #tpu.memory_space<vmem_shared>> -> memref<64x128xf32, #tpu.memory_space<vmem_shared>>
      tpu.wait_dma2 semaphore(%run_scoped3A : memref<!tpu.dma_semaphore, #tpu.memory_space<semaphore_mem>>) src(%arg8 : memref<64x128xf32, #tpu.memory_space<vmem>>) dst(%dma_wait3A_59 : memref<64x128xf32, #tpu.memory_space<vmem_shared>>)
      tpu.yield
    }) : () -> ()
    %add3A_13 = arith.constant 64 : i32
    %add3A_14 = arith.addi %mul3A_10, %add3A_13 : i32
    "tpu.region"() ({
      %run_scoped3A = tpu.sem_alloc : memref<!tpu.dma_semaphore, #tpu.memory_space<semaphore_mem>>
      %dma_start3A = arith.constant 0 : i32
      %dma_start3A_54 = tpu.memref_slice %arg10[%add3A_14, %dma_start3A] : memref<12544x128xf32, #tpu.memory_space<vmem_shared>> -> memref<64x128xf32, #tpu.memory_space<vmem_shared>>
      %dma_start3A_55 = arith.constant 0 : i32
      %dma_start3A_56 = tpu.memref_slice %arg10[%add3A_14, %dma_start3A_55] : memref<12544x128xf32, #tpu.memory_space<vmem_shared>> -> memref<64x128xf32, #tpu.memory_space<vmem_shared>>
      tpu.enqueue_dma source(%arg8 : memref<64x128xf32, #tpu.memory_space<vmem>>) target(%dma_start3A_56 : memref<64x128xf32, #tpu.memory_space<vmem_shared>>) target_semaphore(%run_scoped3A : memref<!tpu.dma_semaphore, #tpu.memory_space<semaphore_mem>>)
      %dma_wait3A = arith.constant 0 : i32
      %dma_wait3A_57 = tpu.memref_slice %arg10[%add3A_14, %dma_wait3A] : memref<12544x128xf32, #tpu.memory_space<vmem_shared>> -> memref<64x128xf32, #tpu.memory_space<vmem_shared>>
      %dma_wait3A_58 = arith.constant 0 : i32
      %dma_wait3A_59 = tpu.memref_slice %arg10[%add3A_14, %dma_wait3A_58] : memref<12544x128xf32, #tpu.memory_space<vmem_shared>> -> memref<64x128xf32, #tpu.memory_space<vmem_shared>>
      tpu.wait_dma2 semaphore(%run_scoped3A : memref<!tpu.dma_semaphore, #tpu.memory_space<semaphore_mem>>) src(%arg8 : memref<64x128xf32, #tpu.memory_space<vmem>>) dst(%dma_wait3A_59 : memref<64x128xf32, #tpu.memory_space<vmem_shared>>)
      tpu.yield
    }) : () -> ()
    %add3A_15 = arith.constant 128 : i32
    %add3A_16 = arith.addi %mul3A_10, %add3A_15 : i32
    "tpu.region"() ({
      %run_scoped3A = tpu.sem_alloc : memref<!tpu.dma_semaphore, #tpu.memory_space<semaphore_mem>>
      %dma_start3A = arith.constant 0 : i32
      %dma_start3A_54 = tpu.memref_slice %arg10[%add3A_16, %dma_start3A] : memref<12544x128xf32, #tpu.memory_space<vmem_shared>> -> memref<64x128xf32, #tpu.memory_space<vmem_shared>>
      %dma_start3A_55 = arith.constant 0 : i32
      %dma_start3A_56 = tpu.memref_slice %arg10[%add3A_16, %dma_start3A_55] : memref<12544x128xf32, #tpu.memory_space<vmem_shared>> -> memref<64x128xf32, #tpu.memory_space<vmem_shared>>
      tpu.enqueue_dma source(%arg8 : memref<64x128xf32, #tpu.memory_space<vmem>>) target(%dma_start3A_56 : memref<64x128xf32, #tpu.memory_space<vmem_shared>>) target_semaphore(%run_scoped3A : memref<!tpu.dma_semaphore, #tpu.memory_space<semaphore_mem>>)
      %dma_wait3A = arith.constant 0 : i32
      %dma_wait3A_57 = tpu.memref_slice %arg10[%add3A_16, %dma_wait3A] : memref<12544x128xf32, #tpu.memory_space<vmem_shared>> -> memref<64x128xf32, #tpu.memory_space<vmem_shared>>
      %dma_wait3A_58 = arith.constant 0 : i32
      %dma_wait3A_59 = tpu.memref_slice %arg10[%add3A_16, %dma_wait3A_58] : memref<12544x128xf32, #tpu.memory_space<vmem_shared>> -> memref<64x128xf32, #tpu.memory_space<vmem_shared>>
      tpu.wait_dma2 semaphore(%run_scoped3A : memref<!tpu.dma_semaphore, #tpu.memory_space<semaphore_mem>>) src(%arg8 : memref<64x128xf32, #tpu.memory_space<vmem>>) dst(%dma_wait3A_59 : memref<64x128xf32, #tpu.memory_space<vmem_shared>>)
      tpu.yield
    }) : () -> ()
    %add3A_17 = arith.constant 192 : i32
    %add3A_18 = arith.addi %mul3A_10, %add3A_17 : i32
    "tpu.region"() ({
      %run_scoped3A = tpu.sem_alloc : memref<!tpu.dma_semaphore, #tpu.memory_space<semaphore_mem>>
      %dma_start3A = arith.constant 0 : i32
      %dma_start3A_54 = tpu.memref_slice %arg10[%add3A_18, %dma_start3A] : memref<12544x128xf32, #tpu.memory_space<vmem_shared>> -> memref<64x128xf32, #tpu.memory_space<vmem_shared>>
      %dma_start3A_55 = arith.constant 0 : i32
      %dma_start3A_56 = tpu.memref_slice %arg10[%add3A_18, %dma_start3A_55] : memref<12544x128xf32, #tpu.memory_space<vmem_shared>> -> memref<64x128xf32, #tpu.memory_space<vmem_shared>>
      tpu.enqueue_dma source(%arg8 : memref<64x128xf32, #tpu.memory_space<vmem>>) target(%dma_start3A_56 : memref<64x128xf32, #tpu.memory_space<vmem_shared>>) target_semaphore(%run_scoped3A : memref<!tpu.dma_semaphore, #tpu.memory_space<semaphore_mem>>)
      %dma_wait3A = arith.constant 0 : i32
      %dma_wait3A_57 = tpu.memref_slice %arg10[%add3A_18, %dma_wait3A] : memref<12544x128xf32, #tpu.memory_space<vmem_shared>> -> memref<64x128xf32, #tpu.memory_space<vmem_shared>>
      %dma_wait3A_58 = arith.constant 0 : i32
      %dma_wait3A_59 = tpu.memref_slice %arg10[%add3A_18, %dma_wait3A_58] : memref<12544x128xf32, #tpu.memory_space<vmem_shared>> -> memref<64x128xf32, #tpu.memory_space<vmem_shared>>
      tpu.wait_dma2 semaphore(%run_scoped3A : memref<!tpu.dma_semaphore, #tpu.memory_space<semaphore_mem>>) src(%arg8 : memref<64x128xf32, #tpu.memory_space<vmem>>) dst(%dma_wait3A_59 : memref<64x128xf32, #tpu.memory_space<vmem_shared>>)
      tpu.yield
    }) : () -> ()
    %add3A_19 = arith.constant 256 : i32
    %add3A_20 = arith.addi %mul3A_10, %add3A_19 : i32
    "tpu.region"() ({
      %run_scoped3A = tpu.sem_alloc : memref<!tpu.dma_semaphore, #tpu.memory_space<semaphore_mem>>
      %dma_start3A = arith.constant 0 : i32
      %dma_start3A_54 = tpu.memref_slice %arg10[%add3A_20, %dma_start3A] : memref<12544x128xf32, #tpu.memory_space<vmem_shared>> -> memref<64x128xf32, #tpu.memory_space<vmem_shared>>
      %dma_start3A_55 = arith.constant 0 : i32
      %dma_start3A_56 = tpu.memref_slice %arg10[%add3A_20, %dma_start3A_55] : memref<12544x128xf32, #tpu.memory_space<vmem_shared>> -> memref<64x128xf32, #tpu.memory_space<vmem_shared>>
      tpu.enqueue_dma source(%arg8 : memref<64x128xf32, #tpu.memory_space<vmem>>) target(%dma_start3A_56 : memref<64x128xf32, #tpu.memory_space<vmem_shared>>) target_semaphore(%run_scoped3A : memref<!tpu.dma_semaphore, #tpu.memory_space<semaphore_mem>>)
      %dma_wait3A = arith.constant 0 : i32
      %dma_wait3A_57 = tpu.memref_slice %arg10[%add3A_20, %dma_wait3A] : memref<12544x128xf32, #tpu.memory_space<vmem_shared>> -> memref<64x128xf32, #tpu.memory_space<vmem_shared>>
      %dma_wait3A_58 = arith.constant 0 : i32
      %dma_wait3A_59 = tpu.memref_slice %arg10[%add3A_20, %dma_wait3A_58] : memref<12544x128xf32, #tpu.memory_space<vmem_shared>> -> memref<64x128xf32, #tpu.memory_space<vmem_shared>>
      tpu.wait_dma2 semaphore(%run_scoped3A : memref<!tpu.dma_semaphore, #tpu.memory_space<semaphore_mem>>) src(%arg8 : memref<64x128xf32, #tpu.memory_space<vmem>>) dst(%dma_wait3A_59 : memref<64x128xf32, #tpu.memory_space<vmem_shared>>)
      tpu.yield
    }) : () -> ()
    %add3A_21 = arith.constant 320 : i32
    %add3A_22 = arith.addi %mul3A_10, %add3A_21 : i32
    "tpu.region"() ({
      %run_scoped3A = tpu.sem_alloc : memref<!tpu.dma_semaphore, #tpu.memory_space<semaphore_mem>>
      %dma_start3A = arith.constant 0 : i32
      %dma_start3A_54 = tpu.memref_slice %arg10[%add3A_22, %dma_start3A] : memref<12544x128xf32, #tpu.memory_space<vmem_shared>> -> memref<64x128xf32, #tpu.memory_space<vmem_shared>>
      %dma_start3A_55 = arith.constant 0 : i32
      %dma_start3A_56 = tpu.memref_slice %arg10[%add3A_22, %dma_start3A_55] : memref<12544x128xf32, #tpu.memory_space<vmem_shared>> -> memref<64x128xf32, #tpu.memory_space<vmem_shared>>
      tpu.enqueue_dma source(%arg8 : memref<64x128xf32, #tpu.memory_space<vmem>>) target(%dma_start3A_56 : memref<64x128xf32, #tpu.memory_space<vmem_shared>>) target_semaphore(%run_scoped3A : memref<!tpu.dma_semaphore, #tpu.memory_space<semaphore_mem>>)
      %dma_wait3A = arith.constant 0 : i32
      %dma_wait3A_57 = tpu.memref_slice %arg10[%add3A_22, %dma_wait3A] : memref<12544x128xf32, #tpu.memory_space<vmem_shared>> -> memref<64x128xf32, #tpu.memory_space<vmem_shared>>
      %dma_wait3A_58 = arith.constant 0 : i32
      %dma_wait3A_59 = tpu.memref_slice %arg10[%add3A_22, %dma_wait3A_58] : memref<12544x128xf32, #tpu.memory_space<vmem_shared>> -> memref<64x128xf32, #tpu.memory_space<vmem_shared>>
      tpu.wait_dma2 semaphore(%run_scoped3A : memref<!tpu.dma_semaphore, #tpu.memory_space<semaphore_mem>>) src(%arg8 : memref<64x128xf32, #tpu.memory_space<vmem>>) dst(%dma_wait3A_59 : memref<64x128xf32, #tpu.memory_space<vmem_shared>>)
      tpu.yield
    }) : () -> ()
    %add3A_23 = arith.constant 384 : i32
    %add3A_24 = arith.addi %mul3A_10, %add3A_23 : i32
    "tpu.region"() ({
      %run_scoped3A = tpu.sem_alloc : memref<!tpu.dma_semaphore, #tpu.memory_space<semaphore_mem>>
      %dma_start3A = arith.constant 0 : i32
      %dma_start3A_54 = tpu.memref_slice %arg10[%add3A_24, %dma_start3A] : memref<12544x128xf32, #tpu.memory_space<vmem_shared>> -> memref<64x128xf32, #tpu.memory_space<vmem_shared>>
      %dma_start3A_55 = arith.constant 0 : i32
      %dma_start3A_56 = tpu.memref_slice %arg10[%add3A_24, %dma_start3A_55] : memref<12544x128xf32, #tpu.memory_space<vmem_shared>> -> memref<64x128xf32, #tpu.memory_space<vmem_shared>>
      tpu.enqueue_dma source(%arg8 : memref<64x128xf32, #tpu.memory_space<vmem>>) target(%dma_start3A_56 : memref<64x128xf32, #tpu.memory_space<vmem_shared>>) target_semaphore(%run_scoped3A : memref<!tpu.dma_semaphore, #tpu.memory_space<semaphore_mem>>)
      %dma_wait3A = arith.constant 0 : i32
      %dma_wait3A_57 = tpu.memref_slice %arg10[%add3A_24, %dma_wait3A] : memref<12544x128xf32, #tpu.memory_space<vmem_shared>> -> memref<64x128xf32, #tpu.memory_space<vmem_shared>>
      %dma_wait3A_58 = arith.constant 0 : i32
      %dma_wait3A_59 = tpu.memref_slice %arg10[%add3A_24, %dma_wait3A_58] : memref<12544x128xf32, #tpu.memory_space<vmem_shared>> -> memref<64x128xf32, #tpu.memory_space<vmem_shared>>
      tpu.wait_dma2 semaphore(%run_scoped3A : memref<!tpu.dma_semaphore, #tpu.memory_space<semaphore_mem>>) src(%arg8 : memref<64x128xf32, #tpu.memory_space<vmem>>) dst(%dma_wait3A_59 : memref<64x128xf32, #tpu.memory_space<vmem_shared>>)
      tpu.yield
    }) : () -> ()
    %add3A_25 = arith.constant 448 : i32
    %add3A_26 = arith.addi %mul3A_10, %add3A_25 : i32
    "tpu.region"() ({
      %run_scoped3A = tpu.sem_alloc : memref<!tpu.dma_semaphore, #tpu.memory_space<semaphore_mem>>
      %dma_start3A = arith.constant 0 : i32
      %dma_start3A_54 = tpu.memref_slice %arg10[%add3A_26, %dma_start3A] : memref<12544x128xf32, #tpu.memory_space<vmem_shared>> -> memref<64x128xf32, #tpu.memory_space<vmem_shared>>
      %dma_start3A_55 = arith.constant 0 : i32
      %dma_start3A_56 = tpu.memref_slice %arg10[%add3A_26, %dma_start3A_55] : memref<12544x128xf32, #tpu.memory_space<vmem_shared>> -> memref<64x128xf32, #tpu.memory_space<vmem_shared>>
      tpu.enqueue_dma source(%arg8 : memref<64x128xf32, #tpu.memory_space<vmem>>) target(%dma_start3A_56 : memref<64x128xf32, #tpu.memory_space<vmem_shared>>) target_semaphore(%run_scoped3A : memref<!tpu.dma_semaphore, #tpu.memory_space<semaphore_mem>>)
      %dma_wait3A = arith.constant 0 : i32
      %dma_wait3A_57 = tpu.memref_slice %arg10[%add3A_26, %dma_wait3A] : memref<12544x128xf32, #tpu.memory_space<vmem_shared>> -> memref<64x128xf32, #tpu.memory_space<vmem_shared>>
      %dma_wait3A_58 = arith.constant 0 : i32
      %dma_wait3A_59 = tpu.memref_slice %arg10[%add3A_26, %dma_wait3A_58] : memref<12544x128xf32, #tpu.memory_space<vmem_shared>> -> memref<64x128xf32, #tpu.memory_space<vmem_shared>>
      tpu.wait_dma2 semaphore(%run_scoped3A : memref<!tpu.dma_semaphore, #tpu.memory_space<semaphore_mem>>) src(%arg8 : memref<64x128xf32, #tpu.memory_space<vmem>>) dst(%dma_wait3A_59 : memref<64x128xf32, #tpu.memory_space<vmem_shared>>)
      tpu.yield
    }) : () -> ()
    %add3A_27 = arith.constant 512 : i32
    %add3A_28 = arith.addi %mul3A_10, %add3A_27 : i32
    "tpu.region"() ({
      %run_scoped3A = tpu.sem_alloc : memref<!tpu.dma_semaphore, #tpu.memory_space<semaphore_mem>>
      %dma_start3A = arith.constant 0 : i32
      %dma_start3A_54 = tpu.memref_slice %arg10[%add3A_28, %dma_start3A] : memref<12544x128xf32, #tpu.memory_space<vmem_shared>> -> memref<64x128xf32, #tpu.memory_space<vmem_shared>>
      %dma_start3A_55 = arith.constant 0 : i32
      %dma_start3A_56 = tpu.memref_slice %arg10[%add3A_28, %dma_start3A_55] : memref<12544x128xf32, #tpu.memory_space<vmem_shared>> -> memref<64x128xf32, #tpu.memory_space<vmem_shared>>
      tpu.enqueue_dma source(%arg8 : memref<64x128xf32, #tpu.memory_space<vmem>>) target(%dma_start3A_56 : memref<64x128xf32, #tpu.memory_space<vmem_shared>>) target_semaphore(%run_scoped3A : memref<!tpu.dma_semaphore, #tpu.memory_space<semaphore_mem>>)
      %dma_wait3A = arith.constant 0 : i32
      %dma_wait3A_57 = tpu.memref_slice %arg10[%add3A_28, %dma_wait3A] : memref<12544x128xf32, #tpu.memory_space<vmem_shared>> -> memref<64x128xf32, #tpu.memory_space<vmem_shared>>
      %dma_wait3A_58 = arith.constant 0 : i32
      %dma_wait3A_59 = tpu.memref_slice %arg10[%add3A_28, %dma_wait3A_58] : memref<12544x128xf32, #tpu.memory_space<vmem_shared>> -> memref<64x128xf32, #tpu.memory_space<vmem_shared>>
      tpu.wait_dma2 semaphore(%run_scoped3A : memref<!tpu.dma_semaphore, #tpu.memory_space<semaphore_mem>>) src(%arg8 : memref<64x128xf32, #tpu.memory_space<vmem>>) dst(%dma_wait3A_59 : memref<64x128xf32, #tpu.memory_space<vmem_shared>>)
      tpu.yield
    }) : () -> ()
    %add3A_29 = arith.constant 576 : i32
    %add3A_30 = arith.addi %mul3A_10, %add3A_29 : i32
    "tpu.region"() ({
      %run_scoped3A = tpu.sem_alloc : memref<!tpu.dma_semaphore, #tpu.memory_space<semaphore_mem>>
      %dma_start3A = arith.constant 0 : i32
      %dma_start3A_54 = tpu.memref_slice %arg10[%add3A_30, %dma_start3A] : memref<12544x128xf32, #tpu.memory_space<vmem_shared>> -> memref<64x128xf32, #tpu.memory_space<vmem_shared>>
      %dma_start3A_55 = arith.constant 0 : i32
      %dma_start3A_56 = tpu.memref_slice %arg10[%add3A_30, %dma_start3A_55] : memref<12544x128xf32, #tpu.memory_space<vmem_shared>> -> memref<64x128xf32, #tpu.memory_space<vmem_shared>>
      tpu.enqueue_dma source(%arg8 : memref<64x128xf32, #tpu.memory_space<vmem>>) target(%dma_start3A_56 : memref<64x128xf32, #tpu.memory_space<vmem_shared>>) target_semaphore(%run_scoped3A : memref<!tpu.dma_semaphore, #tpu.memory_space<semaphore_mem>>)
      %dma_wait3A = arith.constant 0 : i32
      %dma_wait3A_57 = tpu.memref_slice %arg10[%add3A_30, %dma_wait3A] : memref<12544x128xf32, #tpu.memory_space<vmem_shared>> -> memref<64x128xf32, #tpu.memory_space<vmem_shared>>
      %dma_wait3A_58 = arith.constant 0 : i32
      %dma_wait3A_59 = tpu.memref_slice %arg10[%add3A_30, %dma_wait3A_58] : memref<12544x128xf32, #tpu.memory_space<vmem_shared>> -> memref<64x128xf32, #tpu.memory_space<vmem_shared>>
      tpu.wait_dma2 semaphore(%run_scoped3A : memref<!tpu.dma_semaphore, #tpu.memory_space<semaphore_mem>>) src(%arg8 : memref<64x128xf32, #tpu.memory_space<vmem>>) dst(%dma_wait3A_59 : memref<64x128xf32, #tpu.memory_space<vmem_shared>>)
      tpu.yield
    }) : () -> ()
    %add3A_31 = arith.constant 640 : i32
    %add3A_32 = arith.addi %mul3A_10, %add3A_31 : i32
    "tpu.region"() ({
      %run_scoped3A = tpu.sem_alloc : memref<!tpu.dma_semaphore, #tpu.memory_space<semaphore_mem>>
      %dma_start3A = arith.constant 0 : i32
      %dma_start3A_54 = tpu.memref_slice %arg10[%add3A_32, %dma_start3A] : memref<12544x128xf32, #tpu.memory_space<vmem_shared>> -> memref<64x128xf32, #tpu.memory_space<vmem_shared>>
      %dma_start3A_55 = arith.constant 0 : i32
      %dma_start3A_56 = tpu.memref_slice %arg10[%add3A_32, %dma_start3A_55] : memref<12544x128xf32, #tpu.memory_space<vmem_shared>> -> memref<64x128xf32, #tpu.memory_space<vmem_shared>>
      tpu.enqueue_dma source(%arg8 : memref<64x128xf32, #tpu.memory_space<vmem>>) target(%dma_start3A_56 : memref<64x128xf32, #tpu.memory_space<vmem_shared>>) target_semaphore(%run_scoped3A : memref<!tpu.dma_semaphore, #tpu.memory_space<semaphore_mem>>)
      %dma_wait3A = arith.constant 0 : i32
      %dma_wait3A_57 = tpu.memref_slice %arg10[%add3A_32, %dma_wait3A] : memref<12544x128xf32, #tpu.memory_space<vmem_shared>> -> memref<64x128xf32, #tpu.memory_space<vmem_shared>>
      %dma_wait3A_58 = arith.constant 0 : i32
      %dma_wait3A_59 = tpu.memref_slice %arg10[%add3A_32, %dma_wait3A_58] : memref<12544x128xf32, #tpu.memory_space<vmem_shared>> -> memref<64x128xf32, #tpu.memory_space<vmem_shared>>
      tpu.wait_dma2 semaphore(%run_scoped3A : memref<!tpu.dma_semaphore, #tpu.memory_space<semaphore_mem>>) src(%arg8 : memref<64x128xf32, #tpu.memory_space<vmem>>) dst(%dma_wait3A_59 : memref<64x128xf32, #tpu.memory_space<vmem_shared>>)
      tpu.yield
    }) : () -> ()
    %add3A_33 = arith.constant 704 : i32
    %add3A_34 = arith.addi %mul3A_10, %add3A_33 : i32
    "tpu.region"() ({
      %run_scoped3A = tpu.sem_alloc : memref<!tpu.dma_semaphore, #tpu.memory_space<semaphore_mem>>
      %dma_start3A = arith.constant 0 : i32
      %dma_start3A_54 = tpu.memref_slice %arg10[%add3A_34, %dma_start3A] : memref<12544x128xf32, #tpu.memory_space<vmem_shared>> -> memref<64x128xf32, #tpu.memory_space<vmem_shared>>
      %dma_start3A_55 = arith.constant 0 : i32
      %dma_start3A_56 = tpu.memref_slice %arg10[%add3A_34, %dma_start3A_55] : memref<12544x128xf32, #tpu.memory_space<vmem_shared>> -> memref<64x128xf32, #tpu.memory_space<vmem_shared>>
      tpu.enqueue_dma source(%arg8 : memref<64x128xf32, #tpu.memory_space<vmem>>) target(%dma_start3A_56 : memref<64x128xf32, #tpu.memory_space<vmem_shared>>) target_semaphore(%run_scoped3A : memref<!tpu.dma_semaphore, #tpu.memory_space<semaphore_mem>>)
      %dma_wait3A = arith.constant 0 : i32
      %dma_wait3A_57 = tpu.memref_slice %arg10[%add3A_34, %dma_wait3A] : memref<12544x128xf32, #tpu.memory_space<vmem_shared>> -> memref<64x128xf32, #tpu.memory_space<vmem_shared>>
      %dma_wait3A_58 = arith.constant 0 : i32
      %dma_wait3A_59 = tpu.memref_slice %arg10[%add3A_34, %dma_wait3A_58] : memref<12544x128xf32, #tpu.memory_space<vmem_shared>> -> memref<64x128xf32, #tpu.memory_space<vmem_shared>>
      tpu.wait_dma2 semaphore(%run_scoped3A : memref<!tpu.dma_semaphore, #tpu.memory_space<semaphore_mem>>) src(%arg8 : memref<64x128xf32, #tpu.memory_space<vmem>>) dst(%dma_wait3A_59 : memref<64x128xf32, #tpu.memory_space<vmem_shared>>)
      tpu.yield
    }) : () -> ()
    %add3A_35 = arith.constant 768 : i32
    %add3A_36 = arith.addi %mul3A_10, %add3A_35 : i32
    "tpu.region"() ({
      %run_scoped3A = tpu.sem_alloc : memref<!tpu.dma_semaphore, #tpu.memory_space<semaphore_mem>>
      %dma_start3A = arith.constant 0 : i32
      %dma_start3A_54 = arith.constant 0 : i32
      %dma_start3A_55 = tpu.memref_slice %arg8[%dma_start3A, %dma_start3A_54] : memref<64x128xf32, #tpu.memory_space<vmem>> -> memref<16x128xf32, #tpu.memory_space<vmem>>
      %dma_start3A_56 = arith.constant 0 : i32
      %dma_start3A_57 = tpu.memref_slice %arg10[%add3A_36, %dma_start3A_56] : memref<12544x128xf32, #tpu.memory_space<vmem_shared>> -> memref<16x128xf32, #tpu.memory_space<vmem_shared>>
      %dma_start3A_58 = arith.constant 0 : i32
      %dma_start3A_59 = tpu.memref_slice %arg10[%add3A_36, %dma_start3A_58] : memref<12544x128xf32, #tpu.memory_space<vmem_shared>> -> memref<16x128xf32, #tpu.memory_space<vmem_shared>>
      %dma_start3A_60 = arith.constant 0 : i32
      %dma_start3A_61 = arith.constant 0 : i32
      %dma_start3A_62 = tpu.memref_slice %arg8[%dma_start3A_60, %dma_start3A_61] : memref<64x128xf32, #tpu.memory_space<vmem>> -> memref<16x128xf32, #tpu.memory_space<vmem>>
      tpu.enqueue_dma source(%dma_start3A_62 : memref<16x128xf32, #tpu.memory_space<vmem>>) target(%dma_start3A_59 : memref<16x128xf32, #tpu.memory_space<vmem_shared>>) target_semaphore(%run_scoped3A : memref<!tpu.dma_semaphore, #tpu.memory_space<semaphore_mem>>)
      %dma_wait3A = arith.constant 0 : i32
      %dma_wait3A_63 = arith.constant 0 : i32
      %dma_wait3A_64 = tpu.memref_slice %arg8[%dma_wait3A, %dma_wait3A_63] : memref<64x128xf32, #tpu.memory_space<vmem>> -> memref<16x128xf32, #tpu.memory_space<vmem>>
      %dma_wait3A_65 = arith.constant 0 : i32
      %dma_wait3A_66 = tpu.memref_slice %arg10[%add3A_36, %dma_wait3A_65] : memref<12544x128xf32, #tpu.memory_space<vmem_shared>> -> memref<16x128xf32, #tpu.memory_space<vmem_shared>>
      %dma_wait3A_67 = arith.constant 0 : i32
      %dma_wait3A_68 = tpu.memref_slice %arg10[%add3A_36, %dma_wait3A_67] : memref<12544x128xf32, #tpu.memory_space<vmem_shared>> -> memref<16x128xf32, #tpu.memory_space<vmem_shared>>
      %dma_wait3A_69 = arith.constant 0 : i32
      %dma_wait3A_70 = arith.constant 0 : i32
      %dma_wait3A_71 = tpu.memref_slice %arg8[%dma_wait3A_69, %dma_wait3A_70] : memref<64x128xf32, #tpu.memory_space<vmem>> -> memref<16x128xf32, #tpu.memory_space<vmem>>
      tpu.wait_dma2 semaphore(%run_scoped3A : memref<!tpu.dma_semaphore, #tpu.memory_space<semaphore_mem>>) src(%dma_wait3A_71 : memref<16x128xf32, #tpu.memory_space<vmem>>) dst(%dma_wait3A_68 : memref<16x128xf32, #tpu.memory_space<vmem_shared>>)
      tpu.yield
    }) : () -> ()
    %barrier3A = arith.constant 0 : index
    tpu.barrier barrier_id(%barrier3A)
    %mul3A_37 = arith.constant 392 : i32
    %mul3A_38 = arith.muli %arg1, %mul3A_37 : i32
    %scan3A_39 = arith.constant 0 : i32
    %scan3A_40 = arith.constant 0 : i32
    %scan3A_41 = arith.constant 7 : i32
    %scan3A_42 = arith.addi %scan3A_40, %scan3A_41 : i32
    %scan3A_43 = arith.constant 1 : i32
    scf.for %scan3A_54 = %scan3A_40 to %scan3A_42 step %scan3A_43  : i32 {
      %mul3A_55 = arith.constant 56 : i32
      %mul3A_56 = arith.muli %scan3A_54, %mul3A_55 : i32
      %add3A_57 = arith.addi %mul3A_38, %mul3A_56 : i32
      "tpu.region"() ({
        %run_scoped3A = tpu.sem_alloc : memref<!tpu.dma_semaphore, #tpu.memory_space<semaphore_mem>>
        %dma_start3A_88 = arith.constant 0 : i32
        %dma_start3A_89 = tpu.memref_slice %arg3[%add3A_57, %dma_start3A_88] : memref<6272x64xi32, #tpu.memory_space<hbm>> -> memref<56x64xi32, #tpu.memory_space<hbm>>
        %dma_start3A_90 = arith.constant 0 : i32
        %dma_start3A_91 = tpu.memref_slice %arg3[%add3A_57, %dma_start3A_90] : memref<6272x64xi32, #tpu.memory_space<hbm>> -> memref<56x64xi32, #tpu.memory_space<hbm>>
        tpu.enqueue_dma source(%dma_start3A_91 : memref<56x64xi32, #tpu.memory_space<hbm>>) target(%arg6 : memref<56x64xi32, #tpu.memory_space<vmem>>) target_semaphore(%run_scoped3A : memref<!tpu.dma_semaphore, #tpu.memory_space<semaphore_mem>>)
        %dma_wait3A = arith.constant 0 : i32
        %dma_wait3A_92 = tpu.memref_slice %arg3[%add3A_57, %dma_wait3A] : memref<6272x64xi32, #tpu.memory_space<hbm>> -> memref<56x64xi32, #tpu.memory_space<hbm>>
        %dma_wait3A_93 = arith.constant 0 : i32
        %dma_wait3A_94 = tpu.memref_slice %arg3[%add3A_57, %dma_wait3A_93] : memref<6272x64xi32, #tpu.memory_space<hbm>> -> memref<56x64xi32, #tpu.memory_space<hbm>>
        tpu.wait_dma2 semaphore(%run_scoped3A : memref<!tpu.dma_semaphore, #tpu.memory_space<semaphore_mem>>) src(%dma_wait3A_94 : memref<56x64xi32, #tpu.memory_space<hbm>>) dst(%arg6 : memref<56x64xi32, #tpu.memory_space<vmem>>)
        tpu.yield
      }) : () -> ()
      %mul3A_58 = arith.constant 56 : i32
      %mul3A_59 = arith.muli %scan3A_54, %mul3A_58 : i32
      %add3A_60 = arith.addi %mul3A_38, %mul3A_59 : i32
      "tpu.region"() ({
        %run_scoped3A = tpu.sem_alloc : memref<!tpu.dma_semaphore, #tpu.memory_space<semaphore_mem>>
        %dma_start3A_88 = arith.constant 0 : i32
        %dma_start3A_89 = tpu.memref_slice %arg4[%add3A_60, %dma_start3A_88] : memref<6272x64xi32, #tpu.memory_space<hbm>> -> memref<56x64xi32, #tpu.memory_space<hbm>>
        %dma_start3A_90 = arith.constant 0 : i32
        %dma_start3A_91 = tpu.memref_slice %arg4[%add3A_60, %dma_start3A_90] : memref<6272x64xi32, #tpu.memory_space<hbm>> -> memref<56x64xi32, #tpu.memory_space<hbm>>
        tpu.enqueue_dma source(%dma_start3A_91 : memref<56x64xi32, #tpu.memory_space<hbm>>) target(%arg7 : memref<56x64xi32, #tpu.memory_space<vmem>>) target_semaphore(%run_scoped3A : memref<!tpu.dma_semaphore, #tpu.memory_space<semaphore_mem>>)
        %dma_wait3A = arith.constant 0 : i32
        %dma_wait3A_92 = tpu.memref_slice %arg4[%add3A_60, %dma_wait3A] : memref<6272x64xi32, #tpu.memory_space<hbm>> -> memref<56x64xi32, #tpu.memory_space<hbm>>
        %dma_wait3A_93 = arith.constant 0 : i32
        %dma_wait3A_94 = tpu.memref_slice %arg4[%add3A_60, %dma_wait3A_93] : memref<6272x64xi32, #tpu.memory_space<hbm>> -> memref<56x64xi32, #tpu.memory_space<hbm>>
        tpu.wait_dma2 semaphore(%run_scoped3A : memref<!tpu.dma_semaphore, #tpu.memory_space<semaphore_mem>>) src(%dma_wait3A_94 : memref<56x64xi32, #tpu.memory_space<hbm>>) dst(%arg7 : memref<56x64xi32, #tpu.memory_space<vmem>>)
        tpu.yield
      }) : () -> ()
      %scan3A_61 = arith.constant 0 : i32
      %scan3A_62 = arith.constant 0 : i32
      %scan3A_63 = arith.constant 56 : i32
      %scan3A_64 = arith.addi %scan3A_62, %scan3A_63 : i32
      %scan3A_65 = arith.constant 1 : i32
      scf.for %scan3A_88 = %scan3A_62 to %scan3A_64 step %scan3A_65  : i32 {
        %get3A = arith.index_cast %scan3A_88 : i32 to index
        %get3A_89 = arith.constant 0 : index
        %get3A_90 = tpu.vector_load %arg7[%get3A, %get3A_89] {strides = array<i32>} : memref<56x64xi32, #tpu.memory_space<vmem>>, vector<1x16xi32>,
        %get3A_91 = vector.shape_cast %get3A_90 : vector<1x16xi32> to vector<16xi32>
        %ge3A = vector.broadcast %mul3A_0 : i32 to vector<16xi32>
        %ge3A_92 = arith.cmpi sge, %get3A_91, %ge3A : vector<16xi32>
        %lt3A = vector.broadcast %add3A : i32 to vector<16xi32>
        %lt3A_93 = arith.cmpi slt, %get3A_91, %lt3A : vector<16xi32>
        %and3A = arith.andi %ge3A_92, %lt3A_93 : vector<16xi1>
        %sub3A = vector.broadcast %mul3A_0 : i32 to vector<16xi32>
        %sub3A_94 = arith.subi %get3A_91, %sub3A : vector<16xi32>
        %jit3A_95 = arith.constant 12504 : i32
        %broadcast_in_dim3A_96 = vector.broadcast %jit3A_95 : i32 to vector<16xi32>
        %select_n3A_97 = arith.select %and3A, %sub3A_94, %broadcast_in_dim3A_96 : vector<16xi1>, vector<16xi32>
        %swap3A = arith.index_cast %scan3A_88 : i32 to index
        %swap3A_98 = arith.constant 0 : index
        %swap3A_99 = tpu.vector_load %arg7[%swap3A, %swap3A_98] {strides = array<i32>} : memref<56x64xi32, #tpu.memory_space<vmem>>, vector<1x16xi32>,
        %swap3A_100 = vector.shape_cast %swap3A_99 : vector<1x16xi32> to vector<16xi32>
        %swap3A_101 = vector.shape_cast %select_n3A_97 : vector<16xi32> to vector<1x16xi32>
        tpu.vector_store %arg7[%swap3A, %swap3A_98], %swap3A_101 {strides = array<i32>} : memref<56x64xi32, #tpu.memory_space<vmem>>, vector<1x16xi32>,
        %get3A_102 = arith.index_cast %scan3A_88 : i32 to index
        %get3A_103 = arith.constant 16 : index
        %get3A_104 = tpu.vector_load %arg7[%get3A_102, %get3A_103] {strides = array<i32>} : memref<56x64xi32, #tpu.memory_space<vmem>>, vector<1x16xi32>,
        %get3A_105 = vector.shape_cast %get3A_104 : vector<1x16xi32> to vector<16xi32>
        %ge3A_106 = vector.broadcast %mul3A_0 : i32 to vector<16xi32>
        %ge3A_107 = arith.cmpi sge, %get3A_105, %ge3A_106 : vector<16xi32>
        %lt3A_108 = vector.broadcast %add3A : i32 to vector<16xi32>
        %lt3A_109 = arith.cmpi slt, %get3A_105, %lt3A_108 : vector<16xi32>
        %and3A_110 = arith.andi %ge3A_107, %lt3A_109 : vector<16xi1>
        %sub3A_111 = vector.broadcast %mul3A_0 : i32 to vector<16xi32>
        %sub3A_112 = arith.subi %get3A_105, %sub3A_111 : vector<16xi32>
        %jit3A_113 = arith.constant 12504 : i32
        %broadcast_in_dim3A_114 = vector.broadcast %jit3A_113 : i32 to vector<16xi32>
        %select_n3A_115 = arith.select %and3A_110, %sub3A_112, %broadcast_in_dim3A_114 : vector<16xi1>, vector<16xi32>
        %swap3A_116 = arith.index_cast %scan3A_88 : i32 to index
        %swap3A_117 = arith.constant 16 : index
        %swap3A_118 = tpu.vector_load %arg7[%swap3A_116, %swap3A_117] {strides = array<i32>} : memref<56x64xi32, #tpu.memory_space<vmem>>, vector<1x16xi32>,
        %swap3A_119 = vector.shape_cast %swap3A_118 : vector<1x16xi32> to vector<16xi32>
        %swap3A_120 = vector.shape_cast %select_n3A_115 : vector<16xi32> to vector<1x16xi32>
        tpu.vector_store %arg7[%swap3A_116, %swap3A_117], %swap3A_120 {strides = array<i32>} : memref<56x64xi32, #tpu.memory_space<vmem>>, vector<1x16xi32>,
        %get3A_121 = arith.index_cast %scan3A_88 : i32 to index
        %get3A_122 = arith.constant 32 : index
        %get3A_123 = tpu.vector_load %arg7[%get3A_121, %get3A_122] {strides = array<i32>} : memref<56x64xi32, #tpu.memory_space<vmem>>, vector<1x16xi32>,
        %get3A_124 = vector.shape_cast %get3A_123 : vector<1x16xi32> to vector<16xi32>
        %ge3A_125 = vector.broadcast %mul3A_0 : i32 to vector<16xi32>
        %ge3A_126 = arith.cmpi sge, %get3A_124, %ge3A_125 : vector<16xi32>
        %lt3A_127 = vector.broadcast %add3A : i32 to vector<16xi32>
        %lt3A_128 = arith.cmpi slt, %get3A_124, %lt3A_127 : vector<16xi32>
        %and3A_129 = arith.andi %ge3A_126, %lt3A_128 : vector<16xi1>
        %sub3A_130 = vector.broadcast %mul3A_0 : i32 to vector<16xi32>
        %sub3A_131 = arith.subi %get3A_124, %sub3A_130 : vector<16xi32>
        %jit3A_132 = arith.constant 12504 : i32
        %broadcast_in_dim3A_133 = vector.broadcast %jit3A_132 : i32 to vector<16xi32>
        %select_n3A_134 = arith.select %and3A_129, %sub3A_131, %broadcast_in_dim3A_133 : vector<16xi1>, vector<16xi32>
        %swap3A_135 = arith.index_cast %scan3A_88 : i32 to index
        %swap3A_136 = arith.constant 32 : index
        %swap3A_137 = tpu.vector_load %arg7[%swap3A_135, %swap3A_136] {strides = array<i32>} : memref<56x64xi32, #tpu.memory_space<vmem>>, vector<1x16xi32>,
        %swap3A_138 = vector.shape_cast %swap3A_137 : vector<1x16xi32> to vector<16xi32>
        %swap3A_139 = vector.shape_cast %select_n3A_134 : vector<16xi32> to vector<1x16xi32>
        tpu.vector_store %arg7[%swap3A_135, %swap3A_136], %swap3A_139 {strides = array<i32>} : memref<56x64xi32, #tpu.memory_space<vmem>>, vector<1x16xi32>,
        %get3A_140 = arith.index_cast %scan3A_88 : i32 to index
        %get3A_141 = arith.constant 48 : index
        %get3A_142 = tpu.vector_load %arg7[%get3A_140, %get3A_141] {strides = array<i32>} : memref<56x64xi32, #tpu.memory_space<vmem>>, vector<1x16xi32>,
        %get3A_143 = vector.shape_cast %get3A_142 : vector<1x16xi32> to vector<16xi32>
        %ge3A_144 = vector.broadcast %mul3A_0 : i32 to vector<16xi32>
        %ge3A_145 = arith.cmpi sge, %get3A_143, %ge3A_144 : vector<16xi32>
        %lt3A_146 = vector.broadcast %add3A : i32 to vector<16xi32>
        %lt3A_147 = arith.cmpi slt, %get3A_143, %lt3A_146 : vector<16xi32>
        %and3A_148 = arith.andi %ge3A_145, %lt3A_147 : vector<16xi1>
        %sub3A_149 = vector.broadcast %mul3A_0 : i32 to vector<16xi32>
        %sub3A_150 = arith.subi %get3A_143, %sub3A_149 : vector<16xi32>
        %jit3A_151 = arith.constant 12504 : i32
        %broadcast_in_dim3A_152 = vector.broadcast %jit3A_151 : i32 to vector<16xi32>
        %select_n3A_153 = arith.select %and3A_148, %sub3A_150, %broadcast_in_dim3A_152 : vector<16xi1>, vector<16xi32>
        %swap3A_154 = arith.index_cast %scan3A_88 : i32 to index
        %swap3A_155 = arith.constant 48 : index
        %swap3A_156 = tpu.vector_load %arg7[%swap3A_154, %swap3A_155] {strides = array<i32>} : memref<56x64xi32, #tpu.memory_space<vmem>>, vector<1x16xi32>,
        %swap3A_157 = vector.shape_cast %swap3A_156 : vector<1x16xi32> to vector<16xi32>
        %swap3A_158 = vector.shape_cast %select_n3A_153 : vector<16xi32> to vector<1x16xi32>
        tpu.vector_store %arg7[%swap3A_154, %swap3A_155], %swap3A_158 {strides = array<i32>} : memref<56x64xi32, #tpu.memory_space<vmem>>, vector<1x16xi32>,
      }
      %scan3A_66 = arith.constant 56 : i32
      %dma_start3A = arith.constant 0 : i32
      %dma_start3A_67 = arith.constant 0 : i32
      %dma_start3A_68 = tpu.memref_slice %arg6[%dma_start3A, %dma_start3A_67] : memref<56x64xi32, #tpu.memory_space<vmem>> -> memref<1x64xi32, #tpu.memory_space<vmem>>
      %dma_start3A_69 = tpu.memref_squeeze %dma_start3A_68 : memref<1x64xi32, #tpu.memory_space<vmem>> -> memref<64xi32, #tpu.memory_space<vmem>>
      %dma_start3A_70 = arith.constant 0 : i32
      %dma_start3A_71 = arith.constant 0 : i32
      %dma_start3A_72 = tpu.memref_slice %arg2[%dma_start3A_70, %dma_start3A_71] : memref<25000x128xf32, #tpu.memory_space<hbm>> -> memref<25000x128xf32, #tpu.memory_space<hbm>>
      tpu.enqueue_indirect_dma source(%dma_start3A_72 : memref<25000x128xf32, #tpu.memory_space<hbm>>) target(%arg8 : memref<64x128xf32, #tpu.memory_space<vmem>>) offsets(%dma_start3A_69 : memref<64xi32, #tpu.memory_space<vmem>>) semaphore(%arg11 : memref<!tpu.dma_semaphore, #tpu.memory_space<semaphore_mem>>)
      %dma_start3A_73 = arith.constant 1 : i32
      %dma_start3A_74 = arith.constant 0 : i32
      %dma_start3A_75 = tpu.memref_slice %arg6[%dma_start3A_73, %dma_start3A_74] : memref<56x64xi32, #tpu.memory_space<vmem>> -> memref<1x64xi32, #tpu.memory_space<vmem>>
      %dma_start3A_76 = tpu.memref_squeeze %dma_start3A_75 : memref<1x64xi32, #tpu.memory_space<vmem>> -> memref<64xi32, #tpu.memory_space<vmem>>
      %dma_start3A_77 = arith.constant 0 : i32
      %dma_start3A_78 = arith.constant 0 : i32
      %dma_start3A_79 = tpu.memref_slice %arg2[%dma_start3A_77, %dma_start3A_78] : memref<25000x128xf32, #tpu.memory_space<hbm>> -> memref<25000x128xf32, #tpu.memory_space<hbm>>
      tpu.enqueue_indirect_dma source(%dma_start3A_79 : memref<25000x128xf32, #tpu.memory_space<hbm>>) target(%arg9 : memref<64x128xf32, #tpu.memory_space<vmem>>) offsets(%dma_start3A_76 : memref<64xi32, #tpu.memory_space<vmem>>) semaphore(%arg12 : memref<!tpu.dma_semaphore, #tpu.memory_space<semaphore_mem>>)
      %scan3A_80 = arith.constant 0 : i32
      %scan3A_81 = arith.constant 0 : i32
      %scan3A_82 = arith.constant 1 : i32
      %scan3A_83 = arith.constant 0 : i32
      %scan3A_84 = arith.constant 28 : i32
      %scan3A_85 = arith.addi %scan3A_83, %scan3A_84 : i32
      %scan3A_86 = arith.constant 1 : i32
      scf.for %scan3A_88 = %scan3A_83 to %scan3A_85 step %scan3A_86  : i32 {
        %mul3A_89 = arith.constant 2 : i32
        %mul3A_90 = arith.muli %scan3A_88, %mul3A_89 : i32
        %add3A_91 = arith.constant 0 : i32
        %add3A_92 = arith.addi %mul3A_90, %add3A_91 : i32
        %dma_wait3A = arith.constant 0 : i32
        %dma_wait3A_93 = tpu.memref_slice %arg6[%scan3A_81, %dma_wait3A] : memref<56x64xi32, #tpu.memory_space<vmem>> -> memref<1x64xi32, #tpu.memory_space<vmem>>
        %dma_wait3A_94 = tpu.memref_squeeze %dma_wait3A_93 : memref<1x64xi32, #tpu.memory_space<vmem>> -> memref<64xi32, #tpu.memory_space<vmem>>
        %dma_wait3A_95 = arith.constant 0 : i32
        %dma_wait3A_96 = arith.constant 0 : i32
        %dma_wait3A_97 = tpu.memref_slice %arg2[%dma_wait3A_95, %dma_wait3A_96] : memref<25000x128xf32, #tpu.memory_space<hbm>> -> memref<25000x128xf32, #tpu.memory_space<hbm>>
        tpu.wait_indirect_dma semaphore(%arg11 : memref<!tpu.dma_semaphore, #tpu.memory_space<semaphore_mem>>) src(%dma_wait3A_97 : memref<25000x128xf32, #tpu.memory_space<hbm>>) dst(%arg8 : memref<64x128xf32, #tpu.memory_space<vmem>>)
        "tpu.region"() ({
          %run_scoped3A = tpu.sem_alloc : memref<!tpu.dma_semaphore, #tpu.memory_space<semaphore_mem>>
          %dma_start3A_121 = arith.constant 0 : i32
          %dma_start3A_122 = tpu.memref_slice %arg7[%add3A_92, %dma_start3A_121] : memref<56x64xi32, #tpu.memory_space<vmem>> -> memref<1x64xi32, #tpu.memory_space<vmem>>
          %dma_start3A_123 = tpu.memref_squeeze %dma_start3A_122 : memref<1x64xi32, #tpu.memory_space<vmem>> -> memref<64xi32, #tpu.memory_space<vmem>>
          %dma_start3A_124 = arith.constant 0 : i32
          %dma_start3A_125 = arith.constant 0 : i32
          %dma_start3A_126 = tpu.memref_slice %arg10[%dma_start3A_124, %dma_start3A_125] : memref<12544x128xf32, #tpu.memory_space<vmem_shared>> -> memref<12544x128xf32, #tpu.memory_space<vmem_shared>>
          tpu.enqueue_indirect_dma source(%arg8 : memref<64x128xf32, #tpu.memory_space<vmem>>) target(%dma_start3A_126 : memref<12544x128xf32, #tpu.memory_space<vmem_shared>>) offsets(%dma_start3A_123 : memref<64xi32, #tpu.memory_space<vmem>>) semaphore(%run_scoped3A : memref<!tpu.dma_semaphore, #tpu.memory_space<semaphore_mem>>) {add = true}
          %dma_wait3A_127 = arith.constant 0 : i32
          %dma_wait3A_128 = tpu.memref_slice %arg7[%add3A_92, %dma_wait3A_127] : memref<56x64xi32, #tpu.memory_space<vmem>> -> memref<1x64xi32, #tpu.memory_space<vmem>>
          %dma_wait3A_129 = tpu.memref_squeeze %dma_wait3A_128 : memref<1x64xi32, #tpu.memory_space<vmem>> -> memref<64xi32, #tpu.memory_space<vmem>>
          %dma_wait3A_130 = arith.constant 0 : i32
          %dma_wait3A_131 = arith.constant 0 : i32
          %dma_wait3A_132 = tpu.memref_slice %arg10[%dma_wait3A_130, %dma_wait3A_131] : memref<12544x128xf32, #tpu.memory_space<vmem_shared>> -> memref<12544x128xf32, #tpu.memory_space<vmem_shared>>
          tpu.wait_indirect_dma semaphore(%run_scoped3A : memref<!tpu.dma_semaphore, #tpu.memory_space<semaphore_mem>>) src(%arg8 : memref<64x128xf32, #tpu.memory_space<vmem>>) dst(%dma_wait3A_132 : memref<12544x128xf32, #tpu.memory_space<vmem_shared>>)
          tpu.yield
        }) : () -> ()
        %add3A_98 = arith.constant 2 : i32
        %add3A_99 = arith.addi %add3A_92, %add3A_98 : i32
        %lt3A = arith.constant 56 : i32
        %lt3A_100 = arith.cmpi slt, %add3A_99, %lt3A : i32
        %convert_element_type3A_101 = arith.extui %lt3A_100 : i1 to i32
        %cond3A_102 = arith.constant 0 : i32
        %cond3A_103 = arith.cmpi ne, %convert_element_type3A_101, %cond3A_102 : i32
        scf.if %cond3A_103 {
          %add3A_121 = arith.constant 2 : i32
          %add3A_122 = arith.addi %add3A_92, %add3A_121 : i32
          %dma_start3A_123 = arith.constant 0 : i32
          %dma_start3A_124 = tpu.memref_slice %arg6[%add3A_122, %dma_start3A_123] : memref<56x64xi32, #tpu.memory_space<vmem>> -> memref<1x64xi32, #tpu.memory_space<vmem>>
          %dma_start3A_125 = tpu.memref_squeeze %dma_start3A_124 : memref<1x64xi32, #tpu.memory_space<vmem>> -> memref<64xi32, #tpu.memory_space<vmem>>
          %dma_start3A_126 = arith.constant 0 : i32
          %dma_start3A_127 = arith.constant 0 : i32
          %dma_start3A_128 = tpu.memref_slice %arg2[%dma_start3A_126, %dma_start3A_127] : memref<25000x128xf32, #tpu.memory_space<hbm>> -> memref<25000x128xf32, #tpu.memory_space<hbm>>
          tpu.enqueue_indirect_dma source(%dma_start3A_128 : memref<25000x128xf32, #tpu.memory_space<hbm>>) target(%arg8 : memref<64x128xf32, #tpu.memory_space<vmem>>) offsets(%dma_start3A_125 : memref<64xi32, #tpu.memory_space<vmem>>) semaphore(%arg11 : memref<!tpu.dma_semaphore, #tpu.memory_space<semaphore_mem>>)
        } else {
        }
        %mul3A_104 = arith.constant 2 : i32
        %mul3A_105 = arith.muli %scan3A_88, %mul3A_104 : i32
        %add3A_106 = arith.constant 1 : i32
        %add3A_107 = arith.addi %mul3A_105, %add3A_106 : i32
        %dma_wait3A_108 = arith.constant 0 : i32
        %dma_wait3A_109 = tpu.memref_slice %arg6[%scan3A_82, %dma_wait3A_108] : memref<56x64xi32, #tpu.memory_space<vmem>> -> memref<1x64xi32, #tpu.memory_space<vmem>>
        %dma_wait3A_110 = tpu.memref_squeeze %dma_wait3A_109 : memref<1x64xi32, #tpu.memory_space<vmem>> -> memref<64xi32, #tpu.memory_space<vmem>>
        %dma_wait3A_111 = arith.constant 0 : i32
        %dma_wait3A_112 = arith.constant 0 : i32
        %dma_wait3A_113 = tpu.memref_slice %arg2[%dma_wait3A_111, %dma_wait3A_112] : memref<25000x128xf32, #tpu.memory_space<hbm>> -> memref<25000x128xf32, #tpu.memory_space<hbm>>
        tpu.wait_indirect_dma semaphore(%arg12 : memref<!tpu.dma_semaphore, #tpu.memory_space<semaphore_mem>>) src(%dma_wait3A_113 : memref<25000x128xf32, #tpu.memory_space<hbm>>) dst(%arg9 : memref<64x128xf32, #tpu.memory_space<vmem>>)
        "tpu.region"() ({
          %run_scoped3A = tpu.sem_alloc : memref<!tpu.dma_semaphore, #tpu.memory_space<semaphore_mem>>
          %dma_start3A_121 = arith.constant 0 : i32
          %dma_start3A_122 = tpu.memref_slice %arg7[%add3A_107, %dma_start3A_121] : memref<56x64xi32, #tpu.memory_space<vmem>> -> memref<1x64xi32, #tpu.memory_space<vmem>>
          %dma_start3A_123 = tpu.memref_squeeze %dma_start3A_122 : memref<1x64xi32, #tpu.memory_space<vmem>> -> memref<64xi32, #tpu.memory_space<vmem>>
          %dma_start3A_124 = arith.constant 0 : i32
          %dma_start3A_125 = arith.constant 0 : i32
          %dma_start3A_126 = tpu.memref_slice %arg10[%dma_start3A_124, %dma_start3A_125] : memref<12544x128xf32, #tpu.memory_space<vmem_shared>> -> memref<12544x128xf32, #tpu.memory_space<vmem_shared>>
          tpu.enqueue_indirect_dma source(%arg9 : memref<64x128xf32, #tpu.memory_space<vmem>>) target(%dma_start3A_126 : memref<12544x128xf32, #tpu.memory_space<vmem_shared>>) offsets(%dma_start3A_123 : memref<64xi32, #tpu.memory_space<vmem>>) semaphore(%run_scoped3A : memref<!tpu.dma_semaphore, #tpu.memory_space<semaphore_mem>>) {add = true}
          %dma_wait3A_127 = arith.constant 0 : i32
          %dma_wait3A_128 = tpu.memref_slice %arg7[%add3A_107, %dma_wait3A_127] : memref<56x64xi32, #tpu.memory_space<vmem>> -> memref<1x64xi32, #tpu.memory_space<vmem>>
          %dma_wait3A_129 = tpu.memref_squeeze %dma_wait3A_128 : memref<1x64xi32, #tpu.memory_space<vmem>> -> memref<64xi32, #tpu.memory_space<vmem>>
          %dma_wait3A_130 = arith.constant 0 : i32
          %dma_wait3A_131 = arith.constant 0 : i32
          %dma_wait3A_132 = tpu.memref_slice %arg10[%dma_wait3A_130, %dma_wait3A_131] : memref<12544x128xf32, #tpu.memory_space<vmem_shared>> -> memref<12544x128xf32, #tpu.memory_space<vmem_shared>>
          tpu.wait_indirect_dma semaphore(%run_scoped3A : memref<!tpu.dma_semaphore, #tpu.memory_space<semaphore_mem>>) src(%arg9 : memref<64x128xf32, #tpu.memory_space<vmem>>) dst(%dma_wait3A_132 : memref<12544x128xf32, #tpu.memory_space<vmem_shared>>)
          tpu.yield
        }) : () -> ()
        %add3A_114 = arith.constant 2 : i32
        %add3A_115 = arith.addi %add3A_107, %add3A_114 : i32
        %lt3A_116 = arith.constant 56 : i32
        %lt3A_117 = arith.cmpi slt, %add3A_115, %lt3A_116 : i32
        %convert_element_type3A_118 = arith.extui %lt3A_117 : i1 to i32
        %cond3A_119 = arith.constant 0 : i32
        %cond3A_120 = arith.cmpi ne, %convert_element_type3A_118, %cond3A_119 : i32
        scf.if %cond3A_120 {
          %add3A_121 = arith.constant 2 : i32
          %add3A_122 = arith.addi %add3A_107, %add3A_121 : i32
          %dma_start3A_123 = arith.constant 0 : i32
          %dma_start3A_124 = tpu.memref_slice %arg6[%add3A_122, %dma_start3A_123] : memref<56x64xi32, #tpu.memory_space<vmem>> -> memref<1x64xi32, #tpu.memory_space<vmem>>
          %dma_start3A_125 = tpu.memref_squeeze %dma_start3A_124 : memref<1x64xi32, #tpu.memory_space<vmem>> -> memref<64xi32, #tpu.memory_space<vmem>>
          %dma_start3A_126 = arith.constant 0 : i32
          %dma_start3A_127 = arith.constant 0 : i32
          %dma_start3A_128 = tpu.memref_slice %arg2[%dma_start3A_126, %dma_start3A_127] : memref<25000x128xf32, #tpu.memory_space<hbm>> -> memref<25000x128xf32, #tpu.memory_space<hbm>>
          tpu.enqueue_indirect_dma source(%dma_start3A_128 : memref<25000x128xf32, #tpu.memory_space<hbm>>) target(%arg9 : memref<64x128xf32, #tpu.memory_space<vmem>>) offsets(%dma_start3A_125 : memref<64xi32, #tpu.memory_space<vmem>>) semaphore(%arg12 : memref<!tpu.dma_semaphore, #tpu.memory_space<semaphore_mem>>)
        } else {
        }
      }
      %scan3A_87 = arith.constant 28 : i32
    }
    %scan3A_44 = arith.constant 7 : i32
    %barrier3A_45 = arith.constant 0 : index
    tpu.barrier barrier_id(%barrier3A_45)
    %eq3A_46 = arith.constant 0 : i32
    %eq3A_47 = arith.cmpi eq, %arg0, %eq3A_46 : i32
    %convert_element_type3A = arith.extui %eq3A_47 : i1 to i32
    %cond3A = arith.constant 0 : i32
    %cond3A_48 = arith.cmpi ne, %convert_element_type3A, %cond3A : i32
    scf.if %cond3A_48 {
      %lt3A = arith.constant 15 : i32
      %lt3A_54 = arith.cmpi slt, %arg1, %lt3A : i32
      %convert_element_type3A_55 = arith.extui %lt3A_54 : i1 to i32
      %cond3A_56 = arith.constant 0 : i32
      %cond3A_57 = arith.cmpi ne, %convert_element_type3A_55, %cond3A_56 : i32
      scf.if %cond3A_57 {
        %mul3A_63 = arith.constant 784 : i32
        %mul3A_64 = arith.muli %arg1, %mul3A_63 : i32
        %mul3A_65 = arith.constant 784 : i32
        %mul3A_66 = arith.muli %arg1, %mul3A_65 : i32
        %add3A_67 = arith.constant 0 : i32
        %add3A_68 = arith.addi %add3A_67, %mul3A_66 : i32
        "tpu.region"() ({
          %run_scoped3A = tpu.sem_alloc : memref<!tpu.dma_semaphore, #tpu.memory_space<semaphore_mem>>
          %dma_start3A = arith.constant 0 : i32
          %dma_start3A_69 = tpu.memref_slice %arg5[%add3A_68, %dma_start3A] : memref<25000x128xf32, #tpu.memory_space<hbm>> -> memref<784x128xf32, #tpu.memory_space<hbm>>
          %dma_start3A_70 = arith.constant 0 : i32
          %dma_start3A_71 = tpu.memref_slice %arg10[%mul3A_64, %dma_start3A_70] : memref<12544x128xf32, #tpu.memory_space<vmem_shared>> -> memref<784x128xf32, #tpu.memory_space<vmem_shared>>
          tpu.enqueue_dma source(%dma_start3A_71 : memref<784x128xf32, #tpu.memory_space<vmem_shared>>) target(%dma_start3A_69 : memref<784x128xf32, #tpu.memory_space<hbm>>) target_semaphore(%run_scoped3A : memref<!tpu.dma_semaphore, #tpu.memory_space<semaphore_mem>>)
          %dma_wait3A = arith.constant 0 : i32
          %dma_wait3A_72 = tpu.memref_slice %arg5[%add3A_68, %dma_wait3A] : memref<25000x128xf32, #tpu.memory_space<hbm>> -> memref<784x128xf32, #tpu.memory_space<hbm>>
          %dma_wait3A_73 = arith.constant 0 : i32
          %dma_wait3A_74 = tpu.memref_slice %arg10[%mul3A_64, %dma_wait3A_73] : memref<12544x128xf32, #tpu.memory_space<vmem_shared>> -> memref<784x128xf32, #tpu.memory_space<vmem_shared>>
          tpu.wait_dma2 semaphore(%run_scoped3A : memref<!tpu.dma_semaphore, #tpu.memory_space<semaphore_mem>>) src(%dma_wait3A_74 : memref<784x128xf32, #tpu.memory_space<vmem_shared>>) dst(%dma_wait3A_72 : memref<784x128xf32, #tpu.memory_space<hbm>>)
          tpu.yield
        }) : () -> ()
      } else {
      }
      %eq3A_58 = arith.constant 15 : i32
      %eq3A_59 = arith.cmpi eq, %arg1, %eq3A_58 : i32
      %convert_element_type3A_60 = arith.extui %eq3A_59 : i1 to i32
      %cond3A_61 = arith.constant 0 : i32
      %cond3A_62 = arith.cmpi ne, %convert_element_type3A_60, %cond3A_61 : i32
      scf.if %cond3A_62 {
        "tpu.region"() ({
          %run_scoped3A = tpu.sem_alloc : memref<!tpu.dma_semaphore, #tpu.memory_space<semaphore_mem>>
          %dma_start3A = arith.constant 11760 : i32
          %dma_start3A_63 = arith.constant 0 : i32
          %dma_start3A_64 = tpu.memref_slice %arg5[%dma_start3A, %dma_start3A_63] : memref<25000x128xf32, #tpu.memory_space<hbm>> -> memref<744x128xf32, #tpu.memory_space<hbm>>
          %dma_start3A_65 = arith.constant 11760 : i32
          %dma_start3A_66 = arith.constant 0 : i32
          %dma_start3A_67 = tpu.memref_slice %arg10[%dma_start3A_65, %dma_start3A_66] : memref<12544x128xf32, #tpu.memory_space<vmem_shared>> -> memref<744x128xf32, #tpu.memory_space<vmem_shared>>
          tpu.enqueue_dma source(%dma_start3A_67 : memref<744x128xf32, #tpu.memory_space<vmem_shared>>) target(%dma_start3A_64 : memref<744x128xf32, #tpu.memory_space<hbm>>) target_semaphore(%run_scoped3A : memref<!tpu.dma_semaphore, #tpu.memory_space<semaphore_mem>>)
          %dma_wait3A = arith.constant 11760 : i32
          %dma_wait3A_68 = arith.constant 0 : i32
          %dma_wait3A_69 = tpu.memref_slice %arg5[%dma_wait3A, %dma_wait3A_68] : memref<25000x128xf32, #tpu.memory_space<hbm>> -> memref<744x128xf32, #tpu.memory_space<hbm>>
          %dma_wait3A_70 = arith.constant 11760 : i32
          %dma_wait3A_71 = arith.constant 0 : i32
          %dma_wait3A_72 = tpu.memref_slice %arg10[%dma_wait3A_70, %dma_wait3A_71] : memref<12544x128xf32, #tpu.memory_space<vmem_shared>> -> memref<744x128xf32, #tpu.memory_space<vmem_shared>>
          tpu.wait_dma2 semaphore(%run_scoped3A : memref<!tpu.dma_semaphore, #tpu.memory_space<semaphore_mem>>) src(%dma_wait3A_72 : memref<744x128xf32, #tpu.memory_space<vmem_shared>>) dst(%dma_wait3A_69 : memref<744x128xf32, #tpu.memory_space<hbm>>)
          tpu.yield
        }) : () -> ()
      } else {
      }
    } else {
    }
    %eq3A_49 = arith.constant 1 : i32
    %eq3A_50 = arith.cmpi eq, %arg0, %eq3A_49 : i32
    %convert_element_type3A_51 = arith.extui %eq3A_50 : i1 to i32
    %cond3A_52 = arith.constant 0 : i32
    %cond3A_53 = arith.cmpi ne, %convert_element_type3A_51, %cond3A_52 : i32
    scf.if %cond3A_53 {
      %lt3A = arith.constant 15 : i32
      %lt3A_54 = arith.cmpi slt, %arg1, %lt3A : i32
      %convert_element_type3A_55 = arith.extui %lt3A_54 : i1 to i32
      %cond3A_56 = arith.constant 0 : i32
      %cond3A_57 = arith.cmpi ne, %convert_element_type3A_55, %cond3A_56 : i32
      scf.if %cond3A_57 {
        %mul3A_63 = arith.constant 784 : i32
        %mul3A_64 = arith.muli %arg1, %mul3A_63 : i32
        %mul3A_65 = arith.constant 784 : i32
        %mul3A_66 = arith.muli %arg1, %mul3A_65 : i32
        %add3A_67 = arith.constant 12504 : i32
        %add3A_68 = arith.addi %add3A_67, %mul3A_66 : i32
        "tpu.region"() ({
          %run_scoped3A = tpu.sem_alloc : memref<!tpu.dma_semaphore, #tpu.memory_space<semaphore_mem>>
          %dma_start3A = arith.constant 0 : i32
          %dma_start3A_69 = tpu.memref_slice %arg5[%add3A_68, %dma_start3A] : memref<25000x128xf32, #tpu.memory_space<hbm>> -> memref<784x128xf32, #tpu.memory_space<hbm>>
          %dma_start3A_70 = arith.constant 0 : i32
          %dma_start3A_71 = tpu.memref_slice %arg10[%mul3A_64, %dma_start3A_70] : memref<12544x128xf32, #tpu.memory_space<vmem_shared>> -> memref<784x128xf32, #tpu.memory_space<vmem_shared>>
          tpu.enqueue_dma source(%dma_start3A_71 : memref<784x128xf32, #tpu.memory_space<vmem_shared>>) target(%dma_start3A_69 : memref<784x128xf32, #tpu.memory_space<hbm>>) target_semaphore(%run_scoped3A : memref<!tpu.dma_semaphore, #tpu.memory_space<semaphore_mem>>)
          %dma_wait3A = arith.constant 0 : i32
          %dma_wait3A_72 = tpu.memref_slice %arg5[%add3A_68, %dma_wait3A] : memref<25000x128xf32, #tpu.memory_space<hbm>> -> memref<784x128xf32, #tpu.memory_space<hbm>>
          %dma_wait3A_73 = arith.constant 0 : i32
          %dma_wait3A_74 = tpu.memref_slice %arg10[%mul3A_64, %dma_wait3A_73] : memref<12544x128xf32, #tpu.memory_space<vmem_shared>> -> memref<784x128xf32, #tpu.memory_space<vmem_shared>>
          tpu.wait_dma2 semaphore(%run_scoped3A : memref<!tpu.dma_semaphore, #tpu.memory_space<semaphore_mem>>) src(%dma_wait3A_74 : memref<784x128xf32, #tpu.memory_space<vmem_shared>>) dst(%dma_wait3A_72 : memref<784x128xf32, #tpu.memory_space<hbm>>)
          tpu.yield
        }) : () -> ()
      } else {
      }
      %eq3A_58 = arith.constant 15 : i32
      %eq3A_59 = arith.cmpi eq, %arg1, %eq3A_58 : i32
      %convert_element_type3A_60 = arith.extui %eq3A_59 : i1 to i32
      %cond3A_61 = arith.constant 0 : i32
      %cond3A_62 = arith.cmpi ne, %convert_element_type3A_60, %cond3A_61 : i32
      scf.if %cond3A_62 {
        "tpu.region"() ({
          %run_scoped3A = tpu.sem_alloc : memref<!tpu.dma_semaphore, #tpu.memory_space<semaphore_mem>>
          %dma_start3A = arith.constant 24264 : i32
          %dma_start3A_63 = arith.constant 0 : i32
          %dma_start3A_64 = tpu.memref_slice %arg5[%dma_start3A, %dma_start3A_63] : memref<25000x128xf32, #tpu.memory_space<hbm>> -> memref<736x128xf32, #tpu.memory_space<hbm>>
          %dma_start3A_65 = arith.constant 11760 : i32
          %dma_start3A_66 = arith.constant 0 : i32
          %dma_start3A_67 = tpu.memref_slice %arg10[%dma_start3A_65, %dma_start3A_66] : memref<12544x128xf32, #tpu.memory_space<vmem_shared>> -> memref<736x128xf32, #tpu.memory_space<vmem_shared>>
          tpu.enqueue_dma source(%dma_start3A_67 : memref<736x128xf32, #tpu.memory_space<vmem_shared>>) target(%dma_start3A_64 : memref<736x128xf32, #tpu.memory_space<hbm>>) target_semaphore(%run_scoped3A : memref<!tpu.dma_semaphore, #tpu.memory_space<semaphore_mem>>)
          %dma_wait3A = arith.constant 24264 : i32
          %dma_wait3A_68 = arith.constant 0 : i32
          %dma_wait3A_69 = tpu.memref_slice %arg5[%dma_wait3A, %dma_wait3A_68] : memref<25000x128xf32, #tpu.memory_space<hbm>> -> memref<736x128xf32, #tpu.memory_space<hbm>>
          %dma_wait3A_70 = arith.constant 11760 : i32
          %dma_wait3A_71 = arith.constant 0 : i32
          %dma_wait3A_72 = tpu.memref_slice %arg10[%dma_wait3A_70, %dma_wait3A_71] : memref<12544x128xf32, #tpu.memory_space<vmem_shared>> -> memref<736x128xf32, #tpu.memory_space<vmem_shared>>
          tpu.wait_dma2 semaphore(%run_scoped3A : memref<!tpu.dma_semaphore, #tpu.memory_space<semaphore_mem>>) src(%dma_wait3A_72 : memref<736x128xf32, #tpu.memory_space<vmem_shared>>) dst(%dma_wait3A_69 : memref<736x128xf32, #tpu.memory_space<hbm>>)
          tpu.yield
        }) : () -> ()
      } else {
      }
    } else {
    }
    return
  }
}

module attributes {stable_mosaic.version = 14 : i64} {
  func.func @_combine_body(%arg0: memref<384x128xf32, #tpu.memory_space<vmem>>, %arg1: memref<128x128xf32, #tpu.memory_space<vmem>>, %arg2: memref<384x128xf32, #tpu.memory_space<vmem>>, %arg3: memref<128x128xf32, #tpu.memory_space<vmem>>, %arg4: memref<384x128xf32, #tpu.memory_space<vmem>>, %arg5: memref<384x128xf32, #tpu.memory_space<vmem>>) attributes {dimension_semantics = [], scalar_prefetch = 0 : i64, scratch_operands = 0 : i64, tpu.core_type = #tpu.core_type<tc>} {
    %get3A = arith.constant 0 : index
    %get3A_0 = arith.constant 0 : index
    %get3A_1 = vector.load %arg0[%get3A, %get3A_0] : memref<384x128xf32, #tpu.memory_space<vmem>>, vector<384x128xf32>
    %get3A_2 = arith.constant 0 : index
    %get3A_3 = arith.constant 0 : index
    %get3A_4 = vector.load %arg1[%get3A_2, %get3A_3] : memref<128x128xf32, #tpu.memory_space<vmem>>, vector<128x128xf32>
    %dot_general3A = arith.constant dense<0.000000e+00> : vector<384x128xf32>
    %dot_general3A_5 = tpu.matmul %get3A_1, %get3A_4, %dot_general3A {dimension_numbers = #tpu.dot_dimension_numbers<[1], [0], [0], [1], [0, 0, 1, 1], [], []>, transpose_lhs_hint = false} : vector<384x128xf32>, vector<128x128xf32>, vector<384x128xf32> -> vector<384x128xf32>
    %swap3A = arith.constant 0 : index
    %swap3A_6 = arith.constant 0 : index
    %swap3A_7 = vector.load %arg4[%swap3A, %swap3A_6] : memref<384x128xf32, #tpu.memory_space<vmem>>, vector<384x128xf32>
    tpu.vector_store %arg4[%swap3A, %swap3A_6], %dot_general3A_5 {strides = array<i32>} : memref<384x128xf32, #tpu.memory_space<vmem>>, vector<384x128xf32>,
    %get3A_8 = arith.constant 0 : index
    %get3A_9 = arith.constant 0 : index
    %get3A_10 = vector.load %arg2[%get3A_8, %get3A_9] : memref<384x128xf32, #tpu.memory_space<vmem>>, vector<384x128xf32>
    %get3A_11 = arith.constant 0 : index
    %get3A_12 = arith.constant 0 : index
    %get3A_13 = vector.load %arg3[%get3A_11, %get3A_12] : memref<128x128xf32, #tpu.memory_space<vmem>>, vector<128x128xf32>
    %dot_general3A_14 = arith.constant dense<0.000000e+00> : vector<384x128xf32>
    %dot_general3A_15 = tpu.matmul %get3A_10, %get3A_13, %dot_general3A_14 {dimension_numbers = #tpu.dot_dimension_numbers<[1], [0], [0], [1], [0, 0, 1, 1], [], []>, transpose_lhs_hint = false} : vector<384x128xf32>, vector<128x128xf32>, vector<384x128xf32> -> vector<384x128xf32>
    %swap3A_16 = arith.constant 0 : index
    %swap3A_17 = arith.constant 0 : index
    %swap3A_18 = vector.load %arg5[%swap3A_16, %swap3A_17] : memref<384x128xf32, #tpu.memory_space<vmem>>, vector<384x128xf32>
    tpu.vector_store %arg5[%swap3A_16, %swap3A_17], %dot_general3A_15 {strides = array<i32>} : memref<384x128xf32, #tpu.memory_space<vmem>>, vector<384x128xf32>,
    return
  }
}

module attributes {stable_mosaic.version = 14 : i64} {
  func.func @_l1_body(%arg0: i32, %arg1: memref<1000x128xf32, #tpu.memory_space<vmem>>, %arg2: memref<1000x128xf32, #tpu.memory_space<vmem>>, %arg3: memref<128x128xf32, #tpu.memory_space<vmem>>, %arg4: memref<128x128xf32, #tpu.memory_space<vmem>>, %arg5: memref<384x128xf32, #tpu.memory_space<vmem>>, %arg6: memref<384x128xf32, #tpu.memory_space<vmem>>, %arg7: memref<1x384xf32, #tpu.memory_space<vmem>>, %arg8: memref<1x384xf32, #tpu.memory_space<vmem>>, %arg9: memref<1000x128xf32, #tpu.memory_space<vmem>>, %arg10: memref<1000x128xf32, #tpu.memory_space<vmem>>, %arg11: memref<1000x384xf32, #tpu.memory_space<vmem>>, %arg12: memref<1000x384xf32, #tpu.memory_space<vmem>>) attributes {dimension_semantics = [#tpu.dimension_semantics<arbitrary>], iteration_bounds = array<i64: 25>, scalar_prefetch = 0 : i64, scratch_operands = 0 : i64, tpu.core_type = #tpu.core_type<tc>, window_params = [{transform_indices = @transform_0, window_bounds = array<i64: 1000, 128>}, {transform_indices = @transform_1, window_bounds = array<i64: 1000, 128>}, {pipeline_mode = #tpu.pipeline_mode<synchronous>, transform_indices = @transform_2, window_bounds = array<i64: 128, 128>}, {pipeline_mode = #tpu.pipeline_mode<synchronous>, transform_indices = @transform_3, window_bounds = array<i64: 128, 128>}, {pipeline_mode = #tpu.pipeline_mode<synchronous>, transform_indices = @transform_4, window_bounds = array<i64: 384, 128>}, {pipeline_mode = #tpu.pipeline_mode<synchronous>, transform_indices = @transform_5, window_bounds = array<i64: 384, 128>}, {pipeline_mode = #tpu.pipeline_mode<synchronous>, transform_indices = @transform_6, window_bounds = array<i64: 1, 384>}, {pipeline_mode = #tpu.pipeline_mode<synchronous>, transform_indices = @transform_7, window_bounds = array<i64: 1, 384>}, {transform_indices = @transform_8, window_bounds = array<i64: 1000, 128>}, {transform_indices = @transform_9, window_bounds = array<i64: 1000, 128>}, {transform_indices = @transform_10, window_bounds = array<i64: 1000, 384>}, {transform_indices = @transform_11, window_bounds = array<i64: 1000, 384>}]} {
    %get3A = arith.constant 0 : index
    %get3A_0 = arith.constant 0 : index
    %get3A_1 = vector.load %arg1[%get3A, %get3A_0] : memref<1000x128xf32, #tpu.memory_space<vmem>>, vector<1000x128xf32>
    %get3A_2 = arith.constant 0 : index
    %get3A_3 = arith.constant 0 : index
    %get3A_4 = vector.load %arg2[%get3A_2, %get3A_3] : memref<1000x128xf32, #tpu.memory_space<vmem>>, vector<1000x128xf32>
    %get3A_5 = arith.constant 0 : index
    %get3A_6 = arith.constant 0 : index
    %get3A_7 = vector.load %arg3[%get3A_5, %get3A_6] : memref<128x128xf32, #tpu.memory_space<vmem>>, vector<128x128xf32>
    %dot_general3A = arith.constant dense<0.000000e+00> : vector<1000x128xf32>
    %dot_general3A_8 = tpu.matmul %get3A_1, %get3A_7, %dot_general3A {dimension_numbers = #tpu.dot_dimension_numbers<[1], [1], [0], [0], [0, 0, 1, 0], [], []>, transpose_lhs_hint = false} : vector<1000x128xf32>, vector<128x128xf32>, vector<1000x128xf32> -> vector<1000x128xf32>
    %swap3A = arith.constant 0 : index
    %swap3A_9 = arith.constant 0 : index
    %swap3A_10 = vector.load %arg9[%swap3A, %swap3A_9] : memref<1000x128xf32, #tpu.memory_space<vmem>>, vector<1000x128xf32>
    tpu.vector_store %arg9[%swap3A, %swap3A_9], %dot_general3A_8 {strides = array<i32>} : memref<1000x128xf32, #tpu.memory_space<vmem>>, vector<1000x128xf32>,
    %get3A_11 = arith.constant 0 : index
    %get3A_12 = arith.constant 0 : index
    %get3A_13 = vector.load %arg4[%get3A_11, %get3A_12] : memref<128x128xf32, #tpu.memory_space<vmem>>, vector<128x128xf32>
    %dot_general3A_14 = arith.constant dense<0.000000e+00> : vector<1000x128xf32>
    %dot_general3A_15 = tpu.matmul %get3A_4, %get3A_13, %dot_general3A_14 {dimension_numbers = #tpu.dot_dimension_numbers<[1], [1], [0], [0], [0, 0, 1, 0], [], []>, transpose_lhs_hint = false} : vector<1000x128xf32>, vector<128x128xf32>, vector<1000x128xf32> -> vector<1000x128xf32>
    %swap3A_16 = arith.constant 0 : index
    %swap3A_17 = arith.constant 0 : index
    %swap3A_18 = vector.load %arg10[%swap3A_16, %swap3A_17] : memref<1000x128xf32, #tpu.memory_space<vmem>>, vector<1000x128xf32>
    tpu.vector_store %arg10[%swap3A_16, %swap3A_17], %dot_general3A_15 {strides = array<i32>} : memref<1000x128xf32, #tpu.memory_space<vmem>>, vector<1000x128xf32>,
    %get3A_19 = arith.constant 0 : index
    %get3A_20 = arith.constant 0 : index
    %get3A_21 = vector.load %arg5[%get3A_19, %get3A_20] : memref<384x128xf32, #tpu.memory_space<vmem>>, vector<384x128xf32>
    %dot_general3A_22 = arith.constant dense<0.000000e+00> : vector<1000x384xf32>
    %dot_general3A_23 = tpu.matmul %get3A_4, %get3A_21, %dot_general3A_22 {dimension_numbers = #tpu.dot_dimension_numbers<[1], [1], [0], [0], [0, 0, 1, 0], [], []>, transpose_lhs_hint = false} : vector<1000x128xf32>, vector<384x128xf32>, vector<1000x384xf32> -> vector<1000x384xf32>
    %get3A_24 = arith.constant 0 : index
    %get3A_25 = arith.constant 0 : index
    %get3A_26 = vector.load %arg7[%get3A_24, %get3A_25] : memref<1x384xf32, #tpu.memory_space<vmem>>, vector<1x384xf32>
    %add3A = vector.broadcast %get3A_26 : vector<1x384xf32> to vector<1000x384xf32>
    %add3A_27 = arith.addf %dot_general3A_23, %add3A : vector<1000x384xf32>
    %swap3A_28 = arith.constant 0 : index
    %swap3A_29 = arith.constant 0 : index
    %swap3A_30 = vector.load %arg11[%swap3A_28, %swap3A_29] : memref<1000x384xf32, #tpu.memory_space<vmem>>, vector<1000x384xf32>
    tpu.vector_store %arg11[%swap3A_28, %swap3A_29], %add3A_27 {strides = array<i32>} : memref<1000x384xf32, #tpu.memory_space<vmem>>, vector<1000x384xf32>,
    %get3A_31 = arith.constant 0 : index
    %get3A_32 = arith.constant 0 : index
    %get3A_33 = vector.load %arg6[%get3A_31, %get3A_32] : memref<384x128xf32, #tpu.memory_space<vmem>>, vector<384x128xf32>
    %dot_general3A_34 = arith.constant dense<0.000000e+00> : vector<1000x384xf32>
    %dot_general3A_35 = tpu.matmul %get3A_1, %get3A_33, %dot_general3A_34 {dimension_numbers = #tpu.dot_dimension_numbers<[1], [1], [0], [0], [0, 0, 1, 0], [], []>, transpose_lhs_hint = false} : vector<1000x128xf32>, vector<384x128xf32>, vector<1000x384xf32> -> vector<1000x384xf32>
    %get3A_36 = arith.constant 0 : index
    %get3A_37 = arith.constant 0 : index
    %get3A_38 = vector.load %arg8[%get3A_36, %get3A_37] : memref<1x384xf32, #tpu.memory_space<vmem>>, vector<1x384xf32>
    %add3A_39 = vector.broadcast %get3A_38 : vector<1x384xf32> to vector<1000x384xf32>
    %add3A_40 = arith.addf %dot_general3A_35, %add3A_39 : vector<1000x384xf32>
    %swap3A_41 = arith.constant 0 : index
    %swap3A_42 = arith.constant 0 : index
    %swap3A_43 = vector.load %arg12[%swap3A_41, %swap3A_42] : memref<1000x384xf32, #tpu.memory_space<vmem>>, vector<1000x384xf32>
    tpu.vector_store %arg12[%swap3A_41, %swap3A_42], %add3A_40 {strides = array<i32>} : memref<1000x384xf32, #tpu.memory_space<vmem>>, vector<1000x384xf32>,
    return
  }
  func.func @transform_0(%arg0: i32) -> (i32, i32) {
    %c0_i32 = arith.constant 0 : i32
    %c0_i32_0 = arith.constant 0 : i32
    return %arg0, %c0_i32 : i32, i32
  }
  func.func @transform_1(%arg0: i32) -> (i32, i32) {
    %c0_i32 = arith.constant 0 : i32
    %c0_i32_0 = arith.constant 0 : i32
    return %arg0, %c0_i32 : i32, i32
  }
  func.func @transform_2(%arg0: i32) -> (i32, i32) {
    %c0_i32 = arith.constant 0 : i32
    %c0_i32_0 = arith.constant 0 : i32
    %c0_i32_1 = arith.constant 0 : i32
    return %c0_i32, %c0_i32_0 : i32, i32
  }
  func.func @transform_3(%arg0: i32) -> (i32, i32) {
    %c0_i32 = arith.constant 0 : i32
    %c0_i32_0 = arith.constant 0 : i32
    %c0_i32_1 = arith.constant 0 : i32
    return %c0_i32, %c0_i32_0 : i32, i32
  }
  func.func @transform_4(%arg0: i32) -> (i32, i32) {
    %c0_i32 = arith.constant 0 : i32
    %c0_i32_0 = arith.constant 0 : i32
    %c0_i32_1 = arith.constant 0 : i32
    return %c0_i32, %c0_i32_0 : i32, i32
  }
  func.func @transform_5(%arg0: i32) -> (i32, i32) {
    %c0_i32 = arith.constant 0 : i32
    %c0_i32_0 = arith.constant 0 : i32
    %c0_i32_1 = arith.constant 0 : i32
    return %c0_i32, %c0_i32_0 : i32, i32
  }
  func.func @transform_6(%arg0: i32) -> (i32, i32) {
    %c0_i32 = arith.constant 0 : i32
    %c0_i32_0 = arith.constant 0 : i32
    %c0_i32_1 = arith.constant 0 : i32
    return %c0_i32, %c0_i32_0 : i32, i32
  }
  func.func @transform_7(%arg0: i32) -> (i32, i32) {
    %c0_i32 = arith.constant 0 : i32
    %c0_i32_0 = arith.constant 0 : i32
    %c0_i32_1 = arith.constant 0 : i32
    return %c0_i32, %c0_i32_0 : i32, i32
  }
  func.func @transform_8(%arg0: i32) -> (i32, i32) {
    %c0_i32 = arith.constant 0 : i32
    %c0_i32_0 = arith.constant 0 : i32
    return %arg0, %c0_i32 : i32, i32
  }
  func.func @transform_9(%arg0: i32) -> (i32, i32) {
    %c0_i32 = arith.constant 0 : i32
    %c0_i32_0 = arith.constant 0 : i32
    return %arg0, %c0_i32 : i32, i32
  }
  func.func @transform_10(%arg0: i32) -> (i32, i32) {
    %c0_i32 = arith.constant 0 : i32
    %c0_i32_0 = arith.constant 0 : i32
    return %arg0, %c0_i32 : i32, i32
  }
  func.func @transform_11(%arg0: i32) -> (i32, i32) {
    %c0_i32 = arith.constant 0 : i32
    %c0_i32_0 = arith.constant 0 : i32
    return %arg0, %c0_i32 : i32, i32
  }
}

module attributes {stable_mosaic.version = 14 : i64} {
  func.func @_gru1_body(%arg0: i32, %arg1: memref<1000x384xf32, #tpu.memory_space<vmem>>, %arg2: memref<1000x128xf32, #tpu.memory_space<vmem>>, %arg3: memref<384x128xf32, #tpu.memory_space<vmem>>, %arg4: memref<1x384xf32, #tpu.memory_space<vmem>>, %arg5: memref<1000x384xf32, #tpu.memory_space<vmem>>, %arg6: memref<1000x128xf32, #tpu.memory_space<vmem>>, %arg7: memref<384x128xf32, #tpu.memory_space<vmem>>, %arg8: memref<1x384xf32, #tpu.memory_space<vmem>>, %arg9: memref<1000x128xf32, #tpu.memory_space<vmem>>, %arg10: memref<1000x128xf32, #tpu.memory_space<vmem>>) attributes {dimension_semantics = [#tpu.dimension_semantics<arbitrary>], iteration_bounds = array<i64: 25>, scalar_prefetch = 0 : i64, scratch_operands = 0 : i64, tpu.core_type = #tpu.core_type<tc>, window_params = [{transform_indices = @transform_0, window_bounds = array<i64: 1000, 384>}, {transform_indices = @transform_1, window_bounds = array<i64: 1000, 128>}, {pipeline_mode = #tpu.pipeline_mode<synchronous>, transform_indices = @transform_2, window_bounds = array<i64: 384, 128>}, {pipeline_mode = #tpu.pipeline_mode<synchronous>, transform_indices = @transform_3, window_bounds = array<i64: 1, 384>}, {transform_indices = @transform_4, window_bounds = array<i64: 1000, 384>}, {transform_indices = @transform_5, window_bounds = array<i64: 1000, 128>}, {pipeline_mode = #tpu.pipeline_mode<synchronous>, transform_indices = @transform_6, window_bounds = array<i64: 384, 128>}, {pipeline_mode = #tpu.pipeline_mode<synchronous>, transform_indices = @transform_7, window_bounds = array<i64: 1, 384>}, {transform_indices = @transform_8, window_bounds = array<i64: 1000, 128>}, {transform_indices = @transform_9, window_bounds = array<i64: 1000, 128>}]} {
    %get3A = arith.constant 0 : index
    %get3A_0 = arith.constant 0 : index
    %get3A_1 = vector.load %arg1[%get3A, %get3A_0] : memref<1000x384xf32, #tpu.memory_space<vmem>>, vector<1000x384xf32>
    %get3A_2 = arith.constant 0 : index
    %get3A_3 = arith.constant 0 : index
    %get3A_4 = vector.load %arg2[%get3A_2, %get3A_3] : memref<1000x128xf32, #tpu.memory_space<vmem>>, vector<1000x128xf32>
    %get3A_5 = arith.constant 0 : index
    %get3A_6 = arith.constant 0 : index
    %get3A_7 = vector.load %arg3[%get3A_5, %get3A_6] : memref<384x128xf32, #tpu.memory_space<vmem>>, vector<384x128xf32>
    %get3A_8 = arith.constant 0 : index
    %get3A_9 = arith.constant 0 : index
    %get3A_10 = vector.load %arg4[%get3A_8, %get3A_9] : memref<1x384xf32, #tpu.memory_space<vmem>>, vector<1x384xf32>
    %dot_general3A = arith.constant dense<0.000000e+00> : vector<1000x384xf32>
    %dot_general3A_11 = tpu.matmul %get3A_4, %get3A_7, %dot_general3A {dimension_numbers = #tpu.dot_dimension_numbers<[1], [1], [0], [0], [0, 0, 1, 0], [], []>, transpose_lhs_hint = false} : vector<1000x128xf32>, vector<384x128xf32>, vector<1000x384xf32> -> vector<1000x384xf32>
    %add3A = vector.broadcast %get3A_10 : vector<1x384xf32> to vector<1000x384xf32>
    %add3A_12 = arith.addf %dot_general3A_11, %add3A : vector<1000x384xf32>
    %slice3A = vector.extract_strided_slice %get3A_1 {offsets = [0, 0], sizes = [1000, 128], strides = [1, 1]} : vector<1000x384xf32> to vector<1000x128xf32>
    %slice3A_13 = vector.extract_strided_slice %add3A_12 {offsets = [0, 0], sizes = [1000, 128], strides = [1, 1]} : vector<1000x384xf32> to vector<1000x128xf32>
    %add3A_14 = arith.addf %slice3A, %slice3A_13 : vector<1000x128xf32>
    %logistic3A = arith.negf %add3A_14 : vector<1000x128xf32>
    %logistic3A_15 = math.exp %logistic3A : vector<1000x128xf32>
    %logistic3A_16 = arith.constant 1.000000e+00 : f32
    %logistic3A_17 = vector.broadcast %logistic3A_16 : f32 to vector<1000x128xf32>
    %logistic3A_18 = arith.addf %logistic3A_17, %logistic3A_15 : vector<1000x128xf32>
    %logistic3A_19 = arith.divf %logistic3A_17, %logistic3A_18 : vector<1000x128xf32>
    %slice3A_20 = vector.extract_strided_slice %get3A_1 {offsets = [0, 128], sizes = [1000, 128], strides = [1, 1]} : vector<1000x384xf32> to vector<1000x128xf32>
    %slice3A_21 = vector.extract_strided_slice %add3A_12 {offsets = [0, 128], sizes = [1000, 128], strides = [1, 1]} : vector<1000x384xf32> to vector<1000x128xf32>
    %add3A_22 = arith.addf %slice3A_20, %slice3A_21 : vector<1000x128xf32>
    %logistic3A_23 = arith.negf %add3A_22 : vector<1000x128xf32>
    %logistic3A_24 = math.exp %logistic3A_23 : vector<1000x128xf32>
    %logistic3A_25 = arith.constant 1.000000e+00 : f32
    %logistic3A_26 = vector.broadcast %logistic3A_25 : f32 to vector<1000x128xf32>
    %logistic3A_27 = arith.addf %logistic3A_26, %logistic3A_24 : vector<1000x128xf32>
    %logistic3A_28 = arith.divf %logistic3A_26, %logistic3A_27 : vector<1000x128xf32>
    %slice3A_29 = vector.extract_strided_slice %get3A_1 {offsets = [0, 256], sizes = [1000, 128], strides = [1, 1]} : vector<1000x384xf32> to vector<1000x128xf32>
    %slice3A_30 = vector.extract_strided_slice %add3A_12 {offsets = [0, 256], sizes = [1000, 128], strides = [1, 1]} : vector<1000x384xf32> to vector<1000x128xf32>
    %mul3A = arith.mulf %logistic3A_19, %slice3A_30 : vector<1000x128xf32>
    %add3A_31 = arith.addf %slice3A_29, %mul3A : vector<1000x128xf32>
    %tanh3A = math.tanh %add3A_31 : vector<1000x128xf32>
    %sub3A = arith.constant 1.000000e+00 : f32
    %sub3A_32 = vector.broadcast %sub3A : f32 to vector<1000x128xf32>
    %sub3A_33 = arith.subf %sub3A_32, %logistic3A_28 : vector<1000x128xf32>
    %mul3A_34 = arith.mulf %sub3A_33, %tanh3A : vector<1000x128xf32>
    %mul3A_35 = arith.mulf %logistic3A_28, %get3A_4 : vector<1000x128xf32>
    %add3A_36 = arith.addf %mul3A_34, %mul3A_35 : vector<1000x128xf32>
    %max3A = arith.constant 0.000000e+00 : f32
    %max3A_37 = vector.broadcast %max3A : f32 to vector<1000x128xf32>
    %max3A_38 = arith.maximumf %add3A_36, %max3A_37 : vector<1000x128xf32>
    %swap3A = arith.constant 0 : index
    %swap3A_39 = arith.constant 0 : index
    %swap3A_40 = vector.load %arg9[%swap3A, %swap3A_39] : memref<1000x128xf32, #tpu.memory_space<vmem>>, vector<1000x128xf32>
    tpu.vector_store %arg9[%swap3A, %swap3A_39], %max3A_38 {strides = array<i32>} : memref<1000x128xf32, #tpu.memory_space<vmem>>, vector<1000x128xf32>,
    %get3A_41 = arith.constant 0 : index
    %get3A_42 = arith.constant 0 : index
    %get3A_43 = vector.load %arg5[%get3A_41, %get3A_42] : memref<1000x384xf32, #tpu.memory_space<vmem>>, vector<1000x384xf32>
    %get3A_44 = arith.constant 0 : index
    %get3A_45 = arith.constant 0 : index
    %get3A_46 = vector.load %arg6[%get3A_44, %get3A_45] : memref<1000x128xf32, #tpu.memory_space<vmem>>, vector<1000x128xf32>
    %get3A_47 = arith.constant 0 : index
    %get3A_48 = arith.constant 0 : index
    %get3A_49 = vector.load %arg7[%get3A_47, %get3A_48] : memref<384x128xf32, #tpu.memory_space<vmem>>, vector<384x128xf32>
    %get3A_50 = arith.constant 0 : index
    %get3A_51 = arith.constant 0 : index
    %get3A_52 = vector.load %arg8[%get3A_50, %get3A_51] : memref<1x384xf32, #tpu.memory_space<vmem>>, vector<1x384xf32>
    %dot_general3A_53 = arith.constant dense<0.000000e+00> : vector<1000x384xf32>
    %dot_general3A_54 = tpu.matmul %get3A_46, %get3A_49, %dot_general3A_53 {dimension_numbers = #tpu.dot_dimension_numbers<[1], [1], [0], [0], [0, 0, 1, 0], [], []>, transpose_lhs_hint = false} : vector<1000x128xf32>, vector<384x128xf32>, vector<1000x384xf32> -> vector<1000x384xf32>
    %add3A_55 = vector.broadcast %get3A_52 : vector<1x384xf32> to vector<1000x384xf32>
    %add3A_56 = arith.addf %dot_general3A_54, %add3A_55 : vector<1000x384xf32>
    %slice3A_57 = vector.extract_strided_slice %get3A_43 {offsets = [0, 0], sizes = [1000, 128], strides = [1, 1]} : vector<1000x384xf32> to vector<1000x128xf32>
    %slice3A_58 = vector.extract_strided_slice %add3A_56 {offsets = [0, 0], sizes = [1000, 128], strides = [1, 1]} : vector<1000x384xf32> to vector<1000x128xf32>
    %add3A_59 = arith.addf %slice3A_57, %slice3A_58 : vector<1000x128xf32>
    %logistic3A_60 = arith.negf %add3A_59 : vector<1000x128xf32>
    %logistic3A_61 = math.exp %logistic3A_60 : vector<1000x128xf32>
    %logistic3A_62 = arith.constant 1.000000e+00 : f32
    %logistic3A_63 = vector.broadcast %logistic3A_62 : f32 to vector<1000x128xf32>
    %logistic3A_64 = arith.addf %logistic3A_63, %logistic3A_61 : vector<1000x128xf32>
    %logistic3A_65 = arith.divf %logistic3A_63, %logistic3A_64 : vector<1000x128xf32>
    %slice3A_66 = vector.extract_strided_slice %get3A_43 {offsets = [0, 128], sizes = [1000, 128], strides = [1, 1]} : vector<1000x384xf32> to vector<1000x128xf32>
    %slice3A_67 = vector.extract_strided_slice %add3A_56 {offsets = [0, 128], sizes = [1000, 128], strides = [1, 1]} : vector<1000x384xf32> to vector<1000x128xf32>
    %add3A_68 = arith.addf %slice3A_66, %slice3A_67 : vector<1000x128xf32>
    %logistic3A_69 = arith.negf %add3A_68 : vector<1000x128xf32>
    %logistic3A_70 = math.exp %logistic3A_69 : vector<1000x128xf32>
    %logistic3A_71 = arith.constant 1.000000e+00 : f32
    %logistic3A_72 = vector.broadcast %logistic3A_71 : f32 to vector<1000x128xf32>
    %logistic3A_73 = arith.addf %logistic3A_72, %logistic3A_70 : vector<1000x128xf32>
    %logistic3A_74 = arith.divf %logistic3A_72, %logistic3A_73 : vector<1000x128xf32>
    %slice3A_75 = vector.extract_strided_slice %get3A_43 {offsets = [0, 256], sizes = [1000, 128], strides = [1, 1]} : vector<1000x384xf32> to vector<1000x128xf32>
    %slice3A_76 = vector.extract_strided_slice %add3A_56 {offsets = [0, 256], sizes = [1000, 128], strides = [1, 1]} : vector<1000x384xf32> to vector<1000x128xf32>
    %mul3A_77 = arith.mulf %logistic3A_65, %slice3A_76 : vector<1000x128xf32>
    %add3A_78 = arith.addf %slice3A_75, %mul3A_77 : vector<1000x128xf32>
    %tanh3A_79 = math.tanh %add3A_78 : vector<1000x128xf32>
    %sub3A_80 = arith.constant 1.000000e+00 : f32
    %sub3A_81 = vector.broadcast %sub3A_80 : f32 to vector<1000x128xf32>
    %sub3A_82 = arith.subf %sub3A_81, %logistic3A_74 : vector<1000x128xf32>
    %mul3A_83 = arith.mulf %sub3A_82, %tanh3A_79 : vector<1000x128xf32>
    %mul3A_84 = arith.mulf %logistic3A_74, %get3A_46 : vector<1000x128xf32>
    %add3A_85 = arith.addf %mul3A_83, %mul3A_84 : vector<1000x128xf32>
    %max3A_86 = arith.constant 0.000000e+00 : f32
    %max3A_87 = vector.broadcast %max3A_86 : f32 to vector<1000x128xf32>
    %max3A_88 = arith.maximumf %add3A_85, %max3A_87 : vector<1000x128xf32>
    %swap3A_89 = arith.constant 0 : index
    %swap3A_90 = arith.constant 0 : index
    %swap3A_91 = vector.load %arg10[%swap3A_89, %swap3A_90] : memref<1000x128xf32, #tpu.memory_space<vmem>>, vector<1000x128xf32>
    tpu.vector_store %arg10[%swap3A_89, %swap3A_90], %max3A_88 {strides = array<i32>} : memref<1000x128xf32, #tpu.memory_space<vmem>>, vector<1000x128xf32>,
    return
  }
  func.func @transform_0(%arg0: i32) -> (i32, i32) {
    %c0_i32 = arith.constant 0 : i32
    %c0_i32_0 = arith.constant 0 : i32
    return %arg0, %c0_i32 : i32, i32
  }
  func.func @transform_1(%arg0: i32) -> (i32, i32) {
    %c0_i32 = arith.constant 0 : i32
    %c0_i32_0 = arith.constant 0 : i32
    return %arg0, %c0_i32 : i32, i32
  }
  func.func @transform_2(%arg0: i32) -> (i32, i32) {
    %c0_i32 = arith.constant 0 : i32
    %c0_i32_0 = arith.constant 0 : i32
    %c0_i32_1 = arith.constant 0 : i32
    return %c0_i32, %c0_i32_0 : i32, i32
  }
  func.func @transform_3(%arg0: i32) -> (i32, i32) {
    %c0_i32 = arith.constant 0 : i32
    %c0_i32_0 = arith.constant 0 : i32
    %c0_i32_1 = arith.constant 0 : i32
    return %c0_i32, %c0_i32_0 : i32, i32
  }
  func.func @transform_4(%arg0: i32) -> (i32, i32) {
    %c0_i32 = arith.constant 0 : i32
    %c0_i32_0 = arith.constant 0 : i32
    return %arg0, %c0_i32 : i32, i32
  }
  func.func @transform_5(%arg0: i32) -> (i32, i32) {
    %c0_i32 = arith.constant 0 : i32
    %c0_i32_0 = arith.constant 0 : i32
    return %arg0, %c0_i32 : i32, i32
  }
  func.func @transform_6(%arg0: i32) -> (i32, i32) {
    %c0_i32 = arith.constant 0 : i32
    %c0_i32_0 = arith.constant 0 : i32
    %c0_i32_1 = arith.constant 0 : i32
    return %c0_i32, %c0_i32_0 : i32, i32
  }
  func.func @transform_7(%arg0: i32) -> (i32, i32) {
    %c0_i32 = arith.constant 0 : i32
    %c0_i32_0 = arith.constant 0 : i32
    %c0_i32_1 = arith.constant 0 : i32
    return %c0_i32, %c0_i32_0 : i32, i32
  }
  func.func @transform_8(%arg0: i32) -> (i32, i32) {
    %c0_i32 = arith.constant 0 : i32
    %c0_i32_0 = arith.constant 0 : i32
    return %arg0, %c0_i32 : i32, i32
  }
  func.func @transform_9(%arg0: i32) -> (i32, i32) {
    %c0_i32 = arith.constant 0 : i32
    %c0_i32_0 = arith.constant 0 : i32
    return %arg0, %c0_i32 : i32, i32
  }
}

module attributes {stable_mosaic.version = 14 : i64} {
  func.func @_l2_body(%arg0: i32, %arg1: memref<1000x128xf32, #tpu.memory_space<vmem>>, %arg2: memref<1000x128xf32, #tpu.memory_space<vmem>>, %arg3: memref<384x128xf32, #tpu.memory_space<vmem>>, %arg4: memref<384x128xf32, #tpu.memory_space<vmem>>, %arg5: memref<1x384xf32, #tpu.memory_space<vmem>>, %arg6: memref<1x384xf32, #tpu.memory_space<vmem>>, %arg7: memref<1000x128xf32, #tpu.memory_space<vmem>>, %arg8: memref<1000x128xf32, #tpu.memory_space<vmem>>, %arg9: memref<384x128xf32, #tpu.memory_space<vmem>>, %arg10: memref<384x128xf32, #tpu.memory_space<vmem>>, %arg11: memref<1x384xf32, #tpu.memory_space<vmem>>, %arg12: memref<1x384xf32, #tpu.memory_space<vmem>>, %arg13: memref<8x128xf32, #tpu.memory_space<vmem>>, %arg14: memref<1x1xf32, #tpu.memory_space<vmem>>, %arg15: memref<8x128xf32, #tpu.memory_space<vmem>>, %arg16: memref<1x1xf32, #tpu.memory_space<vmem>>, %arg17: memref<1000x128xf32, #tpu.memory_space<vmem>>, %arg18: memref<1000x128xf32, #tpu.memory_space<vmem>>, %arg19: memref<1000x8xf32, #tpu.memory_space<vmem>>, %arg20: memref<1000x8xf32, #tpu.memory_space<vmem>>) attributes {dimension_semantics = [#tpu.dimension_semantics<arbitrary>], iteration_bounds = array<i64: 25>, scalar_prefetch = 0 : i64, scratch_operands = 0 : i64, tpu.core_type = #tpu.core_type<tc>, window_params = [{transform_indices = @transform_0, window_bounds = array<i64: 1000, 128>}, {transform_indices = @transform_1, window_bounds = array<i64: 1000, 128>}, {pipeline_mode = #tpu.pipeline_mode<synchronous>, transform_indices = @transform_2, window_bounds = array<i64: 384, 128>}, {pipeline_mode = #tpu.pipeline_mode<synchronous>, transform_indices = @transform_3, window_bounds = array<i64: 384, 128>}, {pipeline_mode = #tpu.pipeline_mode<synchronous>, transform_indices = @transform_4, window_bounds = array<i64: 1, 384>}, {pipeline_mode = #tpu.pipeline_mode<synchronous>, transform_indices = @transform_5, window_bounds = array<i64: 1, 384>}, {transform_indices = @transform_6, window_bounds = array<i64: 1000, 128>}, {transform_indices = @transform_7, window_bounds = array<i64: 1000, 128>}, {pipeline_mode = #tpu.pipeline_mode<synchronous>, transform_indices = @transform_8, window_bounds = array<i64: 384, 128>}, {pipeline_mode = #tpu.pipeline_mode<synchronous>, transform_indices = @transform_9, window_bounds = array<i64: 384, 128>}, {pipeline_mode = #tpu.pipeline_mode<synchronous>, transform_indices = @transform_10, window_bounds = array<i64: 1, 384>}, {pipeline_mode = #tpu.pipeline_mode<synchronous>, transform_indices = @transform_11, window_bounds = array<i64: 1, 384>}, {pipeline_mode = #tpu.pipeline_mode<synchronous>, transform_indices = @transform_12, window_bounds = array<i64: 8, 128>}, {pipeline_mode = #tpu.pipeline_mode<synchronous>, transform_indices = @transform_13, window_bounds = array<i64: 1, 1>}, {pipeline_mode = #tpu.pipeline_mode<synchronous>, transform_indices = @transform_14, window_bounds = array<i64: 8, 128>}, {pipeline_mode = #tpu.pipeline_mode<synchronous>, transform_indices = @transform_15, window_bounds = array<i64: 1, 1>}, {transform_indices = @transform_16, window_bounds = array<i64: 1000, 128>}, {transform_indices = @transform_17, window_bounds = array<i64: 1000, 128>}, {transform_indices = @transform_18, window_bounds = array<i64: 1000, 8>}, {transform_indices = @transform_19, window_bounds = array<i64: 1000, 8>}]} {
    %get3A = arith.constant 0 : index
    %get3A_0 = arith.constant 0 : index
    %get3A_1 = vector.load %arg1[%get3A, %get3A_0] : memref<1000x128xf32, #tpu.memory_space<vmem>>, vector<1000x128xf32>
    %get3A_2 = arith.constant 0 : index
    %get3A_3 = arith.constant 0 : index
    %get3A_4 = vector.load %arg3[%get3A_2, %get3A_3] : memref<384x128xf32, #tpu.memory_space<vmem>>, vector<384x128xf32>
    %dot_general3A = arith.constant dense<0.000000e+00> : vector<1000x384xf32>
    %dot_general3A_5 = tpu.matmul %get3A_1, %get3A_4, %dot_general3A {dimension_numbers = #tpu.dot_dimension_numbers<[1], [1], [0], [0], [0, 0, 1, 0], [], []>, transpose_lhs_hint = false} : vector<1000x128xf32>, vector<384x128xf32>, vector<1000x384xf32> -> vector<1000x384xf32>
    %get3A_6 = arith.constant 0 : index
    %get3A_7 = arith.constant 0 : index
    %get3A_8 = vector.load %arg5[%get3A_6, %get3A_7] : memref<1x384xf32, #tpu.memory_space<vmem>>, vector<1x384xf32>
    %add3A = vector.broadcast %get3A_8 : vector<1x384xf32> to vector<1000x384xf32>
    %add3A_9 = arith.addf %dot_general3A_5, %add3A : vector<1000x384xf32>
    %get3A_10 = arith.constant 0 : index
    %get3A_11 = arith.constant 0 : index
    %get3A_12 = vector.load %arg2[%get3A_10, %get3A_11] : memref<1000x128xf32, #tpu.memory_space<vmem>>, vector<1000x128xf32>
    %get3A_13 = arith.constant 0 : index
    %get3A_14 = arith.constant 0 : index
    %get3A_15 = vector.load %arg4[%get3A_13, %get3A_14] : memref<384x128xf32, #tpu.memory_space<vmem>>, vector<384x128xf32>
    %get3A_16 = arith.constant 0 : index
    %get3A_17 = arith.constant 0 : index
    %get3A_18 = vector.load %arg6[%get3A_16, %get3A_17] : memref<1x384xf32, #tpu.memory_space<vmem>>, vector<1x384xf32>
    %dot_general3A_19 = arith.constant dense<0.000000e+00> : vector<1000x384xf32>
    %dot_general3A_20 = tpu.matmul %get3A_12, %get3A_15, %dot_general3A_19 {dimension_numbers = #tpu.dot_dimension_numbers<[1], [1], [0], [0], [0, 0, 1, 0], [], []>, transpose_lhs_hint = false} : vector<1000x128xf32>, vector<384x128xf32>, vector<1000x384xf32> -> vector<1000x384xf32>
    %add3A_21 = vector.broadcast %get3A_18 : vector<1x384xf32> to vector<1000x384xf32>
    %add3A_22 = arith.addf %dot_general3A_20, %add3A_21 : vector<1000x384xf32>
    %slice3A = vector.extract_strided_slice %add3A_9 {offsets = [0, 0], sizes = [1000, 128], strides = [1, 1]} : vector<1000x384xf32> to vector<1000x128xf32>
    %slice3A_23 = vector.extract_strided_slice %add3A_22 {offsets = [0, 0], sizes = [1000, 128], strides = [1, 1]} : vector<1000x384xf32> to vector<1000x128xf32>
    %add3A_24 = arith.addf %slice3A, %slice3A_23 : vector<1000x128xf32>
    %logistic3A = arith.negf %add3A_24 : vector<1000x128xf32>
    %logistic3A_25 = math.exp %logistic3A : vector<1000x128xf32>
    %logistic3A_26 = arith.constant 1.000000e+00 : f32
    %logistic3A_27 = vector.broadcast %logistic3A_26 : f32 to vector<1000x128xf32>
    %logistic3A_28 = arith.addf %logistic3A_27, %logistic3A_25 : vector<1000x128xf32>
    %logistic3A_29 = arith.divf %logistic3A_27, %logistic3A_28 : vector<1000x128xf32>
    %slice3A_30 = vector.extract_strided_slice %add3A_9 {offsets = [0, 128], sizes = [1000, 128], strides = [1, 1]} : vector<1000x384xf32> to vector<1000x128xf32>
    %slice3A_31 = vector.extract_strided_slice %add3A_22 {offsets = [0, 128], sizes = [1000, 128], strides = [1, 1]} : vector<1000x384xf32> to vector<1000x128xf32>
    %add3A_32 = arith.addf %slice3A_30, %slice3A_31 : vector<1000x128xf32>
    %logistic3A_33 = arith.negf %add3A_32 : vector<1000x128xf32>
    %logistic3A_34 = math.exp %logistic3A_33 : vector<1000x128xf32>
    %logistic3A_35 = arith.constant 1.000000e+00 : f32
    %logistic3A_36 = vector.broadcast %logistic3A_35 : f32 to vector<1000x128xf32>
    %logistic3A_37 = arith.addf %logistic3A_36, %logistic3A_34 : vector<1000x128xf32>
    %logistic3A_38 = arith.divf %logistic3A_36, %logistic3A_37 : vector<1000x128xf32>
    %slice3A_39 = vector.extract_strided_slice %add3A_9 {offsets = [0, 256], sizes = [1000, 128], strides = [1, 1]} : vector<1000x384xf32> to vector<1000x128xf32>
    %slice3A_40 = vector.extract_strided_slice %add3A_22 {offsets = [0, 256], sizes = [1000, 128], strides = [1, 1]} : vector<1000x384xf32> to vector<1000x128xf32>
    %mul3A = arith.mulf %logistic3A_29, %slice3A_40 : vector<1000x128xf32>
    %add3A_41 = arith.addf %slice3A_39, %mul3A : vector<1000x128xf32>
    %tanh3A = math.tanh %add3A_41 : vector<1000x128xf32>
    %sub3A = arith.constant 1.000000e+00 : f32
    %sub3A_42 = vector.broadcast %sub3A : f32 to vector<1000x128xf32>
    %sub3A_43 = arith.subf %sub3A_42, %logistic3A_38 : vector<1000x128xf32>
    %mul3A_44 = arith.mulf %sub3A_43, %tanh3A : vector<1000x128xf32>
    %mul3A_45 = arith.mulf %logistic3A_38, %get3A_12 : vector<1000x128xf32>
    %add3A_46 = arith.addf %mul3A_44, %mul3A_45 : vector<1000x128xf32>
    %max3A = arith.constant 0.000000e+00 : f32
    %max3A_47 = vector.broadcast %max3A : f32 to vector<1000x128xf32>
    %max3A_48 = arith.maximumf %add3A_46, %max3A_47 : vector<1000x128xf32>
    %swap3A = arith.constant 0 : index
    %swap3A_49 = arith.constant 0 : index
    %swap3A_50 = vector.load %arg18[%swap3A, %swap3A_49] : memref<1000x128xf32, #tpu.memory_space<vmem>>, vector<1000x128xf32>
    tpu.vector_store %arg18[%swap3A, %swap3A_49], %max3A_48 {strides = array<i32>} : memref<1000x128xf32, #tpu.memory_space<vmem>>, vector<1000x128xf32>,
    %get3A_51 = arith.constant 0 : index
    %get3A_52 = arith.constant 0 : index
    %get3A_53 = vector.load %arg13[%get3A_51, %get3A_52] : memref<8x128xf32, #tpu.memory_space<vmem>>, vector<8x128xf32>
    %dot_general3A_54 = arith.constant dense<0.000000e+00> : vector<1000x8xf32>
    %dot_general3A_55 = tpu.matmul %max3A_48, %get3A_53, %dot_general3A_54 {dimension_numbers = #tpu.dot_dimension_numbers<[1], [1], [0], [0], [0, 0, 1, 0], [], []>, transpose_lhs_hint = false} : vector<1000x128xf32>, vector<8x128xf32>, vector<1000x8xf32> -> vector<1000x8xf32>
    %get3A_56 = arith.constant 0 : index
    %get3A_57 = arith.constant 0 : index
    %get3A_58 = vector.load %arg14[%get3A_56, %get3A_57] : memref<1x1xf32, #tpu.memory_space<vmem>>, vector<1x1xf32>
    %get3A_59 = vector.extract %get3A_58[0, 0] : f32 from vector<1x1xf32>
    %add3A_60 = vector.broadcast %get3A_59 : f32 to vector<1000x8xf32>
    %add3A_61 = arith.addf %dot_general3A_55, %add3A_60 : vector<1000x8xf32>
    %swap3A_62 = arith.constant 0 : index
    %swap3A_63 = arith.constant 0 : index
    %swap3A_64 = vector.load %arg20[%swap3A_62, %swap3A_63] : memref<1000x8xf32, #tpu.memory_space<vmem>>, vector<1000x8xf32>
    tpu.vector_store %arg20[%swap3A_62, %swap3A_63], %add3A_61 {strides = array<i32>} : memref<1000x8xf32, #tpu.memory_space<vmem>>, vector<1000x8xf32>,
    %get3A_65 = arith.constant 0 : index
    %get3A_66 = arith.constant 0 : index
    %get3A_67 = vector.load %arg7[%get3A_65, %get3A_66] : memref<1000x128xf32, #tpu.memory_space<vmem>>, vector<1000x128xf32>
    %get3A_68 = arith.constant 0 : index
    %get3A_69 = arith.constant 0 : index
    %get3A_70 = vector.load %arg9[%get3A_68, %get3A_69] : memref<384x128xf32, #tpu.memory_space<vmem>>, vector<384x128xf32>
    %dot_general3A_71 = arith.constant dense<0.000000e+00> : vector<1000x384xf32>
    %dot_general3A_72 = tpu.matmul %get3A_67, %get3A_70, %dot_general3A_71 {dimension_numbers = #tpu.dot_dimension_numbers<[1], [1], [0], [0], [0, 0, 1, 0], [], []>, transpose_lhs_hint = false} : vector<1000x128xf32>, vector<384x128xf32>, vector<1000x384xf32> -> vector<1000x384xf32>
    %get3A_73 = arith.constant 0 : index
    %get3A_74 = arith.constant 0 : index
    %get3A_75 = vector.load %arg11[%get3A_73, %get3A_74] : memref<1x384xf32, #tpu.memory_space<vmem>>, vector<1x384xf32>
    %add3A_76 = vector.broadcast %get3A_75 : vector<1x384xf32> to vector<1000x384xf32>
    %add3A_77 = arith.addf %dot_general3A_72, %add3A_76 : vector<1000x384xf32>
    %get3A_78 = arith.constant 0 : index
    %get3A_79 = arith.constant 0 : index
    %get3A_80 = vector.load %arg8[%get3A_78, %get3A_79] : memref<1000x128xf32, #tpu.memory_space<vmem>>, vector<1000x128xf32>
    %get3A_81 = arith.constant 0 : index
    %get3A_82 = arith.constant 0 : index
    %get3A_83 = vector.load %arg10[%get3A_81, %get3A_82] : memref<384x128xf32, #tpu.memory_space<vmem>>, vector<384x128xf32>
    %get3A_84 = arith.constant 0 : index
    %get3A_85 = arith.constant 0 : index
    %get3A_86 = vector.load %arg12[%get3A_84, %get3A_85] : memref<1x384xf32, #tpu.memory_space<vmem>>, vector<1x384xf32>
    %dot_general3A_87 = arith.constant dense<0.000000e+00> : vector<1000x384xf32>
    %dot_general3A_88 = tpu.matmul %get3A_80, %get3A_83, %dot_general3A_87 {dimension_numbers = #tpu.dot_dimension_numbers<[1], [1], [0], [0], [0, 0, 1, 0], [], []>, transpose_lhs_hint = false} : vector<1000x128xf32>, vector<384x128xf32>, vector<1000x384xf32> -> vector<1000x384xf32>
    %add3A_89 = vector.broadcast %get3A_86 : vector<1x384xf32> to vector<1000x384xf32>
    %add3A_90 = arith.addf %dot_general3A_88, %add3A_89 : vector<1000x384xf32>
    %slice3A_91 = vector.extract_strided_slice %add3A_77 {offsets = [0, 0], sizes = [1000, 128], strides = [1, 1]} : vector<1000x384xf32> to vector<1000x128xf32>
    %slice3A_92 = vector.extract_strided_slice %add3A_90 {offsets = [0, 0], sizes = [1000, 128], strides = [1, 1]} : vector<1000x384xf32> to vector<1000x128xf32>
    %add3A_93 = arith.addf %slice3A_91, %slice3A_92 : vector<1000x128xf32>
    %logistic3A_94 = arith.negf %add3A_93 : vector<1000x128xf32>
    %logistic3A_95 = math.exp %logistic3A_94 : vector<1000x128xf32>
    %logistic3A_96 = arith.constant 1.000000e+00 : f32
    %logistic3A_97 = vector.broadcast %logistic3A_96 : f32 to vector<1000x128xf32>
    %logistic3A_98 = arith.addf %logistic3A_97, %logistic3A_95 : vector<1000x128xf32>
    %logistic3A_99 = arith.divf %logistic3A_97, %logistic3A_98 : vector<1000x128xf32>
    %slice3A_100 = vector.extract_strided_slice %add3A_77 {offsets = [0, 128], sizes = [1000, 128], strides = [1, 1]} : vector<1000x384xf32> to vector<1000x128xf32>
    %slice3A_101 = vector.extract_strided_slice %add3A_90 {offsets = [0, 128], sizes = [1000, 128], strides = [1, 1]} : vector<1000x384xf32> to vector<1000x128xf32>
    %add3A_102 = arith.addf %slice3A_100, %slice3A_101 : vector<1000x128xf32>
    %logistic3A_103 = arith.negf %add3A_102 : vector<1000x128xf32>
    %logistic3A_104 = math.exp %logistic3A_103 : vector<1000x128xf32>
    %logistic3A_105 = arith.constant 1.000000e+00 : f32
    %logistic3A_106 = vector.broadcast %logistic3A_105 : f32 to vector<1000x128xf32>
    %logistic3A_107 = arith.addf %logistic3A_106, %logistic3A_104 : vector<1000x128xf32>
    %logistic3A_108 = arith.divf %logistic3A_106, %logistic3A_107 : vector<1000x128xf32>
    %slice3A_109 = vector.extract_strided_slice %add3A_77 {offsets = [0, 256], sizes = [1000, 128], strides = [1, 1]} : vector<1000x384xf32> to vector<1000x128xf32>
    %slice3A_110 = vector.extract_strided_slice %add3A_90 {offsets = [0, 256], sizes = [1000, 128], strides = [1, 1]} : vector<1000x384xf32> to vector<1000x128xf32>
    %mul3A_111 = arith.mulf %logistic3A_99, %slice3A_110 : vector<1000x128xf32>
    %add3A_112 = arith.addf %slice3A_109, %mul3A_111 : vector<1000x128xf32>
    %tanh3A_113 = math.tanh %add3A_112 : vector<1000x128xf32>
    %sub3A_114 = arith.constant 1.000000e+00 : f32
    %sub3A_115 = vector.broadcast %sub3A_114 : f32 to vector<1000x128xf32>
    %sub3A_116 = arith.subf %sub3A_115, %logistic3A_108 : vector<1000x128xf32>
    %mul3A_117 = arith.mulf %sub3A_116, %tanh3A_113 : vector<1000x128xf32>
    %mul3A_118 = arith.mulf %logistic3A_108, %get3A_80 : vector<1000x128xf32>
    %add3A_119 = arith.addf %mul3A_117, %mul3A_118 : vector<1000x128xf32>
    %max3A_120 = arith.constant 0.000000e+00 : f32
    %max3A_121 = vector.broadcast %max3A_120 : f32 to vector<1000x128xf32>
    %max3A_122 = arith.maximumf %add3A_119, %max3A_121 : vector<1000x128xf32>
    %swap3A_123 = arith.constant 0 : index
    %swap3A_124 = arith.constant 0 : index
    %swap3A_125 = vector.load %arg17[%swap3A_123, %swap3A_124] : memref<1000x128xf32, #tpu.memory_space<vmem>>, vector<1000x128xf32>
    tpu.vector_store %arg17[%swap3A_123, %swap3A_124], %max3A_122 {strides = array<i32>} : memref<1000x128xf32, #tpu.memory_space<vmem>>, vector<1000x128xf32>,
    %get3A_126 = arith.constant 0 : index
    %get3A_127 = arith.constant 0 : index
    %get3A_128 = vector.load %arg15[%get3A_126, %get3A_127] : memref<8x128xf32, #tpu.memory_space<vmem>>, vector<8x128xf32>
    %dot_general3A_129 = arith.constant dense<0.000000e+00> : vector<1000x8xf32>
    %dot_general3A_130 = tpu.matmul %max3A_122, %get3A_128, %dot_general3A_129 {dimension_numbers = #tpu.dot_dimension_numbers<[1], [1], [0], [0], [0, 0, 1, 0], [], []>, transpose_lhs_hint = false} : vector<1000x128xf32>, vector<8x128xf32>, vector<1000x8xf32> -> vector<1000x8xf32>
    %get3A_131 = arith.constant 0 : index
    %get3A_132 = arith.constant 0 : index
    %get3A_133 = vector.load %arg16[%get3A_131, %get3A_132] : memref<1x1xf32, #tpu.memory_space<vmem>>, vector<1x1xf32>
    %get3A_134 = vector.extract %get3A_133[0, 0] : f32 from vector<1x1xf32>
    %add3A_135 = vector.broadcast %get3A_134 : f32 to vector<1000x8xf32>
    %add3A_136 = arith.addf %dot_general3A_130, %add3A_135 : vector<1000x8xf32>
    %swap3A_137 = arith.constant 0 : index
    %swap3A_138 = arith.constant 0 : index
    %swap3A_139 = vector.load %arg19[%swap3A_137, %swap3A_138] : memref<1000x8xf32, #tpu.memory_space<vmem>>, vector<1000x8xf32>
    tpu.vector_store %arg19[%swap3A_137, %swap3A_138], %add3A_136 {strides = array<i32>} : memref<1000x8xf32, #tpu.memory_space<vmem>>, vector<1000x8xf32>,
    return
  }
  func.func @transform_0(%arg0: i32) -> (i32, i32) {
    %c0_i32 = arith.constant 0 : i32
    %c0_i32_0 = arith.constant 0 : i32
    return %arg0, %c0_i32 : i32, i32
  }
  func.func @transform_1(%arg0: i32) -> (i32, i32) {
    %c0_i32 = arith.constant 0 : i32
    %c0_i32_0 = arith.constant 0 : i32
    return %arg0, %c0_i32 : i32, i32
  }
  func.func @transform_2(%arg0: i32) -> (i32, i32) {
    %c0_i32 = arith.constant 0 : i32
    %c0_i32_0 = arith.constant 0 : i32
    %c0_i32_1 = arith.constant 0 : i32
    return %c0_i32, %c0_i32_0 : i32, i32
  }
  func.func @transform_3(%arg0: i32) -> (i32, i32) {
    %c0_i32 = arith.constant 0 : i32
    %c0_i32_0 = arith.constant 0 : i32
    %c0_i32_1 = arith.constant 0 : i32
    return %c0_i32, %c0_i32_0 : i32, i32
  }
  func.func @transform_4(%arg0: i32) -> (i32, i32) {
    %c0_i32 = arith.constant 0 : i32
    %c0_i32_0 = arith.constant 0 : i32
    %c0_i32_1 = arith.constant 0 : i32
    return %c0_i32, %c0_i32_0 : i32, i32
  }
  func.func @transform_5(%arg0: i32) -> (i32, i32) {
    %c0_i32 = arith.constant 0 : i32
    %c0_i32_0 = arith.constant 0 : i32
    %c0_i32_1 = arith.constant 0 : i32
    return %c0_i32, %c0_i32_0 : i32, i32
  }
  func.func @transform_6(%arg0: i32) -> (i32, i32) {
    %c0_i32 = arith.constant 0 : i32
    %c0_i32_0 = arith.constant 0 : i32
    return %arg0, %c0_i32 : i32, i32
  }
  func.func @transform_7(%arg0: i32) -> (i32, i32) {
    %c0_i32 = arith.constant 0 : i32
    %c0_i32_0 = arith.constant 0 : i32
    return %arg0, %c0_i32 : i32, i32
  }
  func.func @transform_8(%arg0: i32) -> (i32, i32) {
    %c0_i32 = arith.constant 0 : i32
    %c0_i32_0 = arith.constant 0 : i32
    %c0_i32_1 = arith.constant 0 : i32
    return %c0_i32, %c0_i32_0 : i32, i32
  }
  func.func @transform_9(%arg0: i32) -> (i32, i32) {
    %c0_i32 = arith.constant 0 : i32
    %c0_i32_0 = arith.constant 0 : i32
    %c0_i32_1 = arith.constant 0 : i32
    return %c0_i32, %c0_i32_0 : i32, i32
  }
  func.func @transform_10(%arg0: i32) -> (i32, i32) {
    %c0_i32 = arith.constant 0 : i32
    %c0_i32_0 = arith.constant 0 : i32
    %c0_i32_1 = arith.constant 0 : i32
    return %c0_i32, %c0_i32_0 : i32, i32
  }
  func.func @transform_11(%arg0: i32) -> (i32, i32) {
    %c0_i32 = arith.constant 0 : i32
    %c0_i32_0 = arith.constant 0 : i32
    %c0_i32_1 = arith.constant 0 : i32
    return %c0_i32, %c0_i32_0 : i32, i32
  }
  func.func @transform_12(%arg0: i32) -> (i32, i32) {
    %c0_i32 = arith.constant 0 : i32
    %c0_i32_0 = arith.constant 0 : i32
    %c0_i32_1 = arith.constant 0 : i32
    return %c0_i32, %c0_i32_0 : i32, i32
  }
  func.func @transform_13(%arg0: i32) -> (i32, i32) {
    %c0_i32 = arith.constant 0 : i32
    %c0_i32_0 = arith.constant 0 : i32
    %c0_i32_1 = arith.constant 0 : i32
    return %c0_i32, %c0_i32_0 : i32, i32
  }
  func.func @transform_14(%arg0: i32) -> (i32, i32) {
    %c0_i32 = arith.constant 0 : i32
    %c0_i32_0 = arith.constant 0 : i32
    %c0_i32_1 = arith.constant 0 : i32
    return %c0_i32, %c0_i32_0 : i32, i32
  }
  func.func @transform_15(%arg0: i32) -> (i32, i32) {
    %c0_i32 = arith.constant 0 : i32
    %c0_i32_0 = arith.constant 0 : i32
    %c0_i32_1 = arith.constant 0 : i32
    return %c0_i32, %c0_i32_0 : i32, i32
  }
  func.func @transform_16(%arg0: i32) -> (i32, i32) {
    %c0_i32 = arith.constant 0 : i32
    %c0_i32_0 = arith.constant 0 : i32
    return %arg0, %c0_i32 : i32, i32
  }
  func.func @transform_17(%arg0: i32) -> (i32, i32) {
    %c0_i32 = arith.constant 0 : i32
    %c0_i32_0 = arith.constant 0 : i32
    return %arg0, %c0_i32 : i32, i32
  }
  func.func @transform_18(%arg0: i32) -> (i32, i32) {
    %c0_i32 = arith.constant 0 : i32
    %c0_i32_0 = arith.constant 0 : i32
    return %arg0, %c0_i32 : i32, i32
  }
  func.func @transform_19(%arg0: i32) -> (i32, i32) {
    %c0_i32 = arith.constant 0 : i32
    %c0_i32_0 = arith.constant 0 : i32
    return %arg0, %c0_i32 : i32, i32
  }
}

</mosaic_0001>

<sc_bundles>
// kernel: kernel.10.cloned.1.call-start
scs
__scs_entry_jumppad:
0x0: {  	(pc) =	sbr.rel $0x88, $3  }
0x1: {  	(tag) =	ssettag $0x0;
	lr =	simm.s32 $0x1  }
0x2: {  	[smem:$0x3F85] =	sst lr;
	_ =	strace $0xD0000000  }
0x3: {  	_ = 	snop  }
0x4: {  	_ = 	snop  }
0x5: {  	_ = 	snop  }
0x6: {  	_ = 	snop  }
0x7: {  	_ = 	snop  }
__scs_overlays_trampoline_lowered:
0x8: {  	[smem:$0x3F94] =	sst s0  }
0x9: {  	[smem:$0x3F95] =	sst s1  }
0xa: {  	[smem:$0x3F96] =	sst s2  }
0xb: {  	[smem:$0x3F97] =	sst s3  }
0xc: {  	[smem:$0x3F98] =	sst s4  }
0xd: {  	[smem:$0x3F99] =	sst s5  }
0xe: {  	[smem:$0x3F9A] =	sst s6  }
0xf: {  	[smem:$0x3F9B] =	sst s7  }
0x10: {  	[smem:$0x3F9C] =	sst s8  }
0x11: {  	[smem:$0x3F9D] =	sst s9;
	s0 =	simm.s32 @!p0 $0x0  }
0x12: {  	s1 =	sld [smem:$0x3F83];
	s0 =	simm.s32 @p0 $0x1  }
0x13: {  	[smem:$0x3F9E] =	sst s0;
	s0 =	simm.s32 @!p1 $0x0  }
0x14: {  	s2 =	sld [smem:$0x3F82];
	s0 =	simm.s32 @p1 $0x1  }
0x15: {  	[smem:$0x3F9F] =	sst s0;
	s0 =	simm.s32 @!p2 $0x0  }
0x16: {  	s3 =	sld [smem:$0x3FDB];
	s0 =	simm.s32 @p2 $0x1  }
0x17: {  	s4 =	simm.s32 $0x1BF5;
	[smem:$0x3FA1] =	sst s0  }
0x18: {  	s0 =	sld [smem:$0x3F84];
	_ =	swait.ge [sflag:s4], $0x0  }
0x19: {  	s7 =	sld [smem:$0x3F85]  }
0x1a: {  	s8 =	sadd.s32 $0xFFFFE003, lr  }
0x1b: {  	s9 =	sadd.s32 $0xFFFFFEF7, lr;
	s5 =	simm.s32 $0xFFFFFFFF;
	p2 =	slt.u32 s8, $0xFFFFF086  }
0x1c: {  	p1 =	slt.u32 s9, $0xF7A;
	s5 =	simm.s32 @!p2 $0x0  }
0x1d: {  	s5 =	simm.s32 @p1 $0x1;
	p0 =	seq.s32 s7, s2  }
0x1e: {  	s7 =	smul.u32 @!p0 $0xF7A, s2;
	p2 =	seq.s32 @!p0 s5, $0x0  }
0x1f: {  	s9 =	smul.u32 $0xF7A, s1;
	s8 =	simm.s32 @!p0 $0x1BF5;
	p2 =	por !p2, p0  }
0x20: {  	[sflag:s8] =	ssyncset.s32 @!p0 $0xFFFFF086;
	s6 =	sadd.s32 @!p0 s3, s7;
	s7 =	simm.s32 @!p0 $0x108  }
0x21: {  	s3 =	sadd.s32 s3, s9;
	s6 =	sadd.s32 @!p0 $0x88, s6;
	s7 =	simm.s32 @p2 $0x1082  }
0x22: {  	[simem:s7], [sflag:s8] =	dma.local @!p0 [hbm:s6], $0xF7A  }
0x23: {  	s9 =	sor.u32 $0xD0000000, s2;
	s6 =	simm.s32 $0x108;
	_ =	swait.ge @!p0 [sflag:s8], $0x0  }
0x24: {  	s3 =	sadd.s32 $0x88, s3;
	s6 =	simm.s32 @!p1 $0x1082;
	[sflag:s4] =	ssyncset.s32 $0xFFFFF086  }
0x25: {  	[simem:s6], [sflag:s4] =	dma.local [hbm:s3], $0xF7A  }
0x26: {  	[smem:$0x3F85] =	sst s1;
	(tag) =	ssettag s2;
	_ =	strace s9  }
0x27: {  	s1 =	sld [smem:$0x3F95]  }
0x28: {  	s2 =	sld [smem:$0x3F96]  }
0x29: {  	s4 =	sld [smem:$0x3F98]  }
0x2a: {  	p0 =	seq.s32 s5, $0x0;
	s5 =	sld [smem:$0x3F99]  }
0x2b: {  	s6 =	sld [smem:$0x3F9A]  }
0x2c: {  	s7 =	sld [smem:$0x3F9B]  }
0x2d: {  	s3 =	simm.s32 $0x108;
	s8 =	sld [smem:$0x3F9C]  }
0x2e: {  	s3 =	simm.s32 @!p0 $0x1082;
	s9 =	sld [smem:$0x3F9D]  }
0x2f: {  	lr =	sadd.s32 s0, s3;
	s0 =	sld [smem:$0x3F94]  }
0x30: {  	s3 =	sld [smem:$0x3F97]  }
0x31: {  	[smem:$0x3FA0] =	sst s10  }
0x32: {  	s10 =	sld [smem:$0x3F9E];
	_ =	sdelay $0x3  }
0x33: {  	p0 =	seq.s32 s10, $0x1;
	s10 =	sld [smem:$0x3FA0];
	_ =	sdelay $0x3  }
0x34: {  	[smem:$0x3FA0] =	sst s10  }
0x35: {  	s10 =	sld [smem:$0x3F9F];
	_ =	sdelay $0x3  }
0x36: {  	p1 =	seq.s32 s10, $0x1;
	s10 =	sld [smem:$0x3FA0];
	_ =	sdelay $0x3  }
0x37: {  	[smem:$0x3FA0] =	sst s10  }
0x38: {  	s10 =	sld [smem:$0x3FA1]  }
0x39: {  	_ = 	snop;
	(pc) =	sbr.ind lr, $3  }
0x3a: {  	_ = 	snop  }
0x3b: {  	_ = 	snop  }
0x3c: {  	p2 =	seq.s32 s10, $0x1;
	s10 =	sld [smem:$0x3FA0]  }
0x3d: {  	_ =	shalt  }
0x3e: {  	_ =	shalt  }
0x3f: {  	_ =	shalt  }
0x40: {  	_ =	shalt  }
0x41: {  	_ =	shalt  }
0x42: {  	_ =	shalt  }
0x43: {  	_ =	shalt  }
0x44: {  	_ =	shalt  }
0x45: {  	_ =	shalt  }
0x46: {  	_ =	shalt  }
0x47: {  	_ =	shalt  }
0x48: {  	_ =	shalt  }
0x49: {  	_ =	shalt  }
0x4a: {  	_ =	shalt  }
0x4b: {  	_ =	shalt  }
0x4c: {  	_ =	shalt  }
0x4d: {  	_ =	shalt  }
0x4e: {  	_ =	shalt  }
0x4f: {  	_ =	shalt  }
0x50: {  	_ =	shalt  }
0x51: {  	_ =	shalt  }
0x52: {  	_ =	shalt  }
0x53: {  	_ =	shalt  }
0x54: {  	_ =	shalt  }
0x55: {  	_ =	shalt  }
0x56: {  	_ =	shalt  }
0x57: {  	_ =	shalt  }
0x58: {  	_ =	shalt  }
0x59: {  	_ =	shalt  }
0x5a: {  	_ =	shalt  }
0x5b: {  	_ =	shalt  }
0x5c: {  	_ =	shalt  }
0x5d: {  	_ =	shalt  }
0x5e: {  	_ =	shalt  }
0x5f: {  	_ =	shalt  }
0x60: {  	_ =	shalt  }
0x61: {  	_ =	shalt  }
0x62: {  	_ =	shalt  }
0x63: {  	_ =	shalt  }
0x64: {  	_ =	shalt  }
0x65: {  	_ =	shalt  }
0x66: {  	_ =	shalt  }
0x67: {  	_ =	shalt  }
0x68: {  	_ =	shalt  }
0x69: {  	_ =	shalt  }
0x6a: {  	_ =	shalt  }
0x6b: {  	_ =	shalt  }
0x6c: {  	_ =	shalt  }
0x6d: {  	_ =	shalt  }
0x6e: {  	_ =	shalt  }
0x6f: {  	_ =	shalt  }
0x70: {  	_ =	shalt  }
0x71: {  	_ =	shalt  }
0x72: {  	_ =	shalt  }
0x73: {  	_ =	shalt  }
0x74: {  	_ =	shalt  }
0x75: {  	_ =	shalt  }
0x76: {  	_ =	shalt  }
0x77: {  	_ =	shalt  }
0x78: {  	_ =	shalt  }
0x79: {  	_ =	shalt  }
0x7a: {  	_ =	shalt  }
0x7b: {  	_ =	shalt  }
0x7c: {  	_ =	shalt  }
0x7d: {  	_ =	shalt  }
0x7e: {  	_ =	shalt  }
0x7f: {  	_ =	shalt  }
0x80: {  	_ =	shalt  }
0x81: {  	_ =	shalt  }
0x82: {  	_ =	shalt  }
0x83: {  	_ =	shalt  }
0x84: {  	_ =	shalt  }
0x85: {  	_ =	shalt  }
0x86: {  	_ =	shalt  }
0x87: {  	_ =	shalt  }
.Lfunc_end0:
.L_simem_size_0:
called_computation_lowered:
.L_overlay_start_0:
0x88: {  	s2 =	sld [smem:$0x3FD9]  }
0x89: {  	s3 =	sld [smem:$0x3FFE];
	_ =	sdelay $0x1  }
0x8a: {  	s1 =	srdreg.scid  }
0x8b: {  	s0 =	sand.u32 $0x1, s1  }
0x8c: {  	s15 =	sshll.u32 s0, $0xA;
	s2 =	sadd.s32 s3, s2  }
0x8d: {  	s2 =	sadd.s32 s2, s15  }
0x8e: {  	[smem:$0x3FAC] =	sst s2  }
0x8f: {  	_ = 	snop  }
0x90: {  	s2 =	sld [smem:$0x3FD0];
	_ =	sdelay $0x2  }
0x91: {  	s16 =	simm.s32 $0xB;
	s4 =	simm.s32 $0x10  }
0x92: {  	[smem:s4], [sflag:s16] =	dma.local [hbm:s2], $0x1  }
0x93: {  	_ =	swait.eq [sflag:s16], $0x1  }
0x94: {  	[sflag:s16] =	ssyncset.done $0x0  }
0x95: {  	[sflag:s16] =	ssyncadd.s32 $0xFFFFFFFF  }
0x96: {  	s17 =	sld [smem:$0x10];
	(tm) =	ssettm $0x1  }
0x97: {  	s18 =	sld [smem:$0x3FFB];
	_ =	sdelay $0x3  }
0x98: {  	_ =	strace s18  }
0x99: {  	s2 =	sld [smem:$0x3FFC];
	_ =	sdelay $0x3  }
0x9a: {  	_ =	strace s2  }
0x9b: {  	s2 =	sld [smem:$0x3FFD];
	_ =	sdelay $0x3  }
0x9c: {  	_ =	strace s2  }
0x9d: {  	_ =	strace $0x8FFFFFFF  }
0x9e: {  	s19 =	sld [smem:$0x3FDB];
	_ =	sdelay $0x1  }
0x9f: {  	s20 =	simm.s32 $_scs_section_size  }
0xa0: {  	s5 =	simm.s32 $_size__tile_overlayer_lowered;
	s6 =	simm.s32 $_tile_overlayer_lowered  }
0xa1: {  	s7 =	simm.s32 $0x1BFF;
	s21 =	sshll.u32 s6, $0x1;
	s4 =	sadd.s32 s20, s19  }
0xa2: {  	s22 =	simm.s32 $0x0;
	s5 =	sshll.u32 s5, $0x1;
	s6 =	sadd.s32 s21, s4  }
0xa3: {  	[timem:s22], [sflag:s7] =	dma.local [hbm:s6], s5  }
0xa4: {  	_ =	swait.ge [sflag:s7], s5  }
0xa5: {  	s5 =	ssub.s32 $0x0, s5;
	[sflag:s7] =	ssyncset.done $0x0  }
0xa6: {  	[sflag:s7] =	ssyncadd.s32 s5;
	_ =	sdelay $0x1  }
0xa7: {  	s23 =	simm.s32 $0x1B8B  }
0xa8: {  	_ =	swait.ge [sflag:s23], $0x1  }
0xa9: {  	[sflag:s23] =	ssyncset.done $0x0  }
0xaa: {  	[sflag:s23] =	ssyncadd.s32 $0xFFFFFFFF  }
0xab: {  	s5 =	sld [smem:$0x0]  }
0xac: {  	s6 =	sand.u32 $0xFFFFFFFE, s1  }
0xad: {  	p0 =	sne.s32 s1, s6  }
0xae: {  	s6 =	sshll.u32 @p0 s6, $0xE  }
0xaf: {  	s6 =	sadd.s32 @p0 $0x11B8D, s6;
	s7 =	sshll.u32 @p0 s5, $0x11  }
0xb0: {  	s6 =	sor.u32 @p0 s7, s6  }
0xb1: {  	[sflag:s6] =	ssyncadd.remote.s32 @p0 $0x1;
	_ =	sdelay $0x1  }
0xb2: {  	s6 =	simm.s32 @p0 $0x1B8D  }
0xb3: {  	_ =	swait.eq @p0 [sflag:s6], $0x1  }
0xb4: {  	[sflag:s6] =	ssyncadd.s32 @p0 $0xFFFFFFFF  }
0xb5: {  	s7 =	sshll.u32 @!p0 s1, $0xE  }
0xb6: {  	s7 =	sor.u32 @!p0 $0x4000, s7;
	s6 =	simm.s32 @!p0 $0x1B8D  }
0xb7: {  	s5 =	sshll.u32 @!p0 s5, $0x11;
	s7 =	sadd.s32 @!p0 $0x11B8D, s7;
	_ =	swait.eq @!p0 [sflag:s6], $0x1  }
0xb8: {  	s5 =	sor.u32 @!p0 s5, s7;
	[sflag:s6] =	ssyncadd.s32 @!p0 $0xFFFFFFFF  }
0xb9: {  	s25 =	simm.s32 $0x1B8E;
	s24 =	sld [smem:$0x3FFE];
	[sflag:s5] =	ssyncadd.remote.s32 @!p0 $0x1  }
0xba: {  	s26 =	simm.s32 $execute0_lowered;
	[smem:$0x3FD2] =	sst s25  }
0xbb: {  	s6 =	sshll.u32 s26, $0x1;
	_ =	strace $0x80000049;
	[dreg:$0x1] =	wrdreg $0xFFFFFFFF  }
0xbc: {  	s28 =	simm.s32 $_size_execute0_lowered;
	s4 =	sadd.s32 s4, s6;
	[dreg:$0x0] =	wrdreg $0x0  }
0xbd: {  	s6 =	sshll.u32 s28, $0x1;
	[dreg:$0x2] =	wrdreg s4  }
0xbe: {  	[dreg:$0x3] =	wrdreg s6  }
0xbf: {  	[dreg:$0x4] =	wrdreg $0xC0  }
0xc0: {  	_ =	task [dreg:s22], $0x5FFFF  }
0xc1: {  	[dreg:$0x1] =	wrdreg $0xFFFFFFFF  }
0xc2: {  	[dreg:$0x0] =	wrdreg $0x60  }
0xc3: {  	[dreg:$0x2] =	wrdreg s17  }
0xc4: {  	[dreg:$0x3] =	wrdreg s24  }
0xc5: {  	[dreg:$0x4] =	wrdreg $0x78000  }
0xc6: {  	[dreg:$0x5] =	wrdreg $0x9  }
0xc7: {  	_ =	task.clear_ibuf [dreg:s22], $0x6FFFF;
	_ =	strace $0x90000049  }
0xc8: {  	s29 =	simm.s32 $0x9;
	_ =	strace $0x8000004B  }
0xc9: {  	_ =	swait.ge [sflag:s29], $0x1  }
0xca: {  	[sflag:s29] =	ssyncadd.s32 $0xFFFFFFFF  }
0xcb: {  	_ =	strace $0x9000004B  }
0xcc: {  	_ =	sfence  }
0xcd: {  	s30 =	sld [smem:$0x0];
	_ =	sdelay $0x2  }
0xce: {  	s31 =	sshll.u32 s1, $0xD;
	s1 =	sshrl.u32 s1, $0x2  }
0xcf: {  	s4 =	sand.u32 $0x4000, s31;
	s1 =	sadd.s32 s1, s30  }
0xd0: {  	s0 =	sor.u32 s4, s0;
	s1 =	sshll.u32 s1, $0x11  }
0xd1: {  	s0 =	sor.u32 s1, s0  }
0xd2: {  	s0 =	sadd.s32 $0x8F2B, s0  }
0xd3: {  	[sflag:s0] =	ssyncadd.remote.s32 $0x1  }
0xd4: {  	_ =	sfence.sel $0xFFFF  }
0xd5: {  	[dreg:$0x0] =	wrdreg $0xFFFFFFFF;
	(pc) =	sbr.abs _section_cstart, $3  }
0xd6: {  	[dreg:$0x1] =	wrdreg $0xFFFFFFFF  }
0xd7: {  	_ =	task.clear_ibuf [dreg:s22], $0x2FFFF;
	_ =	strace $0x9FFFFFFF  }
0xd8: {  	(tm) =	ssettm $0x7FFFFFFF  }
0xd9: {  	_ =	shalt  }
tec
execute0_lowered:
.L_overlay_start_1:
0x0: {  	(tag) =	ssettag $0x1  }
0x1: {  	s1 =	rddreg [dreg:$0x0]  }
0x2: {  	s0 =	rddreg [dreg:$0x1]  }
0x3: {  	s2 =	rddreg [dreg:$0x2];
	s3 =	simm.s32 $0x0;
	s7 =	srdreg.scid  }
0x4: {  	s4 =	stileid.u32;
	s12 =	simm.s32 $0x30D8;
	s28 =	simm.s32 $0x3800  }
0x5: {  	s29 =	simm.s32 $0x3;
	s30 =	simm.s32 $0x1C00;
	s5 =	sadd.s32 $0x2E0200, s0  }
0x6: {  	s31 =	simm.s32 $0x40;
	s6 =	sadd.s32 $0x2F8A00, s0;
	s16 =	smul.u32 $0x62000, s4  }
0x7: {  	[smem:$0x7FF] =	sst s3;
	s9 =	sadd.s32 $0x311200, s0;
	s23 =	smul.u32 $0x18800, s4  }
0x8: {  	s8 =	sand.u32 $0x1, s7;
	s25 =	smul.u32 $0x3100, s4;
	_ =	strace $0x8000004A  }
0x9: {  	s10 =	ssub.s32 $0x2, s8;
	s11 =	smul.u32 $0x30D8, s8;
	p0 =	seq.s32 s8, $0x0  }
0xa: {  	p3 =	sne.s32 s8, $0x0;
	s8 =	simm.s32 $0x5800;
	s7 =	sshrl.u32 s16, $0x2  }
0xb: {  	s13 =	sshrl.u32 s10, $0x1;
	s12 =	simm.s32 @!p0 $0x30D0;
	p1 =	seq.s32 @p3 s4, $0xF  }
0xc: {  	p4 =	seq.s32 @!p3 s4, $0xF;
	s7 =	sadd.s32 s7, s2;
	s10 =	ssub.s32 s10, s13  }
0xd: {  	s12 =	sadd.s32 s11, s12;
	s13 =	sshrl.u32 s23, $0x3;
	s17 =	sadd.s32 $0x2000, s7  }
0xe: {  	p0 =	por !p1, !p3;
	s18 =	sadd.s32 $0x4000, s7;
	[dreg:$0x4] =	wrdreg s17  }
0xf: {  	p1 =	por p1, !p3;
	s19 =	sadd.s32 $0x6000, s7;
	[dreg:$0x5] =	wrdreg s18  }
0x10: {  	p2 =	por !p4, p3;
	s20 =	sadd.s32 $0x8000, s7;
	[dreg:$0x6] =	wrdreg s19  }
0x11: {  	p3 =	por p4, p3;
	s21 =	sadd.s32 $0xA000, s7;
	[dreg:$0x7] =	wrdreg s20  }
0x12: {  	v0 =	vmov s11;
	s11 =	simm.s32 $0x3700;
	s22 =	sadd.s32 $0xC000, s7;
	[dreg:$0x8] =	wrdreg s21  }
0x13: {  	s14 =	sadd.s32 $0xE000, s7;
	s24 =	sadd.s32 $0x10000, s7;
	[dreg:$0x9] =	wrdreg s22  }
0x14: {  	s15 =	sadd.s32 $0x12000, s7;
	s26 =	sadd.s32 $0x14000, s7;
	[dreg:$0xa] =	wrdreg s14  }
0x15: {  	s13 =	sadd.s32 s9, s13;
	s9 =	sadd.s32 s9, s25;
	[dreg:$0xb] =	wrdreg s24  }
0x16: {  	s23 =	smax.u32 s10, $0x1;
	s25 =	smul.u32 $0x188, s4;
	[dreg:$0xc] =	wrdreg s15  }
0x17: {  	v1 =	vmov s12;
	s10 =	simm.s32 $0x2;
	s12 =	simm.s32 $0x3780;
	[dreg:$0xd] =	wrdreg s26  }
0x18: {  	[dreg:$0xe] =	wrdreg s9;
	s19 =	sadd.s32 $0x16000, s7;
	s21 =	sadd.s32 $0x36FE80, s0  }
0x19: {  	s20 =	sadd.s32 $0x30D80, s13;
	s22 =	sadd.s32 $0x33F100, s0;
	s24 =	sadd.s32 $0x18000, s7  }
0x1a: {  	v2 =	vimm.f32 $0.0e+00;
	s26 =	sadd.s32 $0x16F800, s2;
	s0 =	simm.s32 $0x80;
	s9 =	simm.s32 $0x1  }
.LBB2_1:
0x1b: {  	s13 =	simm.s32 $0x0;
	s14 =	simm.s32 $0x200  }
.LBB2_2:
0x1c: {  	p4 =	sne.s32 s14, $0x7E00;
	[tilespmem:s13+$0x3870] =	vst v2  }
0x1d: {  	[tilespmem:s13+$0x3800] =	vst v2  }
0x1e: {  	[tilespmem:s13+$0x3810] =	vst v2  }
.Ltmp0:
0x1f: {  	[tilespmem:s13+$0x3820] =	vst v2;
	(pc) =	sbr.rel @p4 .LBB2_2-.Ltmp0, $4  }
0x20: {  	[tilespmem:s13+$0x3830] =	vst v2  }
0x21: {  	[tilespmem:s13+$0x3840] =	vst v2  }
0x22: {  	[tilespmem:s13+$0x3850] =	vst v2  }
0x23: {  	[tilespmem:s13+$0x3860] =	vst v2;
	s13 =	sshra.s32 s14, $0x2;
	s14 =	sadd.s32 $0x200, s14  }
0x24: {  	[tilespmem:s13+$0x3870] =	vst v2  }
0x25: {  	[tilespmem:s13+$0x3800] =	vst v2  }
0x26: {  	[tilespmem:s13+$0x3810] =	vst v2  }
0x27: {  	[tilespmem:s13+$0x3820] =	vst v2  }
0x28: {  	[tilespmem:s13+$0x3830] =	vst v2  }
0x29: {  	[tilespmem:s13+$0x3840] =	vst v2  }
0x2a: {  	[tilespmem:s13+$0x3850] =	vst v2  }
0x2b: {  	[tilespmem:s13+$0x3860] =	vst v2  }
0x2c: {  	[spmem:s7] =	stream.linear.scatter [tilespmem:s28], [sflag:$0x3], $0x2000, $0x38;
	v63 =	vld [tilespmem:$0x0]  }
0x2d: {  	_ =	swait.ge [sflag:s29], $0x2000  }
0x2e: {  	[sflag:s29] =	ssyncset.done $0x0  }
0x2f: {  	s14 =	rddreg [dreg:$0x4];
	[sflag:s29] =	ssyncadd.s32 $0xFFFFE000  }
0x30: {  	[spmem:s14] =	stream.linear.scatter [tilespmem:s28], [sflag:$0x3], $0x2000, $0x38;
	v63 =	vld [tilespmem:$0x0]  }
0x31: {  	_ =	swait.ge [sflag:s29], $0x2000  }
0x32: {  	[sflag:s29] =	ssyncset.done $0x0  }
0x33: {  	s15 =	rddreg [dreg:$0x5];
	[sflag:s29] =	ssyncadd.s32 $0xFFFFE000  }
0x34: {  	[spmem:s15] =	stream.linear.scatter [tilespmem:s28], [sflag:$0x3], $0x2000, $0x38;
	v63 =	vld [tilespmem:$0x0]  }
0x35: {  	_ =	swait.ge [sflag:s29], $0x2000  }
0x36: {  	[sflag:s29] =	ssyncset.done $0x0  }
0x37: {  	s16 =	rddreg [dreg:$0x6];
	[sflag:s29] =	ssyncadd.s32 $0xFFFFE000  }
0x38: {  	[spmem:s16] =	stream.linear.scatter [tilespmem:s28], [sflag:$0x3], $0x2000, $0x38;
	v63 =	vld [tilespmem:$0x0]  }
0x39: {  	_ =	swait.ge [sflag:s29], $0x2000  }
0x3a: {  	[sflag:s29] =	ssyncset.done $0x0  }
0x3b: {  	s17 =	rddreg [dreg:$0x7];
	[sflag:s29] =	ssyncadd.s32 $0xFFFFE000  }
0x3c: {  	[spmem:s17] =	stream.linear.scatter [tilespmem:s28], [sflag:$0x3], $0x2000, $0x38;
	v63 =	vld [tilespmem:$0x0]  }
0x3d: {  	_ =	swait.ge [sflag:s29], $0x2000  }
0x3e: {  	[sflag:s29] =	ssyncset.done $0x0  }
0x3f: {  	s18 =	rddreg [dreg:$0x8];
	[sflag:s29] =	ssyncadd.s32 $0xFFFFE000  }
0x40: {  	[spmem:s18] =	stream.linear.scatter [tilespmem:s28], [sflag:$0x3], $0x2000, $0x38;
	v63 =	vld [tilespmem:$0x0]  }
0x41: {  	_ =	swait.ge [sflag:s29], $0x2000  }
0x42: {  	[sflag:s29] =	ssyncset.done $0x0  }
0x43: {  	s14 =	rddreg [dreg:$0x9];
	[sflag:s29] =	ssyncadd.s32 $0xFFFFE000  }
0x44: {  	[spmem:s14] =	stream.linear.scatter [tilespmem:s28], [sflag:$0x3], $0x2000, $0x38;
	v63 =	vld [tilespmem:$0x0]  }
0x45: {  	_ =	swait.ge [sflag:s29], $0x2000  }
0x46: {  	[sflag:s29] =	ssyncset.done $0x0  }
0x47: {  	s15 =	rddreg [dreg:$0xa];
	[sflag:s29] =	ssyncadd.s32 $0xFFFFE000  }
0x48: {  	[spmem:s15] =	stream.linear.scatter [tilespmem:s28], [sflag:$0x3], $0x2000, $0x38;
	v63 =	vld [tilespmem:$0x0]  }
0x49: {  	_ =	swait.ge [sflag:s29], $0x2000  }
0x4a: {  	[sflag:s29] =	ssyncset.done $0x0  }
0x4b: {  	s16 =	rddreg [dreg:$0xb];
	[sflag:s29] =	ssyncadd.s32 $0xFFFFE000  }
0x4c: {  	[spmem:s16] =	stream.linear.scatter [tilespmem:s28], [sflag:$0x3], $0x2000, $0x38;
	v63 =	vld [tilespmem:$0x0]  }
0x4d: {  	_ =	swait.ge [sflag:s29], $0x2000  }
0x4e: {  	[sflag:s29] =	ssyncset.done $0x0  }
0x4f: {  	s17 =	rddreg [dreg:$0xc];
	[sflag:s29] =	ssyncadd.s32 $0xFFFFE000  }
0x50: {  	[spmem:s17] =	stream.linear.scatter [tilespmem:s28], [sflag:$0x3], $0x2000, $0x38;
	v63 =	vld [tilespmem:$0x0]  }
0x51: {  	_ =	swait.ge [sflag:s29], $0x2000  }
0x52: {  	[sflag:s29] =	ssyncset.done $0x0  }
0x53: {  	s18 =	rddreg [dreg:$0xd];
	[sflag:s29] =	ssyncadd.s32 $0xFFFFE000  }
0x54: {  	[spmem:s18] =	stream.linear.scatter [tilespmem:s28], [sflag:$0x3], $0x2000, $0x38;
	v63 =	vld [tilespmem:$0x0]  }
0x55: {  	_ =	swait.ge [sflag:s29], $0x2000  }
0x56: {  	[sflag:s29] =	ssyncset.done $0x0  }
0x57: {  	[sflag:s29] =	ssyncadd.s32 $0xFFFFE000  }
0x58: {  	[spmem:s19] =	stream.linear.scatter [tilespmem:s28], [sflag:$0x3], $0x2000, $0x38;
	v63 =	vld [tilespmem:$0x0]  }
0x59: {  	_ =	swait.ge [sflag:s29], $0x2000  }
0x5a: {  	[sflag:s29] =	ssyncset.done $0x0  }
0x5b: {  	[sflag:s29] =	ssyncadd.s32 $0xFFFFE000  }
0x5c: {  	[spmem:s24] =	stream.linear.scatter [tilespmem:s28], [sflag:$0x3], $0x800, $0x38;
	v63 =	vld [tilespmem:$0x0]  }
0x5d: {  	_ =	swait.ge [sflag:s29], $0x800  }
0x5e: {  	[sflag:s29] =	ssyncset.done $0x0  }
0x5f: {  	[sflag:s29] =	ssyncadd.s32 $0xFFFFF800  }
0x60: {  	s13 =	simm.s32 $0x0;
	s14 =	simm.s32 $0x0;
	[bflag:$0x0] =	sbarrier.arrive $0xFFFF  }
.LBB2_4:
0x61: {  	s15 =	smul.u32 $0x38, s14;
	_ =	sdelay $0x1  }
0x62: {  	s15 =	sadd.s32 s25, s15  }
0x63: {  	s15 =	sshll.u32 s15, $0x4  }
0x64: {  	s16 =	sadd.s32 s5, s15  }
0x65: {  	[tilespmem:s13], [sflag:$0x3] =	stream.linear.gather [hbm4b:s16+s13], $0x1C00, $0x38;
	v63 =	vld [tilespmem:$0x0]  }
0x66: {  	_ =	swait.ge [sflag:s29], $0x1C00  }
0x67: {  	[sflag:s29] =	ssyncset.done $0x0  }
0x68: {  	s15 =	sadd.s32 s6, s15;
	[sflag:s29] =	ssyncadd.s32 $0xFFFFE400  }
0x69: {  	[tilespmem:s30], [sflag:$0x3] =	stream.linear.gather [hbm4b:s15+s13], $0x1C00, $0x38;
	v63 =	vld [tilespmem:$0x0]  }
0x6a: {  	_ =	swait.ge [sflag:s29], $0x1C00  }
0x6b: {  	[sflag:s29] =	ssyncset.done $0x0  }
0x6c: {  	s15 =	simm.s32 $0x0;
	[sflag:s29] =	ssyncadd.s32 $0xFFFFE400  }
0x6d: {  	v3 =	vld [tilespmem:s15+$0x1C30]  }
0x6e: {  	v5 =	vld [tilespmem:s15+$0x1C20];
	_ =	sdelay $0x2  }
0x6f: {  	v4 =	vld [tilespmem:s15+$0x1C00]  }
0x70: {  	vm0 =	vge.s32 v3, v0;
	vm1 =	vlt.s32 v3, v1;
	v6 =	vsub.s32 v3, v0  }
0x71: {  	vm2 =	vge.s32 v5, v0;
	vm3 =	vlt.s32 v5, v1;
	v3 =	vld [tilespmem:s15+$0x1C10];
	vm1 =	vmand vm0, vm1  }
0x72: {  	s17 =	simm.s32 $0x200;
	s16 =	simm.s32 $0x400;
	v5 =	vsub.s32 v5, v0;
	vm0 =	vmand vm2, vm3;
	v6 =	vnsel vm1, $0x30D8, v6  }
.LBB2_5:
0x73: {  	p4 =	sne.s32 s16, $0x6E00  }
0x74: {  	s18 =	sshra.s32 s17, $0x2;
	vm1 =	vge.s32 v4, v0;
	vm2 =	vlt.s32 v4, v1;
	v5 =	vnsel vm0, $0x30D8, v5;
	[tilespmem:s15+$0x1C30] =	vst v6;
	s17 =	smov.u32 s16;
	s16 =	sadd.s32 $0x200, s16  }
0x75: {  	v4 =	vsub.s32 v4, v0;
	v6 =	vld [tilespmem:s18+$0x1C30];
	vm0 =	vmand vm1, vm2;
	[tilespmem:s15+$0x1C20] =	vst v5  }
0x76: {  	v5 =	vld [tilespmem:s18+$0x1C20];
	v4 =	vnsel vm0, $0x30D8, v4;
	vm0 =	vge.s32 v3, v0;
	vm1 =	vlt.s32 v3, v1  }
0x77: {  	v3 =	vsub.s32 v3, v0;
	[tilespmem:s15+$0x1C00] =	vst v4;
	vm0 =	vmand vm0, vm1  }
.Ltmp1:
0x78: {  	v4 =	vld [tilespmem:s18+$0x1C00];
	v3 =	vnsel vm0, $0x30D8, v3;
	(pc) =	sbr.rel @p4 .LBB2_5-.Ltmp1, $4  }
0x79: {  	[tilespmem:s15+$0x1C10] =	vst v3;
	s15 =	smov.u32 s18  }
0x7a: {  	v3 =	vld [tilespmem:s15+$0x1C10];
	vm0 =	vge.s32 v6, v0;
	vm1 =	vlt.s32 v6, v1;
	v6 =	vsub.s32 v6, v0  }
0x7b: {  	vm2 =	vge.s32 v5, v0;
	vm3 =	vlt.s32 v5, v1;
	vm1 =	vmand vm0, vm1  }
0x7c: {  	v5 =	vsub.s32 v5, v0;
	vm0 =	vmand vm2, vm3;
	v6 =	vnsel vm1, $0x30D8, v6  }
0x7d: {  	s16 =	sshra.s32 s17, $0x2;
	[tilespmem:s15+$0x1C30] =	vst v6;
	vm1 =	vge.s32 v4, v0;
	vm2 =	vlt.s32 v4, v1;
	v5 =	vnsel vm0, $0x30D8, v5  }
0x7e: {  	v62 =	vsub.s32 v4, v0;
	v6 =	vld [tilespmem:s16+$0x1C30];
	vm15 =	vmand vm1, vm2;
	[tilespmem:s15+$0x1C20] =	vst v5  }
0x7f: {  	v5 =	vld [tilespmem:s16+$0x1C20];
	v4 =	vnsel vm15, $0x30D8, v62;
	vm4 =	vge.s32 v3, v0;
	vm5 =	vlt.s32 v3, v1  }
0x80: {  	v3 =	vsub.s32 v3, v0;
	[tilespmem:s15+$0x1C00] =	vst v4;
	vm0 =	vmand vm4, vm5  }
0x81: {  	v4 =	vld [tilespmem:s16+$0x1C00];
	v3 =	vnsel vm0, $0x30D8, v3  }
0x82: {  	[tilespmem:s15+$0x1C10] =	vst v3  }
0x83: {  	v3 =	vld [tilespmem:s16+$0x1C10];
	vm6 =	vge.s32 v6, v0  }
0x84: {  	vm7 =	vlt.s32 v6, v1;
	v6 =	vsub.s32 v6, v0;
	vm8 =	vge.s32 v5, v0  }
0x85: {  	vm3 =	vlt.s32 v5, v1;
	vm0 =	vmand vm6, vm7;
	v5 =	vsub.s32 v5, v0  }
0x86: {  	vm9 =	vmand vm8, vm3;
	v6 =	vnsel vm0, $0x30D8, v6;
	vm10 =	vge.s32 v4, v0  }
0x87: {  	vm11 =	vlt.s32 v4, v1;
	v5 =	vnsel vm9, $0x30D8, v5;
	v4 =	vsub.s32 v4, v0  }
0x88: {  	[tilespmem:s16+$0x1C30] =	vst v6;
	vm12 =	vmand vm10, vm11;
	vm13 =	vge.s32 v3, v0;
	vm14 =	vlt.s32 v3, v1  }
0x89: {  	[tilespmem:s16+$0x1C20] =	vst v5;
	v4 =	vnsel vm12, $0x30D8, v4;
	v3 =	vsub.s32 v3, v0;
	vm15 =	vmand vm13, vm14  }
0x8a: {  	[tilespmem:s16+$0x1C00] =	vst v4;
	v3 =	vnsel vm15, $0x30D8, v3  }
0x8b: {  	s18 =	simm.s32 $0x0;
	[tilespmem:s16+$0x1C10] =	vst v3  }
0x8c: {  	[tilespmem:s28], [sflag:$0x1] =	stream.indirect.gather [hbm4b:s1+s31], $0x80, s18, s31, $0xb8;
	v63 =	vld [tilespmem:$0x0]  }
0x8d: {  	_ = 	snop  }
0x8e: {  	[tilespmem:s8], [sflag:$0x2] =	stream.indirect.gather [hbm4b:s1+s31], $0x80, s0, s31, $0xb8;
	v63 =	vld [tilespmem:$0x0]  }
0x8f: {  	_ =	swait.ge [sflag:s9], $0x2000  }
0x90: {  	[sflag:s9] =	ssyncset.done $0x0  }
0x91: {  	s16 =	simm.s32 $0x1C00;
	[sflag:s9] =	ssyncadd.s32 $0xFFFFE000  }
0x92: {  	[spmem:s2] =	stream.indirect.scatter.add.f32 [tilespmem:s28], [sflag:$0x3], $0x80, s16, s31, $0xb8;
	v63 =	vld [tilespmem:$0x0]  }
0x93: {  	_ =	swait.ge [sflag:s29], $0x2000  }
0x94: {  	[sflag:s29] =	ssyncset.done $0x0  }
0x95: {  	s17 =	simm.s32 $0x100;
	[sflag:s29] =	ssyncadd.s32 $0xFFFFE000  }
0x96: {  	[tilespmem:s28], [sflag:$0x1] =	stream.indirect.gather [hbm4b:s1+s31], $0x80, s17, s31, $0xb8;
	v63 =	vld [tilespmem:$0x0]  }
0x97: {  	_ =	swait.ge [sflag:s10], $0x2000  }
0x98: {  	[sflag:s10] =	ssyncset.done $0x0  }
0x99: {  	s18 =	simm.s32 $0x1C80;
	[sflag:s10] =	ssyncadd.s32 $0xFFFFE000  }
0x9a: {  	[spmem:s2] =	stream.indirect.scatter.add.f32 [tilespmem:s8], [sflag:$0x3], $0x80, s18, s31, $0xb8;
	v63 =	vld [tilespmem:$0x0]  }
0x9b: {  	_ =	swait.ge [sflag:s29], $0x2000  }
0x9c: {  	[sflag:s29] =	ssyncset.done $0x0  }
0x9d: {  	s15 =	simm.s32 $0x400;
	s16 =	simm.s32 $0x180;
	[sflag:s29] =	ssyncadd.s32 $0xFFFFE000  }
.LBB2_7:
0x9e: {  	[tilespmem:s8], [sflag:$0x2] =	stream.indirect.gather [hbm4b:s1+s31], $0x80, s16, s31, $0xb8;
	v63 =	vld [tilespmem:$0x0]  }
0x9f: {  	s16 =	smov.u32 s15  }
0xa0: {  	p4 =	sne.s32 s15, $0x6800;
	s15 =	sadd.s32 $0x400, s15;
	_ =	swait.ge [sflag:s9], $0x2000  }
0xa1: {  	s16 =	sshra.s32 s16, $0x2;
	[sflag:s9] =	ssyncset.done $0x0  }
0xa2: {  	s17 =	sadd.s32 $0x1C00, s16;
	[sflag:s9] =	ssyncadd.s32 $0xFFFFE000  }
0xa3: {  	[spmem:s2] =	stream.indirect.scatter.add.f32 [tilespmem:s28], [sflag:$0x3], $0x80, s17, s31, $0xb8;
	v63 =	vld [tilespmem:$0x0]  }
0xa4: {  	_ =	swait.ge [sflag:s29], $0x2000  }
0xa5: {  	[sflag:s29] =	ssyncset.done $0x0  }
0xa6: {  	s17 =	sadd.s32 $0x100, s16;
	[sflag:s29] =	ssyncadd.s32 $0xFFFFE000  }
0xa7: {  	[tilespmem:s28], [sflag:$0x1] =	stream.indirect.gather [hbm4b:s1+s31], $0x80, s17, s31, $0xb8;
	v63 =	vld [tilespmem:$0x0]  }
0xa8: {  	_ =	swait.ge [sflag:s10], $0x2000  }
0xa9: {  	[sflag:s10] =	ssyncset.done $0x0  }
.Ltmp2:
0xaa: {  	s17 =	sadd.s32 $0x1C80, s16;
	[sflag:s10] =	ssyncadd.s32 $0xFFFFE000;
	(pc) =	sbr.rel @p4 .LBB2_7-.Ltmp2, $4  }
0xab: {  	[spmem:s2] =	stream.indirect.scatter.add.f32 [tilespmem:s8], [sflag:$0x3], $0x80, s17, s31, $0xb8;
	v63 =	vld [tilespmem:$0x0]  }
0xac: {  	_ =	swait.ge [sflag:s29], $0x2000  }
0xad: {  	[sflag:s29] =	ssyncset.done $0x0  }
0xae: {  	s16 =	sadd.s32 $0x180, s16;
	[sflag:s29] =	ssyncadd.s32 $0xFFFFE000  }
0xaf: {  	[tilespmem:s8], [sflag:$0x2] =	stream.indirect.gather [hbm4b:s1+s31], $0x80, s16, s31, $0xb8;
	v63 =	vld [tilespmem:$0x0]  }
0xb0: {  	_ =	swait.ge [sflag:s9], $0x2000  }
0xb1: {  	[sflag:s9] =	ssyncset.done $0x0  }
0xb2: {  	[sflag:s9] =	ssyncadd.s32 $0xFFFFE000  }
0xb3: {  	[spmem:s2] =	stream.indirect.scatter.add.f32 [tilespmem:s28], [sflag:$0x3], $0x80, s11, s31, $0xb8;
	v63 =	vld [tilespmem:$0x0]  }
0xb4: {  	_ =	swait.ge [sflag:s29], $0x2000  }
0xb5: {  	[sflag:s29] =	ssyncset.done $0x0  }
0xb6: {  	[sflag:s29] =	ssyncadd.s32 $0xFFFFE000  }
0xb7: {  	s14 =	sadd.s32 $0x1, s14;
	_ =	swait.ge [sflag:s10], $0x2000  }
0xb8: {  	p4 =	sne.s32 s14, $0x7;
	[sflag:s10] =	ssyncset.done $0x0  }
.Ltmp3:
0xb9: {  	[sflag:s10] =	ssyncadd.s32 $0xFFFFE000;
	(pc) =	sbr.rel @p4 .LBB2_4-.Ltmp3, $4  }
0xba: {  	[spmem:s2] =	stream.indirect.scatter.add.f32 [tilespmem:s8], [sflag:$0x3], $0x80, s12, s31, $0xb8;
	v63 =	vld [tilespmem:$0x0]  }
0xbb: {  	_ =	swait.ge [sflag:s29], $0x2000  }
0xbc: {  	[sflag:s29] =	ssyncset.done $0x0  }
0xbd: {  	[sflag:s29] =	ssyncadd.s32 $0xFFFFE000  }
0xbe: {  	[bflag:$0x0] =	sbarrier.arrive $0xFFFF;
	s13 =	sshrl.u32 @!p0 s26, $0x3;
	s14 =	simm.s32 @!p0 $0x1FC3  }
0xbf: {  	[hbm:s21], [sflag:s14] =	dma.local @!p0 [spmem:s13], $0x2E00  }
0xc0: {  	s13 =	simm.s32 @!p0 $0x3  }
0xc1: {  	_ =	swait.ge @!p0 [sflag:s13], $0x2E00  }
0xc2: {  	s14 =	sshll.u32 @!p1 s4, $0x6;
	[sflag:s13] =	ssyncset.done @!p0 $0x0  }
0xc3: {  	[sflag:s13] =	ssyncadd.s32 @!p0 $0xFFFFD200;
	s13 =	sor.u32 @!p1 $0x1C03, s14;
	s14 =	sshrl.u32 @!p1 s7, $0x3  }
0xc4: {  	[hbm:s20], [sflag:s13] =	dma.local @!p1 [spmem:s14], $0x3100  }
0xc5: {  	s13 =	simm.s32 @!p1 $0x3  }
0xc6: {  	_ =	swait.ge @!p1 [sflag:s13], $0x3100  }
0xc7: {  	[sflag:s13] =	ssyncset.done @!p1 $0x0  }
0xc8: {  	s14 =	simm.s32 @!p2 $0x1FC3;
	[sflag:s13] =	ssyncadd.s32 @!p1 $0xFFFFCF00;
	s13 =	sshrl.u32 @!p2 s26, $0x3  }
0xc9: {  	[hbm:s22], [sflag:s14] =	dma.local @!p2 [spmem:s13], $0x2E80  }
0xca: {  	s3 =	sadd.s32 $0x1, s3;
	s13 =	simm.s32 @!p2 $0x3  }
0xcb: {  	p4 =	sne.s32 s3, s23;
	_ =	swait.ge @!p2 [sflag:s13], $0x2E80  }
0xcc: {  	s14 =	sshll.u32 @!p3 s4, $0x6;
	[sflag:s13] =	ssyncset.done @!p2 $0x0;
	s15 =	rddreg [dreg:$0xe]  }
0xcd: {  	[sflag:s13] =	ssyncadd.s32 @!p2 $0xFFFFD180;
	s13 =	sor.u32 @!p3 $0x1C03, s14;
	s14 =	sshrl.u32 @!p3 s7, $0x3  }
0xce: {  	[hbm:s15], [sflag:s13] =	dma.local @!p3 [spmem:s14], $0x3100  }
.Ltmp4:
0xcf: {  	_ = 	snop;
	(pc) =	sbr.rel @p4 .LBB2_1-.Ltmp4, $4  }
0xd0: {  	s13 =	simm.s32 @!p3 $0x3  }
0xd1: {  	_ =	swait.ge @!p3 [sflag:s13], $0x3100  }
0xd2: {  	[sflag:s13] =	ssyncset.done @!p3 $0x0  }
0xd3: {  	[sflag:s13] =	ssyncadd.s32 @!p3 $0xFFFFCF00  }
0xd4: {  	_ =	sfence.sel $0x180000  }
0xd5: {  	[bflag:$0x0] =	sbarrier.arrive $0xFFFF  }
0xd6: {  	_ =	strace $0x9000004A  }
0xd7: {  	[bflag:$0x2] =	sbarrier.arrive $0xFFFF  }
0xd8: {  	p0 =	sne.s32 s4, $0x0;
	s0 =	rddreg [dreg:$0x3]  }
0xd9: {  	s0 =	sadd.s32 @!p0 $0x100000, s0  }
0xda: {  	[sflag:s0] =	ssyncadd.tile.s32 @!p0 $0x1;
	_ =	shalt  }
.Lfunc_end2:
_tile_overlayer_lowered:
.L_overlay_start_2:
0xdb: {  	(tag) =	ssettag $0x2  }
0xdc: {  	s0 =	rddreg [dreg:$0x0];
	s2 =	stileid.u32  }
0xdd: {  	s1 =	rddreg [dreg:$0x1];
	p0 =	sne.s32 s2, $0x0  }
0xde: {  	s3 =	rddreg [dreg:$0x2];
	[bflag:$0x3] =	sbarrier.arrive $0xFFFF;
	s2 =	simm.s32 @!p0 $0x1C03  }
0xdf: {  	[timem:s3], [sflag:s2] =	dma.local @!p0 [hbm:s0], s1  }
0xe0: {  	s0 =	simm.s32 @!p0 $0x3  }
0xe1: {  	_ =	swait.ge @!p0 [sflag:s0], s1  }
0xe2: {  	s1 =	ssub.s32 @!p0 $0x0, s1;
	[sflag:s0] =	ssyncset.done @!p0 $0x0  }
0xe3: {  	[sflag:s0] =	ssyncadd.s32 @!p0 s1  }
0xe4: {  	[bflag:$0x3] =	sbarrier.arrive $0xFFFF  }
0xe5: {  	_ =	shalt  }

// kernel: kernel.13.cloned.1.call-start
scs
__scs_entry_jumppad:
0x0: {  	(pc) =	sbr.rel $0x88, $3  }
0x1: {  	(tag) =	ssettag $0x0;
	lr =	simm.s32 $0x1  }
0x2: {  	[smem:$0x3F85] =	sst lr;
	_ =	strace $0xD0000000  }
0x3: {  	_ = 	snop  }
0x4: {  	_ = 	snop  }
0x5: {  	_ = 	snop  }
0x6: {  	_ = 	snop  }
0x7: {  	_ = 	snop  }
__scs_overlays_trampoline_lowered:
0x8: {  	[smem:$0x3F94] =	sst s0  }
0x9: {  	[smem:$0x3F95] =	sst s1  }
0xa: {  	[smem:$0x3F96] =	sst s2  }
0xb: {  	[smem:$0x3F97] =	sst s3  }
0xc: {  	[smem:$0x3F98] =	sst s4  }
0xd: {  	[smem:$0x3F99] =	sst s5  }
0xe: {  	[smem:$0x3F9A] =	sst s6  }
0xf: {  	[smem:$0x3F9B] =	sst s7  }
0x10: {  	[smem:$0x3F9C] =	sst s8  }
0x11: {  	[smem:$0x3F9D] =	sst s9;
	s0 =	simm.s32 @!p0 $0x0  }
0x12: {  	s1 =	sld [smem:$0x3F83];
	s0 =	simm.s32 @p0 $0x1  }
0x13: {  	[smem:$0x3F9E] =	sst s0;
	s0 =	simm.s32 @!p1 $0x0  }
0x14: {  	s2 =	sld [smem:$0x3F82];
	s0 =	simm.s32 @p1 $0x1  }
0x15: {  	[smem:$0x3F9F] =	sst s0;
	s0 =	simm.s32 @!p2 $0x0  }
0x16: {  	s3 =	sld [smem:$0x3FDB];
	s0 =	simm.s32 @p2 $0x1  }
0x17: {  	s4 =	simm.s32 $0x1BF5;
	[smem:$0x3FA1] =	sst s0  }
0x18: {  	s0 =	sld [smem:$0x3F84];
	_ =	swait.ge [sflag:s4], $0x0  }
0x19: {  	s7 =	sld [smem:$0x3F85]  }
0x1a: {  	s8 =	sadd.s32 $0xFFFFE003, lr  }
0x1b: {  	s9 =	sadd.s32 $0xFFFFFEF7, lr;
	s5 =	simm.s32 $0xFFFFFFFF;
	p2 =	slt.u32 s8, $0xFFFFF086  }
0x1c: {  	p1 =	slt.u32 s9, $0xF7A;
	s5 =	simm.s32 @!p2 $0x0  }
0x1d: {  	s5 =	simm.s32 @p1 $0x1;
	p0 =	seq.s32 s7, s2  }
0x1e: {  	s7 =	smul.u32 @!p0 $0xF7A, s2;
	p2 =	seq.s32 @!p0 s5, $0x0  }
0x1f: {  	s9 =	smul.u32 $0xF7A, s1;
	s8 =	simm.s32 @!p0 $0x1BF5;
	p2 =	por !p2, p0  }
0x20: {  	[sflag:s8] =	ssyncset.s32 @!p0 $0xFFFFF086;
	s6 =	sadd.s32 @!p0 s3, s7;
	s7 =	simm.s32 @!p0 $0x108  }
0x21: {  	s3 =	sadd.s32 s3, s9;
	s6 =	sadd.s32 @!p0 $0x88, s6;
	s7 =	simm.s32 @p2 $0x1082  }
0x22: {  	[simem:s7], [sflag:s8] =	dma.local @!p0 [hbm:s6], $0xF7A  }
0x23: {  	s9 =	sor.u32 $0xD0000000, s2;
	s6 =	simm.s32 $0x108;
	_ =	swait.ge @!p0 [sflag:s8], $0x0  }
0x24: {  	s3 =	sadd.s32 $0x88, s3;
	s6 =	simm.s32 @!p1 $0x1082;
	[sflag:s4] =	ssyncset.s32 $0xFFFFF086  }
0x25: {  	[simem:s6], [sflag:s4] =	dma.local [hbm:s3], $0xF7A  }
0x26: {  	[smem:$0x3F85] =	sst s1;
	(tag) =	ssettag s2;
	_ =	strace s9  }
0x27: {  	s1 =	sld [smem:$0x3F95]  }
0x28: {  	s2 =	sld [smem:$0x3F96]  }
0x29: {  	s4 =	sld [smem:$0x3F98]  }
0x2a: {  	p0 =	seq.s32 s5, $0x0;
	s5 =	sld [smem:$0x3F99]  }
0x2b: {  	s6 =	sld [smem:$0x3F9A]  }
0x2c: {  	s7 =	sld [smem:$0x3F9B]  }
0x2d: {  	s3 =	simm.s32 $0x108;
	s8 =	sld [smem:$0x3F9C]  }
0x2e: {  	s3 =	simm.s32 @!p0 $0x1082;
	s9 =	sld [smem:$0x3F9D]  }
0x2f: {  	lr =	sadd.s32 s0, s3;
	s0 =	sld [smem:$0x3F94]  }
0x30: {  	s3 =	sld [smem:$0x3F97]  }
0x31: {  	[smem:$0x3FA0] =	sst s10  }
0x32: {  	s10 =	sld [smem:$0x3F9E];
	_ =	sdelay $0x3  }
0x33: {  	p0 =	seq.s32 s10, $0x1;
	s10 =	sld [smem:$0x3FA0];
	_ =	sdelay $0x3  }
0x34: {  	[smem:$0x3FA0] =	sst s10  }
0x35: {  	s10 =	sld [smem:$0x3F9F];
	_ =	sdelay $0x3  }
0x36: {  	p1 =	seq.s32 s10, $0x1;
	s10 =	sld [smem:$0x3FA0];
	_ =	sdelay $0x3  }
0x37: {  	[smem:$0x3FA0] =	sst s10  }
0x38: {  	s10 =	sld [smem:$0x3FA1]  }
0x39: {  	_ = 	snop;
	(pc) =	sbr.ind lr, $3  }
0x3a: {  	_ = 	snop  }
0x3b: {  	_ = 	snop  }
0x3c: {  	p2 =	seq.s32 s10, $0x1;
	s10 =	sld [smem:$0x3FA0]  }
0x3d: {  	_ =	shalt  }
0x3e: {  	_ =	shalt  }
0x3f: {  	_ =	shalt  }
0x40: {  	_ =	shalt  }
0x41: {  	_ =	shalt  }
0x42: {  	_ =	shalt  }
0x43: {  	_ =	shalt  }
0x44: {  	_ =	shalt  }
0x45: {  	_ =	shalt  }
0x46: {  	_ =	shalt  }
0x47: {  	_ =	shalt  }
0x48: {  	_ =	shalt  }
0x49: {  	_ =	shalt  }
0x4a: {  	_ =	shalt  }
0x4b: {  	_ =	shalt  }
0x4c: {  	_ =	shalt  }
0x4d: {  	_ =	shalt  }
0x4e: {  	_ =	shalt  }
0x4f: {  	_ =	shalt  }
0x50: {  	_ =	shalt  }
0x51: {  	_ =	shalt  }
0x52: {  	_ =	shalt  }
0x53: {  	_ =	shalt  }
0x54: {  	_ =	shalt  }
0x55: {  	_ =	shalt  }
0x56: {  	_ =	shalt  }
0x57: {  	_ =	shalt  }
0x58: {  	_ =	shalt  }
0x59: {  	_ =	shalt  }
0x5a: {  	_ =	shalt  }
0x5b: {  	_ =	shalt  }
0x5c: {  	_ =	shalt  }
0x5d: {  	_ =	shalt  }
0x5e: {  	_ =	shalt  }
0x5f: {  	_ =	shalt  }
0x60: {  	_ =	shalt  }
0x61: {  	_ =	shalt  }
0x62: {  	_ =	shalt  }
0x63: {  	_ =	shalt  }
0x64: {  	_ =	shalt  }
0x65: {  	_ =	shalt  }
0x66: {  	_ =	shalt  }
0x67: {  	_ =	shalt  }
0x68: {  	_ =	shalt  }
0x69: {  	_ =	shalt  }
0x6a: {  	_ =	shalt  }
0x6b: {  	_ =	shalt  }
0x6c: {  	_ =	shalt  }
0x6d: {  	_ =	shalt  }
0x6e: {  	_ =	shalt  }
0x6f: {  	_ =	shalt  }
0x70: {  	_ =	shalt  }
0x71: {  	_ =	shalt  }
0x72: {  	_ =	shalt  }
0x73: {  	_ =	shalt  }
0x74: {  	_ =	shalt  }
0x75: {  	_ =	shalt  }
0x76: {  	_ =	shalt  }
0x77: {  	_ =	shalt  }
0x78: {  	_ =	shalt  }
0x79: {  	_ =	shalt  }
0x7a: {  	_ =	shalt  }
0x7b: {  	_ =	shalt  }
0x7c: {  	_ =	shalt  }
0x7d: {  	_ =	shalt  }
0x7e: {  	_ =	shalt  }
0x7f: {  	_ =	shalt  }
0x80: {  	_ =	shalt  }
0x81: {  	_ =	shalt  }
0x82: {  	_ =	shalt  }
0x83: {  	_ =	shalt  }
0x84: {  	_ =	shalt  }
0x85: {  	_ =	shalt  }
0x86: {  	_ =	shalt  }
0x87: {  	_ =	shalt  }
.Lfunc_end0:
.L_simem_size_0:
called_computation.1_lowered:
.L_overlay_start_0:
0x88: {  	s2 =	sld [smem:$0x3FD9]  }
0x89: {  	s3 =	sld [smem:$0x3FFE];
	_ =	sdelay $0x1  }
0x8a: {  	s1 =	srdreg.scid  }
0x8b: {  	s0 =	sand.u32 $0x1, s1  }
0x8c: {  	s14 =	sshll.u32 s0, $0xA;
	s2 =	sadd.s32 s3, s2  }
0x8d: {  	s2 =	sadd.s32 s2, s14  }
0x8e: {  	[smem:$0x3FAC] =	sst s2  }
0x8f: {  	_ = 	snop  }
0x90: {  	s2 =	sld [smem:$0x3FD0];
	_ =	sdelay $0x2  }
0x91: {  	s15 =	simm.s32 $0xB;
	s4 =	simm.s32 $0x10  }
0x92: {  	[smem:s4], [sflag:s15] =	dma.local [hbm:s2], $0x1  }
0x93: {  	_ =	swait.eq [sflag:s15], $0x1  }
0x94: {  	[sflag:s15] =	ssyncset.done $0x0  }
0x95: {  	[sflag:s15] =	ssyncadd.s32 $0xFFFFFFFF  }
0x96: {  	s16 =	sld [smem:$0x11];
	(tm) =	ssettm $0x1  }
0x97: {  	s17 =	sld [smem:$0x3FFB];
	_ =	sdelay $0x3  }
0x98: {  	_ =	strace s17  }
0x99: {  	s3 =	sld [smem:$0x3FFC];
	_ =	sdelay $0x3  }
0x9a: {  	_ =	strace s3  }
0x9b: {  	s3 =	sld [smem:$0x3FFD];
	_ =	sdelay $0x3  }
0x9c: {  	_ =	strace s3  }
0x9d: {  	_ =	strace $0x8FFFFFFF  }
0x9e: {  	s18 =	sld [smem:$0x3FDB];
	_ =	sdelay $0x1  }
0x9f: {  	s19 =	simm.s32 $_scs_section_size  }
0xa0: {  	s5 =	simm.s32 $_size__tile_overlayer_lowered;
	s6 =	simm.s32 $_tile_overlayer_lowered  }
0xa1: {  	s22 =	simm.s32 $0x1BFF;
	s21 =	sshll.u32 s6, $0x1;
	s3 =	sadd.s32 s19, s18  }
0xa2: {  	s7 =	simm.s32 $0x0;
	s20 =	sshll.u32 s5, $0x1;
	s5 =	sadd.s32 s21, s3  }
0xa3: {  	[timem:s7], [sflag:s22] =	dma.local [hbm:s5], s20  }
0xa4: {  	_ =	swait.ge [sflag:s22], s20  }
0xa5: {  	s4 =	ssub.s32 $0x0, s20;
	[sflag:s22] =	ssyncset.done $0x0  }
0xa6: {  	[sflag:s22] =	ssyncadd.s32 s4;
	_ =	sdelay $0x1  }
0xa7: {  	s23 =	simm.s32 $0x1B8B  }
0xa8: {  	_ =	swait.ge [sflag:s23], $0x1  }
0xa9: {  	[sflag:s23] =	ssyncset.done $0x0  }
0xaa: {  	s25 =	simm.s32 $0x1B8E;
	s24 =	sld [smem:$0x3FFE];
	[sflag:s23] =	ssyncadd.s32 $0xFFFFFFFF  }
0xab: {  	s26 =	simm.s32 $execute0_lowered;
	[smem:$0x3FD2] =	sst s25  }
0xac: {  	s5 =	sshll.u32 s26, $0x1;
	_ =	strace $0x80000046;
	[dreg:$0x1] =	wrdreg $0xFFFFFFFF  }
0xad: {  	s28 =	simm.s32 $_size_execute0_lowered;
	s3 =	sadd.s32 s3, s5;
	[dreg:$0x0] =	wrdreg $0x0  }
0xae: {  	s5 =	sshll.u32 s28, $0x1;
	[dreg:$0x2] =	wrdreg s3  }
0xaf: {  	[dreg:$0x3] =	wrdreg s5  }
0xb0: {  	[dreg:$0x4] =	wrdreg $0xC0  }
0xb1: {  	_ =	task [dreg:s7], $0x5FFFF  }
0xb2: {  	[dreg:$0x1] =	wrdreg $0xFFFFFFFF  }
0xb3: {  	[dreg:$0x0] =	wrdreg $0x60  }
0xb4: {  	[dreg:$0x2] =	wrdreg s16  }
0xb5: {  	[dreg:$0x3] =	wrdreg s24  }
0xb6: {  	[dreg:$0x4] =	wrdreg $0x78000  }
0xb7: {  	[dreg:$0x5] =	wrdreg $0xA  }
0xb8: {  	_ =	task.clear_ibuf [dreg:s7], $0x6FFFF;
	_ =	strace $0x90000046  }
0xb9: {  	s29 =	simm.s32 $0xA;
	_ =	strace $0x80000048  }
0xba: {  	_ =	swait.ge [sflag:s29], $0x1  }
0xbb: {  	[sflag:s29] =	ssyncadd.s32 $0xFFFFFFFF  }
0xbc: {  	_ =	strace $0x90000048  }
0xbd: {  	_ =	sfence  }
0xbe: {  	s30 =	sld [smem:$0x0];
	_ =	sdelay $0x2  }
0xbf: {  	s31 =	sshll.u32 s1, $0xD;
	s1 =	sshrl.u32 s1, $0x2  }
0xc0: {  	s3 =	sand.u32 $0x4000, s31;
	s1 =	sadd.s32 s1, s30  }
0xc1: {  	s0 =	sor.u32 s3, s0;
	s1 =	sshll.u32 s1, $0x11  }
0xc2: {  	s0 =	sor.u32 s1, s0  }
0xc3: {  	s0 =	sadd.s32 $0x8F2B, s0  }
0xc4: {  	[sflag:s0] =	ssyncadd.remote.s32 $0x1  }
0xc5: {  	_ =	sfence.sel $0xFFFF  }
0xc6: {  	[dreg:$0x0] =	wrdreg $0xFFFFFFFF;
	(pc) =	sbr.abs _section_cstart, $3  }
0xc7: {  	[dreg:$0x1] =	wrdreg $0xFFFFFFFF  }
0xc8: {  	_ =	task.clear_ibuf [dreg:s7], $0x2FFFF;
	_ =	strace $0x9FFFFFFF  }
0xc9: {  	(tm) =	ssettm $0x7FFFFFFF  }
tec
execute0_lowered:
.L_overlay_start_1:
0x0: {  	(tag) =	ssettag $0x1  }
0x1: {  	s1 =	rddreg [dreg:$0x0]  }
0x2: {  	s0 =	rddreg [dreg:$0x1]  }
0x3: {  	s2 =	rddreg [dreg:$0x2];
	s3 =	simm.s32 $0x0;
	s7 =	srdreg.scid  }
0x4: {  	s4 =	stileid.u32;
	s12 =	simm.s32 $0x30D8;
	s28 =	simm.s32 $0x3800  }
0x5: {  	s29 =	simm.s32 $0x3;
	s30 =	simm.s32 $0x1C00;
	s31 =	simm.s32 $0x40  }
0x6: {  	[smem:$0x7FF] =	sst s3;
	s5 =	sadd.s32 $0x3600, s0;
	s16 =	smul.u32 $0x62000, s4  }
0x7: {  	s6 =	sadd.s32 $0x1BE00, s0;
	s9 =	sadd.s32 $0x27E600, s0;
	s23 =	smul.u32 $0x18800, s4  }
0x8: {  	s8 =	sand.u32 $0x1, s7;
	s25 =	smul.u32 $0x3100, s4;
	_ =	strace $0x80000047  }
0x9: {  	s10 =	ssub.s32 $0x2, s8;
	s11 =	smul.u32 $0x30D8, s8;
	p0 =	seq.s32 s8, $0x0  }
0xa: {  	p3 =	sne.s32 s8, $0x0;
	s8 =	simm.s32 $0x5800;
	s7 =	sshrl.u32 s16, $0x2  }
0xb: {  	s13 =	sshrl.u32 s10, $0x1;
	s12 =	simm.s32 @!p0 $0x30D0;
	p1 =	seq.s32 @p3 s4, $0xF  }
0xc: {  	p4 =	seq.s32 @!p3 s4, $0xF;
	s7 =	sadd.s32 s7, s2;
	s10 =	ssub.s32 s10, s13  }
0xd: {  	s12 =	sadd.s32 s11, s12;
	s13 =	sshrl.u32 s23, $0x3;
	s17 =	sadd.s32 $0x2000, s7  }
0xe: {  	p0 =	por !p1, !p3;
	s18 =	sadd.s32 $0x4000, s7;
	[dreg:$0x4] =	wrdreg s17  }
0xf: {  	p1 =	por p1, !p3;
	s19 =	sadd.s32 $0x6000, s7;
	[dreg:$0x5] =	wrdreg s18  }
0x10: {  	p2 =	por !p4, p3;
	s20 =	sadd.s32 $0x8000, s7;
	[dreg:$0x6] =	wrdreg s19  }
0x11: {  	p3 =	por p4, p3;
	s21 =	sadd.s32 $0xA000, s7;
	[dreg:$0x7] =	wrdreg s20  }
0x12: {  	v0 =	vmov s11;
	s11 =	simm.s32 $0x3700;
	s22 =	sadd.s32 $0xC000, s7;
	[dreg:$0x8] =	wrdreg s21  }
0x13: {  	s14 =	sadd.s32 $0xE000, s7;
	s24 =	sadd.s32 $0x10000, s7;
	[dreg:$0x9] =	wrdreg s22  }
0x14: {  	s15 =	sadd.s32 $0x12000, s7;
	s26 =	sadd.s32 $0x14000, s7;
	[dreg:$0xa] =	wrdreg s14  }
0x15: {  	s13 =	sadd.s32 s9, s13;
	s9 =	sadd.s32 s9, s25;
	[dreg:$0xb] =	wrdreg s24  }
0x16: {  	s23 =	smax.u32 s10, $0x1;
	s25 =	smul.u32 $0x188, s4;
	[dreg:$0xc] =	wrdreg s15  }
0x17: {  	v1 =	vmov s12;
	s10 =	simm.s32 $0x2;
	s12 =	simm.s32 $0x3780;
	[dreg:$0xd] =	wrdreg s26  }
0x18: {  	[dreg:$0xe] =	wrdreg s9;
	s19 =	sadd.s32 $0x16000, s7;
	s21 =	sadd.s32 $0x2DD280, s0  }
0x19: {  	s20 =	sadd.s32 $0x30D80, s13;
	s22 =	sadd.s32 $0x2AC500, s0;
	s24 =	sadd.s32 $0x18000, s7  }
0x1a: {  	v2 =	vimm.f32 $0.0e+00;
	s26 =	sadd.s32 $0x16F800, s2;
	s0 =	simm.s32 $0x80;
	s9 =	simm.s32 $0x1  }
.LBB2_1:
0x1b: {  	s13 =	simm.s32 $0x0;
	s14 =	simm.s32 $0x200  }
.LBB2_2:
0x1c: {  	p4 =	sne.s32 s14, $0x7E00;
	[tilespmem:s13+$0x3870] =	vst v2  }
0x1d: {  	[tilespmem:s13+$0x3800] =	vst v2  }
0x1e: {  	[tilespmem:s13+$0x3810] =	vst v2  }
.Ltmp0:
0x1f: {  	[tilespmem:s13+$0x3820] =	vst v2;
	(pc) =	sbr.rel @p4 .LBB2_2-.Ltmp0, $4  }
0x20: {  	[tilespmem:s13+$0x3830] =	vst v2  }
0x21: {  	[tilespmem:s13+$0x3840] =	vst v2  }
0x22: {  	[tilespmem:s13+$0x3850] =	vst v2  }
0x23: {  	[tilespmem:s13+$0x3860] =	vst v2;
	s13 =	sshra.s32 s14, $0x2;
	s14 =	sadd.s32 $0x200, s14  }
0x24: {  	[tilespmem:s13+$0x3870] =	vst v2  }
0x25: {  	[tilespmem:s13+$0x3800] =	vst v2  }
0x26: {  	[tilespmem:s13+$0x3810] =	vst v2  }
0x27: {  	[tilespmem:s13+$0x3820] =	vst v2  }
0x28: {  	[tilespmem:s13+$0x3830] =	vst v2  }
0x29: {  	[tilespmem:s13+$0x3840] =	vst v2  }
0x2a: {  	[tilespmem:s13+$0x3850] =	vst v2  }
0x2b: {  	[tilespmem:s13+$0x3860] =	vst v2  }
0x2c: {  	[spmem:s7] =	stream.linear.scatter [tilespmem:s28], [sflag:$0x3], $0x2000, $0x38;
	v63 =	vld [tilespmem:$0x0]  }
0x2d: {  	_ =	swait.ge [sflag:s29], $0x2000  }
0x2e: {  	[sflag:s29] =	ssyncset.done $0x0  }
0x2f: {  	s14 =	rddreg [dreg:$0x4];
	[sflag:s29] =	ssyncadd.s32 $0xFFFFE000  }
0x30: {  	[spmem:s14] =	stream.linear.scatter [tilespmem:s28], [sflag:$0x3], $0x2000, $0x38;
	v63 =	vld [tilespmem:$0x0]  }
0x31: {  	_ =	swait.ge [sflag:s29], $0x2000  }
0x32: {  	[sflag:s29] =	ssyncset.done $0x0  }
0x33: {  	s15 =	rddreg [dreg:$0x5];
	[sflag:s29] =	ssyncadd.s32 $0xFFFFE000  }
0x34: {  	[spmem:s15] =	stream.linear.scatter [tilespmem:s28], [sflag:$0x3], $0x2000, $0x38;
	v63 =	vld [tilespmem:$0x0]  }
0x35: {  	_ =	swait.ge [sflag:s29], $0x2000  }
0x36: {  	[sflag:s29] =	ssyncset.done $0x0  }
0x37: {  	s16 =	rddreg [dreg:$0x6];
	[sflag:s29] =	ssyncadd.s32 $0xFFFFE000  }
0x38: {  	[spmem:s16] =	stream.linear.scatter [tilespmem:s28], [sflag:$0x3], $0x2000, $0x38;
	v63 =	vld [tilespmem:$0x0]  }
0x39: {  	_ =	swait.ge [sflag:s29], $0x2000  }
0x3a: {  	[sflag:s29] =	ssyncset.done $0x0  }
0x3b: {  	s17 =	rddreg [dreg:$0x7];
	[sflag:s29] =	ssyncadd.s32 $0xFFFFE000  }
0x3c: {  	[spmem:s17] =	stream.linear.scatter [tilespmem:s28], [sflag:$0x3], $0x2000, $0x38;
	v63 =	vld [tilespmem:$0x0]  }
0x3d: {  	_ =	swait.ge [sflag:s29], $0x2000  }
0x3e: {  	[sflag:s29] =	ssyncset.done $0x0  }
0x3f: {  	s18 =	rddreg [dreg:$0x8];
	[sflag:s29] =	ssyncadd.s32 $0xFFFFE000  }
0x40: {  	[spmem:s18] =	stream.linear.scatter [tilespmem:s28], [sflag:$0x3], $0x2000, $0x38;
	v63 =	vld [tilespmem:$0x0]  }
0x41: {  	_ =	swait.ge [sflag:s29], $0x2000  }
0x42: {  	[sflag:s29] =	ssyncset.done $0x0  }
0x43: {  	s14 =	rddreg [dreg:$0x9];
	[sflag:s29] =	ssyncadd.s32 $0xFFFFE000  }
0x44: {  	[spmem:s14] =	stream.linear.scatter [tilespmem:s28], [sflag:$0x3], $0x2000, $0x38;
	v63 =	vld [tilespmem:$0x0]  }
0x45: {  	_ =	swait.ge [sflag:s29], $0x2000  }
0x46: {  	[sflag:s29] =	ssyncset.done $0x0  }
0x47: {  	s15 =	rddreg [dreg:$0xa];
	[sflag:s29] =	ssyncadd.s32 $0xFFFFE000  }
0x48: {  	[spmem:s15] =	stream.linear.scatter [tilespmem:s28], [sflag:$0x3], $0x2000, $0x38;
	v63 =	vld [tilespmem:$0x0]  }
0x49: {  	_ =	swait.ge [sflag:s29], $0x2000  }
0x4a: {  	[sflag:s29] =	ssyncset.done $0x0  }
0x4b: {  	s16 =	rddreg [dreg:$0xb];
	[sflag:s29] =	ssyncadd.s32 $0xFFFFE000  }
0x4c: {  	[spmem:s16] =	stream.linear.scatter [tilespmem:s28], [sflag:$0x3], $0x2000, $0x38;
	v63 =	vld [tilespmem:$0x0]  }
0x4d: {  	_ =	swait.ge [sflag:s29], $0x2000  }
0x4e: {  	[sflag:s29] =	ssyncset.done $0x0  }
0x4f: {  	s17 =	rddreg [dreg:$0xc];
	[sflag:s29] =	ssyncadd.s32 $0xFFFFE000  }
0x50: {  	[spmem:s17] =	stream.linear.scatter [tilespmem:s28], [sflag:$0x3], $0x2000, $0x38;
	v63 =	vld [tilespmem:$0x0]  }
0x51: {  	_ =	swait.ge [sflag:s29], $0x2000  }
0x52: {  	[sflag:s29] =	ssyncset.done $0x0  }
0x53: {  	s18 =	rddreg [dreg:$0xd];
	[sflag:s29] =	ssyncadd.s32 $0xFFFFE000  }
0x54: {  	[spmem:s18] =	stream.linear.scatter [tilespmem:s28], [sflag:$0x3], $0x2000, $0x38;
	v63 =	vld [tilespmem:$0x0]  }
0x55: {  	_ =	swait.ge [sflag:s29], $0x2000  }
0x56: {  	[sflag:s29] =	ssyncset.done $0x0  }
0x57: {  	[sflag:s29] =	ssyncadd.s32 $0xFFFFE000  }
0x58: {  	[spmem:s19] =	stream.linear.scatter [tilespmem:s28], [sflag:$0x3], $0x2000, $0x38;
	v63 =	vld [tilespmem:$0x0]  }
0x59: {  	_ =	swait.ge [sflag:s29], $0x2000  }
0x5a: {  	[sflag:s29] =	ssyncset.done $0x0  }
0x5b: {  	[sflag:s29] =	ssyncadd.s32 $0xFFFFE000  }
0x5c: {  	[spmem:s24] =	stream.linear.scatter [tilespmem:s28], [sflag:$0x3], $0x800, $0x38;
	v63 =	vld [tilespmem:$0x0]  }
0x5d: {  	_ =	swait.ge [sflag:s29], $0x800  }
0x5e: {  	[sflag:s29] =	ssyncset.done $0x0  }
0x5f: {  	[sflag:s29] =	ssyncadd.s32 $0xFFFFF800  }
0x60: {  	s13 =	simm.s32 $0x0;
	s14 =	simm.s32 $0x0;
	[bflag:$0x0] =	sbarrier.arrive $0xFFFF  }
.LBB2_4:
0x61: {  	s15 =	smul.u32 $0x38, s14;
	_ =	sdelay $0x1  }
0x62: {  	s15 =	sadd.s32 s25, s15  }
0x63: {  	s15 =	sshll.u32 s15, $0x4  }
0x64: {  	s16 =	sadd.s32 s5, s15  }
0x65: {  	[tilespmem:s13], [sflag:$0x3] =	stream.linear.gather [hbm4b:s16+s13], $0x1C00, $0x38;
	v63 =	vld [tilespmem:$0x0]  }
0x66: {  	_ =	swait.ge [sflag:s29], $0x1C00  }
0x67: {  	[sflag:s29] =	ssyncset.done $0x0  }
0x68: {  	s15 =	sadd.s32 s6, s15;
	[sflag:s29] =	ssyncadd.s32 $0xFFFFE400  }
0x69: {  	[tilespmem:s30], [sflag:$0x3] =	stream.linear.gather [hbm4b:s15+s13], $0x1C00, $0x38;
	v63 =	vld [tilespmem:$0x0]  }
0x6a: {  	_ =	swait.ge [sflag:s29], $0x1C00  }
0x6b: {  	[sflag:s29] =	ssyncset.done $0x0  }
0x6c: {  	s15 =	simm.s32 $0x0;
	[sflag:s29] =	ssyncadd.s32 $0xFFFFE400  }
0x6d: {  	v3 =	vld [tilespmem:s15+$0x1C30]  }
0x6e: {  	v5 =	vld [tilespmem:s15+$0x1C20];
	_ =	sdelay $0x2  }
0x6f: {  	v4 =	vld [tilespmem:s15+$0x1C00]  }
0x70: {  	vm0 =	vge.s32 v3, v0;
	vm1 =	vlt.s32 v3, v1;
	v6 =	vsub.s32 v3, v0  }
0x71: {  	vm2 =	vge.s32 v5, v0;
	vm3 =	vlt.s32 v5, v1;
	v3 =	vld [tilespmem:s15+$0x1C10];
	vm1 =	vmand vm0, vm1  }
0x72: {  	s17 =	simm.s32 $0x200;
	s16 =	simm.s32 $0x400;
	v5 =	vsub.s32 v5, v0;
	vm0 =	vmand vm2, vm3;
	v6 =	vnsel vm1, $0x30D8, v6  }
.LBB2_5:
0x73: {  	p4 =	sne.s32 s16, $0x6E00  }
0x74: {  	s18 =	sshra.s32 s17, $0x2;
	vm1 =	vge.s32 v4, v0;
	vm2 =	vlt.s32 v4, v1;
	v5 =	vnsel vm0, $0x30D8, v5;
	[tilespmem:s15+$0x1C30] =	vst v6;
	s17 =	smov.u32 s16;
	s16 =	sadd.s32 $0x200, s16  }
0x75: {  	v4 =	vsub.s32 v4, v0;
	v6 =	vld [tilespmem:s18+$0x1C30];
	vm0 =	vmand vm1, vm2;
	[tilespmem:s15+$0x1C20] =	vst v5  }
0x76: {  	v5 =	vld [tilespmem:s18+$0x1C20];
	v4 =	vnsel vm0, $0x30D8, v4;
	vm0 =	vge.s32 v3, v0;
	vm1 =	vlt.s32 v3, v1  }
0x77: {  	v3 =	vsub.s32 v3, v0;
	[tilespmem:s15+$0x1C00] =	vst v4;
	vm0 =	vmand vm0, vm1  }
.Ltmp1:
0x78: {  	v4 =	vld [tilespmem:s18+$0x1C00];
	v3 =	vnsel vm0, $0x30D8, v3;
	(pc) =	sbr.rel @p4 .LBB2_5-.Ltmp1, $4  }
0x79: {  	[tilespmem:s15+$0x1C10] =	vst v3;
	s15 =	smov.u32 s18  }
0x7a: {  	v3 =	vld [tilespmem:s15+$0x1C10];
	vm0 =	vge.s32 v6, v0;
	vm1 =	vlt.s32 v6, v1;
	v6 =	vsub.s32 v6, v0  }
0x7b: {  	vm2 =	vge.s32 v5, v0;
	vm3 =	vlt.s32 v5, v1;
	vm1 =	vmand vm0, vm1  }
0x7c: {  	v5 =	vsub.s32 v5, v0;
	vm0 =	vmand vm2, vm3;
	v6 =	vnsel vm1, $0x30D8, v6  }
0x7d: {  	s16 =	sshra.s32 s17, $0x2;
	[tilespmem:s15+$0x1C30] =	vst v6;
	vm1 =	vge.s32 v4, v0;
	vm2 =	vlt.s32 v4, v1;
	v5 =	vnsel vm0, $0x30D8, v5  }
0x7e: {  	v62 =	vsub.s32 v4, v0;
	v6 =	vld [tilespmem:s16+$0x1C30];
	vm15 =	vmand vm1, vm2;
	[tilespmem:s15+$0x1C20] =	vst v5  }
0x7f: {  	v5 =	vld [tilespmem:s16+$0x1C20];
	v4 =	vnsel vm15, $0x30D8, v62;
	vm4 =	vge.s32 v3, v0;
	vm5 =	vlt.s32 v3, v1  }
0x80: {  	v3 =	vsub.s32 v3, v0;
	[tilespmem:s15+$0x1C00] =	vst v4;
	vm0 =	vmand vm4, vm5  }
0x81: {  	v4 =	vld [tilespmem:s16+$0x1C00];
	v3 =	vnsel vm0, $0x30D8, v3  }
0x82: {  	[tilespmem:s15+$0x1C10] =	vst v3  }
0x83: {  	v3 =	vld [tilespmem:s16+$0x1C10];
	vm6 =	vge.s32 v6, v0  }
0x84: {  	vm7 =	vlt.s32 v6, v1;
	v6 =	vsub.s32 v6, v0;
	vm8 =	vge.s32 v5, v0  }
0x85: {  	vm3 =	vlt.s32 v5, v1;
	vm0 =	vmand vm6, vm7;
	v5 =	vsub.s32 v5, v0  }
0x86: {  	vm9 =	vmand vm8, vm3;
	v6 =	vnsel vm0, $0x30D8, v6;
	vm10 =	vge.s32 v4, v0  }
0x87: {  	vm11 =	vlt.s32 v4, v1;
	v5 =	vnsel vm9, $0x30D8, v5;
	v4 =	vsub.s32 v4, v0  }
0x88: {  	[tilespmem:s16+$0x1C30] =	vst v6;
	vm12 =	vmand vm10, vm11;
	vm13 =	vge.s32 v3, v0;
	vm14 =	vlt.s32 v3, v1  }
0x89: {  	[tilespmem:s16+$0x1C20] =	vst v5;
	v4 =	vnsel vm12, $0x30D8, v4;
	v3 =	vsub.s32 v3, v0;
	vm15 =	vmand vm13, vm14  }
0x8a: {  	[tilespmem:s16+$0x1C00] =	vst v4;
	v3 =	vnsel vm15, $0x30D8, v3  }
0x8b: {  	s18 =	simm.s32 $0x0;
	[tilespmem:s16+$0x1C10] =	vst v3  }
0x8c: {  	[tilespmem:s28], [sflag:$0x1] =	stream.indirect.gather [hbm4b:s1+s31], $0x80, s18, s31, $0xb8;
	v63 =	vld [tilespmem:$0x0]  }
0x8d: {  	_ = 	snop  }
0x8e: {  	[tilespmem:s8], [sflag:$0x2] =	stream.indirect.gather [hbm4b:s1+s31], $0x80, s0, s31, $0xb8;
	v63 =	vld [tilespmem:$0x0]  }
0x8f: {  	_ =	swait.ge [sflag:s9], $0x2000  }
0x90: {  	[sflag:s9] =	ssyncset.done $0x0  }
0x91: {  	s16 =	simm.s32 $0x1C00;
	[sflag:s9] =	ssyncadd.s32 $0xFFFFE000  }
0x92: {  	[spmem:s2] =	stream.indirect.scatter.add.f32 [tilespmem:s28], [sflag:$0x3], $0x80, s16, s31, $0xb8;
	v63 =	vld [tilespmem:$0x0]  }
0x93: {  	_ =	swait.ge [sflag:s29], $0x2000  }
0x94: {  	[sflag:s29] =	ssyncset.done $0x0  }
0x95: {  	s17 =	simm.s32 $0x100;
	[sflag:s29] =	ssyncadd.s32 $0xFFFFE000  }
0x96: {  	[tilespmem:s28], [sflag:$0x1] =	stream.indirect.gather [hbm4b:s1+s31], $0x80, s17, s31, $0xb8;
	v63 =	vld [tilespmem:$0x0]  }
0x97: {  	_ =	swait.ge [sflag:s10], $0x2000  }
0x98: {  	[sflag:s10] =	ssyncset.done $0x0  }
0x99: {  	s18 =	simm.s32 $0x1C80;
	[sflag:s10] =	ssyncadd.s32 $0xFFFFE000  }
0x9a: {  	[spmem:s2] =	stream.indirect.scatter.add.f32 [tilespmem:s8], [sflag:$0x3], $0x80, s18, s31, $0xb8;
	v63 =	vld [tilespmem:$0x0]  }
0x9b: {  	_ =	swait.ge [sflag:s29], $0x2000  }
0x9c: {  	[sflag:s29] =	ssyncset.done $0x0  }
0x9d: {  	s15 =	simm.s32 $0x400;
	s16 =	simm.s32 $0x180;
	[sflag:s29] =	ssyncadd.s32 $0xFFFFE000  }
.LBB2_7:
0x9e: {  	[tilespmem:s8], [sflag:$0x2] =	stream.indirect.gather [hbm4b:s1+s31], $0x80, s16, s31, $0xb8;
	v63 =	vld [tilespmem:$0x0]  }
0x9f: {  	s16 =	smov.u32 s15  }
0xa0: {  	p4 =	sne.s32 s15, $0x6800;
	s15 =	sadd.s32 $0x400, s15;
	_ =	swait.ge [sflag:s9], $0x2000  }
0xa1: {  	s16 =	sshra.s32 s16, $0x2;
	[sflag:s9] =	ssyncset.done $0x0  }
0xa2: {  	s17 =	sadd.s32 $0x1C00, s16;
	[sflag:s9] =	ssyncadd.s32 $0xFFFFE000  }
0xa3: {  	[spmem:s2] =	stream.indirect.scatter.add.f32 [tilespmem:s28], [sflag:$0x3], $0x80, s17, s31, $0xb8;
	v63 =	vld [tilespmem:$0x0]  }
0xa4: {  	_ =	swait.ge [sflag:s29], $0x2000  }
0xa5: {  	[sflag:s29] =	ssyncset.done $0x0  }
0xa6: {  	s17 =	sadd.s32 $0x100, s16;
	[sflag:s29] =	ssyncadd.s32 $0xFFFFE000  }
0xa7: {  	[tilespmem:s28], [sflag:$0x1] =	stream.indirect.gather [hbm4b:s1+s31], $0x80, s17, s31, $0xb8;
	v63 =	vld [tilespmem:$0x0]  }
0xa8: {  	_ =	swait.ge [sflag:s10], $0x2000  }
0xa9: {  	[sflag:s10] =	ssyncset.done $0x0  }
.Ltmp2:
0xaa: {  	s17 =	sadd.s32 $0x1C80, s16;
	[sflag:s10] =	ssyncadd.s32 $0xFFFFE000;
	(pc) =	sbr.rel @p4 .LBB2_7-.Ltmp2, $4  }
0xab: {  	[spmem:s2] =	stream.indirect.scatter.add.f32 [tilespmem:s8], [sflag:$0x3], $0x80, s17, s31, $0xb8;
	v63 =	vld [tilespmem:$0x0]  }
0xac: {  	_ =	swait.ge [sflag:s29], $0x2000  }
0xad: {  	[sflag:s29] =	ssyncset.done $0x0  }
0xae: {  	s16 =	sadd.s32 $0x180, s16;
	[sflag:s29] =	ssyncadd.s32 $0xFFFFE000  }
0xaf: {  	[tilespmem:s8], [sflag:$0x2] =	stream.indirect.gather [hbm4b:s1+s31], $0x80, s16, s31, $0xb8;
	v63 =	vld [tilespmem:$0x0]  }
0xb0: {  	_ =	swait.ge [sflag:s9], $0x2000  }
0xb1: {  	[sflag:s9] =	ssyncset.done $0x0  }
0xb2: {  	[sflag:s9] =	ssyncadd.s32 $0xFFFFE000  }
0xb3: {  	[spmem:s2] =	stream.indirect.scatter.add.f32 [tilespmem:s28], [sflag:$0x3], $0x80, s11, s31, $0xb8;
	v63 =	vld [tilespmem:$0x0]  }
0xb4: {  	_ =	swait.ge [sflag:s29], $0x2000  }
0xb5: {  	[sflag:s29] =	ssyncset.done $0x0  }
0xb6: {  	[sflag:s29] =	ssyncadd.s32 $0xFFFFE000  }
0xb7: {  	s14 =	sadd.s32 $0x1, s14;
	_ =	swait.ge [sflag:s10], $0x2000  }
0xb8: {  	p4 =	sne.s32 s14, $0x7;
	[sflag:s10] =	ssyncset.done $0x0  }
.Ltmp3:
0xb9: {  	[sflag:s10] =	ssyncadd.s32 $0xFFFFE000;
	(pc) =	sbr.rel @p4 .LBB2_4-.Ltmp3, $4  }
0xba: {  	[spmem:s2] =	stream.indirect.scatter.add.f32 [tilespmem:s8], [sflag:$0x3], $0x80, s12, s31, $0xb8;
	v63 =	vld [tilespmem:$0x0]  }
0xbb: {  	_ =	swait.ge [sflag:s29], $0x2000  }
0xbc: {  	[sflag:s29] =	ssyncset.done $0x0  }
0xbd: {  	[sflag:s29] =	ssyncadd.s32 $0xFFFFE000  }
0xbe: {  	[bflag:$0x0] =	sbarrier.arrive $0xFFFF;
	s13 =	sshrl.u32 @!p0 s26, $0x3;
	s14 =	simm.s32 @!p0 $0x1FC3  }
0xbf: {  	[hbm:s21], [sflag:s14] =	dma.local @!p0 [spmem:s13], $0x2E00  }
0xc0: {  	s13 =	simm.s32 @!p0 $0x3  }
0xc1: {  	_ =	swait.ge @!p0 [sflag:s13], $0x2E00  }
0xc2: {  	s14 =	sshll.u32 @!p1 s4, $0x6;
	[sflag:s13] =	ssyncset.done @!p0 $0x0  }
0xc3: {  	[sflag:s13] =	ssyncadd.s32 @!p0 $0xFFFFD200;
	s13 =	sor.u32 @!p1 $0x1C03, s14;
	s14 =	sshrl.u32 @!p1 s7, $0x3  }
0xc4: {  	[hbm:s20], [sflag:s13] =	dma.local @!p1 [spmem:s14], $0x3100  }
0xc5: {  	s13 =	simm.s32 @!p1 $0x3  }
0xc6: {  	_ =	swait.ge @!p1 [sflag:s13], $0x3100  }
0xc7: {  	[sflag:s13] =	ssyncset.done @!p1 $0x0  }
0xc8: {  	s14 =	simm.s32 @!p2 $0x1FC3;
	[sflag:s13] =	ssyncadd.s32 @!p1 $0xFFFFCF00;
	s13 =	sshrl.u32 @!p2 s26, $0x3  }
0xc9: {  	[hbm:s22], [sflag:s14] =	dma.local @!p2 [spmem:s13], $0x2E80  }
0xca: {  	s3 =	sadd.s32 $0x1, s3;
	s13 =	simm.s32 @!p2 $0x3  }
0xcb: {  	p4 =	sne.s32 s3, s23;
	_ =	swait.ge @!p2 [sflag:s13], $0x2E80  }
0xcc: {  	s14 =	sshll.u32 @!p3 s4, $0x6;
	[sflag:s13] =	ssyncset.done @!p2 $0x0;
	s15 =	rddreg [dreg:$0xe]  }
0xcd: {  	[sflag:s13] =	ssyncadd.s32 @!p2 $0xFFFFD180;
	s13 =	sor.u32 @!p3 $0x1C03, s14;
	s14 =	sshrl.u32 @!p3 s7, $0x3  }
0xce: {  	[hbm:s15], [sflag:s13] =	dma.local @!p3 [spmem:s14], $0x3100  }
.Ltmp4:
0xcf: {  	_ = 	snop;
	(pc) =	sbr.rel @p4 .LBB2_1-.Ltmp4, $4  }
0xd0: {  	s13 =	simm.s32 @!p3 $0x3  }
0xd1: {  	_ =	swait.ge @!p3 [sflag:s13], $0x3100  }
0xd2: {  	[sflag:s13] =	ssyncset.done @!p3 $0x0  }
0xd3: {  	[sflag:s13] =	ssyncadd.s32 @!p3 $0xFFFFCF00  }
0xd4: {  	_ =	sfence.sel $0x180000  }
0xd5: {  	[bflag:$0x0] =	sbarrier.arrive $0xFFFF  }
0xd6: {  	_ =	strace $0x90000047  }
0xd7: {  	[bflag:$0x2] =	sbarrier.arrive $0xFFFF  }
0xd8: {  	p0 =	sne.s32 s4, $0x0;
	s0 =	rddreg [dreg:$0x3]  }
0xd9: {  	s0 =	sadd.s32 @!p0 $0x100000, s0  }
0xda: {  	[sflag:s0] =	ssyncadd.tile.s32 @!p0 $0x1;
	_ =	shalt  }
.Lfunc_end2:
_tile_overlayer_lowered:
.L_overlay_start_2:
0xdb: {  	(tag) =	ssettag $0x2  }
0xdc: {  	s0 =	rddreg [dreg:$0x0];
	s2 =	stileid.u32  }
0xdd: {  	s1 =	rddreg [dreg:$0x1];
	p0 =	sne.s32 s2, $0x0  }
0xde: {  	s3 =	rddreg [dreg:$0x2];
	[bflag:$0x3] =	sbarrier.arrive $0xFFFF;
	s2 =	simm.s32 @!p0 $0x1C03  }
0xdf: {  	[timem:s3], [sflag:s2] =	dma.local @!p0 [hbm:s0], s1  }
0xe0: {  	s0 =	simm.s32 @!p0 $0x3  }
0xe1: {  	_ =	swait.ge @!p0 [sflag:s0], s1  }
0xe2: {  	s1 =	ssub.s32 @!p0 $0x0, s1;
	[sflag:s0] =	ssyncset.done @!p0 $0x0  }
0xe3: {  	[sflag:s0] =	ssyncadd.s32 @!p0 s1  }
0xe4: {  	[bflag:$0x3] =	sbarrier.arrive $0xFFFF  }
0xe5: {  	_ =	shalt  }

// kernel: kernel.16.cloned.1.call-start
scs
__scs_entry_jumppad:
0x0: {  	(pc) =	sbr.rel $0x88, $3  }
0x1: {  	(tag) =	ssettag $0x0;
	lr =	simm.s32 $0x1  }
0x2: {  	[smem:$0x3F85] =	sst lr;
	_ =	strace $0xD0000000  }
0x3: {  	_ = 	snop  }
0x4: {  	_ = 	snop  }
0x5: {  	_ = 	snop  }
0x6: {  	_ = 	snop  }
0x7: {  	_ = 	snop  }
__scs_overlays_trampoline_lowered:
0x8: {  	[smem:$0x3F94] =	sst s0  }
0x9: {  	[smem:$0x3F95] =	sst s1  }
0xa: {  	[smem:$0x3F96] =	sst s2  }
0xb: {  	[smem:$0x3F97] =	sst s3  }
0xc: {  	[smem:$0x3F98] =	sst s4  }
0xd: {  	[smem:$0x3F99] =	sst s5  }
0xe: {  	[smem:$0x3F9A] =	sst s6  }
0xf: {  	[smem:$0x3F9B] =	sst s7  }
0x10: {  	[smem:$0x3F9C] =	sst s8  }
0x11: {  	[smem:$0x3F9D] =	sst s9;
	s0 =	simm.s32 @!p0 $0x0  }
0x12: {  	s1 =	sld [smem:$0x3F83];
	s0 =	simm.s32 @p0 $0x1  }
0x13: {  	[smem:$0x3F9E] =	sst s0;
	s0 =	simm.s32 @!p1 $0x0  }
0x14: {  	s2 =	sld [smem:$0x3F82];
	s0 =	simm.s32 @p1 $0x1  }
0x15: {  	[smem:$0x3F9F] =	sst s0;
	s0 =	simm.s32 @!p2 $0x0  }
0x16: {  	s3 =	sld [smem:$0x3FDB];
	s0 =	simm.s32 @p2 $0x1  }
0x17: {  	s4 =	simm.s32 $0x1BF5;
	[smem:$0x3FA1] =	sst s0  }
0x18: {  	s0 =	sld [smem:$0x3F84];
	_ =	swait.ge [sflag:s4], $0x0  }
0x19: {  	s7 =	sld [smem:$0x3F85]  }
0x1a: {  	s8 =	sadd.s32 $0xFFFFE003, lr  }
0x1b: {  	s9 =	sadd.s32 $0xFFFFFEF7, lr;
	s5 =	simm.s32 $0xFFFFFFFF;
	p2 =	slt.u32 s8, $0xFFFFF086  }
0x1c: {  	p1 =	slt.u32 s9, $0xF7A;
	s5 =	simm.s32 @!p2 $0x0  }
0x1d: {  	s5 =	simm.s32 @p1 $0x1;
	p0 =	seq.s32 s7, s2  }
0x1e: {  	s7 =	smul.u32 @!p0 $0xF7A, s2;
	p2 =	seq.s32 @!p0 s5, $0x0  }
0x1f: {  	s9 =	smul.u32 $0xF7A, s1;
	s8 =	simm.s32 @!p0 $0x1BF5;
	p2 =	por !p2, p0  }
0x20: {  	[sflag:s8] =	ssyncset.s32 @!p0 $0xFFFFF086;
	s6 =	sadd.s32 @!p0 s3, s7;
	s7 =	simm.s32 @!p0 $0x108  }
0x21: {  	s3 =	sadd.s32 s3, s9;
	s6 =	sadd.s32 @!p0 $0x88, s6;
	s7 =	simm.s32 @p2 $0x1082  }
0x22: {  	[simem:s7], [sflag:s8] =	dma.local @!p0 [hbm:s6], $0xF7A  }
0x23: {  	s9 =	sor.u32 $0xD0000000, s2;
	s6 =	simm.s32 $0x108;
	_ =	swait.ge @!p0 [sflag:s8], $0x0  }
0x24: {  	s3 =	sadd.s32 $0x88, s3;
	s6 =	simm.s32 @!p1 $0x1082;
	[sflag:s4] =	ssyncset.s32 $0xFFFFF086  }
0x25: {  	[simem:s6], [sflag:s4] =	dma.local [hbm:s3], $0xF7A  }
0x26: {  	[smem:$0x3F85] =	sst s1;
	(tag) =	ssettag s2;
	_ =	strace s9  }
0x27: {  	s1 =	sld [smem:$0x3F95]  }
0x28: {  	s2 =	sld [smem:$0x3F96]  }
0x29: {  	s4 =	sld [smem:$0x3F98]  }
0x2a: {  	p0 =	seq.s32 s5, $0x0;
	s5 =	sld [smem:$0x3F99]  }
0x2b: {  	s6 =	sld [smem:$0x3F9A]  }
0x2c: {  	s7 =	sld [smem:$0x3F9B]  }
0x2d: {  	s3 =	simm.s32 $0x108;
	s8 =	sld [smem:$0x3F9C]  }
0x2e: {  	s3 =	simm.s32 @!p0 $0x1082;
	s9 =	sld [smem:$0x3F9D]  }
0x2f: {  	lr =	sadd.s32 s0, s3;
	s0 =	sld [smem:$0x3F94]  }
0x30: {  	s3 =	sld [smem:$0x3F97]  }
0x31: {  	[smem:$0x3FA0] =	sst s10  }
0x32: {  	s10 =	sld [smem:$0x3F9E];
	_ =	sdelay $0x3  }
0x33: {  	p0 =	seq.s32 s10, $0x1;
	s10 =	sld [smem:$0x3FA0];
	_ =	sdelay $0x3  }
0x34: {  	[smem:$0x3FA0] =	sst s10  }
0x35: {  	s10 =	sld [smem:$0x3F9F];
	_ =	sdelay $0x3  }
0x36: {  	p1 =	seq.s32 s10, $0x1;
	s10 =	sld [smem:$0x3FA0];
	_ =	sdelay $0x3  }
0x37: {  	[smem:$0x3FA0] =	sst s10  }
0x38: {  	s10 =	sld [smem:$0x3FA1]  }
0x39: {  	_ = 	snop;
	(pc) =	sbr.ind lr, $3  }
0x3a: {  	_ = 	snop  }
0x3b: {  	_ = 	snop  }
0x3c: {  	p2 =	seq.s32 s10, $0x1;
	s10 =	sld [smem:$0x3FA0]  }
0x3d: {  	_ =	shalt  }
0x3e: {  	_ =	shalt  }
0x3f: {  	_ =	shalt  }
0x40: {  	_ =	shalt  }
0x41: {  	_ =	shalt  }
0x42: {  	_ =	shalt  }
0x43: {  	_ =	shalt  }
0x44: {  	_ =	shalt  }
0x45: {  	_ =	shalt  }
0x46: {  	_ =	shalt  }
0x47: {  	_ =	shalt  }
0x48: {  	_ =	shalt  }
0x49: {  	_ =	shalt  }
0x4a: {  	_ =	shalt  }
0x4b: {  	_ =	shalt  }
0x4c: {  	_ =	shalt  }
0x4d: {  	_ =	shalt  }
0x4e: {  	_ =	shalt  }
0x4f: {  	_ =	shalt  }
0x50: {  	_ =	shalt  }
0x51: {  	_ =	shalt  }
0x52: {  	_ =	shalt  }
0x53: {  	_ =	shalt  }
0x54: {  	_ =	shalt  }
0x55: {  	_ =	shalt  }
0x56: {  	_ =	shalt  }
0x57: {  	_ =	shalt  }
0x58: {  	_ =	shalt  }
0x59: {  	_ =	shalt  }
0x5a: {  	_ =	shalt  }
0x5b: {  	_ =	shalt  }
0x5c: {  	_ =	shalt  }
0x5d: {  	_ =	shalt  }
0x5e: {  	_ =	shalt  }
0x5f: {  	_ =	shalt  }
0x60: {  	_ =	shalt  }
0x61: {  	_ =	shalt  }
0x62: {  	_ =	shalt  }
0x63: {  	_ =	shalt  }
0x64: {  	_ =	shalt  }
0x65: {  	_ =	shalt  }
0x66: {  	_ =	shalt  }
0x67: {  	_ =	shalt  }
0x68: {  	_ =	shalt  }
0x69: {  	_ =	shalt  }
0x6a: {  	_ =	shalt  }
0x6b: {  	_ =	shalt  }
0x6c: {  	_ =	shalt  }
0x6d: {  	_ =	shalt  }
0x6e: {  	_ =	shalt  }
0x6f: {  	_ =	shalt  }
0x70: {  	_ =	shalt  }
0x71: {  	_ =	shalt  }
0x72: {  	_ =	shalt  }
0x73: {  	_ =	shalt  }
0x74: {  	_ =	shalt  }
0x75: {  	_ =	shalt  }
0x76: {  	_ =	shalt  }
0x77: {  	_ =	shalt  }
0x78: {  	_ =	shalt  }
0x79: {  	_ =	shalt  }
0x7a: {  	_ =	shalt  }
0x7b: {  	_ =	shalt  }
0x7c: {  	_ =	shalt  }
0x7d: {  	_ =	shalt  }
0x7e: {  	_ =	shalt  }
0x7f: {  	_ =	shalt  }
0x80: {  	_ =	shalt  }
0x81: {  	_ =	shalt  }
0x82: {  	_ =	shalt  }
0x83: {  	_ =	shalt  }
0x84: {  	_ =	shalt  }
0x85: {  	_ =	shalt  }
0x86: {  	_ =	shalt  }
0x87: {  	_ =	shalt  }
.Lfunc_end0:
.L_simem_size_0:
called_computation.2_lowered:
.L_overlay_start_0:
0x88: {  	s2 =	sld [smem:$0x3FD9]  }
0x89: {  	s3 =	sld [smem:$0x3FFE];
	_ =	sdelay $0x1  }
0x8a: {  	s1 =	srdreg.scid  }
0x8b: {  	s0 =	sand.u32 $0x1, s1  }
0x8c: {  	s17 =	sshll.u32 s0, $0xA;
	s2 =	sadd.s32 s3, s2  }
0x8d: {  	s2 =	sadd.s32 s2, s17  }
0x8e: {  	[smem:$0x3FAC] =	sst s2  }
0x8f: {  	_ = 	snop  }
0x90: {  	(tm) =	ssettm $0x1  }
0x91: {  	s18 =	sld [smem:$0x3FFB];
	_ =	sdelay $0x3  }
0x92: {  	_ =	strace s18  }
0x93: {  	s2 =	sld [smem:$0x3FFC];
	_ =	sdelay $0x3  }
0x94: {  	_ =	strace s2  }
0x95: {  	s2 =	sld [smem:$0x3FFD];
	_ =	sdelay $0x3  }
0x96: {  	_ =	strace s2  }
0x97: {  	_ =	strace $0x8FFFFFFF  }
0x98: {  	s19 =	sld [smem:$0x3FDB];
	_ =	sdelay $0x1  }
0x99: {  	s20 =	simm.s32 $_scs_section_size  }
0x9a: {  	s4 =	simm.s32 $_size__tile_overlayer_lowered;
	s5 =	simm.s32 $_tile_overlayer_lowered  }
0x9b: {  	s6 =	simm.s32 $0x1BFF;
	s21 =	sshll.u32 s5, $0x1;
	s3 =	sadd.s32 s20, s19  }
0x9c: {  	s22 =	simm.s32 $0x0;
	s4 =	sshll.u32 s4, $0x1;
	s5 =	sadd.s32 s21, s3  }
0x9d: {  	[timem:s22], [sflag:s6] =	dma.local [hbm:s5], s4  }
0x9e: {  	_ =	swait.ge [sflag:s6], s4  }
0x9f: {  	s4 =	ssub.s32 $0x0, s4;
	[sflag:s6] =	ssyncset.done $0x0  }
0xa0: {  	[sflag:s6] =	ssyncadd.s32 s4;
	_ =	sdelay $0x1  }
0xa1: {  	s23 =	simm.s32 $0x1B8B  }
0xa2: {  	_ =	swait.ge [sflag:s23], $0x1  }
0xa3: {  	[sflag:s23] =	ssyncset.done $0x0  }
0xa4: {  	[sflag:s23] =	ssyncadd.s32 $0xFFFFFFFF  }
0xa5: {  	s4 =	sld [smem:$0x0]  }
0xa6: {  	s5 =	sand.u32 $0xFFFFFFFE, s1  }
0xa7: {  	p0 =	sne.s32 s1, s5  }
0xa8: {  	s5 =	sshll.u32 @p0 s5, $0xE  }
0xa9: {  	s5 =	sadd.s32 @p0 $0x11B8D, s5;
	s6 =	sshll.u32 @p0 s4, $0x11  }
0xaa: {  	s5 =	sor.u32 @p0 s6, s5  }
0xab: {  	[sflag:s5] =	ssyncadd.remote.s32 @p0 $0x1;
	_ =	sdelay $0x1  }
0xac: {  	s5 =	simm.s32 @p0 $0x1B8D  }
0xad: {  	_ =	swait.eq @p0 [sflag:s5], $0x1  }
0xae: {  	[sflag:s5] =	ssyncadd.s32 @p0 $0xFFFFFFFF  }
0xaf: {  	s6 =	sshll.u32 @!p0 s1, $0xE  }
0xb0: {  	s6 =	sor.u32 @!p0 $0x4000, s6;
	s5 =	simm.s32 @!p0 $0x1B8D  }
0xb1: {  	s4 =	sshll.u32 @!p0 s4, $0x11;
	s6 =	sadd.s32 @!p0 $0x11B8D, s6;
	_ =	swait.eq @!p0 [sflag:s5], $0x1  }
0xb2: {  	s4 =	sor.u32 @!p0 s4, s6;
	[sflag:s5] =	ssyncadd.s32 @!p0 $0xFFFFFFFF  }
0xb3: {  	s25 =	simm.s32 $0x1B8E;
	s24 =	sld [smem:$0x3FFE];
	[sflag:s4] =	ssyncadd.remote.s32 @!p0 $0x1  }
0xb4: {  	s26 =	simm.s32 $execute0_lowered;
	[smem:$0x3FD2] =	sst s25  }
0xb5: {  	s5 =	sshll.u32 s26, $0x1;
	_ =	strace $0x8000004F;
	[dreg:$0x1] =	wrdreg $0xFFFFFFFF  }
0xb6: {  	s28 =	simm.s32 $_size_execute0_lowered;
	s3 =	sadd.s32 s3, s5;
	[dreg:$0x0] =	wrdreg $0x0  }
0xb7: {  	s5 =	sshll.u32 s28, $0x1;
	[dreg:$0x2] =	wrdreg s3  }
0xb8: {  	[dreg:$0x3] =	wrdreg s5  }
0xb9: {  	[dreg:$0x4] =	wrdreg $0xC0  }
0xba: {  	_ =	task [dreg:s22], $0x5FFFF  }
0xbb: {  	[dreg:$0x1] =	wrdreg $0xFFFFFFFF  }
0xbc: {  	[dreg:$0x0] =	wrdreg $0x60  }
0xbd: {  	[dreg:$0x2] =	wrdreg s24  }
0xbe: {  	[dreg:$0x3] =	wrdreg $0x78000  }
0xbf: {  	[dreg:$0x4] =	wrdreg $0x9  }
0xc0: {  	_ =	task.clear_ibuf [dreg:s22], $0x5FFFF;
	_ =	strace $0x9000004F  }
0xc1: {  	s29 =	simm.s32 $0x9;
	_ =	strace $0x80000051  }
0xc2: {  	_ =	swait.ge [sflag:s29], $0x1  }
0xc3: {  	[sflag:s29] =	ssyncadd.s32 $0xFFFFFFFF  }
0xc4: {  	_ =	strace $0x90000051  }
0xc5: {  	_ =	sfence  }
0xc6: {  	s30 =	sld [smem:$0x0];
	_ =	sdelay $0x2  }
0xc7: {  	s31 =	sshll.u32 s1, $0xD;
	s1 =	sshrl.u32 s1, $0x2  }
0xc8: {  	s4 =	sand.u32 $0x4000, s31;
	s1 =	sadd.s32 s1, s30  }
0xc9: {  	s0 =	sor.u32 s4, s0;
	s1 =	sshll.u32 s1, $0x11  }
0xca: {  	s0 =	sor.u32 s1, s0  }
0xcb: {  	s0 =	sadd.s32 $0x8F2B, s0  }
0xcc: {  	[sflag:s0] =	ssyncadd.remote.s32 $0x1  }
0xcd: {  	_ =	sfence.sel $0xFFFF  }
0xce: {  	[dreg:$0x0] =	wrdreg $0xFFFFFFFF;
	(pc) =	sbr.abs _section_cstart, $3  }
0xcf: {  	[dreg:$0x1] =	wrdreg $0xFFFFFFFF  }
0xd0: {  	_ =	task.clear_ibuf [dreg:s22], $0x2FFFF;
	_ =	strace $0x9FFFFFFF  }
0xd1: {  	(tm) =	ssettm $0x7FFFFFFF  }
tec
execute0_lowered:
.L_overlay_start_1:
0x0: {  	(tag) =	ssettag $0x1  }
0x1: {  	s0 =	rddreg [dreg:$0x0]  }
0x2: {  	s1 =	rddreg [dreg:$0x1]  }
0x3: {  	s2 =	simm.s32 $0x0;
	s7 =	srdreg.scid;
	s3 =	stileid.u32  }
0x4: {  	s12 =	simm.s32 $0x30D8;
	s28 =	simm.s32 $0x3800;
	s29 =	simm.s32 $0x3  }
0x5: {  	s30 =	simm.s32 $0x1C00;
	s31 =	simm.s32 $0x40;
	s4 =	sadd.s32 $0x372E00, s0  }
0x6: {  	[smem:$0x7FF] =	sst s2;
	s5 =	sadd.s32 $0x2E0200, s0;
	s16 =	smul.u32 $0x62000, s3  }
0x7: {  	s6 =	sadd.s32 $0x2F8A00, s0;
	s8 =	sand.u32 $0x1, s7;
	s23 =	smul.u32 $0x18800, s3  }
0x8: {  	s9 =	sadd.s32 $0x96200, s0;
	s25 =	smul.u32 $0x3100, s3;
	_ =	strace $0x80000050  }
0x9: {  	s10 =	ssub.s32 $0x2, s8;
	s11 =	smul.u32 $0x30D8, s8;
	p0 =	seq.s32 s8, $0x0  }
0xa: {  	p3 =	sne.s32 s8, $0x0;
	s8 =	simm.s32 $0x5800;
	s7 =	sshrl.u32 s16, $0x2  }
0xb: {  	s13 =	sshrl.u32 s10, $0x1;
	s12 =	simm.s32 @!p0 $0x30D0;
	p1 =	seq.s32 @p3 s3, $0xF  }
0xc: {  	p4 =	seq.s32 @!p3 s3, $0xF;
	s7 =	sadd.s32 s7, s1;
	s10 =	ssub.s32 s10, s13  }
0xd: {  	s12 =	sadd.s32 s11, s12;
	s13 =	sshrl.u32 s23, $0x3;
	s17 =	sadd.s32 $0x2000, s7  }
0xe: {  	p0 =	por !p1, !p3;
	s18 =	sadd.s32 $0x4000, s7;
	[dreg:$0x3] =	wrdreg s17  }
0xf: {  	p1 =	por p1, !p3;
	s19 =	sadd.s32 $0x6000, s7;
	[dreg:$0x4] =	wrdreg s18  }
0x10: {  	p2 =	por !p4, p3;
	s20 =	sadd.s32 $0x8000, s7;
	[dreg:$0x5] =	wrdreg s19  }
0x11: {  	p3 =	por p4, p3;
	s21 =	sadd.s32 $0xA000, s7;
	[dreg:$0x6] =	wrdreg s20  }
0x12: {  	v0 =	vmov s11;
	s11 =	simm.s32 $0x3700;
	s22 =	sadd.s32 $0xC000, s7;
	[dreg:$0x7] =	wrdreg s21  }
0x13: {  	s14 =	sadd.s32 $0xE000, s7;
	s24 =	sadd.s32 $0x10000, s7;
	[dreg:$0x8] =	wrdreg s22  }
0x14: {  	s15 =	sadd.s32 $0x12000, s7;
	s26 =	sadd.s32 $0x14000, s7;
	[dreg:$0x9] =	wrdreg s14  }
0x15: {  	s13 =	sadd.s32 s9, s13;
	s9 =	sadd.s32 s9, s25;
	[dreg:$0xa] =	wrdreg s24  }
0x16: {  	s23 =	smax.u32 s10, $0x1;
	s25 =	smul.u32 $0x188, s3;
	[dreg:$0xb] =	wrdreg s15  }
0x17: {  	v1 =	vmov s12;
	s10 =	simm.s32 $0x2;
	s12 =	simm.s32 $0x3780;
	[dreg:$0xc] =	wrdreg s26  }
0x18: {  	[dreg:$0xd] =	wrdreg s9;
	s19 =	sadd.s32 $0x16000, s7;
	s20 =	sadd.s32 $0x30D80, s13  }
0x19: {  	s21 =	sadd.s32 $0xF4E80, s0;
	s22 =	sadd.s32 $0xC4100, s0;
	s24 =	sadd.s32 $0x18000, s7  }
0x1a: {  	v2 =	vimm.f32 $0.0e+00;
	s26 =	sadd.s32 $0x16F800, s1;
	s0 =	simm.s32 $0x80;
	s9 =	simm.s32 $0x1  }
.LBB2_1:
0x1b: {  	s13 =	simm.s32 $0x0;
	s14 =	simm.s32 $0x200  }
.LBB2_2:
0x1c: {  	p4 =	sne.s32 s14, $0x7E00;
	[tilespmem:s13+$0x3870] =	vst v2  }
0x1d: {  	[tilespmem:s13+$0x3800] =	vst v2  }
0x1e: {  	[tilespmem:s13+$0x3810] =	vst v2  }
.Ltmp0:
0x1f: {  	[tilespmem:s13+$0x3820] =	vst v2;
	(pc) =	sbr.rel @p4 .LBB2_2-.Ltmp0, $4  }
0x20: {  	[tilespmem:s13+$0x3830] =	vst v2  }
0x21: {  	[tilespmem:s13+$0x3840] =	vst v2  }
0x22: {  	[tilespmem:s13+$0x3850] =	vst v2  }
0x23: {  	[tilespmem:s13+$0x3860] =	vst v2;
	s13 =	sshra.s32 s14, $0x2;
	s14 =	sadd.s32 $0x200, s14  }
0x24: {  	[tilespmem:s13+$0x3870] =	vst v2  }
0x25: {  	[tilespmem:s13+$0x3800] =	vst v2  }
0x26: {  	[tilespmem:s13+$0x3810] =	vst v2  }
0x27: {  	[tilespmem:s13+$0x3820] =	vst v2  }
0x28: {  	[tilespmem:s13+$0x3830] =	vst v2  }
0x29: {  	[tilespmem:s13+$0x3840] =	vst v2  }
0x2a: {  	[tilespmem:s13+$0x3850] =	vst v2  }
0x2b: {  	[tilespmem:s13+$0x3860] =	vst v2  }
0x2c: {  	[spmem:s7] =	stream.linear.scatter [tilespmem:s28], [sflag:$0x3], $0x2000, $0x38;
	v63 =	vld [tilespmem:$0x0]  }
0x2d: {  	_ =	swait.ge [sflag:s29], $0x2000  }
0x2e: {  	[sflag:s29] =	ssyncset.done $0x0  }
0x2f: {  	s14 =	rddreg [dreg:$0x3];
	[sflag:s29] =	ssyncadd.s32 $0xFFFFE000  }
0x30: {  	[spmem:s14] =	stream.linear.scatter [tilespmem:s28], [sflag:$0x3], $0x2000, $0x38;
	v63 =	vld [tilespmem:$0x0]  }
0x31: {  	_ =	swait.ge [sflag:s29], $0x2000  }
0x32: {  	[sflag:s29] =	ssyncset.done $0x0  }
0x33: {  	s15 =	rddreg [dreg:$0x4];
	[sflag:s29] =	ssyncadd.s32 $0xFFFFE000  }
0x34: {  	[spmem:s15] =	stream.linear.scatter [tilespmem:s28], [sflag:$0x3], $0x2000, $0x38;
	v63 =	vld [tilespmem:$0x0]  }
0x35: {  	_ =	swait.ge [sflag:s29], $0x2000  }
0x36: {  	[sflag:s29] =	ssyncset.done $0x0  }
0x37: {  	s16 =	rddreg [dreg:$0x5];
	[sflag:s29] =	ssyncadd.s32 $0xFFFFE000  }
0x38: {  	[spmem:s16] =	stream.linear.scatter [tilespmem:s28], [sflag:$0x3], $0x2000, $0x38;
	v63 =	vld [tilespmem:$0x0]  }
0x39: {  	_ =	swait.ge [sflag:s29], $0x2000  }
0x3a: {  	[sflag:s29] =	ssyncset.done $0x0  }
0x3b: {  	s17 =	rddreg [dreg:$0x6];
	[sflag:s29] =	ssyncadd.s32 $0xFFFFE000  }
0x3c: {  	[spmem:s17] =	stream.linear.scatter [tilespmem:s28], [sflag:$0x3], $0x2000, $0x38;
	v63 =	vld [tilespmem:$0x0]  }
0x3d: {  	_ =	swait.ge [sflag:s29], $0x2000  }
0x3e: {  	[sflag:s29] =	ssyncset.done $0x0  }
0x3f: {  	s18 =	rddreg [dreg:$0x7];
	[sflag:s29] =	ssyncadd.s32 $0xFFFFE000  }
0x40: {  	[spmem:s18] =	stream.linear.scatter [tilespmem:s28], [sflag:$0x3], $0x2000, $0x38;
	v63 =	vld [tilespmem:$0x0]  }
0x41: {  	_ =	swait.ge [sflag:s29], $0x2000  }
0x42: {  	[sflag:s29] =	ssyncset.done $0x0  }
0x43: {  	s14 =	rddreg [dreg:$0x8];
	[sflag:s29] =	ssyncadd.s32 $0xFFFFE000  }
0x44: {  	[spmem:s14] =	stream.linear.scatter [tilespmem:s28], [sflag:$0x3], $0x2000, $0x38;
	v63 =	vld [tilespmem:$0x0]  }
0x45: {  	_ =	swait.ge [sflag:s29], $0x2000  }
0x46: {  	[sflag:s29] =	ssyncset.done $0x0  }
0x47: {  	s15 =	rddreg [dreg:$0x9];
	[sflag:s29] =	ssyncadd.s32 $0xFFFFE000  }
0x48: {  	[spmem:s15] =	stream.linear.scatter [tilespmem:s28], [sflag:$0x3], $0x2000, $0x38;
	v63 =	vld [tilespmem:$0x0]  }
0x49: {  	_ =	swait.ge [sflag:s29], $0x2000  }
0x4a: {  	[sflag:s29] =	ssyncset.done $0x0  }
0x4b: {  	s16 =	rddreg [dreg:$0xa];
	[sflag:s29] =	ssyncadd.s32 $0xFFFFE000  }
0x4c: {  	[spmem:s16] =	stream.linear.scatter [tilespmem:s28], [sflag:$0x3], $0x2000, $0x38;
	v63 =	vld [tilespmem:$0x0]  }
0x4d: {  	_ =	swait.ge [sflag:s29], $0x2000  }
0x4e: {  	[sflag:s29] =	ssyncset.done $0x0  }
0x4f: {  	s17 =	rddreg [dreg:$0xb];
	[sflag:s29] =	ssyncadd.s32 $0xFFFFE000  }
0x50: {  	[spmem:s17] =	stream.linear.scatter [tilespmem:s28], [sflag:$0x3], $0x2000, $0x38;
	v63 =	vld [tilespmem:$0x0]  }
0x51: {  	_ =	swait.ge [sflag:s29], $0x2000  }
0x52: {  	[sflag:s29] =	ssyncset.done $0x0  }
0x53: {  	s18 =	rddreg [dreg:$0xc];
	[sflag:s29] =	ssyncadd.s32 $0xFFFFE000  }
0x54: {  	[spmem:s18] =	stream.linear.scatter [tilespmem:s28], [sflag:$0x3], $0x2000, $0x38;
	v63 =	vld [tilespmem:$0x0]  }
0x55: {  	_ =	swait.ge [sflag:s29], $0x2000  }
0x56: {  	[sflag:s29] =	ssyncset.done $0x0  }
0x57: {  	[sflag:s29] =	ssyncadd.s32 $0xFFFFE000  }
0x58: {  	[spmem:s19] =	stream.linear.scatter [tilespmem:s28], [sflag:$0x3], $0x2000, $0x38;
	v63 =	vld [tilespmem:$0x0]  }
0x59: {  	_ =	swait.ge [sflag:s29], $0x2000  }
0x5a: {  	[sflag:s29] =	ssyncset.done $0x0  }
0x5b: {  	[sflag:s29] =	ssyncadd.s32 $0xFFFFE000  }
0x5c: {  	[spmem:s24] =	stream.linear.scatter [tilespmem:s28], [sflag:$0x3], $0x800, $0x38;
	v63 =	vld [tilespmem:$0x0]  }
0x5d: {  	_ =	swait.ge [sflag:s29], $0x800  }
0x5e: {  	[sflag:s29] =	ssyncset.done $0x0  }
0x5f: {  	[sflag:s29] =	ssyncadd.s32 $0xFFFFF800  }
0x60: {  	s13 =	simm.s32 $0x0;
	s14 =	simm.s32 $0x0;
	[bflag:$0x0] =	sbarrier.arrive $0xFFFF  }
.LBB2_4:
0x61: {  	s15 =	smul.u32 $0x38, s14;
	_ =	sdelay $0x1  }
0x62: {  	s15 =	sadd.s32 s25, s15  }
0x63: {  	s15 =	sshll.u32 s15, $0x4  }
0x64: {  	s16 =	sadd.s32 s5, s15  }
0x65: {  	[tilespmem:s13], [sflag:$0x3] =	stream.linear.gather [hbm4b:s16+s13], $0x1C00, $0x38;
	v63 =	vld [tilespmem:$0x0]  }
0x66: {  	_ =	swait.ge [sflag:s29], $0x1C00  }
0x67: {  	[sflag:s29] =	ssyncset.done $0x0  }
0x68: {  	s15 =	sadd.s32 s6, s15;
	[sflag:s29] =	ssyncadd.s32 $0xFFFFE400  }
0x69: {  	[tilespmem:s30], [sflag:$0x3] =	stream.linear.gather [hbm4b:s15+s13], $0x1C00, $0x38;
	v63 =	vld [tilespmem:$0x0]  }
0x6a: {  	_ =	swait.ge [sflag:s29], $0x1C00  }
0x6b: {  	[sflag:s29] =	ssyncset.done $0x0  }
0x6c: {  	s15 =	simm.s32 $0x0;
	[sflag:s29] =	ssyncadd.s32 $0xFFFFE400  }
0x6d: {  	v3 =	vld [tilespmem:s15+$0x1C30]  }
0x6e: {  	v5 =	vld [tilespmem:s15+$0x1C20];
	_ =	sdelay $0x2  }
0x6f: {  	v4 =	vld [tilespmem:s15+$0x1C00]  }
0x70: {  	vm0 =	vge.s32 v3, v0;
	vm1 =	vlt.s32 v3, v1;
	v6 =	vsub.s32 v3, v0  }
0x71: {  	vm2 =	vge.s32 v5, v0;
	vm3 =	vlt.s32 v5, v1;
	v3 =	vld [tilespmem:s15+$0x1C10];
	vm1 =	vmand vm0, vm1  }
0x72: {  	s17 =	simm.s32 $0x200;
	s16 =	simm.s32 $0x400;
	v5 =	vsub.s32 v5, v0;
	vm0 =	vmand vm2, vm3;
	v6 =	vnsel vm1, $0x30D8, v6  }
.LBB2_5:
0x73: {  	p4 =	sne.s32 s16, $0x6E00  }
0x74: {  	s18 =	sshra.s32 s17, $0x2;
	vm1 =	vge.s32 v4, v0;
	vm2 =	vlt.s32 v4, v1;
	v5 =	vnsel vm0, $0x30D8, v5;
	[tilespmem:s15+$0x1C30] =	vst v6;
	s17 =	smov.u32 s16;
	s16 =	sadd.s32 $0x200, s16  }
0x75: {  	v4 =	vsub.s32 v4, v0;
	v6 =	vld [tilespmem:s18+$0x1C30];
	vm0 =	vmand vm1, vm2;
	[tilespmem:s15+$0x1C20] =	vst v5  }
0x76: {  	v5 =	vld [tilespmem:s18+$0x1C20];
	v4 =	vnsel vm0, $0x30D8, v4;
	vm0 =	vge.s32 v3, v0;
	vm1 =	vlt.s32 v3, v1  }
0x77: {  	v3 =	vsub.s32 v3, v0;
	[tilespmem:s15+$0x1C00] =	vst v4;
	vm0 =	vmand vm0, vm1  }
.Ltmp1:
0x78: {  	v4 =	vld [tilespmem:s18+$0x1C00];
	v3 =	vnsel vm0, $0x30D8, v3;
	(pc) =	sbr.rel @p4 .LBB2_5-.Ltmp1, $4  }
0x79: {  	[tilespmem:s15+$0x1C10] =	vst v3;
	s15 =	smov.u32 s18  }
0x7a: {  	v3 =	vld [tilespmem:s15+$0x1C10];
	vm0 =	vge.s32 v6, v0;
	vm1 =	vlt.s32 v6, v1;
	v6 =	vsub.s32 v6, v0  }
0x7b: {  	vm2 =	vge.s32 v5, v0;
	vm3 =	vlt.s32 v5, v1;
	vm1 =	vmand vm0, vm1  }
0x7c: {  	v5 =	vsub.s32 v5, v0;
	vm0 =	vmand vm2, vm3;
	v6 =	vnsel vm1, $0x30D8, v6  }
0x7d: {  	s16 =	sshra.s32 s17, $0x2;
	[tilespmem:s15+$0x1C30] =	vst v6;
	vm1 =	vge.s32 v4, v0;
	vm2 =	vlt.s32 v4, v1;
	v5 =	vnsel vm0, $0x30D8, v5  }
0x7e: {  	v62 =	vsub.s32 v4, v0;
	v6 =	vld [tilespmem:s16+$0x1C30];
	vm15 =	vmand vm1, vm2;
	[tilespmem:s15+$0x1C20] =	vst v5  }
0x7f: {  	v5 =	vld [tilespmem:s16+$0x1C20];
	v4 =	vnsel vm15, $0x30D8, v62;
	vm4 =	vge.s32 v3, v0;
	vm5 =	vlt.s32 v3, v1  }
0x80: {  	v3 =	vsub.s32 v3, v0;
	[tilespmem:s15+$0x1C00] =	vst v4;
	vm0 =	vmand vm4, vm5  }
0x81: {  	v4 =	vld [tilespmem:s16+$0x1C00];
	v3 =	vnsel vm0, $0x30D8, v3  }
0x82: {  	[tilespmem:s15+$0x1C10] =	vst v3  }
0x83: {  	v3 =	vld [tilespmem:s16+$0x1C10];
	vm6 =	vge.s32 v6, v0  }
0x84: {  	vm7 =	vlt.s32 v6, v1;
	v6 =	vsub.s32 v6, v0;
	vm8 =	vge.s32 v5, v0  }
0x85: {  	vm3 =	vlt.s32 v5, v1;
	vm0 =	vmand vm6, vm7;
	v5 =	vsub.s32 v5, v0  }
0x86: {  	vm9 =	vmand vm8, vm3;
	v6 =	vnsel vm0, $0x30D8, v6;
	vm10 =	vge.s32 v4, v0  }
0x87: {  	vm11 =	vlt.s32 v4, v1;
	v5 =	vnsel vm9, $0x30D8, v5;
	v4 =	vsub.s32 v4, v0  }
0x88: {  	[tilespmem:s16+$0x1C30] =	vst v6;
	vm12 =	vmand vm10, vm11;
	vm13 =	vge.s32 v3, v0;
	vm14 =	vlt.s32 v3, v1  }
0x89: {  	[tilespmem:s16+$0x1C20] =	vst v5;
	v4 =	vnsel vm12, $0x30D8, v4;
	v3 =	vsub.s32 v3, v0;
	vm15 =	vmand vm13, vm14  }
0x8a: {  	[tilespmem:s16+$0x1C00] =	vst v4;
	v3 =	vnsel vm15, $0x30D8, v3  }
0x8b: {  	s18 =	simm.s32 $0x0;
	[tilespmem:s16+$0x1C10] =	vst v3  }
0x8c: {  	[tilespmem:s28], [sflag:$0x1] =	stream.indirect.gather [hbm4b:s4+s31], $0x80, s18, s31, $0xb8;
	v63 =	vld [tilespmem:$0x0]  }
0x8d: {  	_ = 	snop  }
0x8e: {  	[tilespmem:s8], [sflag:$0x2] =	stream.indirect.gather [hbm4b:s4+s31], $0x80, s0, s31, $0xb8;
	v63 =	vld [tilespmem:$0x0]  }
0x8f: {  	_ =	swait.ge [sflag:s9], $0x2000  }
0x90: {  	[sflag:s9] =	ssyncset.done $0x0  }
0x91: {  	s16 =	simm.s32 $0x1C00;
	[sflag:s9] =	ssyncadd.s32 $0xFFFFE000  }
0x92: {  	[spmem:s1] =	stream.indirect.scatter.add.f32 [tilespmem:s28], [sflag:$0x3], $0x80, s16, s31, $0xb8;
	v63 =	vld [tilespmem:$0x0]  }
0x93: {  	_ =	swait.ge [sflag:s29], $0x2000  }
0x94: {  	[sflag:s29] =	ssyncset.done $0x0  }
0x95: {  	s17 =	simm.s32 $0x100;
	[sflag:s29] =	ssyncadd.s32 $0xFFFFE000  }
0x96: {  	[tilespmem:s28], [sflag:$0x1] =	stream.indirect.gather [hbm4b:s4+s31], $0x80, s17, s31, $0xb8;
	v63 =	vld [tilespmem:$0x0]  }
0x97: {  	_ =	swait.ge [sflag:s10], $0x2000  }
0x98: {  	[sflag:s10] =	ssyncset.done $0x0  }
0x99: {  	s18 =	simm.s32 $0x1C80;
	[sflag:s10] =	ssyncadd.s32 $0xFFFFE000  }
0x9a: {  	[spmem:s1] =	stream.indirect.scatter.add.f32 [tilespmem:s8], [sflag:$0x3], $0x80, s18, s31, $0xb8;
	v63 =	vld [tilespmem:$0x0]  }
0x9b: {  	_ =	swait.ge [sflag:s29], $0x2000  }
0x9c: {  	[sflag:s29] =	ssyncset.done $0x0  }
0x9d: {  	s15 =	simm.s32 $0x400;
	s16 =	simm.s32 $0x180;
	[sflag:s29] =	ssyncadd.s32 $0xFFFFE000  }
.LBB2_7:
0x9e: {  	[tilespmem:s8], [sflag:$0x2] =	stream.indirect.gather [hbm4b:s4+s31], $0x80, s16, s31, $0xb8;
	v63 =	vld [tilespmem:$0x0]  }
0x9f: {  	s16 =	smov.u32 s15  }
0xa0: {  	p4 =	sne.s32 s15, $0x6800;
	s15 =	sadd.s32 $0x400, s15;
	_ =	swait.ge [sflag:s9], $0x2000  }
0xa1: {  	s16 =	sshra.s32 s16, $0x2;
	[sflag:s9] =	ssyncset.done $0x0  }
0xa2: {  	s17 =	sadd.s32 $0x1C00, s16;
	[sflag:s9] =	ssyncadd.s32 $0xFFFFE000  }
0xa3: {  	[spmem:s1] =	stream.indirect.scatter.add.f32 [tilespmem:s28], [sflag:$0x3], $0x80, s17, s31, $0xb8;
	v63 =	vld [tilespmem:$0x0]  }
0xa4: {  	_ =	swait.ge [sflag:s29], $0x2000  }
0xa5: {  	[sflag:s29] =	ssyncset.done $0x0  }
0xa6: {  	s17 =	sadd.s32 $0x100, s16;
	[sflag:s29] =	ssyncadd.s32 $0xFFFFE000  }
0xa7: {  	[tilespmem:s28], [sflag:$0x1] =	stream.indirect.gather [hbm4b:s4+s31], $0x80, s17, s31, $0xb8;
	v63 =	vld [tilespmem:$0x0]  }
0xa8: {  	_ =	swait.ge [sflag:s10], $0x2000  }
0xa9: {  	[sflag:s10] =	ssyncset.done $0x0  }
.Ltmp2:
0xaa: {  	s17 =	sadd.s32 $0x1C80, s16;
	[sflag:s10] =	ssyncadd.s32 $0xFFFFE000;
	(pc) =	sbr.rel @p4 .LBB2_7-.Ltmp2, $4  }
0xab: {  	[spmem:s1] =	stream.indirect.scatter.add.f32 [tilespmem:s8], [sflag:$0x3], $0x80, s17, s31, $0xb8;
	v63 =	vld [tilespmem:$0x0]  }
0xac: {  	_ =	swait.ge [sflag:s29], $0x2000  }
0xad: {  	[sflag:s29] =	ssyncset.done $0x0  }
0xae: {  	s16 =	sadd.s32 $0x180, s16;
	[sflag:s29] =	ssyncadd.s32 $0xFFFFE000  }
0xaf: {  	[tilespmem:s8], [sflag:$0x2] =	stream.indirect.gather [hbm4b:s4+s31], $0x80, s16, s31, $0xb8;
	v63 =	vld [tilespmem:$0x0]  }
0xb0: {  	_ =	swait.ge [sflag:s9], $0x2000  }
0xb1: {  	[sflag:s9] =	ssyncset.done $0x0  }
0xb2: {  	[sflag:s9] =	ssyncadd.s32 $0xFFFFE000  }
0xb3: {  	[spmem:s1] =	stream.indirect.scatter.add.f32 [tilespmem:s28], [sflag:$0x3], $0x80, s11, s31, $0xb8;
	v63 =	vld [tilespmem:$0x0]  }
0xb4: {  	_ =	swait.ge [sflag:s29], $0x2000  }
0xb5: {  	[sflag:s29] =	ssyncset.done $0x0  }
0xb6: {  	[sflag:s29] =	ssyncadd.s32 $0xFFFFE000  }
0xb7: {  	s14 =	sadd.s32 $0x1, s14;
	_ =	swait.ge [sflag:s10], $0x2000  }
0xb8: {  	p4 =	sne.s32 s14, $0x7;
	[sflag:s10] =	ssyncset.done $0x0  }
.Ltmp3:
0xb9: {  	[sflag:s10] =	ssyncadd.s32 $0xFFFFE000;
	(pc) =	sbr.rel @p4 .LBB2_4-.Ltmp3, $4  }
0xba: {  	[spmem:s1] =	stream.indirect.scatter.add.f32 [tilespmem:s8], [sflag:$0x3], $0x80, s12, s31, $0xb8;
	v63 =	vld [tilespmem:$0x0]  }
0xbb: {  	_ =	swait.ge [sflag:s29], $0x2000  }
0xbc: {  	[sflag:s29] =	ssyncset.done $0x0  }
0xbd: {  	[sflag:s29] =	ssyncadd.s32 $0xFFFFE000  }
0xbe: {  	[bflag:$0x0] =	sbarrier.arrive $0xFFFF;
	s13 =	sshrl.u32 @!p0 s26, $0x3;
	s14 =	simm.s32 @!p0 $0x1FC3  }
0xbf: {  	[hbm:s21], [sflag:s14] =	dma.local @!p0 [spmem:s13], $0x2E00  }
0xc0: {  	s13 =	simm.s32 @!p0 $0x3  }
0xc1: {  	_ =	swait.ge @!p0 [sflag:s13], $0x2E00  }
0xc2: {  	s14 =	sshll.u32 @!p1 s3, $0x6;
	[sflag:s13] =	ssyncset.done @!p0 $0x0  }
0xc3: {  	[sflag:s13] =	ssyncadd.s32 @!p0 $0xFFFFD200;
	s13 =	sor.u32 @!p1 $0x1C03, s14;
	s14 =	sshrl.u32 @!p1 s7, $0x3  }
0xc4: {  	[hbm:s20], [sflag:s13] =	dma.local @!p1 [spmem:s14], $0x3100  }
0xc5: {  	s13 =	simm.s32 @!p1 $0x3  }
0xc6: {  	_ =	swait.ge @!p1 [sflag:s13], $0x3100  }
0xc7: {  	[sflag:s13] =	ssyncset.done @!p1 $0x0  }
0xc8: {  	s14 =	simm.s32 @!p2 $0x1FC3;
	[sflag:s13] =	ssyncadd.s32 @!p1 $0xFFFFCF00;
	s13 =	sshrl.u32 @!p2 s26, $0x3  }
0xc9: {  	[hbm:s22], [sflag:s14] =	dma.local @!p2 [spmem:s13], $0x2E80  }
0xca: {  	s2 =	sadd.s32 $0x1, s2;
	s13 =	simm.s32 @!p2 $0x3  }
0xcb: {  	p4 =	sne.s32 s2, s23;
	_ =	swait.ge @!p2 [sflag:s13], $0x2E80  }
0xcc: {  	s14 =	sshll.u32 @!p3 s3, $0x6;
	[sflag:s13] =	ssyncset.done @!p2 $0x0;
	s15 =	rddreg [dreg:$0xd]  }
0xcd: {  	[sflag:s13] =	ssyncadd.s32 @!p2 $0xFFFFD180;
	s13 =	sor.u32 @!p3 $0x1C03, s14;
	s14 =	sshrl.u32 @!p3 s7, $0x3  }
0xce: {  	[hbm:s15], [sflag:s13] =	dma.local @!p3 [spmem:s14], $0x3100  }
.Ltmp4:
0xcf: {  	_ = 	snop;
	(pc) =	sbr.rel @p4 .LBB2_1-.Ltmp4, $4  }
0xd0: {  	s13 =	simm.s32 @!p3 $0x3  }
0xd1: {  	_ =	swait.ge @!p3 [sflag:s13], $0x3100  }
0xd2: {  	[sflag:s13] =	ssyncset.done @!p3 $0x0  }
0xd3: {  	[sflag:s13] =	ssyncadd.s32 @!p3 $0xFFFFCF00  }
0xd4: {  	_ =	sfence.sel $0x180000  }
0xd5: {  	[bflag:$0x0] =	sbarrier.arrive $0xFFFF  }
0xd6: {  	_ =	strace $0x90000050  }
0xd7: {  	[bflag:$0x2] =	sbarrier.arrive $0xFFFF  }
0xd8: {  	p0 =	sne.s32 s3, $0x0;
	s0 =	rddreg [dreg:$0x2]  }
0xd9: {  	s0 =	sadd.s32 @!p0 $0x100000, s0  }
0xda: {  	[sflag:s0] =	ssyncadd.tile.s32 @!p0 $0x1;
	_ =	shalt  }
.Lfunc_end2:
_tile_overlayer_lowered:
.L_overlay_start_2:
0xdb: {  	(tag) =	ssettag $0x2  }
0xdc: {  	s0 =	rddreg [dreg:$0x0];
	s2 =	stileid.u32  }
0xdd: {  	s1 =	rddreg [dreg:$0x1];
	p0 =	sne.s32 s2, $0x0  }
0xde: {  	s3 =	rddreg [dreg:$0x2];
	[bflag:$0x3] =	sbarrier.arrive $0xFFFF;
	s2 =	simm.s32 @!p0 $0x1C03  }
0xdf: {  	[timem:s3], [sflag:s2] =	dma.local @!p0 [hbm:s0], s1  }
0xe0: {  	s0 =	simm.s32 @!p0 $0x3  }
0xe1: {  	_ =	swait.ge @!p0 [sflag:s0], s1  }
0xe2: {  	s1 =	ssub.s32 @!p0 $0x0, s1;
	[sflag:s0] =	ssyncset.done @!p0 $0x0  }
0xe3: {  	[sflag:s0] =	ssyncadd.s32 @!p0 s1  }
0xe4: {  	[bflag:$0x3] =	sbarrier.arrive $0xFFFF  }
0xe5: {  	_ =	shalt  }

// kernel: kernel.19.cloned.1.call-start
scs
__scs_entry_jumppad:
0x0: {  	(pc) =	sbr.rel $0x88, $3  }
0x1: {  	(tag) =	ssettag $0x0;
	lr =	simm.s32 $0x1  }
0x2: {  	[smem:$0x3F85] =	sst lr;
	_ =	strace $0xD0000000  }
0x3: {  	_ = 	snop  }
0x4: {  	_ = 	snop  }
0x5: {  	_ = 	snop  }
0x6: {  	_ = 	snop  }
0x7: {  	_ = 	snop  }
__scs_overlays_trampoline_lowered:
0x8: {  	[smem:$0x3F94] =	sst s0  }
0x9: {  	[smem:$0x3F95] =	sst s1  }
0xa: {  	[smem:$0x3F96] =	sst s2  }
0xb: {  	[smem:$0x3F97] =	sst s3  }
0xc: {  	[smem:$0x3F98] =	sst s4  }
0xd: {  	[smem:$0x3F99] =	sst s5  }
0xe: {  	[smem:$0x3F9A] =	sst s6  }
0xf: {  	[smem:$0x3F9B] =	sst s7  }
0x10: {  	[smem:$0x3F9C] =	sst s8  }
0x11: {  	[smem:$0x3F9D] =	sst s9;
	s0 =	simm.s32 @!p0 $0x0  }
0x12: {  	s1 =	sld [smem:$0x3F83];
	s0 =	simm.s32 @p0 $0x1  }
0x13: {  	[smem:$0x3F9E] =	sst s0;
	s0 =	simm.s32 @!p1 $0x0  }
0x14: {  	s2 =	sld [smem:$0x3F82];
	s0 =	simm.s32 @p1 $0x1  }
0x15: {  	[smem:$0x3F9F] =	sst s0;
	s0 =	simm.s32 @!p2 $0x0  }
0x16: {  	s3 =	sld [smem:$0x3FDB];
	s0 =	simm.s32 @p2 $0x1  }
0x17: {  	s4 =	simm.s32 $0x1BF5;
	[smem:$0x3FA1] =	sst s0  }
0x18: {  	s0 =	sld [smem:$0x3F84];
	_ =	swait.ge [sflag:s4], $0x0  }
0x19: {  	s7 =	sld [smem:$0x3F85]  }
0x1a: {  	s8 =	sadd.s32 $0xFFFFE003, lr  }
0x1b: {  	s9 =	sadd.s32 $0xFFFFFEF7, lr;
	s5 =	simm.s32 $0xFFFFFFFF;
	p2 =	slt.u32 s8, $0xFFFFF086  }
0x1c: {  	p1 =	slt.u32 s9, $0xF7A;
	s5 =	simm.s32 @!p2 $0x0  }
0x1d: {  	s5 =	simm.s32 @p1 $0x1;
	p0 =	seq.s32 s7, s2  }
0x1e: {  	s7 =	smul.u32 @!p0 $0xF7A, s2;
	p2 =	seq.s32 @!p0 s5, $0x0  }
0x1f: {  	s9 =	smul.u32 $0xF7A, s1;
	s8 =	simm.s32 @!p0 $0x1BF5;
	p2 =	por !p2, p0  }
0x20: {  	[sflag:s8] =	ssyncset.s32 @!p0 $0xFFFFF086;
	s6 =	sadd.s32 @!p0 s3, s7;
	s7 =	simm.s32 @!p0 $0x108  }
0x21: {  	s3 =	sadd.s32 s3, s9;
	s6 =	sadd.s32 @!p0 $0x88, s6;
	s7 =	simm.s32 @p2 $0x1082  }
0x22: {  	[simem:s7], [sflag:s8] =	dma.local @!p0 [hbm:s6], $0xF7A  }
0x23: {  	s9 =	sor.u32 $0xD0000000, s2;
	s6 =	simm.s32 $0x108;
	_ =	swait.ge @!p0 [sflag:s8], $0x0  }
0x24: {  	s3 =	sadd.s32 $0x88, s3;
	s6 =	simm.s32 @!p1 $0x1082;
	[sflag:s4] =	ssyncset.s32 $0xFFFFF086  }
0x25: {  	[simem:s6], [sflag:s4] =	dma.local [hbm:s3], $0xF7A  }
0x26: {  	[smem:$0x3F85] =	sst s1;
	(tag) =	ssettag s2;
	_ =	strace s9  }
0x27: {  	s1 =	sld [smem:$0x3F95]  }
0x28: {  	s2 =	sld [smem:$0x3F96]  }
0x29: {  	s4 =	sld [smem:$0x3F98]  }
0x2a: {  	p0 =	seq.s32 s5, $0x0;
	s5 =	sld [smem:$0x3F99]  }
0x2b: {  	s6 =	sld [smem:$0x3F9A]  }
0x2c: {  	s7 =	sld [smem:$0x3F9B]  }
0x2d: {  	s3 =	simm.s32 $0x108;
	s8 =	sld [smem:$0x3F9C]  }
0x2e: {  	s3 =	simm.s32 @!p0 $0x1082;
	s9 =	sld [smem:$0x3F9D]  }
0x2f: {  	lr =	sadd.s32 s0, s3;
	s0 =	sld [smem:$0x3F94]  }
0x30: {  	s3 =	sld [smem:$0x3F97]  }
0x31: {  	[smem:$0x3FA0] =	sst s10  }
0x32: {  	s10 =	sld [smem:$0x3F9E];
	_ =	sdelay $0x3  }
0x33: {  	p0 =	seq.s32 s10, $0x1;
	s10 =	sld [smem:$0x3FA0];
	_ =	sdelay $0x3  }
0x34: {  	[smem:$0x3FA0] =	sst s10  }
0x35: {  	s10 =	sld [smem:$0x3F9F];
	_ =	sdelay $0x3  }
0x36: {  	p1 =	seq.s32 s10, $0x1;
	s10 =	sld [smem:$0x3FA0];
	_ =	sdelay $0x3  }
0x37: {  	[smem:$0x3FA0] =	sst s10  }
0x38: {  	s10 =	sld [smem:$0x3FA1]  }
0x39: {  	_ = 	snop;
	(pc) =	sbr.ind lr, $3  }
0x3a: {  	_ = 	snop  }
0x3b: {  	_ = 	snop  }
0x3c: {  	p2 =	seq.s32 s10, $0x1;
	s10 =	sld [smem:$0x3FA0]  }
0x3d: {  	_ =	shalt  }
0x3e: {  	_ =	shalt  }
0x3f: {  	_ =	shalt  }
0x40: {  	_ =	shalt  }
0x41: {  	_ =	shalt  }
0x42: {  	_ =	shalt  }
0x43: {  	_ =	shalt  }
0x44: {  	_ =	shalt  }
0x45: {  	_ =	shalt  }
0x46: {  	_ =	shalt  }
0x47: {  	_ =	shalt  }
0x48: {  	_ =	shalt  }
0x49: {  	_ =	shalt  }
0x4a: {  	_ =	shalt  }
0x4b: {  	_ =	shalt  }
0x4c: {  	_ =	shalt  }
0x4d: {  	_ =	shalt  }
0x4e: {  	_ =	shalt  }
0x4f: {  	_ =	shalt  }
0x50: {  	_ =	shalt  }
0x51: {  	_ =	shalt  }
0x52: {  	_ =	shalt  }
0x53: {  	_ =	shalt  }
0x54: {  	_ =	shalt  }
0x55: {  	_ =	shalt  }
0x56: {  	_ =	shalt  }
0x57: {  	_ =	shalt  }
0x58: {  	_ =	shalt  }
0x59: {  	_ =	shalt  }
0x5a: {  	_ =	shalt  }
0x5b: {  	_ =	shalt  }
0x5c: {  	_ =	shalt  }
0x5d: {  	_ =	shalt  }
0x5e: {  	_ =	shalt  }
0x5f: {  	_ =	shalt  }
0x60: {  	_ =	shalt  }
0x61: {  	_ =	shalt  }
0x62: {  	_ =	shalt  }
0x63: {  	_ =	shalt  }
0x64: {  	_ =	shalt  }
0x65: {  	_ =	shalt  }
0x66: {  	_ =	shalt  }
0x67: {  	_ =	shalt  }
0x68: {  	_ =	shalt  }
0x69: {  	_ =	shalt  }
0x6a: {  	_ =	shalt  }
0x6b: {  	_ =	shalt  }
0x6c: {  	_ =	shalt  }
0x6d: {  	_ =	shalt  }
0x6e: {  	_ =	shalt  }
0x6f: {  	_ =	shalt  }
0x70: {  	_ =	shalt  }
0x71: {  	_ =	shalt  }
0x72: {  	_ =	shalt  }
0x73: {  	_ =	shalt  }
0x74: {  	_ =	shalt  }
0x75: {  	_ =	shalt  }
0x76: {  	_ =	shalt  }
0x77: {  	_ =	shalt  }
0x78: {  	_ =	shalt  }
0x79: {  	_ =	shalt  }
0x7a: {  	_ =	shalt  }
0x7b: {  	_ =	shalt  }
0x7c: {  	_ =	shalt  }
0x7d: {  	_ =	shalt  }
0x7e: {  	_ =	shalt  }
0x7f: {  	_ =	shalt  }
0x80: {  	_ =	shalt  }
0x81: {  	_ =	shalt  }
0x82: {  	_ =	shalt  }
0x83: {  	_ =	shalt  }
0x84: {  	_ =	shalt  }
0x85: {  	_ =	shalt  }
0x86: {  	_ =	shalt  }
0x87: {  	_ =	shalt  }
.Lfunc_end0:
.L_simem_size_0:
called_computation.3_lowered:
.L_overlay_start_0:
0x88: {  	s2 =	sld [smem:$0x3FD9]  }
0x89: {  	s3 =	sld [smem:$0x3FFE];
	_ =	sdelay $0x1  }
0x8a: {  	s1 =	srdreg.scid  }
0x8b: {  	s0 =	sand.u32 $0x1, s1  }
0x8c: {  	s16 =	sshll.u32 s0, $0xA;
	s2 =	sadd.s32 s3, s2  }
0x8d: {  	s2 =	sadd.s32 s2, s16  }
0x8e: {  	[smem:$0x3FAC] =	sst s2  }
0x8f: {  	_ = 	snop  }
0x90: {  	(tm) =	ssettm $0x1  }
0x91: {  	s17 =	sld [smem:$0x3FFB];
	_ =	sdelay $0x3  }
0x92: {  	_ =	strace s17  }
0x93: {  	s2 =	sld [smem:$0x3FFC];
	_ =	sdelay $0x3  }
0x94: {  	_ =	strace s2  }
0x95: {  	s2 =	sld [smem:$0x3FFD];
	_ =	sdelay $0x3  }
0x96: {  	_ =	strace s2  }
0x97: {  	_ =	strace $0x8FFFFFFF  }
0x98: {  	s18 =	sld [smem:$0x3FDB];
	_ =	sdelay $0x1  }
0x99: {  	s19 =	simm.s32 $_scs_section_size  }
0x9a: {  	s4 =	simm.s32 $_size__tile_overlayer_lowered;
	s5 =	simm.s32 $_tile_overlayer_lowered  }
0x9b: {  	s22 =	simm.s32 $0x1BFF;
	s21 =	sshll.u32 s5, $0x1;
	s2 =	sadd.s32 s19, s18  }
0x9c: {  	s6 =	simm.s32 $0x0;
	s20 =	sshll.u32 s4, $0x1;
	s4 =	sadd.s32 s21, s2  }
0x9d: {  	[timem:s6], [sflag:s22] =	dma.local [hbm:s4], s20  }
0x9e: {  	_ =	swait.ge [sflag:s22], s20  }
0x9f: {  	s3 =	ssub.s32 $0x0, s20;
	[sflag:s22] =	ssyncset.done $0x0  }
0xa0: {  	[sflag:s22] =	ssyncadd.s32 s3;
	_ =	sdelay $0x1  }
0xa1: {  	s23 =	simm.s32 $0x1B8B  }
0xa2: {  	_ =	swait.ge [sflag:s23], $0x1  }
0xa3: {  	[sflag:s23] =	ssyncset.done $0x0  }
0xa4: {  	s25 =	simm.s32 $0x1B8E;
	s24 =	sld [smem:$0x3FFE];
	[sflag:s23] =	ssyncadd.s32 $0xFFFFFFFF  }
0xa5: {  	s26 =	simm.s32 $execute0_lowered;
	[smem:$0x3FD2] =	sst s25  }
0xa6: {  	s4 =	sshll.u32 s26, $0x1;
	_ =	strace $0x8000004C;
	[dreg:$0x1] =	wrdreg $0xFFFFFFFF  }
0xa7: {  	s28 =	simm.s32 $_size_execute0_lowered;
	s2 =	sadd.s32 s2, s4;
	[dreg:$0x0] =	wrdreg $0x0  }
0xa8: {  	s4 =	sshll.u32 s28, $0x1;
	[dreg:$0x2] =	wrdreg s2  }
0xa9: {  	[dreg:$0x3] =	wrdreg s4  }
0xaa: {  	[dreg:$0x4] =	wrdreg $0xC0  }
0xab: {  	_ =	task [dreg:s6], $0x5FFFF  }
0xac: {  	[dreg:$0x1] =	wrdreg $0xFFFFFFFF  }
0xad: {  	[dreg:$0x0] =	wrdreg $0x60  }
0xae: {  	[dreg:$0x2] =	wrdreg s24  }
0xaf: {  	[dreg:$0x3] =	wrdreg $0x78000  }
0xb0: {  	[dreg:$0x4] =	wrdreg $0xA  }
0xb1: {  	_ =	task.clear_ibuf [dreg:s6], $0x5FFFF;
	_ =	strace $0x9000004C  }
0xb2: {  	s29 =	simm.s32 $0xA;
	_ =	strace $0x8000004E  }
0xb3: {  	_ =	swait.ge [sflag:s29], $0x1  }
0xb4: {  	[sflag:s29] =	ssyncadd.s32 $0xFFFFFFFF  }
0xb5: {  	_ =	strace $0x9000004E  }
0xb6: {  	_ =	sfence  }
0xb7: {  	s30 =	sld [smem:$0x0];
	_ =	sdelay $0x2  }
0xb8: {  	s31 =	sshll.u32 s1, $0xD;
	s1 =	sshrl.u32 s1, $0x2  }
0xb9: {  	s3 =	sand.u32 $0x4000, s31;
	s1 =	sadd.s32 s1, s30  }
0xba: {  	s0 =	sor.u32 s3, s0;
	s1 =	sshll.u32 s1, $0x11  }
0xbb: {  	s0 =	sor.u32 s1, s0  }
0xbc: {  	s0 =	sadd.s32 $0x8F2B, s0  }
0xbd: {  	[sflag:s0] =	ssyncadd.remote.s32 $0x1  }
0xbe: {  	_ =	sfence.sel $0xFFFF  }
0xbf: {  	[dreg:$0x0] =	wrdreg $0xFFFFFFFF;
	(pc) =	sbr.abs _section_cstart, $3  }
0xc0: {  	[dreg:$0x1] =	wrdreg $0xFFFFFFFF  }
0xc1: {  	_ =	task.clear_ibuf [dreg:s6], $0x2FFFF;
	_ =	strace $0x9FFFFFFF  }
0xc2: {  	(tm) =	ssettm $0x7FFFFFFF  }
0xc3: {  	_ =	shalt  }
tec
execute0_lowered:
.L_overlay_start_1:
0x0: {  	(tag) =	ssettag $0x1  }
0x1: {  	s0 =	rddreg [dreg:$0x0]  }
0x2: {  	s1 =	rddreg [dreg:$0x1]  }
0x3: {  	s2 =	simm.s32 $0x0;
	s7 =	srdreg.scid;
	s3 =	stileid.u32  }
0x4: {  	s12 =	simm.s32 $0x30D8;
	s28 =	simm.s32 $0x3800;
	s29 =	simm.s32 $0x3  }
0x5: {  	s30 =	simm.s32 $0x1C00;
	s31 =	simm.s32 $0x40;
	[smem:$0x7FF] =	sst s2  }
0x6: {  	s4 =	sadd.s32 $0x311200, s0;
	s5 =	sadd.s32 $0x3600, s0;
	s16 =	smul.u32 $0x62000, s3  }
0x7: {  	s6 =	sadd.s32 $0x1BE00, s0;
	s8 =	sand.u32 $0x1, s7;
	s23 =	smul.u32 $0x18800, s3  }
0x8: {  	s9 =	sadd.s32 $0x34600, s0;
	s25 =	smul.u32 $0x3100, s3;
	_ =	strace $0x8000004D  }
0x9: {  	s10 =	ssub.s32 $0x2, s8;
	s11 =	smul.u32 $0x30D8, s8;
	p0 =	seq.s32 s8, $0x0  }
0xa: {  	p3 =	sne.s32 s8, $0x0;
	s8 =	simm.s32 $0x5800;
	s7 =	sshrl.u32 s16, $0x2  }
0xb: {  	s13 =	sshrl.u32 s10, $0x1;
	s12 =	simm.s32 @!p0 $0x30D0;
	p1 =	seq.s32 @p3 s3, $0xF  }
0xc: {  	p4 =	seq.s32 @!p3 s3, $0xF;
	s7 =	sadd.s32 s7, s1;
	s10 =	ssub.s32 s10, s13  }
0xd: {  	s12 =	sadd.s32 s11, s12;
	s13 =	sshrl.u32 s23, $0x3;
	s17 =	sadd.s32 $0x2000, s7  }
0xe: {  	p0 =	por !p1, !p3;
	s18 =	sadd.s32 $0x4000, s7;
	[dreg:$0x3] =	wrdreg s17  }
0xf: {  	p1 =	por p1, !p3;
	s19 =	sadd.s32 $0x6000, s7;
	[dreg:$0x4] =	wrdreg s18  }
0x10: {  	p2 =	por !p4, p3;
	s20 =	sadd.s32 $0x8000, s7;
	[dreg:$0x5] =	wrdreg s19  }
0x11: {  	p3 =	por p4, p3;
	s21 =	sadd.s32 $0xA000, s7;
	[dreg:$0x6] =	wrdreg s20  }
0x12: {  	v0 =	vmov s11;
	s11 =	simm.s32 $0x3700;
	s22 =	sadd.s32 $0xC000, s7;
	[dreg:$0x7] =	wrdreg s21  }
0x13: {  	s14 =	sadd.s32 $0xE000, s7;
	s24 =	sadd.s32 $0x10000, s7;
	[dreg:$0x8] =	wrdreg s22  }
0x14: {  	s15 =	sadd.s32 $0x12000, s7;
	s26 =	sadd.s32 $0x14000, s7;
	[dreg:$0x9] =	wrdreg s14  }
0x15: {  	s13 =	sadd.s32 s9, s13;
	s9 =	sadd.s32 s9, s25;
	[dreg:$0xa] =	wrdreg s24  }
0x16: {  	s23 =	smax.u32 s10, $0x1;
	s25 =	smul.u32 $0x188, s3;
	[dreg:$0xb] =	wrdreg s15  }
0x17: {  	v1 =	vmov s12;
	s10 =	simm.s32 $0x2;
	s12 =	simm.s32 $0x3780;
	[dreg:$0xc] =	wrdreg s26  }
0x18: {  	[dreg:$0xd] =	wrdreg s9;
	s19 =	sadd.s32 $0x16000, s7;
	s20 =	sadd.s32 $0x30D80, s13  }
0x19: {  	s21 =	sadd.s32 $0x93280, s0;
	s22 =	sadd.s32 $0x62500, s0;
	s24 =	sadd.s32 $0x18000, s7  }
0x1a: {  	v2 =	vimm.f32 $0.0e+00;
	s26 =	sadd.s32 $0x16F800, s1;
	s0 =	simm.s32 $0x80;
	s9 =	simm.s32 $0x1  }
.LBB2_1:
0x1b: {  	s13 =	simm.s32 $0x0;
	s14 =	simm.s32 $0x200  }
.LBB2_2:
0x1c: {  	p4 =	sne.s32 s14, $0x7E00;
	[tilespmem:s13+$0x3870] =	vst v2  }
0x1d: {  	[tilespmem:s13+$0x3800] =	vst v2  }
0x1e: {  	[tilespmem:s13+$0x3810] =	vst v2  }
.Ltmp0:
0x1f: {  	[tilespmem:s13+$0x3820] =	vst v2;
	(pc) =	sbr.rel @p4 .LBB2_2-.Ltmp0, $4  }
0x20: {  	[tilespmem:s13+$0x3830] =	vst v2  }
0x21: {  	[tilespmem:s13+$0x3840] =	vst v2  }
0x22: {  	[tilespmem:s13+$0x3850] =	vst v2  }
0x23: {  	[tilespmem:s13+$0x3860] =	vst v2;
	s13 =	sshra.s32 s14, $0x2;
	s14 =	sadd.s32 $0x200, s14  }
0x24: {  	[tilespmem:s13+$0x3870] =	vst v2  }
0x25: {  	[tilespmem:s13+$0x3800] =	vst v2  }
0x26: {  	[tilespmem:s13+$0x3810] =	vst v2  }
0x27: {  	[tilespmem:s13+$0x3820] =	vst v2  }
0x28: {  	[tilespmem:s13+$0x3830] =	vst v2  }
0x29: {  	[tilespmem:s13+$0x3840] =	vst v2  }
0x2a: {  	[tilespmem:s13+$0x3850] =	vst v2  }
0x2b: {  	[tilespmem:s13+$0x3860] =	vst v2  }
0x2c: {  	[spmem:s7] =	stream.linear.scatter [tilespmem:s28], [sflag:$0x3], $0x2000, $0x38;
	v63 =	vld [tilespmem:$0x0]  }
0x2d: {  	_ =	swait.ge [sflag:s29], $0x2000  }
0x2e: {  	[sflag:s29] =	ssyncset.done $0x0  }
0x2f: {  	s14 =	rddreg [dreg:$0x3];
	[sflag:s29] =	ssyncadd.s32 $0xFFFFE000  }
0x30: {  	[spmem:s14] =	stream.linear.scatter [tilespmem:s28], [sflag:$0x3], $0x2000, $0x38;
	v63 =	vld [tilespmem:$0x0]  }
0x31: {  	_ =	swait.ge [sflag:s29], $0x2000  }
0x32: {  	[sflag:s29] =	ssyncset.done $0x0  }
0x33: {  	s15 =	rddreg [dreg:$0x4];
	[sflag:s29] =	ssyncadd.s32 $0xFFFFE000  }
0x34: {  	[spmem:s15] =	stream.linear.scatter [tilespmem:s28], [sflag:$0x3], $0x2000, $0x38;
	v63 =	vld [tilespmem:$0x0]  }
0x35: {  	_ =	swait.ge [sflag:s29], $0x2000  }
0x36: {  	[sflag:s29] =	ssyncset.done $0x0  }
0x37: {  	s16 =	rddreg [dreg:$0x5];
	[sflag:s29] =	ssyncadd.s32 $0xFFFFE000  }
0x38: {  	[spmem:s16] =	stream.linear.scatter [tilespmem:s28], [sflag:$0x3], $0x2000, $0x38;
	v63 =	vld [tilespmem:$0x0]  }
0x39: {  	_ =	swait.ge [sflag:s29], $0x2000  }
0x3a: {  	[sflag:s29] =	ssyncset.done $0x0  }
0x3b: {  	s17 =	rddreg [dreg:$0x6];
	[sflag:s29] =	ssyncadd.s32 $0xFFFFE000  }
0x3c: {  	[spmem:s17] =	stream.linear.scatter [tilespmem:s28], [sflag:$0x3], $0x2000, $0x38;
	v63 =	vld [tilespmem:$0x0]  }
0x3d: {  	_ =	swait.ge [sflag:s29], $0x2000  }
0x3e: {  	[sflag:s29] =	ssyncset.done $0x0  }
0x3f: {  	s18 =	rddreg [dreg:$0x7];
	[sflag:s29] =	ssyncadd.s32 $0xFFFFE000  }
0x40: {  	[spmem:s18] =	stream.linear.scatter [tilespmem:s28], [sflag:$0x3], $0x2000, $0x38;
	v63 =	vld [tilespmem:$0x0]  }
0x41: {  	_ =	swait.ge [sflag:s29], $0x2000  }
0x42: {  	[sflag:s29] =	ssyncset.done $0x0  }
0x43: {  	s14 =	rddreg [dreg:$0x8];
	[sflag:s29] =	ssyncadd.s32 $0xFFFFE000  }
0x44: {  	[spmem:s14] =	stream.linear.scatter [tilespmem:s28], [sflag:$0x3], $0x2000, $0x38;
	v63 =	vld [tilespmem:$0x0]  }
0x45: {  	_ =	swait.ge [sflag:s29], $0x2000  }
0x46: {  	[sflag:s29] =	ssyncset.done $0x0  }
0x47: {  	s15 =	rddreg [dreg:$0x9];
	[sflag:s29] =	ssyncadd.s32 $0xFFFFE000  }
0x48: {  	[spmem:s15] =	stream.linear.scatter [tilespmem:s28], [sflag:$0x3], $0x2000, $0x38;
	v63 =	vld [tilespmem:$0x0]  }
0x49: {  	_ =	swait.ge [sflag:s29], $0x2000  }
0x4a: {  	[sflag:s29] =	ssyncset.done $0x0  }
0x4b: {  	s16 =	rddreg [dreg:$0xa];
	[sflag:s29] =	ssyncadd.s32 $0xFFFFE000  }
0x4c: {  	[spmem:s16] =	stream.linear.scatter [tilespmem:s28], [sflag:$0x3], $0x2000, $0x38;
	v63 =	vld [tilespmem:$0x0]  }
0x4d: {  	_ =	swait.ge [sflag:s29], $0x2000  }
0x4e: {  	[sflag:s29] =	ssyncset.done $0x0  }
0x4f: {  	s17 =	rddreg [dreg:$0xb];
	[sflag:s29] =	ssyncadd.s32 $0xFFFFE000  }
0x50: {  	[spmem:s17] =	stream.linear.scatter [tilespmem:s28], [sflag:$0x3], $0x2000, $0x38;
	v63 =	vld [tilespmem:$0x0]  }
0x51: {  	_ =	swait.ge [sflag:s29], $0x2000  }
0x52: {  	[sflag:s29] =	ssyncset.done $0x0  }
0x53: {  	s18 =	rddreg [dreg:$0xc];
	[sflag:s29] =	ssyncadd.s32 $0xFFFFE000  }
0x54: {  	[spmem:s18] =	stream.linear.scatter [tilespmem:s28], [sflag:$0x3], $0x2000, $0x38;
	v63 =	vld [tilespmem:$0x0]  }
0x55: {  	_ =	swait.ge [sflag:s29], $0x2000  }
0x56: {  	[sflag:s29] =	ssyncset.done $0x0  }
0x57: {  	[sflag:s29] =	ssyncadd.s32 $0xFFFFE000  }
0x58: {  	[spmem:s19] =	stream.linear.scatter [tilespmem:s28], [sflag:$0x3], $0x2000, $0x38;
	v63 =	vld [tilespmem:$0x0]  }
0x59: {  	_ =	swait.ge [sflag:s29], $0x2000  }
0x5a: {  	[sflag:s29] =	ssyncset.done $0x0  }
0x5b: {  	[sflag:s29] =	ssyncadd.s32 $0xFFFFE000  }
0x5c: {  	[spmem:s24] =	stream.linear.scatter [tilespmem:s28], [sflag:$0x3], $0x800, $0x38;
	v63 =	vld [tilespmem:$0x0]  }
0x5d: {  	_ =	swait.ge [sflag:s29], $0x800  }
0x5e: {  	[sflag:s29] =	ssyncset.done $0x0  }
0x5f: {  	[sflag:s29] =	ssyncadd.s32 $0xFFFFF800  }
0x60: {  	s13 =	simm.s32 $0x0;
	s14 =	simm.s32 $0x0;
	[bflag:$0x0] =	sbarrier.arrive $0xFFFF  }
.LBB2_4:
0x61: {  	s15 =	smul.u32 $0x38, s14;
	_ =	sdelay $0x1  }
0x62: {  	s15 =	sadd.s32 s25, s15  }
0x63: {  	s15 =	sshll.u32 s15, $0x4  }
0x64: {  	s16 =	sadd.s32 s5, s15  }
0x65: {  	[tilespmem:s13], [sflag:$0x3] =	stream.linear.gather [hbm4b:s16+s13], $0x1C00, $0x38;
	v63 =	vld [tilespmem:$0x0]  }
0x66: {  	_ =	swait.ge [sflag:s29], $0x1C00  }
0x67: {  	[sflag:s29] =	ssyncset.done $0x0  }
0x68: {  	s15 =	sadd.s32 s6, s15;
	[sflag:s29] =	ssyncadd.s32 $0xFFFFE400  }
0x69: {  	[tilespmem:s30], [sflag:$0x3] =	stream.linear.gather [hbm4b:s15+s13], $0x1C00, $0x38;
	v63 =	vld [tilespmem:$0x0]  }
0x6a: {  	_ =	swait.ge [sflag:s29], $0x1C00  }
0x6b: {  	[sflag:s29] =	ssyncset.done $0x0  }
0x6c: {  	s15 =	simm.s32 $0x0;
	[sflag:s29] =	ssyncadd.s32 $0xFFFFE400  }
0x6d: {  	v3 =	vld [tilespmem:s15+$0x1C30]  }
0x6e: {  	v5 =	vld [tilespmem:s15+$0x1C20];
	_ =	sdelay $0x2  }
0x6f: {  	v4 =	vld [tilespmem:s15+$0x1C00]  }
0x70: {  	vm0 =	vge.s32 v3, v0;
	vm1 =	vlt.s32 v3, v1;
	v6 =	vsub.s32 v3, v0  }
0x71: {  	vm2 =	vge.s32 v5, v0;
	vm3 =	vlt.s32 v5, v1;
	v3 =	vld [tilespmem:s15+$0x1C10];
	vm1 =	vmand vm0, vm1  }
0x72: {  	s17 =	simm.s32 $0x200;
	s16 =	simm.s32 $0x400;
	v5 =	vsub.s32 v5, v0;
	vm0 =	vmand vm2, vm3;
	v6 =	vnsel vm1, $0x30D8, v6  }
.LBB2_5:
0x73: {  	p4 =	sne.s32 s16, $0x6E00  }
0x74: {  	s18 =	sshra.s32 s17, $0x2;
	vm1 =	vge.s32 v4, v0;
	vm2 =	vlt.s32 v4, v1;
	v5 =	vnsel vm0, $0x30D8, v5;
	[tilespmem:s15+$0x1C30] =	vst v6;
	s17 =	smov.u32 s16;
	s16 =	sadd.s32 $0x200, s16  }
0x75: {  	v4 =	vsub.s32 v4, v0;
	v6 =	vld [tilespmem:s18+$0x1C30];
	vm0 =	vmand vm1, vm2;
	[tilespmem:s15+$0x1C20] =	vst v5  }
0x76: {  	v5 =	vld [tilespmem:s18+$0x1C20];
	v4 =	vnsel vm0, $0x30D8, v4;
	vm0 =	vge.s32 v3, v0;
	vm1 =	vlt.s32 v3, v1  }
0x77: {  	v3 =	vsub.s32 v3, v0;
	[tilespmem:s15+$0x1C00] =	vst v4;
	vm0 =	vmand vm0, vm1  }
.Ltmp1:
0x78: {  	v4 =	vld [tilespmem:s18+$0x1C00];
	v3 =	vnsel vm0, $0x30D8, v3;
	(pc) =	sbr.rel @p4 .LBB2_5-.Ltmp1, $4  }
0x79: {  	[tilespmem:s15+$0x1C10] =	vst v3;
	s15 =	smov.u32 s18  }
0x7a: {  	v3 =	vld [tilespmem:s15+$0x1C10];
	vm0 =	vge.s32 v6, v0;
	vm1 =	vlt.s32 v6, v1;
	v6 =	vsub.s32 v6, v0  }
0x7b: {  	vm2 =	vge.s32 v5, v0;
	vm3 =	vlt.s32 v5, v1;
	vm1 =	vmand vm0, vm1  }
0x7c: {  	v5 =	vsub.s32 v5, v0;
	vm0 =	vmand vm2, vm3;
	v6 =	vnsel vm1, $0x30D8, v6  }
0x7d: {  	s16 =	sshra.s32 s17, $0x2;
	[tilespmem:s15+$0x1C30] =	vst v6;
	vm1 =	vge.s32 v4, v0;
	vm2 =	vlt.s32 v4, v1;
	v5 =	vnsel vm0, $0x30D8, v5  }
0x7e: {  	v62 =	vsub.s32 v4, v0;
	v6 =	vld [tilespmem:s16+$0x1C30];
	vm15 =	vmand vm1, vm2;
	[tilespmem:s15+$0x1C20] =	vst v5  }
0x7f: {  	v5 =	vld [tilespmem:s16+$0x1C20];
	v4 =	vnsel vm15, $0x30D8, v62;
	vm4 =	vge.s32 v3, v0;
	vm5 =	vlt.s32 v3, v1  }
0x80: {  	v3 =	vsub.s32 v3, v0;
	[tilespmem:s15+$0x1C00] =	vst v4;
	vm0 =	vmand vm4, vm5  }
0x81: {  	v4 =	vld [tilespmem:s16+$0x1C00];
	v3 =	vnsel vm0, $0x30D8, v3  }
0x82: {  	[tilespmem:s15+$0x1C10] =	vst v3  }
0x83: {  	v3 =	vld [tilespmem:s16+$0x1C10];
	vm6 =	vge.s32 v6, v0  }
0x84: {  	vm7 =	vlt.s32 v6, v1;
	v6 =	vsub.s32 v6, v0;
	vm8 =	vge.s32 v5, v0  }
0x85: {  	vm3 =	vlt.s32 v5, v1;
	vm0 =	vmand vm6, vm7;
	v5 =	vsub.s32 v5, v0  }
0x86: {  	vm9 =	vmand vm8, vm3;
	v6 =	vnsel vm0, $0x30D8, v6;
	vm10 =	vge.s32 v4, v0  }
0x87: {  	vm11 =	vlt.s32 v4, v1;
	v5 =	vnsel vm9, $0x30D8, v5;
	v4 =	vsub.s32 v4, v0  }
0x88: {  	[tilespmem:s16+$0x1C30] =	vst v6;
	vm12 =	vmand vm10, vm11;
	vm13 =	vge.s32 v3, v0;
	vm14 =	vlt.s32 v3, v1  }
0x89: {  	[tilespmem:s16+$0x1C20] =	vst v5;
	v4 =	vnsel vm12, $0x30D8, v4;
	v3 =	vsub.s32 v3, v0;
	vm15 =	vmand vm13, vm14  }
0x8a: {  	[tilespmem:s16+$0x1C00] =	vst v4;
	v3 =	vnsel vm15, $0x30D8, v3  }
0x8b: {  	s18 =	simm.s32 $0x0;
	[tilespmem:s16+$0x1C10] =	vst v3  }
0x8c: {  	[tilespmem:s28], [sflag:$0x1] =	stream.indirect.gather [hbm4b:s4+s31], $0x80, s18, s31, $0xb8;
	v63 =	vld [tilespmem:$0x0]  }
0x8d: {  	_ = 	snop  }
0x8e: {  	[tilespmem:s8], [sflag:$0x2] =	stream.indirect.gather [hbm4b:s4+s31], $0x80, s0, s31, $0xb8;
	v63 =	vld [tilespmem:$0x0]  }
0x8f: {  	_ =	swait.ge [sflag:s9], $0x2000  }
0x90: {  	[sflag:s9] =	ssyncset.done $0x0  }
0x91: {  	s16 =	simm.s32 $0x1C00;
	[sflag:s9] =	ssyncadd.s32 $0xFFFFE000  }
0x92: {  	[spmem:s1] =	stream.indirect.scatter.add.f32 [tilespmem:s28], [sflag:$0x3], $0x80, s16, s31, $0xb8;
	v63 =	vld [tilespmem:$0x0]  }
0x93: {  	_ =	swait.ge [sflag:s29], $0x2000  }
0x94: {  	[sflag:s29] =	ssyncset.done $0x0  }
0x95: {  	s17 =	simm.s32 $0x100;
	[sflag:s29] =	ssyncadd.s32 $0xFFFFE000  }
0x96: {  	[tilespmem:s28], [sflag:$0x1] =	stream.indirect.gather [hbm4b:s4+s31], $0x80, s17, s31, $0xb8;
	v63 =	vld [tilespmem:$0x0]  }
0x97: {  	_ =	swait.ge [sflag:s10], $0x2000  }
0x98: {  	[sflag:s10] =	ssyncset.done $0x0  }
0x99: {  	s18 =	simm.s32 $0x1C80;
	[sflag:s10] =	ssyncadd.s32 $0xFFFFE000  }
0x9a: {  	[spmem:s1] =	stream.indirect.scatter.add.f32 [tilespmem:s8], [sflag:$0x3], $0x80, s18, s31, $0xb8;
	v63 =	vld [tilespmem:$0x0]  }
0x9b: {  	_ =	swait.ge [sflag:s29], $0x2000  }
0x9c: {  	[sflag:s29] =	ssyncset.done $0x0  }
0x9d: {  	s15 =	simm.s32 $0x400;
	s16 =	simm.s32 $0x180;
	[sflag:s29] =	ssyncadd.s32 $0xFFFFE000  }
.LBB2_7:
0x9e: {  	[tilespmem:s8], [sflag:$0x2] =	stream.indirect.gather [hbm4b:s4+s31], $0x80, s16, s31, $0xb8;
	v63 =	vld [tilespmem:$0x0]  }
0x9f: {  	s16 =	smov.u32 s15  }
0xa0: {  	p4 =	sne.s32 s15, $0x6800;
	s15 =	sadd.s32 $0x400, s15;
	_ =	swait.ge [sflag:s9], $0x2000  }
0xa1: {  	s16 =	sshra.s32 s16, $0x2;
	[sflag:s9] =	ssyncset.done $0x0  }
0xa2: {  	s17 =	sadd.s32 $0x1C00, s16;
	[sflag:s9] =	ssyncadd.s32 $0xFFFFE000  }
0xa3: {  	[spmem:s1] =	stream.indirect.scatter.add.f32 [tilespmem:s28], [sflag:$0x3], $0x80, s17, s31, $0xb8;
	v63 =	vld [tilespmem:$0x0]  }
0xa4: {  	_ =	swait.ge [sflag:s29], $0x2000  }
0xa5: {  	[sflag:s29] =	ssyncset.done $0x0  }
0xa6: {  	s17 =	sadd.s32 $0x100, s16;
	[sflag:s29] =	ssyncadd.s32 $0xFFFFE000  }
0xa7: {  	[tilespmem:s28], [sflag:$0x1] =	stream.indirect.gather [hbm4b:s4+s31], $0x80, s17, s31, $0xb8;
	v63 =	vld [tilespmem:$0x0]  }
0xa8: {  	_ =	swait.ge [sflag:s10], $0x2000  }
0xa9: {  	[sflag:s10] =	ssyncset.done $0x0  }
.Ltmp2:
0xaa: {  	s17 =	sadd.s32 $0x1C80, s16;
	[sflag:s10] =	ssyncadd.s32 $0xFFFFE000;
	(pc) =	sbr.rel @p4 .LBB2_7-.Ltmp2, $4  }
0xab: {  	[spmem:s1] =	stream.indirect.scatter.add.f32 [tilespmem:s8], [sflag:$0x3], $0x80, s17, s31, $0xb8;
	v63 =	vld [tilespmem:$0x0]  }
0xac: {  	_ =	swait.ge [sflag:s29], $0x2000  }
0xad: {  	[sflag:s29] =	ssyncset.done $0x0  }
0xae: {  	s16 =	sadd.s32 $0x180, s16;
	[sflag:s29] =	ssyncadd.s32 $0xFFFFE000  }
0xaf: {  	[tilespmem:s8], [sflag:$0x2] =	stream.indirect.gather [hbm4b:s4+s31], $0x80, s16, s31, $0xb8;
	v63 =	vld [tilespmem:$0x0]  }
0xb0: {  	_ =	swait.ge [sflag:s9], $0x2000  }
0xb1: {  	[sflag:s9] =	ssyncset.done $0x0  }
0xb2: {  	[sflag:s9] =	ssyncadd.s32 $0xFFFFE000  }
0xb3: {  	[spmem:s1] =	stream.indirect.scatter.add.f32 [tilespmem:s28], [sflag:$0x3], $0x80, s11, s31, $0xb8;
	v63 =	vld [tilespmem:$0x0]  }
0xb4: {  	_ =	swait.ge [sflag:s29], $0x2000  }
0xb5: {  	[sflag:s29] =	ssyncset.done $0x0  }
0xb6: {  	[sflag:s29] =	ssyncadd.s32 $0xFFFFE000  }
0xb7: {  	s14 =	sadd.s32 $0x1, s14;
	_ =	swait.ge [sflag:s10], $0x2000  }
0xb8: {  	p4 =	sne.s32 s14, $0x7;
	[sflag:s10] =	ssyncset.done $0x0  }
.Ltmp3:
0xb9: {  	[sflag:s10] =	ssyncadd.s32 $0xFFFFE000;
	(pc) =	sbr.rel @p4 .LBB2_4-.Ltmp3, $4  }
0xba: {  	[spmem:s1] =	stream.indirect.scatter.add.f32 [tilespmem:s8], [sflag:$0x3], $0x80, s12, s31, $0xb8;
	v63 =	vld [tilespmem:$0x0]  }
0xbb: {  	_ =	swait.ge [sflag:s29], $0x2000  }
0xbc: {  	[sflag:s29] =	ssyncset.done $0x0  }
0xbd: {  	[sflag:s29] =	ssyncadd.s32 $0xFFFFE000  }
0xbe: {  	[bflag:$0x0] =	sbarrier.arrive $0xFFFF;
	s13 =	sshrl.u32 @!p0 s26, $0x3;
	s14 =	simm.s32 @!p0 $0x1FC3  }
0xbf: {  	[hbm:s21], [sflag:s14] =	dma.local @!p0 [spmem:s13], $0x2E00  }
0xc0: {  	s13 =	simm.s32 @!p0 $0x3  }
0xc1: {  	_ =	swait.ge @!p0 [sflag:s13], $0x2E00  }
0xc2: {  	s14 =	sshll.u32 @!p1 s3, $0x6;
	[sflag:s13] =	ssyncset.done @!p0 $0x0  }
0xc3: {  	[sflag:s13] =	ssyncadd.s32 @!p0 $0xFFFFD200;
	s13 =	sor.u32 @!p1 $0x1C03, s14;
	s14 =	sshrl.u32 @!p1 s7, $0x3  }
0xc4: {  	[hbm:s20], [sflag:s13] =	dma.local @!p1 [spmem:s14], $0x3100  }
0xc5: {  	s13 =	simm.s32 @!p1 $0x3  }
0xc6: {  	_ =	swait.ge @!p1 [sflag:s13], $0x3100  }
0xc7: {  	[sflag:s13] =	ssyncset.done @!p1 $0x0  }
0xc8: {  	s14 =	simm.s32 @!p2 $0x1FC3;
	[sflag:s13] =	ssyncadd.s32 @!p1 $0xFFFFCF00;
	s13 =	sshrl.u32 @!p2 s26, $0x3  }
0xc9: {  	[hbm:s22], [sflag:s14] =	dma.local @!p2 [spmem:s13], $0x2E80  }
0xca: {  	s2 =	sadd.s32 $0x1, s2;
	s13 =	simm.s32 @!p2 $0x3  }
0xcb: {  	p4 =	sne.s32 s2, s23;
	_ =	swait.ge @!p2 [sflag:s13], $0x2E80  }
0xcc: {  	s14 =	sshll.u32 @!p3 s3, $0x6;
	[sflag:s13] =	ssyncset.done @!p2 $0x0;
	s15 =	rddreg [dreg:$0xd]  }
0xcd: {  	[sflag:s13] =	ssyncadd.s32 @!p2 $0xFFFFD180;
	s13 =	sor.u32 @!p3 $0x1C03, s14;
	s14 =	sshrl.u32 @!p3 s7, $0x3  }
0xce: {  	[hbm:s15], [sflag:s13] =	dma.local @!p3 [spmem:s14], $0x3100  }
.Ltmp4:
0xcf: {  	_ = 	snop;
	(pc) =	sbr.rel @p4 .LBB2_1-.Ltmp4, $4  }
0xd0: {  	s13 =	simm.s32 @!p3 $0x3  }
0xd1: {  	_ =	swait.ge @!p3 [sflag:s13], $0x3100  }
0xd2: {  	[sflag:s13] =	ssyncset.done @!p3 $0x0  }
0xd3: {  	[sflag:s13] =	ssyncadd.s32 @!p3 $0xFFFFCF00  }
0xd4: {  	_ =	sfence.sel $0x180000  }
0xd5: {  	[bflag:$0x0] =	sbarrier.arrive $0xFFFF  }
0xd6: {  	_ =	strace $0x9000004D  }
0xd7: {  	[bflag:$0x2] =	sbarrier.arrive $0xFFFF  }
0xd8: {  	p0 =	sne.s32 s3, $0x0;
	s0 =	rddreg [dreg:$0x2]  }
0xd9: {  	s0 =	sadd.s32 @!p0 $0x100000, s0  }
0xda: {  	[sflag:s0] =	ssyncadd.tile.s32 @!p0 $0x1;
	_ =	shalt  }
.Lfunc_end2:
_tile_overlayer_lowered:
.L_overlay_start_2:
0xdb: {  	(tag) =	ssettag $0x2  }
0xdc: {  	s0 =	rddreg [dreg:$0x0];
	s2 =	stileid.u32  }
0xdd: {  	s1 =	rddreg [dreg:$0x1];
	p0 =	sne.s32 s2, $0x0  }
0xde: {  	s3 =	rddreg [dreg:$0x2];
	[bflag:$0x3] =	sbarrier.arrive $0xFFFF;
	s2 =	simm.s32 @!p0 $0x1C03  }
0xdf: {  	[timem:s3], [sflag:s2] =	dma.local @!p0 [hbm:s0], s1  }
0xe0: {  	s0 =	simm.s32 @!p0 $0x3  }
0xe1: {  	_ =	swait.ge @!p0 [sflag:s0], s1  }
0xe2: {  	s1 =	ssub.s32 @!p0 $0x0, s1;
	[sflag:s0] =	ssyncset.done @!p0 $0x0  }
0xe3: {  	[sflag:s0] =	ssyncadd.s32 @!p0 s1  }
0xe4: {  	[bflag:$0x3] =	sbarrier.arrive $0xFFFF  }
0xe5: {  	_ =	shalt  }

</sc_bundles>
